<compile_context>
chip_gen: v7x
topology: tpu7x:2x2x1
jax: 0.10.2.dev20260603
libtpu: 0.0.44.dev20260713+nightly
codegen_flags: <defaults>
</compile_context>

<pallas_src>
import functools

import jax
import jax.numpy as jnp
import numpy as np
from jax import lax
from jax.experimental import pallas as pl
from jax.experimental.pallas import tpu as pltpu
from jax.experimental.pallas import tpu_sc as plsc

N = 100000
D = 128
K = 64

BLK = 20000
NSTEPS = N // BLK

NW = 16
CHUNK = 6256
LASTC = N - (NW - 1) * CHUNK
NV = CHUNK // 16
NSUM = 25
MRG = NW * K
MSUM = 4
BIG = 1 << 30
NEG = float("-inf")


def _pool_body(x_ref, wg_ref, bg_ref, w1_ref, b1_ref, w2_ref, b2_ref,
               gates_ref, h_ref, logits_ref, gmax_ref, denom_ref,
               m_s, s_s, acc_ref):
    i = pl.program_id(0)

    @pl.when(i == 0)
    def _():
        m_s[0] = np.float32(NEG)
        s_s[0] = np.float32(0.0)
        acc_ref[...] = jnp.zeros((1, D), jnp.float32)

    x = x_ref[...]
    g = jax.lax.dot_general(wg_ref[...], x, (((0,), (1,)), ((), ())),
                            preferred_element_type=jnp.float32) + bg_ref[...]
    gates_ref[...] = g.reshape(1, 1, BLK)

    m = m_s[0]
    s = s_s[0]
    mb = jnp.max(g)
    mn = jnp.maximum(m, mb)
    alpha = jnp.exp(m - mn)
    e = jnp.exp(g - mn)
    s2 = s * alpha + jnp.sum(e)
    accn = acc_ref[...] * alpha + jax.lax.dot_general(
        e, x, (((1,), (0,)), ((), ())), preferred_element_type=jnp.float32)
    m_s[0] = mn
    s_s[0] = s2
    acc_ref[...] = accn

    gx = accn / s2
    h = jnp.maximum(
        jax.lax.dot_general(gx, w1_ref[...], (((1,), (0,)), ((), ())),
                            preferred_element_type=jnp.float32) + b1_ref[...],
        0.0)
    logit = jax.lax.dot_general(h, w2_ref[...], (((1,), (0,)), ((), ())),
                                preferred_element_type=jnp.float32) + b2_ref[...]
    h_ref[...] = h
    logits_ref[...] = logit
    gmax_ref[...] = jnp.reshape(mn, (1, 1))
    denom_ref[...] = jnp.reshape(s2, (1, 1))


def _pool_call(x, wg, bg2, w1, b12, w2, b22):
    const = lambda i: (0, 0)
    return pl.pallas_call(
        _pool_body,
        grid=(NSTEPS,),
        in_specs=[
            pl.BlockSpec((BLK, D), lambda i: (i, 0)),
            pl.BlockSpec((D, 1), const),
            pl.BlockSpec((1, 1), const),
            pl.BlockSpec((D, D), const),
            pl.BlockSpec((1, D), const),
            pl.BlockSpec((D, 1), const),
            pl.BlockSpec((1, 1), const),
        ],
        out_specs=[
            pl.BlockSpec((1, 1, BLK), lambda i: (i, 0, 0)),
            pl.BlockSpec((1, D), const),
            pl.BlockSpec((1, 1), const),
            pl.BlockSpec((1, 1), const),
            pl.BlockSpec((1, 1), const),
        ],
        out_shape=[
            jax.ShapeDtypeStruct((NSTEPS, 1, BLK), jnp.float32),
            jax.ShapeDtypeStruct((1, D), jnp.float32),
            jax.ShapeDtypeStruct((1, 1), jnp.float32),
            jax.ShapeDtypeStruct((1, 1), jnp.float32),
            jax.ShapeDtypeStruct((1, 1), jnp.float32),
        ],
        scratch_shapes=[
            pltpu.SMEM((1,), jnp.float32),
            pltpu.SMEM((1,), jnp.float32),
            pltpu.VMEM((1, D), jnp.float32),
        ],
        compiler_params=pltpu.CompilerParams(
            dimension_semantics=("arbitrary",)),
    )(x, wg, bg2, w1, b12, w2, b22)


def _build_summary(buf_ref, s_ref, nblocks):
    for t in range(nblocks):
        acc = jnp.full((16,), NEG, jnp.float32)
        for q in range(16):
            acc = jnp.maximum(acc, buf_ref[pl.ds(t * 256 + q * 16, 16)])
        s_ref[pl.ds(t * 16, 16)] = acc


def _bmax(v):
    iota = lax.iota(jnp.int32, 16)
    for sh in (8, 4, 2, 1):
        v = jnp.maximum(v, v[iota ^ sh])
    return v


def _bmin(v):
    iota = lax.iota(jnp.int32, 16)
    for sh in (8, 4, 2, 1):
        v = jnp.minimum(v, v[iota ^ sh])
    return v


def _extract_topk(buf_ref, s_ref, ov_ref, oi_ref, nblocks, idx_source):
    iota = lax.iota(jnp.int32, 16)

    def body(i, carry):
        vals = list(carry[0:4])
        idxs = list(carry[4:8])
        maxv = jnp.full((16,), NEG, jnp.float32)
        tv = jnp.zeros((16,), jnp.int32)
        for t in range(nblocks):
            v = s_ref[pl.ds(t * 16, 16)]
            take = v > maxv
            maxv = jnp.where(take, v, maxv)
            tv = jnp.where(take, t, tv)
        m = _bmax(maxv)
        tsp = _bmin(jnp.where(maxv == m, tv, BIG))
        tsc = tsp[0]
        qcand = jnp.full((16,), BIG, jnp.int32)
        for q in range(16):
            w = buf_ref[pl.ds(tsc * 256 + q * 16, 16)]
            qcand = jnp.minimum(qcand, jnp.where(w == m, q, BIG))
        qsp = _bmin(qcand)
        qsc = qsp[0]
        w = buf_ref[pl.ds(tsc * 256 + qsc * 16, 16)]
        lsp = _bmin(jnp.where(w == m, iota, BIG))
        buf_ref[pl.ds(tsc * 256 + qsc * 16, 16)] = jnp.where(
            iota == lsp, np.float32(NEG), w)
        acc = jnp.full((16,), NEG, jnp.float32)
        for q in range(16):
            acc = jnp.maximum(acc, buf_ref[pl.ds(tsc * 256 + q * 16, 16)])
        s_ref[pl.ds(tsc * 16, 16)] = acc
        idxv = idx_source(tsp, qsp, lsp, tsc, qsc)
        for cb in range(4):
            lane_hit = iota == (i - cb * 16)
            in_blk = jnp.logical_and(i >= cb * 16, i < (cb + 1) * 16)
            vals[cb] = jnp.where(in_blk, jnp.where(lane_hit, m, vals[cb]),
                                 vals[cb])
            idxs[cb] = jnp.where(in_blk, jnp.where(lane_hit, idxv, idxs[cb]),
                                 idxs[cb])
        return tuple(vals) + tuple(idxs)

    init = (tuple(jnp.full((16,), NEG, jnp.float32) for _ in range(4))
            + tuple(jnp.zeros((16,), jnp.int32) for _ in range(4)))
    out = lax.fori_loop(0, K, body, init)
    for cb in range(4):
        ov_ref[pl.ds(cb * 16, 16)] = out[cb]
        oi_ref[pl.ds(cb * 16, 16)] = out[4 + cb]


def _sc_topk_call(gates_flat, gmax16, denom16):
    mesh = plsc.VectorSubcoreMesh(core_axis_name="c", subcore_axis_name="s",
                                  num_cores=1)

    @functools.partial(
        pl.kernel,
        mesh=mesh,
        out_type=[
            jax.ShapeDtypeStruct((K,), jnp.float32),
            jax.ShapeDtypeStruct((K,), jnp.int32),
        ],
        scratch_types=[
            pltpu.VMEM((NSUM * 256,), jnp.float32),
            pltpu.VMEM((NSUM * 16,), jnp.float32),
            pltpu.VMEM((K,), jnp.float32),
            pltpu.VMEM((K,), jnp.int32),
            pltpu.VMEM((MRG,), jnp.float32),
            pltpu.VMEM((MRG,), jnp.int32),
            pltpu.VMEM((MSUM * 16,), jnp.float32),
            pltpu.VMEM((K,), jnp.float32),
            pltpu.VMEM((K,), jnp.int32),
            pltpu.VMEM((16,), jnp.float32),
            pltpu.VMEM((16,), jnp.float32),
            pltpu.VMEM_SHARED((MRG,), jnp.float32),
            pltpu.VMEM_SHARED((MRG,), jnp.int32),
        ],
    )
    def k(gates_hbm, gmax_hbm, denom_hbm, outw_hbm, outi_hbm,
          buf, summ, lv, li, mv, mi, msumm, cw, ci, gmx, dnm, shv, shi):
        s = lax.axis_index("s")
        base = s * CHUNK
        neg = jnp.full((16,), NEG, jnp.float32)
        for t in range(NV, NSUM * 16):
            buf[pl.ds(t * 16, 16)] = neg

        @pl.when(s < NW - 1)
        def _():
            pltpu.sync_copy(gates_hbm.at[pl.ds(base, CHUNK)],
                            buf.at[pl.ds(0, CHUNK)])

        @pl.when(s == NW - 1)
        def _():
            pltpu.sync_copy(gates_hbm.at[pl.ds((NW - 1) * CHUNK, LASTC)],
                            buf.at[pl.ds(0, LASTC)])
            for t in range(LASTC // 16, NV):
                buf[pl.ds(t * 16, 16)] = neg

        _build_summary(buf, summ, NSUM)
        _extract_topk(buf, summ, lv, li, NSUM,
                      lambda tsp, qsp, lsp, tsc, qsc:
                      (tsp * 16 + qsp) * 16 + lsp + base)
        pltpu.sync_copy(lv, shv.at[pl.ds(s * K, K)])
        pltpu.sync_copy(li, shi.at[pl.ds(s * K, K)])
        plsc.subcore_barrier()

        @pl.when(s == 0)
        def _():
            pltpu.sync_copy(shv, mv)
            pltpu.sync_copy(shi, mi)
            pltpu.sync_copy(gmax_hbm, gmx)
            pltpu.sync_copy(denom_hbm, dnm)
            _build_summary(mv, msumm, MSUM)

            def _merge_idx(tsp, qsp, lsp, tsc, qsc):
                iota = lax.iota(jnp.int32, 16)
                iv = mi[pl.ds(tsc * 256 + qsc * 16, 16)]
                return _bmax(jnp.where(iota == lsp, iv, -1))

            _extract_topk(mv, msumm, cw, ci, MSUM, _merge_idx)
            g = gmx[pl.ds(0, 16)]
            d = dnm[pl.ds(0, 16)]
            for cb in range(4):
                v = cw[pl.ds(cb * 16, 16)]
                cw[pl.ds(cb * 16, 16)] = jnp.exp(v - g) / d
            pltpu.sync_copy(cw, outw_hbm)
            pltpu.sync_copy(ci, outi_hbm)

    return k(gates_flat, gmax16, denom16)


def kernel(graph, x, Wg, bg, W1, b1, W2, b2):
    bg2 = bg.reshape(1, 1)
    b12 = b1.reshape(1, D)
    b22 = b2.reshape(1, 1)
    gates, h, logits, gmax, denom = _pool_call(x, Wg, bg2, W1, b12, W2, b22)
    gates1d = jax.lax.optimization_barrier(gates.reshape(N))
    gmax16 = jnp.broadcast_to(gmax.reshape(1), (16,))
    denom16 = jnp.broadcast_to(denom.reshape(1), (16,))
    w, i = _sc_topk_call(gates1d, gmax16, denom16)
    return logits, w, i, h

# --- scband reference (transcript-rebuilt; emitter-appended) ---
"""Pipeline reference for scband-binary-classifier-9225589752128 (READ-ONLY COPY).

The authoritative reference and input builder live on the scoring server;
editing this copy changes nothing except your own understanding.
"""

import jax, jax.numpy as jnp
import numpy as np

N = 100000
D = 128
K = 64

def setup_inputs(seed: int = 0) -> dict:
    key = jax.random.key(seed)
    ks = jax.random.split(key, 5)
    x = jax.random.normal(ks[0], (N, D), dtype=jnp.float32)
    # DGL graph surrogate: node->graph segment ids (single graph, all zeros)
    graph = jnp.zeros((N,), dtype=jnp.int32)
    s = float(1.0 / np.sqrt(D))
    Wg = jax.random.uniform(ks[1], (D, 1), minval=-s, maxval=s, dtype=jnp.float32)
    bg = jnp.zeros((1,), dtype=jnp.float32)
    W1 = jax.random.uniform(ks[2], (D, D), minval=-s, maxval=s, dtype=jnp.float32)
    b1 = jnp.zeros((D,), dtype=jnp.float32)
    W2 = jax.random.uniform(ks[3], (D, 1), minval=-s, maxval=s, dtype=jnp.float32)
    b2 = jnp.zeros((1,), dtype=jnp.float32)
    return {"graph": graph, "x": x, "Wg": Wg, "bg": bg, "W1": W1, "b1": b1, "W2": W2, "b2": b2}

def reference(graph, x, Wg, bg, W1, b1, W2, b2):
    # GlobalAttentionPooling: gate_nn -> segment softmax over nodes per graph -> weighted sum readout
    gate = x @ Wg + bg  # [N, 1]
    gmax = jax.ops.segment_max(gate, graph, num_segments=1)  # [1, 1]
    e = jnp.exp(gate - gmax[graph])
    denom = jax.ops.segment_sum(e, graph, num_segments=1)
    attn = e / denom[graph]  # [N, 1] attention weights
    graph_x = jax.ops.segment_sum(attn * x, graph, num_segments=1)  # [1, D]
    # classifier: Linear -> ReLU -> Linear; relu_features hook captures ReLU output
    h = jax.nn.relu(graph_x @ W1 + b1)  # relu_features
    logits = h @ W2 + b2  # [1, 1]
    top_k_weights, top_k_indices = jax.lax.top_k(attn.squeeze(), K)
    return logits, top_k_weights, top_k_indices, h

if __name__ == "__main__":
    import jax
    _d = setup_inputs()
    print(jax.jit(kernel)(*tuple(_d.values())))

</pallas_src>

<mosaic_0001>
#map = affine_map<(d0, d1) -> (0)>
module attributes {stable_mosaic.version = 14 : i64} {
  func.func @k(%arg0: i32, %arg1: i32, %arg2: memref<100000xf32, #tpu.memory_space<hbm>>, %arg3: memref<16xf32, #tpu.memory_space<hbm>>, %arg4: memref<16xf32, #tpu.memory_space<hbm>>, %arg5: memref<64xf32, #tpu.memory_space<hbm>>, %arg6: memref<64xi32, #tpu.memory_space<hbm>>, %arg7: memref<6400xf32, #tpu.memory_space<vmem>>, %arg8: memref<400xf32, #tpu.memory_space<vmem>>, %arg9: memref<64xf32, #tpu.memory_space<vmem>>, %arg10: memref<64xi32, #tpu.memory_space<vmem>>, %arg11: memref<1024xf32, #tpu.memory_space<vmem>>, %arg12: memref<1024xi32, #tpu.memory_space<vmem>>, %arg13: memref<64xf32, #tpu.memory_space<vmem>>, %arg14: memref<64xf32, #tpu.memory_space<vmem>>, %arg15: memref<64xi32, #tpu.memory_space<vmem>>, %arg16: memref<16xf32, #tpu.memory_space<vmem>>, %arg17: memref<16xf32, #tpu.memory_space<vmem>>, %arg18: memref<1024xf32, #tpu.memory_space<vmem_shared>>, %arg19: memref<1024xi32, #tpu.memory_space<vmem_shared>>) attributes {dimension_semantics = [#tpu.dimension_semantics<core_parallel>, #tpu.dimension_semantics<subcore_parallel>], iteration_bounds = array<i64: 1, 16>, scalar_prefetch = 0 : i64, scratch_operands = 13 : i64, tpu.core_type = #tpu.core_type<sc_vector_subcore>, window_params = [{transform_indices = #map}, {transform_indices = #map}, {transform_indices = #map}, {transform_indices = #map}, {transform_indices = #map}]} {
    %mul3A = arith.constant 6256 : i32
    %mul3A_0 = arith.muli %arg1, %mul3A : i32
    %broadcast_in_dim3A = arith.constant 0xFF800000 : f32
    %broadcast_in_dim3A_1 = vector.broadcast %broadcast_in_dim3A : f32 to vector<16xf32>
    %swap3A = arith.constant 6256 : index
    %swap3A_2 = tpu.vector_load %arg7[%swap3A] {strides = array<i32>} : memref<6400xf32, #tpu.memory_space<vmem>>, vector<16xf32>,
    %swap3A_3 = vector.shape_cast %swap3A_2 : vector<16xf32> to vector<16xf32>
    %swap3A_4 = vector.shape_cast %broadcast_in_dim3A_1 : vector<16xf32> to vector<16xf32>
    tpu.vector_store %arg7[%swap3A], %swap3A_4 {strides = array<i32>} : memref<6400xf32, #tpu.memory_space<vmem>>, vector<16xf32>,
    %swap3A_5 = arith.constant 6272 : index
    %swap3A_6 = tpu.vector_load %arg7[%swap3A_5] {strides = array<i32>} : memref<6400xf32, #tpu.memory_space<vmem>>, vector<16xf32>,
    %swap3A_7 = vector.shape_cast %swap3A_6 : vector<16xf32> to vector<16xf32>
    %swap3A_8 = vector.shape_cast %broadcast_in_dim3A_1 : vector<16xf32> to vector<16xf32>
    tpu.vector_store %arg7[%swap3A_5], %swap3A_8 {strides = array<i32>} : memref<6400xf32, #tpu.memory_space<vmem>>, vector<16xf32>,
    %swap3A_9 = arith.constant 6288 : index
    %swap3A_10 = tpu.vector_load %arg7[%swap3A_9] {strides = array<i32>} : memref<6400xf32, #tpu.memory_space<vmem>>, vector<16xf32>,
    %swap3A_11 = vector.shape_cast %swap3A_10 : vector<16xf32> to vector<16xf32>
    %swap3A_12 = vector.shape_cast %broadcast_in_dim3A_1 : vector<16xf32> to vector<16xf32>
    tpu.vector_store %arg7[%swap3A_9], %swap3A_12 {strides = array<i32>} : memref<6400xf32, #tpu.memory_space<vmem>>, vector<16xf32>,
    %swap3A_13 = arith.constant 6304 : index
    %swap3A_14 = tpu.vector_load %arg7[%swap3A_13] {strides = array<i32>} : memref<6400xf32, #tpu.memory_space<vmem>>, vector<16xf32>,
    %swap3A_15 = vector.shape_cast %swap3A_14 : vector<16xf32> to vector<16xf32>
    %swap3A_16 = vector.shape_cast %broadcast_in_dim3A_1 : vector<16xf32> to vector<16xf32>
    tpu.vector_store %arg7[%swap3A_13], %swap3A_16 {strides = array<i32>} : memref<6400xf32, #tpu.memory_space<vmem>>, vector<16xf32>,
    %swap3A_17 = arith.constant 6320 : index
    %swap3A_18 = tpu.vector_load %arg7[%swap3A_17] {strides = array<i32>} : memref<6400xf32, #tpu.memory_space<vmem>>, vector<16xf32>,
    %swap3A_19 = vector.shape_cast %swap3A_18 : vector<16xf32> to vector<16xf32>
    %swap3A_20 = vector.shape_cast %broadcast_in_dim3A_1 : vector<16xf32> to vector<16xf32>
    tpu.vector_store %arg7[%swap3A_17], %swap3A_20 {strides = array<i32>} : memref<6400xf32, #tpu.memory_space<vmem>>, vector<16xf32>,
    %swap3A_21 = arith.constant 6336 : index
    %swap3A_22 = tpu.vector_load %arg7[%swap3A_21] {strides = array<i32>} : memref<6400xf32, #tpu.memory_space<vmem>>, vector<16xf32>,
    %swap3A_23 = vector.shape_cast %swap3A_22 : vector<16xf32> to vector<16xf32>
    %swap3A_24 = vector.shape_cast %broadcast_in_dim3A_1 : vector<16xf32> to vector<16xf32>
    tpu.vector_store %arg7[%swap3A_21], %swap3A_24 {strides = array<i32>} : memref<6400xf32, #tpu.memory_space<vmem>>, vector<16xf32>,
    %swap3A_25 = arith.constant 6352 : index
    %swap3A_26 = tpu.vector_load %arg7[%swap3A_25] {strides = array<i32>} : memref<6400xf32, #tpu.memory_space<vmem>>, vector<16xf32>,
    %swap3A_27 = vector.shape_cast %swap3A_26 : vector<16xf32> to vector<16xf32>
    %swap3A_28 = vector.shape_cast %broadcast_in_dim3A_1 : vector<16xf32> to vector<16xf32>
    tpu.vector_store %arg7[%swap3A_25], %swap3A_28 {strides = array<i32>} : memref<6400xf32, #tpu.memory_space<vmem>>, vector<16xf32>,
    %swap3A_29 = arith.constant 6368 : index
    %swap3A_30 = tpu.vector_load %arg7[%swap3A_29] {strides = array<i32>} : memref<6400xf32, #tpu.memory_space<vmem>>, vector<16xf32>,
    %swap3A_31 = vector.shape_cast %swap3A_30 : vector<16xf32> to vector<16xf32>
    %swap3A_32 = vector.shape_cast %broadcast_in_dim3A_1 : vector<16xf32> to vector<16xf32>
    tpu.vector_store %arg7[%swap3A_29], %swap3A_32 {strides = array<i32>} : memref<6400xf32, #tpu.memory_space<vmem>>, vector<16xf32>,
    %swap3A_33 = arith.constant 6384 : index
    %swap3A_34 = tpu.vector_load %arg7[%swap3A_33] {strides = array<i32>} : memref<6400xf32, #tpu.memory_space<vmem>>, vector<16xf32>,
    %swap3A_35 = vector.shape_cast %swap3A_34 : vector<16xf32> to vector<16xf32>
    %swap3A_36 = vector.shape_cast %broadcast_in_dim3A_1 : vector<16xf32> to vector<16xf32>
    tpu.vector_store %arg7[%swap3A_33], %swap3A_36 {strides = array<i32>} : memref<6400xf32, #tpu.memory_space<vmem>>, vector<16xf32>,
    %lt3A = arith.constant 15 : i32
    %lt3A_37 = arith.cmpi slt, %arg1, %lt3A : i32
    %convert_element_type3A = arith.extui %lt3A_37 : i1 to i32
    %cond3A = arith.constant 0 : i32
    %cond3A_38 = arith.cmpi ne, %convert_element_type3A, %cond3A : i32
    scf.if %cond3A_38 {
      "tpu.region"() ({
        %run_scoped3A = tpu.sem_alloc : memref<!tpu.dma_semaphore, #tpu.memory_space<semaphore_mem>>
        %dma_start3A = arith.constant 0 : i32
        %dma_start3A_1853 = tpu.memref_slice %arg7[%dma_start3A] : memref<6400xf32, #tpu.memory_space<vmem>> -> memref<6256xf32, #tpu.memory_space<vmem>>
        %dma_start3A_1854 = tpu.memref_slice %arg2[%mul3A_0] : memref<100000xf32, #tpu.memory_space<hbm>> -> memref<6256xf32, #tpu.memory_space<hbm>>
        %dma_start3A_1855 = arith.constant 0 : i32
        %dma_start3A_1856 = tpu.memref_slice %arg7[%dma_start3A_1855] : memref<6400xf32, #tpu.memory_space<vmem>> -> memref<6256xf32, #tpu.memory_space<vmem>>
        %dma_start3A_1857 = tpu.memref_slice %arg2[%mul3A_0] : memref<100000xf32, #tpu.memory_space<hbm>> -> memref<6256xf32, #tpu.memory_space<hbm>>
        tpu.enqueue_dma source(%dma_start3A_1857 : memref<6256xf32, #tpu.memory_space<hbm>>) target(%dma_start3A_1856 : memref<6256xf32, #tpu.memory_space<vmem>>) target_semaphore(%run_scoped3A : memref<!tpu.dma_semaphore, #tpu.memory_space<semaphore_mem>>)
        %dma_wait3A = arith.constant 0 : i32
        %dma_wait3A_1858 = tpu.memref_slice %arg7[%dma_wait3A] : memref<6400xf32, #tpu.memory_space<vmem>> -> memref<6256xf32, #tpu.memory_space<vmem>>
        %dma_wait3A_1859 = tpu.memref_slice %arg2[%mul3A_0] : memref<100000xf32, #tpu.memory_space<hbm>> -> memref<6256xf32, #tpu.memory_space<hbm>>
        %dma_wait3A_1860 = arith.constant 0 : i32
        %dma_wait3A_1861 = tpu.memref_slice %arg7[%dma_wait3A_1860] : memref<6400xf32, #tpu.memory_space<vmem>> -> memref<6256xf32, #tpu.memory_space<vmem>>
        %dma_wait3A_1862 = tpu.memref_slice %arg2[%mul3A_0] : memref<100000xf32, #tpu.memory_space<hbm>> -> memref<6256xf32, #tpu.memory_space<hbm>>
        tpu.wait_dma2 semaphore(%run_scoped3A : memref<!tpu.dma_semaphore, #tpu.memory_space<semaphore_mem>>) src(%dma_wait3A_1862 : memref<6256xf32, #tpu.memory_space<hbm>>) dst(%dma_wait3A_1861 : memref<6256xf32, #tpu.memory_space<vmem>>)
        tpu.yield
      }) : () -> ()
    } else {
    }
    %eq3A = arith.constant 15 : i32
    %eq3A_39 = arith.cmpi eq, %arg1, %eq3A : i32
    %convert_element_type3A_40 = arith.extui %eq3A_39 : i1 to i32
    %cond3A_41 = arith.constant 0 : i32
    %cond3A_42 = arith.cmpi ne, %convert_element_type3A_40, %cond3A_41 : i32
    scf.if %cond3A_42 {
      "tpu.region"() ({
        %run_scoped3A = tpu.sem_alloc : memref<!tpu.dma_semaphore, #tpu.memory_space<semaphore_mem>>
        %dma_start3A = arith.constant 0 : i32
        %dma_start3A_1877 = tpu.memref_slice %arg7[%dma_start3A] : memref<6400xf32, #tpu.memory_space<vmem>> -> memref<6160xf32, #tpu.memory_space<vmem>>
        %dma_start3A_1878 = arith.constant 93840 : i32
        %dma_start3A_1879 = tpu.memref_slice %arg2[%dma_start3A_1878] : memref<100000xf32, #tpu.memory_space<hbm>> -> memref<6160xf32, #tpu.memory_space<hbm>>
        %dma_start3A_1880 = arith.constant 0 : i32
        %dma_start3A_1881 = tpu.memref_slice %arg7[%dma_start3A_1880] : memref<6400xf32, #tpu.memory_space<vmem>> -> memref<6160xf32, #tpu.memory_space<vmem>>
        %dma_start3A_1882 = arith.constant 93840 : i32
        %dma_start3A_1883 = tpu.memref_slice %arg2[%dma_start3A_1882] : memref<100000xf32, #tpu.memory_space<hbm>> -> memref<6160xf32, #tpu.memory_space<hbm>>
        tpu.enqueue_dma source(%dma_start3A_1883 : memref<6160xf32, #tpu.memory_space<hbm>>) target(%dma_start3A_1881 : memref<6160xf32, #tpu.memory_space<vmem>>) target_semaphore(%run_scoped3A : memref<!tpu.dma_semaphore, #tpu.memory_space<semaphore_mem>>)
        %dma_wait3A = arith.constant 0 : i32
        %dma_wait3A_1884 = tpu.memref_slice %arg7[%dma_wait3A] : memref<6400xf32, #tpu.memory_space<vmem>> -> memref<6160xf32, #tpu.memory_space<vmem>>
        %dma_wait3A_1885 = arith.constant 93840 : i32
        %dma_wait3A_1886 = tpu.memref_slice %arg2[%dma_wait3A_1885] : memref<100000xf32, #tpu.memory_space<hbm>> -> memref<6160xf32, #tpu.memory_space<hbm>>
        %dma_wait3A_1887 = arith.constant 0 : i32
        %dma_wait3A_1888 = tpu.memref_slice %arg7[%dma_wait3A_1887] : memref<6400xf32, #tpu.memory_space<vmem>> -> memref<6160xf32, #tpu.memory_space<vmem>>
        %dma_wait3A_1889 = arith.constant 93840 : i32
        %dma_wait3A_1890 = tpu.memref_slice %arg2[%dma_wait3A_1889] : memref<100000xf32, #tpu.memory_space<hbm>> -> memref<6160xf32, #tpu.memory_space<hbm>>
        tpu.wait_dma2 semaphore(%run_scoped3A : memref<!tpu.dma_semaphore, #tpu.memory_space<semaphore_mem>>) src(%dma_wait3A_1890 : memref<6160xf32, #tpu.memory_space<hbm>>) dst(%dma_wait3A_1888 : memref<6160xf32, #tpu.memory_space<vmem>>)
        tpu.yield
      }) : () -> ()
      %swap3A_1853 = arith.constant 6160 : index
      %swap3A_1854 = tpu.vector_load %arg7[%swap3A_1853] {strides = array<i32>} : memref<6400xf32, #tpu.memory_space<vmem>>, vector<16xf32>,
      %swap3A_1855 = vector.shape_cast %swap3A_1854 : vector<16xf32> to vector<16xf32>
      %swap3A_1856 = vector.shape_cast %broadcast_in_dim3A_1 : vector<16xf32> to vector<16xf32>
      tpu.vector_store %arg7[%swap3A_1853], %swap3A_1856 {strides = array<i32>} : memref<6400xf32, #tpu.memory_space<vmem>>, vector<16xf32>,
      %swap3A_1857 = arith.constant 6176 : index
      %swap3A_1858 = tpu.vector_load %arg7[%swap3A_1857] {strides = array<i32>} : memref<6400xf32, #tpu.memory_space<vmem>>, vector<16xf32>,
      %swap3A_1859 = vector.shape_cast %swap3A_1858 : vector<16xf32> to vector<16xf32>
      %swap3A_1860 = vector.shape_cast %broadcast_in_dim3A_1 : vector<16xf32> to vector<16xf32>
      tpu.vector_store %arg7[%swap3A_1857], %swap3A_1860 {strides = array<i32>} : memref<6400xf32, #tpu.memory_space<vmem>>, vector<16xf32>,
      %swap3A_1861 = arith.constant 6192 : index
      %swap3A_1862 = tpu.vector_load %arg7[%swap3A_1861] {strides = array<i32>} : memref<6400xf32, #tpu.memory_space<vmem>>, vector<16xf32>,
      %swap3A_1863 = vector.shape_cast %swap3A_1862 : vector<16xf32> to vector<16xf32>
      %swap3A_1864 = vector.shape_cast %broadcast_in_dim3A_1 : vector<16xf32> to vector<16xf32>
      tpu.vector_store %arg7[%swap3A_1861], %swap3A_1864 {strides = array<i32>} : memref<6400xf32, #tpu.memory_space<vmem>>, vector<16xf32>,
      %swap3A_1865 = arith.constant 6208 : index
      %swap3A_1866 = tpu.vector_load %arg7[%swap3A_1865] {strides = array<i32>} : memref<6400xf32, #tpu.memory_space<vmem>>, vector<16xf32>,
      %swap3A_1867 = vector.shape_cast %swap3A_1866 : vector<16xf32> to vector<16xf32>
      %swap3A_1868 = vector.shape_cast %broadcast_in_dim3A_1 : vector<16xf32> to vector<16xf32>
      tpu.vector_store %arg7[%swap3A_1865], %swap3A_1868 {strides = array<i32>} : memref<6400xf32, #tpu.memory_space<vmem>>, vector<16xf32>,
      %swap3A_1869 = arith.constant 6224 : index
      %swap3A_1870 = tpu.vector_load %arg7[%swap3A_1869] {strides = array<i32>} : memref<6400xf32, #tpu.memory_space<vmem>>, vector<16xf32>,
      %swap3A_1871 = vector.shape_cast %swap3A_1870 : vector<16xf32> to vector<16xf32>
      %swap3A_1872 = vector.shape_cast %broadcast_in_dim3A_1 : vector<16xf32> to vector<16xf32>
      tpu.vector_store %arg7[%swap3A_1869], %swap3A_1872 {strides = array<i32>} : memref<6400xf32, #tpu.memory_space<vmem>>, vector<16xf32>,
      %swap3A_1873 = arith.constant 6240 : index
      %swap3A_1874 = tpu.vector_load %arg7[%swap3A_1873] {strides = array<i32>} : memref<6400xf32, #tpu.memory_space<vmem>>, vector<16xf32>,
      %swap3A_1875 = vector.shape_cast %swap3A_1874 : vector<16xf32> to vector<16xf32>
      %swap3A_1876 = vector.shape_cast %broadcast_in_dim3A_1 : vector<16xf32> to vector<16xf32>
      tpu.vector_store %arg7[%swap3A_1873], %swap3A_1876 {strides = array<i32>} : memref<6400xf32, #tpu.memory_space<vmem>>, vector<16xf32>,
    } else {
    }
    %broadcast_in_dim3A_43 = arith.constant 0xFF800000 : f32
    %broadcast_in_dim3A_44 = vector.broadcast %broadcast_in_dim3A_43 : f32 to vector<16xf32>
    %get3A = arith.constant 0 : index
    %get3A_45 = tpu.vector_load %arg7[%get3A] {strides = array<i32>} : memref<6400xf32, #tpu.memory_space<vmem>>, vector<16xf32>,
    %get3A_46 = vector.shape_cast %get3A_45 : vector<16xf32> to vector<16xf32>
    %max3A = arith.maximumf %broadcast_in_dim3A_44, %get3A_46 : vector<16xf32>
    %get3A_47 = arith.constant 16 : index
    %get3A_48 = tpu.vector_load %arg7[%get3A_47] {strides = array<i32>} : memref<6400xf32, #tpu.memory_space<vmem>>, vector<16xf32>,
    %get3A_49 = vector.shape_cast %get3A_48 : vector<16xf32> to vector<16xf32>
    %max3A_50 = arith.maximumf %max3A, %get3A_49 : vector<16xf32>
    %get3A_51 = arith.constant 32 : index
    %get3A_52 = tpu.vector_load %arg7[%get3A_51] {strides = array<i32>} : memref<6400xf32, #tpu.memory_space<vmem>>, vector<16xf32>,
    %get3A_53 = vector.shape_cast %get3A_52 : vector<16xf32> to vector<16xf32>
    %max3A_54 = arith.maximumf %max3A_50, %get3A_53 : vector<16xf32>
    %get3A_55 = arith.constant 48 : index
    %get3A_56 = tpu.vector_load %arg7[%get3A_55] {strides = array<i32>} : memref<6400xf32, #tpu.memory_space<vmem>>, vector<16xf32>,
    %get3A_57 = vector.shape_cast %get3A_56 : vector<16xf32> to vector<16xf32>
    %max3A_58 = arith.maximumf %max3A_54, %get3A_57 : vector<16xf32>
    %get3A_59 = arith.constant 64 : index
    %get3A_60 = tpu.vector_load %arg7[%get3A_59] {strides = array<i32>} : memref<6400xf32, #tpu.memory_space<vmem>>, vector<16xf32>,
    %get3A_61 = vector.shape_cast %get3A_60 : vector<16xf32> to vector<16xf32>
    %max3A_62 = arith.maximumf %max3A_58, %get3A_61 : vector<16xf32>
    %get3A_63 = arith.constant 80 : index
    %get3A_64 = tpu.vector_load %arg7[%get3A_63] {strides = array<i32>} : memref<6400xf32, #tpu.memory_space<vmem>>, vector<16xf32>,
    %get3A_65 = vector.shape_cast %get3A_64 : vector<16xf32> to vector<16xf32>
    %max3A_66 = arith.maximumf %max3A_62, %get3A_65 : vector<16xf32>
    %get3A_67 = arith.constant 96 : index
    %get3A_68 = tpu.vector_load %arg7[%get3A_67] {strides = array<i32>} : memref<6400xf32, #tpu.memory_space<vmem>>, vector<16xf32>,
    %get3A_69 = vector.shape_cast %get3A_68 : vector<16xf32> to vector<16xf32>
    %max3A_70 = arith.maximumf %max3A_66, %get3A_69 : vector<16xf32>
    %get3A_71 = arith.constant 112 : index
    %get3A_72 = tpu.vector_load %arg7[%get3A_71] {strides = array<i32>} : memref<6400xf32, #tpu.memory_space<vmem>>, vector<16xf32>,
    %get3A_73 = vector.shape_cast %get3A_72 : vector<16xf32> to vector<16xf32>
    %max3A_74 = arith.maximumf %max3A_70, %get3A_73 : vector<16xf32>
    %get3A_75 = arith.constant 128 : index
    %get3A_76 = tpu.vector_load %arg7[%get3A_75] {strides = array<i32>} : memref<6400xf32, #tpu.memory_space<vmem>>, vector<16xf32>,
    %get3A_77 = vector.shape_cast %get3A_76 : vector<16xf32> to vector<16xf32>
    %max3A_78 = arith.maximumf %max3A_74, %get3A_77 : vector<16xf32>
    %get3A_79 = arith.constant 144 : index
    %get3A_80 = tpu.vector_load %arg7[%get3A_79] {strides = array<i32>} : memref<6400xf32, #tpu.memory_space<vmem>>, vector<16xf32>,
    %get3A_81 = vector.shape_cast %get3A_80 : vector<16xf32> to vector<16xf32>
    %max3A_82 = arith.maximumf %max3A_78, %get3A_81 : vector<16xf32>
    %get3A_83 = arith.constant 160 : index
    %get3A_84 = tpu.vector_load %arg7[%get3A_83] {strides = array<i32>} : memref<6400xf32, #tpu.memory_space<vmem>>, vector<16xf32>,
    %get3A_85 = vector.shape_cast %get3A_84 : vector<16xf32> to vector<16xf32>
    %max3A_86 = arith.maximumf %max3A_82, %get3A_85 : vector<16xf32>
    %get3A_87 = arith.constant 176 : index
    %get3A_88 = tpu.vector_load %arg7[%get3A_87] {strides = array<i32>} : memref<6400xf32, #tpu.memory_space<vmem>>, vector<16xf32>,
    %get3A_89 = vector.shape_cast %get3A_88 : vector<16xf32> to vector<16xf32>
    %max3A_90 = arith.maximumf %max3A_86, %get3A_89 : vector<16xf32>
    %get3A_91 = arith.constant 192 : index
    %get3A_92 = tpu.vector_load %arg7[%get3A_91] {strides = array<i32>} : memref<6400xf32, #tpu.memory_space<vmem>>, vector<16xf32>,
    %get3A_93 = vector.shape_cast %get3A_92 : vector<16xf32> to vector<16xf32>
    %max3A_94 = arith.maximumf %max3A_90, %get3A_93 : vector<16xf32>
    %get3A_95 = arith.constant 208 : index
    %get3A_96 = tpu.vector_load %arg7[%get3A_95] {strides = array<i32>} : memref<6400xf32, #tpu.memory_space<vmem>>, vector<16xf32>,
    %get3A_97 = vector.shape_cast %get3A_96 : vector<16xf32> to vector<16xf32>
    %max3A_98 = arith.maximumf %max3A_94, %get3A_97 : vector<16xf32>
    %get3A_99 = arith.constant 224 : index
    %get3A_100 = tpu.vector_load %arg7[%get3A_99] {strides = array<i32>} : memref<6400xf32, #tpu.memory_space<vmem>>, vector<16xf32>,
    %get3A_101 = vector.shape_cast %get3A_100 : vector<16xf32> to vector<16xf32>
    %max3A_102 = arith.maximumf %max3A_98, %get3A_101 : vector<16xf32>
    %get3A_103 = arith.constant 240 : index
    %get3A_104 = tpu.vector_load %arg7[%get3A_103] {strides = array<i32>} : memref<6400xf32, #tpu.memory_space<vmem>>, vector<16xf32>,
    %get3A_105 = vector.shape_cast %get3A_104 : vector<16xf32> to vector<16xf32>
    %max3A_106 = arith.maximumf %max3A_102, %get3A_105 : vector<16xf32>
    %swap3A_107 = arith.constant 0 : index
    %swap3A_108 = tpu.vector_load %arg8[%swap3A_107] {strides = array<i32>} : memref<400xf32, #tpu.memory_space<vmem>>, vector<16xf32>,
    %swap3A_109 = vector.shape_cast %swap3A_108 : vector<16xf32> to vector<16xf32>
    %swap3A_110 = vector.shape_cast %max3A_106 : vector<16xf32> to vector<16xf32>
    tpu.vector_store %arg8[%swap3A_107], %swap3A_110 {strides = array<i32>} : memref<400xf32, #tpu.memory_space<vmem>>, vector<16xf32>,
    %broadcast_in_dim3A_111 = arith.constant 0xFF800000 : f32
    %broadcast_in_dim3A_112 = vector.broadcast %broadcast_in_dim3A_111 : f32 to vector<16xf32>
    %get3A_113 = arith.constant 256 : index
    %get3A_114 = tpu.vector_load %arg7[%get3A_113] {strides = array<i32>} : memref<6400xf32, #tpu.memory_space<vmem>>, vector<16xf32>,
    %get3A_115 = vector.shape_cast %get3A_114 : vector<16xf32> to vector<16xf32>
    %max3A_116 = arith.maximumf %broadcast_in_dim3A_112, %get3A_115 : vector<16xf32>
    %get3A_117 = arith.constant 272 : index
    %get3A_118 = tpu.vector_load %arg7[%get3A_117] {strides = array<i32>} : memref<6400xf32, #tpu.memory_space<vmem>>, vector<16xf32>,
    %get3A_119 = vector.shape_cast %get3A_118 : vector<16xf32> to vector<16xf32>
    %max3A_120 = arith.maximumf %max3A_116, %get3A_119 : vector<16xf32>
    %get3A_121 = arith.constant 288 : index
    %get3A_122 = tpu.vector_load %arg7[%get3A_121] {strides = array<i32>} : memref<6400xf32, #tpu.memory_space<vmem>>, vector<16xf32>,
    %get3A_123 = vector.shape_cast %get3A_122 : vector<16xf32> to vector<16xf32>
    %max3A_124 = arith.maximumf %max3A_120, %get3A_123 : vector<16xf32>
    %get3A_125 = arith.constant 304 : index
    %get3A_126 = tpu.vector_load %arg7[%get3A_125] {strides = array<i32>} : memref<6400xf32, #tpu.memory_space<vmem>>, vector<16xf32>,
    %get3A_127 = vector.shape_cast %get3A_126 : vector<16xf32> to vector<16xf32>
    %max3A_128 = arith.maximumf %max3A_124, %get3A_127 : vector<16xf32>
    %get3A_129 = arith.constant 320 : index
    %get3A_130 = tpu.vector_load %arg7[%get3A_129] {strides = array<i32>} : memref<6400xf32, #tpu.memory_space<vmem>>, vector<16xf32>,
    %get3A_131 = vector.shape_cast %get3A_130 : vector<16xf32> to vector<16xf32>
    %max3A_132 = arith.maximumf %max3A_128, %get3A_131 : vector<16xf32>
    %get3A_133 = arith.constant 336 : index
    %get3A_134 = tpu.vector_load %arg7[%get3A_133] {strides = array<i32>} : memref<6400xf32, #tpu.memory_space<vmem>>, vector<16xf32>,
    %get3A_135 = vector.shape_cast %get3A_134 : vector<16xf32> to vector<16xf32>
    %max3A_136 = arith.maximumf %max3A_132, %get3A_135 : vector<16xf32>
    %get3A_137 = arith.constant 352 : index
    %get3A_138 = tpu.vector_load %arg7[%get3A_137] {strides = array<i32>} : memref<6400xf32, #tpu.memory_space<vmem>>, vector<16xf32>,
    %get3A_139 = vector.shape_cast %get3A_138 : vector<16xf32> to vector<16xf32>
    %max3A_140 = arith.maximumf %max3A_136, %get3A_139 : vector<16xf32>
    %get3A_141 = arith.constant 368 : index
    %get3A_142 = tpu.vector_load %arg7[%get3A_141] {strides = array<i32>} : memref<6400xf32, #tpu.memory_space<vmem>>, vector<16xf32>,
    %get3A_143 = vector.shape_cast %get3A_142 : vector<16xf32> to vector<16xf32>
    %max3A_144 = arith.maximumf %max3A_140, %get3A_143 : vector<16xf32>
    %get3A_145 = arith.constant 384 : index
    %get3A_146 = tpu.vector_load %arg7[%get3A_145] {strides = array<i32>} : memref<6400xf32, #tpu.memory_space<vmem>>, vector<16xf32>,
    %get3A_147 = vector.shape_cast %get3A_146 : vector<16xf32> to vector<16xf32>
    %max3A_148 = arith.maximumf %max3A_144, %get3A_147 : vector<16xf32>
    %get3A_149 = arith.constant 400 : index
    %get3A_150 = tpu.vector_load %arg7[%get3A_149] {strides = array<i32>} : memref<6400xf32, #tpu.memory_space<vmem>>, vector<16xf32>,
    %get3A_151 = vector.shape_cast %get3A_150 : vector<16xf32> to vector<16xf32>
    %max3A_152 = arith.maximumf %max3A_148, %get3A_151 : vector<16xf32>
    %get3A_153 = arith.constant 416 : index
    %get3A_154 = tpu.vector_load %arg7[%get3A_153] {strides = array<i32>} : memref<6400xf32, #tpu.memory_space<vmem>>, vector<16xf32>,
    %get3A_155 = vector.shape_cast %get3A_154 : vector<16xf32> to vector<16xf32>
    %max3A_156 = arith.maximumf %max3A_152, %get3A_155 : vector<16xf32>
    %get3A_157 = arith.constant 432 : index
    %get3A_158 = tpu.vector_load %arg7[%get3A_157] {strides = array<i32>} : memref<6400xf32, #tpu.memory_space<vmem>>, vector<16xf32>,
    %get3A_159 = vector.shape_cast %get3A_158 : vector<16xf32> to vector<16xf32>
    %max3A_160 = arith.maximumf %max3A_156, %get3A_159 : vector<16xf32>
    %get3A_161 = arith.constant 448 : index
    %get3A_162 = tpu.vector_load %arg7[%get3A_161] {strides = array<i32>} : memref<6400xf32, #tpu.memory_space<vmem>>, vector<16xf32>,
    %get3A_163 = vector.shape_cast %get3A_162 : vector<16xf32> to vector<16xf32>
    %max3A_164 = arith.maximumf %max3A_160, %get3A_163 : vector<16xf32>
    %get3A_165 = arith.constant 464 : index
    %get3A_166 = tpu.vector_load %arg7[%get3A_165] {strides = array<i32>} : memref<6400xf32, #tpu.memory_space<vmem>>, vector<16xf32>,
    %get3A_167 = vector.shape_cast %get3A_166 : vector<16xf32> to vector<16xf32>
    %max3A_168 = arith.maximumf %max3A_164, %get3A_167 : vector<16xf32>
    %get3A_169 = arith.constant 480 : index
    %get3A_170 = tpu.vector_load %arg7[%get3A_169] {strides = array<i32>} : memref<6400xf32, #tpu.memory_space<vmem>>, vector<16xf32>,
    %get3A_171 = vector.shape_cast %get3A_170 : vector<16xf32> to vector<16xf32>
    %max3A_172 = arith.maximumf %max3A_168, %get3A_171 : vector<16xf32>
    %get3A_173 = arith.constant 496 : index
    %get3A_174 = tpu.vector_load %arg7[%get3A_173] {strides = array<i32>} : memref<6400xf32, #tpu.memory_space<vmem>>, vector<16xf32>,
    %get3A_175 = vector.shape_cast %get3A_174 : vector<16xf32> to vector<16xf32>
    %max3A_176 = arith.maximumf %max3A_172, %get3A_175 : vector<16xf32>
    %swap3A_177 = arith.constant 16 : index
    %swap3A_178 = tpu.vector_load %arg8[%swap3A_177] {strides = array<i32>} : memref<400xf32, #tpu.memory_space<vmem>>, vector<16xf32>,
    %swap3A_179 = vector.shape_cast %swap3A_178 : vector<16xf32> to vector<16xf32>
    %swap3A_180 = vector.shape_cast %max3A_176 : vector<16xf32> to vector<16xf32>
    tpu.vector_store %arg8[%swap3A_177], %swap3A_180 {strides = array<i32>} : memref<400xf32, #tpu.memory_space<vmem>>, vector<16xf32>,
    %broadcast_in_dim3A_181 = arith.constant 0xFF800000 : f32
    %broadcast_in_dim3A_182 = vector.broadcast %broadcast_in_dim3A_181 : f32 to vector<16xf32>
    %get3A_183 = arith.constant 512 : index
    %get3A_184 = tpu.vector_load %arg7[%get3A_183] {strides = array<i32>} : memref<6400xf32, #tpu.memory_space<vmem>>, vector<16xf32>,
    %get3A_185 = vector.shape_cast %get3A_184 : vector<16xf32> to vector<16xf32>
    %max3A_186 = arith.maximumf %broadcast_in_dim3A_182, %get3A_185 : vector<16xf32>
    %get3A_187 = arith.constant 528 : index
    %get3A_188 = tpu.vector_load %arg7[%get3A_187] {strides = array<i32>} : memref<6400xf32, #tpu.memory_space<vmem>>, vector<16xf32>,
    %get3A_189 = vector.shape_cast %get3A_188 : vector<16xf32> to vector<16xf32>
    %max3A_190 = arith.maximumf %max3A_186, %get3A_189 : vector<16xf32>
    %get3A_191 = arith.constant 544 : index
    %get3A_192 = tpu.vector_load %arg7[%get3A_191] {strides = array<i32>} : memref<6400xf32, #tpu.memory_space<vmem>>, vector<16xf32>,
    %get3A_193 = vector.shape_cast %get3A_192 : vector<16xf32> to vector<16xf32>
    %max3A_194 = arith.maximumf %max3A_190, %get3A_193 : vector<16xf32>
    %get3A_195 = arith.constant 560 : index
    %get3A_196 = tpu.vector_load %arg7[%get3A_195] {strides = array<i32>} : memref<6400xf32, #tpu.memory_space<vmem>>, vector<16xf32>,
    %get3A_197 = vector.shape_cast %get3A_196 : vector<16xf32> to vector<16xf32>
    %max3A_198 = arith.maximumf %max3A_194, %get3A_197 : vector<16xf32>
    %get3A_199 = arith.constant 576 : index
    %get3A_200 = tpu.vector_load %arg7[%get3A_199] {strides = array<i32>} : memref<6400xf32, #tpu.memory_space<vmem>>, vector<16xf32>,
    %get3A_201 = vector.shape_cast %get3A_200 : vector<16xf32> to vector<16xf32>
    %max3A_202 = arith.maximumf %max3A_198, %get3A_201 : vector<16xf32>
    %get3A_203 = arith.constant 592 : index
    %get3A_204 = tpu.vector_load %arg7[%get3A_203] {strides = array<i32>} : memref<6400xf32, #tpu.memory_space<vmem>>, vector<16xf32>,
    %get3A_205 = vector.shape_cast %get3A_204 : vector<16xf32> to vector<16xf32>
    %max3A_206 = arith.maximumf %max3A_202, %get3A_205 : vector<16xf32>
    %get3A_207 = arith.constant 608 : index
    %get3A_208 = tpu.vector_load %arg7[%get3A_207] {strides = array<i32>} : memref<6400xf32, #tpu.memory_space<vmem>>, vector<16xf32>,
    %get3A_209 = vector.shape_cast %get3A_208 : vector<16xf32> to vector<16xf32>
    %max3A_210 = arith.maximumf %max3A_206, %get3A_209 : vector<16xf32>
    %get3A_211 = arith.constant 624 : index
    %get3A_212 = tpu.vector_load %arg7[%get3A_211] {strides = array<i32>} : memref<6400xf32, #tpu.memory_space<vmem>>, vector<16xf32>,
    %get3A_213 = vector.shape_cast %get3A_212 : vector<16xf32> to vector<16xf32>
    %max3A_214 = arith.maximumf %max3A_210, %get3A_213 : vector<16xf32>
    %get3A_215 = arith.constant 640 : index
    %get3A_216 = tpu.vector_load %arg7[%get3A_215] {strides = array<i32>} : memref<6400xf32, #tpu.memory_space<vmem>>, vector<16xf32>,
    %get3A_217 = vector.shape_cast %get3A_216 : vector<16xf32> to vector<16xf32>
    %max3A_218 = arith.maximumf %max3A_214, %get3A_217 : vector<16xf32>
    %get3A_219 = arith.constant 656 : index
    %get3A_220 = tpu.vector_load %arg7[%get3A_219] {strides = array<i32>} : memref<6400xf32, #tpu.memory_space<vmem>>, vector<16xf32>,
    %get3A_221 = vector.shape_cast %get3A_220 : vector<16xf32> to vector<16xf32>
    %max3A_222 = arith.maximumf %max3A_218, %get3A_221 : vector<16xf32>
    %get3A_223 = arith.constant 672 : index
    %get3A_224 = tpu.vector_load %arg7[%get3A_223] {strides = array<i32>} : memref<6400xf32, #tpu.memory_space<vmem>>, vector<16xf32>,
    %get3A_225 = vector.shape_cast %get3A_224 : vector<16xf32> to vector<16xf32>
    %max3A_226 = arith.maximumf %max3A_222, %get3A_225 : vector<16xf32>
    %get3A_227 = arith.constant 688 : index
    %get3A_228 = tpu.vector_load %arg7[%get3A_227] {strides = array<i32>} : memref<6400xf32, #tpu.memory_space<vmem>>, vector<16xf32>,
    %get3A_229 = vector.shape_cast %get3A_228 : vector<16xf32> to vector<16xf32>
    %max3A_230 = arith.maximumf %max3A_226, %get3A_229 : vector<16xf32>
    %get3A_231 = arith.constant 704 : index
    %get3A_232 = tpu.vector_load %arg7[%get3A_231] {strides = array<i32>} : memref<6400xf32, #tpu.memory_space<vmem>>, vector<16xf32>,
    %get3A_233 = vector.shape_cast %get3A_232 : vector<16xf32> to vector<16xf32>
    %max3A_234 = arith.maximumf %max3A_230, %get3A_233 : vector<16xf32>
    %get3A_235 = arith.constant 720 : index
    %get3A_236 = tpu.vector_load %arg7[%get3A_235] {strides = array<i32>} : memref<6400xf32, #tpu.memory_space<vmem>>, vector<16xf32>,
    %get3A_237 = vector.shape_cast %get3A_236 : vector<16xf32> to vector<16xf32>
    %max3A_238 = arith.maximumf %max3A_234, %get3A_237 : vector<16xf32>
    %get3A_239 = arith.constant 736 : index
    %get3A_240 = tpu.vector_load %arg7[%get3A_239] {strides = array<i32>} : memref<6400xf32, #tpu.memory_space<vmem>>, vector<16xf32>,
    %get3A_241 = vector.shape_cast %get3A_240 : vector<16xf32> to vector<16xf32>
    %max3A_242 = arith.maximumf %max3A_238, %get3A_241 : vector<16xf32>
    %get3A_243 = arith.constant 752 : index
    %get3A_244 = tpu.vector_load %arg7[%get3A_243] {strides = array<i32>} : memref<6400xf32, #tpu.memory_space<vmem>>, vector<16xf32>,
    %get3A_245 = vector.shape_cast %get3A_244 : vector<16xf32> to vector<16xf32>
    %max3A_246 = arith.maximumf %max3A_242, %get3A_245 : vector<16xf32>
    %swap3A_247 = arith.constant 32 : index
    %swap3A_248 = tpu.vector_load %arg8[%swap3A_247] {strides = array<i32>} : memref<400xf32, #tpu.memory_space<vmem>>, vector<16xf32>,
    %swap3A_249 = vector.shape_cast %swap3A_248 : vector<16xf32> to vector<16xf32>
    %swap3A_250 = vector.shape_cast %max3A_246 : vector<16xf32> to vector<16xf32>
    tpu.vector_store %arg8[%swap3A_247], %swap3A_250 {strides = array<i32>} : memref<400xf32, #tpu.memory_space<vmem>>, vector<16xf32>,
    %broadcast_in_dim3A_251 = arith.constant 0xFF800000 : f32
    %broadcast_in_dim3A_252 = vector.broadcast %broadcast_in_dim3A_251 : f32 to vector<16xf32>
    %get3A_253 = arith.constant 768 : index
    %get3A_254 = tpu.vector_load %arg7[%get3A_253] {strides = array<i32>} : memref<6400xf32, #tpu.memory_space<vmem>>, vector<16xf32>,
    %get3A_255 = vector.shape_cast %get3A_254 : vector<16xf32> to vector<16xf32>
    %max3A_256 = arith.maximumf %broadcast_in_dim3A_252, %get3A_255 : vector<16xf32>
    %get3A_257 = arith.constant 784 : index
    %get3A_258 = tpu.vector_load %arg7[%get3A_257] {strides = array<i32>} : memref<6400xf32, #tpu.memory_space<vmem>>, vector<16xf32>,
    %get3A_259 = vector.shape_cast %get3A_258 : vector<16xf32> to vector<16xf32>
    %max3A_260 = arith.maximumf %max3A_256, %get3A_259 : vector<16xf32>
    %get3A_261 = arith.constant 800 : index
    %get3A_262 = tpu.vector_load %arg7[%get3A_261] {strides = array<i32>} : memref<6400xf32, #tpu.memory_space<vmem>>, vector<16xf32>,
    %get3A_263 = vector.shape_cast %get3A_262 : vector<16xf32> to vector<16xf32>
    %max3A_264 = arith.maximumf %max3A_260, %get3A_263 : vector<16xf32>
    %get3A_265 = arith.constant 816 : index
    %get3A_266 = tpu.vector_load %arg7[%get3A_265] {strides = array<i32>} : memref<6400xf32, #tpu.memory_space<vmem>>, vector<16xf32>,
    %get3A_267 = vector.shape_cast %get3A_266 : vector<16xf32> to vector<16xf32>
    %max3A_268 = arith.maximumf %max3A_264, %get3A_267 : vector<16xf32>
    %get3A_269 = arith.constant 832 : index
    %get3A_270 = tpu.vector_load %arg7[%get3A_269] {strides = array<i32>} : memref<6400xf32, #tpu.memory_space<vmem>>, vector<16xf32>,
    %get3A_271 = vector.shape_cast %get3A_270 : vector<16xf32> to vector<16xf32>
    %max3A_272 = arith.maximumf %max3A_268, %get3A_271 : vector<16xf32>
    %get3A_273 = arith.constant 848 : index
    %get3A_274 = tpu.vector_load %arg7[%get3A_273] {strides = array<i32>} : memref<6400xf32, #tpu.memory_space<vmem>>, vector<16xf32>,
    %get3A_275 = vector.shape_cast %get3A_274 : vector<16xf32> to vector<16xf32>
    %max3A_276 = arith.maximumf %max3A_272, %get3A_275 : vector<16xf32>
    %get3A_277 = arith.constant 864 : index
    %get3A_278 = tpu.vector_load %arg7[%get3A_277] {strides = array<i32>} : memref<6400xf32, #tpu.memory_space<vmem>>, vector<16xf32>,
    %get3A_279 = vector.shape_cast %get3A_278 : vector<16xf32> to vector<16xf32>
    %max3A_280 = arith.maximumf %max3A_276, %get3A_279 : vector<16xf32>
    %get3A_281 = arith.constant 880 : index
    %get3A_282 = tpu.vector_load %arg7[%get3A_281] {strides = array<i32>} : memref<6400xf32, #tpu.memory_space<vmem>>, vector<16xf32>,
    %get3A_283 = vector.shape_cast %get3A_282 : vector<16xf32> to vector<16xf32>
    %max3A_284 = arith.maximumf %max3A_280, %get3A_283 : vector<16xf32>
    %get3A_285 = arith.constant 896 : index
    %get3A_286 = tpu.vector_load %arg7[%get3A_285] {strides = array<i32>} : memref<6400xf32, #tpu.memory_space<vmem>>, vector<16xf32>,
    %get3A_287 = vector.shape_cast %get3A_286 : vector<16xf32> to vector<16xf32>
    %max3A_288 = arith.maximumf %max3A_284, %get3A_287 : vector<16xf32>
    %get3A_289 = arith.constant 912 : index
    %get3A_290 = tpu.vector_load %arg7[%get3A_289] {strides = array<i32>} : memref<6400xf32, #tpu.memory_space<vmem>>, vector<16xf32>,
    %get3A_291 = vector.shape_cast %get3A_290 : vector<16xf32> to vector<16xf32>
    %max3A_292 = arith.maximumf %max3A_288, %get3A_291 : vector<16xf32>
    %get3A_293 = arith.constant 928 : index
    %get3A_294 = tpu.vector_load %arg7[%get3A_293] {strides = array<i32>} : memref<6400xf32, #tpu.memory_space<vmem>>, vector<16xf32>,
    %get3A_295 = vector.shape_cast %get3A_294 : vector<16xf32> to vector<16xf32>
    %max3A_296 = arith.maximumf %max3A_292, %get3A_295 : vector<16xf32>
    %get3A_297 = arith.constant 944 : index
    %get3A_298 = tpu.vector_load %arg7[%get3A_297] {strides = array<i32>} : memref<6400xf32, #tpu.memory_space<vmem>>, vector<16xf32>,
    %get3A_299 = vector.shape_cast %get3A_298 : vector<16xf32> to vector<16xf32>
    %max3A_300 = arith.maximumf %max3A_296, %get3A_299 : vector<16xf32>
    %get3A_301 = arith.constant 960 : index
    %get3A_302 = tpu.vector_load %arg7[%get3A_301] {strides = array<i32>} : memref<6400xf32, #tpu.memory_space<vmem>>, vector<16xf32>,
    %get3A_303 = vector.shape_cast %get3A_302 : vector<16xf32> to vector<16xf32>
    %max3A_304 = arith.maximumf %max3A_300, %get3A_303 : vector<16xf32>
    %get3A_305 = arith.constant 976 : index
    %get3A_306 = tpu.vector_load %arg7[%get3A_305] {strides = array<i32>} : memref<6400xf32, #tpu.memory_space<vmem>>, vector<16xf32>,
    %get3A_307 = vector.shape_cast %get3A_306 : vector<16xf32> to vector<16xf32>
    %max3A_308 = arith.maximumf %max3A_304, %get3A_307 : vector<16xf32>
    %get3A_309 = arith.constant 992 : index
    %get3A_310 = tpu.vector_load %arg7[%get3A_309] {strides = array<i32>} : memref<6400xf32, #tpu.memory_space<vmem>>, vector<16xf32>,
    %get3A_311 = vector.shape_cast %get3A_310 : vector<16xf32> to vector<16xf32>
    %max3A_312 = arith.maximumf %max3A_308, %get3A_311 : vector<16xf32>
    %get3A_313 = arith.constant 1008 : index
    %get3A_314 = tpu.vector_load %arg7[%get3A_313] {strides = array<i32>} : memref<6400xf32, #tpu.memory_space<vmem>>, vector<16xf32>,
    %get3A_315 = vector.shape_cast %get3A_314 : vector<16xf32> to vector<16xf32>
    %max3A_316 = arith.maximumf %max3A_312, %get3A_315 : vector<16xf32>
    %swap3A_317 = arith.constant 48 : index
    %swap3A_318 = tpu.vector_load %arg8[%swap3A_317] {strides = array<i32>} : memref<400xf32, #tpu.memory_space<vmem>>, vector<16xf32>,
    %swap3A_319 = vector.shape_cast %swap3A_318 : vector<16xf32> to vector<16xf32>
    %swap3A_320 = vector.shape_cast %max3A_316 : vector<16xf32> to vector<16xf32>
    tpu.vector_store %arg8[%swap3A_317], %swap3A_320 {strides = array<i32>} : memref<400xf32, #tpu.memory_space<vmem>>, vector<16xf32>,
    %broadcast_in_dim3A_321 = arith.constant 0xFF800000 : f32
    %broadcast_in_dim3A_322 = vector.broadcast %broadcast_in_dim3A_321 : f32 to vector<16xf32>
    %get3A_323 = arith.constant 1024 : index
    %get3A_324 = tpu.vector_load %arg7[%get3A_323] {strides = array<i32>} : memref<6400xf32, #tpu.memory_space<vmem>>, vector<16xf32>,
    %get3A_325 = vector.shape_cast %get3A_324 : vector<16xf32> to vector<16xf32>
    %max3A_326 = arith.maximumf %broadcast_in_dim3A_322, %get3A_325 : vector<16xf32>
    %get3A_327 = arith.constant 1040 : index
    %get3A_328 = tpu.vector_load %arg7[%get3A_327] {strides = array<i32>} : memref<6400xf32, #tpu.memory_space<vmem>>, vector<16xf32>,
    %get3A_329 = vector.shape_cast %get3A_328 : vector<16xf32> to vector<16xf32>
    %max3A_330 = arith.maximumf %max3A_326, %get3A_329 : vector<16xf32>
    %get3A_331 = arith.constant 1056 : index
    %get3A_332 = tpu.vector_load %arg7[%get3A_331] {strides = array<i32>} : memref<6400xf32, #tpu.memory_space<vmem>>, vector<16xf32>,
    %get3A_333 = vector.shape_cast %get3A_332 : vector<16xf32> to vector<16xf32>
    %max3A_334 = arith.maximumf %max3A_330, %get3A_333 : vector<16xf32>
    %get3A_335 = arith.constant 1072 : index
    %get3A_336 = tpu.vector_load %arg7[%get3A_335] {strides = array<i32>} : memref<6400xf32, #tpu.memory_space<vmem>>, vector<16xf32>,
    %get3A_337 = vector.shape_cast %get3A_336 : vector<16xf32> to vector<16xf32>
    %max3A_338 = arith.maximumf %max3A_334, %get3A_337 : vector<16xf32>
    %get3A_339 = arith.constant 1088 : index
    %get3A_340 = tpu.vector_load %arg7[%get3A_339] {strides = array<i32>} : memref<6400xf32, #tpu.memory_space<vmem>>, vector<16xf32>,
    %get3A_341 = vector.shape_cast %get3A_340 : vector<16xf32> to vector<16xf32>
    %max3A_342 = arith.maximumf %max3A_338, %get3A_341 : vector<16xf32>
    %get3A_343 = arith.constant 1104 : index
    %get3A_344 = tpu.vector_load %arg7[%get3A_343] {strides = array<i32>} : memref<6400xf32, #tpu.memory_space<vmem>>, vector<16xf32>,
    %get3A_345 = vector.shape_cast %get3A_344 : vector<16xf32> to vector<16xf32>
    %max3A_346 = arith.maximumf %max3A_342, %get3A_345 : vector<16xf32>
    %get3A_347 = arith.constant 1120 : index
    %get3A_348 = tpu.vector_load %arg7[%get3A_347] {strides = array<i32>} : memref<6400xf32, #tpu.memory_space<vmem>>, vector<16xf32>,
    %get3A_349 = vector.shape_cast %get3A_348 : vector<16xf32> to vector<16xf32>
    %max3A_350 = arith.maximumf %max3A_346, %get3A_349 : vector<16xf32>
    %get3A_351 = arith.constant 1136 : index
    %get3A_352 = tpu.vector_load %arg7[%get3A_351] {strides = array<i32>} : memref<6400xf32, #tpu.memory_space<vmem>>, vector<16xf32>,
    %get3A_353 = vector.shape_cast %get3A_352 : vector<16xf32> to vector<16xf32>
    %max3A_354 = arith.maximumf %max3A_350, %get3A_353 : vector<16xf32>
    %get3A_355 = arith.constant 1152 : index
    %get3A_356 = tpu.vector_load %arg7[%get3A_355] {strides = array<i32>} : memref<6400xf32, #tpu.memory_space<vmem>>, vector<16xf32>,
    %get3A_357 = vector.shape_cast %get3A_356 : vector<16xf32> to vector<16xf32>
    %max3A_358 = arith.maximumf %max3A_354, %get3A_357 : vector<16xf32>
    %get3A_359 = arith.constant 1168 : index
    %get3A_360 = tpu.vector_load %arg7[%get3A_359] {strides = array<i32>} : memref<6400xf32, #tpu.memory_space<vmem>>, vector<16xf32>,
    %get3A_361 = vector.shape_cast %get3A_360 : vector<16xf32> to vector<16xf32>
    %max3A_362 = arith.maximumf %max3A_358, %get3A_361 : vector<16xf32>
    %get3A_363 = arith.constant 1184 : index
    %get3A_364 = tpu.vector_load %arg7[%get3A_363] {strides = array<i32>} : memref<6400xf32, #tpu.memory_space<vmem>>, vector<16xf32>,
    %get3A_365 = vector.shape_cast %get3A_364 : vector<16xf32> to vector<16xf32>
    %max3A_366 = arith.maximumf %max3A_362, %get3A_365 : vector<16xf32>
    %get3A_367 = arith.constant 1200 : index
    %get3A_368 = tpu.vector_load %arg7[%get3A_367] {strides = array<i32>} : memref<6400xf32, #tpu.memory_space<vmem>>, vector<16xf32>,
    %get3A_369 = vector.shape_cast %get3A_368 : vector<16xf32> to vector<16xf32>
    %max3A_370 = arith.maximumf %max3A_366, %get3A_369 : vector<16xf32>
    %get3A_371 = arith.constant 1216 : index
    %get3A_372 = tpu.vector_load %arg7[%get3A_371] {strides = array<i32>} : memref<6400xf32, #tpu.memory_space<vmem>>, vector<16xf32>,
    %get3A_373 = vector.shape_cast %get3A_372 : vector<16xf32> to vector<16xf32>
    %max3A_374 = arith.maximumf %max3A_370, %get3A_373 : vector<16xf32>
    %get3A_375 = arith.constant 1232 : index
    %get3A_376 = tpu.vector_load %arg7[%get3A_375] {strides = array<i32>} : memref<6400xf32, #tpu.memory_space<vmem>>, vector<16xf32>,
    %get3A_377 = vector.shape_cast %get3A_376 : vector<16xf32> to vector<16xf32>
    %max3A_378 = arith.maximumf %max3A_374, %get3A_377 : vector<16xf32>
    %get3A_379 = arith.constant 1248 : index
    %get3A_380 = tpu.vector_load %arg7[%get3A_379] {strides = array<i32>} : memref<6400xf32, #tpu.memory_space<vmem>>, vector<16xf32>,
    %get3A_381 = vector.shape_cast %get3A_380 : vector<16xf32> to vector<16xf32>
    %max3A_382 = arith.maximumf %max3A_378, %get3A_381 : vector<16xf32>
    %get3A_383 = arith.constant 1264 : index
    %get3A_384 = tpu.vector_load %arg7[%get3A_383] {strides = array<i32>} : memref<6400xf32, #tpu.memory_space<vmem>>, vector<16xf32>,
    %get3A_385 = vector.shape_cast %get3A_384 : vector<16xf32> to vector<16xf32>
    %max3A_386 = arith.maximumf %max3A_382, %get3A_385 : vector<16xf32>
    %swap3A_387 = arith.constant 64 : index
    %swap3A_388 = tpu.vector_load %arg8[%swap3A_387] {strides = array<i32>} : memref<400xf32, #tpu.memory_space<vmem>>, vector<16xf32>,
    %swap3A_389 = vector.shape_cast %swap3A_388 : vector<16xf32> to vector<16xf32>
    %swap3A_390 = vector.shape_cast %max3A_386 : vector<16xf32> to vector<16xf32>
    tpu.vector_store %arg8[%swap3A_387], %swap3A_390 {strides = array<i32>} : memref<400xf32, #tpu.memory_space<vmem>>, vector<16xf32>,
    %broadcast_in_dim3A_391 = arith.constant 0xFF800000 : f32
    %broadcast_in_dim3A_392 = vector.broadcast %broadcast_in_dim3A_391 : f32 to vector<16xf32>
    %get3A_393 = arith.constant 1280 : index
    %get3A_394 = tpu.vector_load %arg7[%get3A_393] {strides = array<i32>} : memref<6400xf32, #tpu.memory_space<vmem>>, vector<16xf32>,
    %get3A_395 = vector.shape_cast %get3A_394 : vector<16xf32> to vector<16xf32>
    %max3A_396 = arith.maximumf %broadcast_in_dim3A_392, %get3A_395 : vector<16xf32>
    %get3A_397 = arith.constant 1296 : index
    %get3A_398 = tpu.vector_load %arg7[%get3A_397] {strides = array<i32>} : memref<6400xf32, #tpu.memory_space<vmem>>, vector<16xf32>,
    %get3A_399 = vector.shape_cast %get3A_398 : vector<16xf32> to vector<16xf32>
    %max3A_400 = arith.maximumf %max3A_396, %get3A_399 : vector<16xf32>
    %get3A_401 = arith.constant 1312 : index
    %get3A_402 = tpu.vector_load %arg7[%get3A_401] {strides = array<i32>} : memref<6400xf32, #tpu.memory_space<vmem>>, vector<16xf32>,
    %get3A_403 = vector.shape_cast %get3A_402 : vector<16xf32> to vector<16xf32>
    %max3A_404 = arith.maximumf %max3A_400, %get3A_403 : vector<16xf32>
    %get3A_405 = arith.constant 1328 : index
    %get3A_406 = tpu.vector_load %arg7[%get3A_405] {strides = array<i32>} : memref<6400xf32, #tpu.memory_space<vmem>>, vector<16xf32>,
    %get3A_407 = vector.shape_cast %get3A_406 : vector<16xf32> to vector<16xf32>
    %max3A_408 = arith.maximumf %max3A_404, %get3A_407 : vector<16xf32>
    %get3A_409 = arith.constant 1344 : index
    %get3A_410 = tpu.vector_load %arg7[%get3A_409] {strides = array<i32>} : memref<6400xf32, #tpu.memory_space<vmem>>, vector<16xf32>,
    %get3A_411 = vector.shape_cast %get3A_410 : vector<16xf32> to vector<16xf32>
    %max3A_412 = arith.maximumf %max3A_408, %get3A_411 : vector<16xf32>
    %get3A_413 = arith.constant 1360 : index
    %get3A_414 = tpu.vector_load %arg7[%get3A_413] {strides = array<i32>} : memref<6400xf32, #tpu.memory_space<vmem>>, vector<16xf32>,
    %get3A_415 = vector.shape_cast %get3A_414 : vector<16xf32> to vector<16xf32>
    %max3A_416 = arith.maximumf %max3A_412, %get3A_415 : vector<16xf32>
    %get3A_417 = arith.constant 1376 : index
    %get3A_418 = tpu.vector_load %arg7[%get3A_417] {strides = array<i32>} : memref<6400xf32, #tpu.memory_space<vmem>>, vector<16xf32>,
    %get3A_419 = vector.shape_cast %get3A_418 : vector<16xf32> to vector<16xf32>
    %max3A_420 = arith.maximumf %max3A_416, %get3A_419 : vector<16xf32>
    %get3A_421 = arith.constant 1392 : index
    %get3A_422 = tpu.vector_load %arg7[%get3A_421] {strides = array<i32>} : memref<6400xf32, #tpu.memory_space<vmem>>, vector<16xf32>,
    %get3A_423 = vector.shape_cast %get3A_422 : vector<16xf32> to vector<16xf32>
    %max3A_424 = arith.maximumf %max3A_420, %get3A_423 : vector<16xf32>
    %get3A_425 = arith.constant 1408 : index
    %get3A_426 = tpu.vector_load %arg7[%get3A_425] {strides = array<i32>} : memref<6400xf32, #tpu.memory_space<vmem>>, vector<16xf32>,
    %get3A_427 = vector.shape_cast %get3A_426 : vector<16xf32> to vector<16xf32>
    %max3A_428 = arith.maximumf %max3A_424, %get3A_427 : vector<16xf32>
    %get3A_429 = arith.constant 1424 : index
    %get3A_430 = tpu.vector_load %arg7[%get3A_429] {strides = array<i32>} : memref<6400xf32, #tpu.memory_space<vmem>>, vector<16xf32>,
    %get3A_431 = vector.shape_cast %get3A_430 : vector<16xf32> to vector<16xf32>
    %max3A_432 = arith.maximumf %max3A_428, %get3A_431 : vector<16xf32>
    %get3A_433 = arith.constant 1440 : index
    %get3A_434 = tpu.vector_load %arg7[%get3A_433] {strides = array<i32>} : memref<6400xf32, #tpu.memory_space<vmem>>, vector<16xf32>,
    %get3A_435 = vector.shape_cast %get3A_434 : vector<16xf32> to vector<16xf32>
    %max3A_436 = arith.maximumf %max3A_432, %get3A_435 : vector<16xf32>
    %get3A_437 = arith.constant 1456 : index
    %get3A_438 = tpu.vector_load %arg7[%get3A_437] {strides = array<i32>} : memref<6400xf32, #tpu.memory_space<vmem>>, vector<16xf32>,
    %get3A_439 = vector.shape_cast %get3A_438 : vector<16xf32> to vector<16xf32>
    %max3A_440 = arith.maximumf %max3A_436, %get3A_439 : vector<16xf32>
    %get3A_441 = arith.constant 1472 : index
    %get3A_442 = tpu.vector_load %arg7[%get3A_441] {strides = array<i32>} : memref<6400xf32, #tpu.memory_space<vmem>>, vector<16xf32>,
    %get3A_443 = vector.shape_cast %get3A_442 : vector<16xf32> to vector<16xf32>
    %max3A_444 = arith.maximumf %max3A_440, %get3A_443 : vector<16xf32>
    %get3A_445 = arith.constant 1488 : index
    %get3A_446 = tpu.vector_load %arg7[%get3A_445] {strides = array<i32>} : memref<6400xf32, #tpu.memory_space<vmem>>, vector<16xf32>,
    %get3A_447 = vector.shape_cast %get3A_446 : vector<16xf32> to vector<16xf32>
    %max3A_448 = arith.maximumf %max3A_444, %get3A_447 : vector<16xf32>
    %get3A_449 = arith.constant 1504 : index
    %get3A_450 = tpu.vector_load %arg7[%get3A_449] {strides = array<i32>} : memref<6400xf32, #tpu.memory_space<vmem>>, vector<16xf32>,
    %get3A_451 = vector.shape_cast %get3A_450 : vector<16xf32> to vector<16xf32>
    %max3A_452 = arith.maximumf %max3A_448, %get3A_451 : vector<16xf32>
    %get3A_453 = arith.constant 1520 : index
    %get3A_454 = tpu.vector_load %arg7[%get3A_453] {strides = array<i32>} : memref<6400xf32, #tpu.memory_space<vmem>>, vector<16xf32>,
    %get3A_455 = vector.shape_cast %get3A_454 : vector<16xf32> to vector<16xf32>
    %max3A_456 = arith.maximumf %max3A_452, %get3A_455 : vector<16xf32>
    %swap3A_457 = arith.constant 80 : index
    %swap3A_458 = tpu.vector_load %arg8[%swap3A_457] {strides = array<i32>} : memref<400xf32, #tpu.memory_space<vmem>>, vector<16xf32>,
    %swap3A_459 = vector.shape_cast %swap3A_458 : vector<16xf32> to vector<16xf32>
    %swap3A_460 = vector.shape_cast %max3A_456 : vector<16xf32> to vector<16xf32>
    tpu.vector_store %arg8[%swap3A_457], %swap3A_460 {strides = array<i32>} : memref<400xf32, #tpu.memory_space<vmem>>, vector<16xf32>,
    %broadcast_in_dim3A_461 = arith.constant 0xFF800000 : f32
    %broadcast_in_dim3A_462 = vector.broadcast %broadcast_in_dim3A_461 : f32 to vector<16xf32>
    %get3A_463 = arith.constant 1536 : index
    %get3A_464 = tpu.vector_load %arg7[%get3A_463] {strides = array<i32>} : memref<6400xf32, #tpu.memory_space<vmem>>, vector<16xf32>,
    %get3A_465 = vector.shape_cast %get3A_464 : vector<16xf32> to vector<16xf32>
    %max3A_466 = arith.maximumf %broadcast_in_dim3A_462, %get3A_465 : vector<16xf32>
    %get3A_467 = arith.constant 1552 : index
    %get3A_468 = tpu.vector_load %arg7[%get3A_467] {strides = array<i32>} : memref<6400xf32, #tpu.memory_space<vmem>>, vector<16xf32>,
    %get3A_469 = vector.shape_cast %get3A_468 : vector<16xf32> to vector<16xf32>
    %max3A_470 = arith.maximumf %max3A_466, %get3A_469 : vector<16xf32>
    %get3A_471 = arith.constant 1568 : index
    %get3A_472 = tpu.vector_load %arg7[%get3A_471] {strides = array<i32>} : memref<6400xf32, #tpu.memory_space<vmem>>, vector<16xf32>,
    %get3A_473 = vector.shape_cast %get3A_472 : vector<16xf32> to vector<16xf32>
    %max3A_474 = arith.maximumf %max3A_470, %get3A_473 : vector<16xf32>
    %get3A_475 = arith.constant 1584 : index
    %get3A_476 = tpu.vector_load %arg7[%get3A_475] {strides = array<i32>} : memref<6400xf32, #tpu.memory_space<vmem>>, vector<16xf32>,
    %get3A_477 = vector.shape_cast %get3A_476 : vector<16xf32> to vector<16xf32>
    %max3A_478 = arith.maximumf %max3A_474, %get3A_477 : vector<16xf32>
    %get3A_479 = arith.constant 1600 : index
    %get3A_480 = tpu.vector_load %arg7[%get3A_479] {strides = array<i32>} : memref<6400xf32, #tpu.memory_space<vmem>>, vector<16xf32>,
    %get3A_481 = vector.shape_cast %get3A_480 : vector<16xf32> to vector<16xf32>
    %max3A_482 = arith.maximumf %max3A_478, %get3A_481 : vector<16xf32>
    %get3A_483 = arith.constant 1616 : index
    %get3A_484 = tpu.vector_load %arg7[%get3A_483] {strides = array<i32>} : memref<6400xf32, #tpu.memory_space<vmem>>, vector<16xf32>,
    %get3A_485 = vector.shape_cast %get3A_484 : vector<16xf32> to vector<16xf32>
    %max3A_486 = arith.maximumf %max3A_482, %get3A_485 : vector<16xf32>
    %get3A_487 = arith.constant 1632 : index
    %get3A_488 = tpu.vector_load %arg7[%get3A_487] {strides = array<i32>} : memref<6400xf32, #tpu.memory_space<vmem>>, vector<16xf32>,
    %get3A_489 = vector.shape_cast %get3A_488 : vector<16xf32> to vector<16xf32>
    %max3A_490 = arith.maximumf %max3A_486, %get3A_489 : vector<16xf32>
    %get3A_491 = arith.constant 1648 : index
    %get3A_492 = tpu.vector_load %arg7[%get3A_491] {strides = array<i32>} : memref<6400xf32, #tpu.memory_space<vmem>>, vector<16xf32>,
    %get3A_493 = vector.shape_cast %get3A_492 : vector<16xf32> to vector<16xf32>
    %max3A_494 = arith.maximumf %max3A_490, %get3A_493 : vector<16xf32>
    %get3A_495 = arith.constant 1664 : index
    %get3A_496 = tpu.vector_load %arg7[%get3A_495] {strides = array<i32>} : memref<6400xf32, #tpu.memory_space<vmem>>, vector<16xf32>,
    %get3A_497 = vector.shape_cast %get3A_496 : vector<16xf32> to vector<16xf32>
    %max3A_498 = arith.maximumf %max3A_494, %get3A_497 : vector<16xf32>
    %get3A_499 = arith.constant 1680 : index
    %get3A_500 = tpu.vector_load %arg7[%get3A_499] {strides = array<i32>} : memref<6400xf32, #tpu.memory_space<vmem>>, vector<16xf32>,
    %get3A_501 = vector.shape_cast %get3A_500 : vector<16xf32> to vector<16xf32>
    %max3A_502 = arith.maximumf %max3A_498, %get3A_501 : vector<16xf32>
    %get3A_503 = arith.constant 1696 : index
    %get3A_504 = tpu.vector_load %arg7[%get3A_503] {strides = array<i32>} : memref<6400xf32, #tpu.memory_space<vmem>>, vector<16xf32>,
    %get3A_505 = vector.shape_cast %get3A_504 : vector<16xf32> to vector<16xf32>
    %max3A_506 = arith.maximumf %max3A_502, %get3A_505 : vector<16xf32>
    %get3A_507 = arith.constant 1712 : index
    %get3A_508 = tpu.vector_load %arg7[%get3A_507] {strides = array<i32>} : memref<6400xf32, #tpu.memory_space<vmem>>, vector<16xf32>,
    %get3A_509 = vector.shape_cast %get3A_508 : vector<16xf32> to vector<16xf32>
    %max3A_510 = arith.maximumf %max3A_506, %get3A_509 : vector<16xf32>
    %get3A_511 = arith.constant 1728 : index
    %get3A_512 = tpu.vector_load %arg7[%get3A_511] {strides = array<i32>} : memref<6400xf32, #tpu.memory_space<vmem>>, vector<16xf32>,
    %get3A_513 = vector.shape_cast %get3A_512 : vector<16xf32> to vector<16xf32>
    %max3A_514 = arith.maximumf %max3A_510, %get3A_513 : vector<16xf32>
    %get3A_515 = arith.constant 1744 : index
    %get3A_516 = tpu.vector_load %arg7[%get3A_515] {strides = array<i32>} : memref<6400xf32, #tpu.memory_space<vmem>>, vector<16xf32>,
    %get3A_517 = vector.shape_cast %get3A_516 : vector<16xf32> to vector<16xf32>
    %max3A_518 = arith.maximumf %max3A_514, %get3A_517 : vector<16xf32>
    %get3A_519 = arith.constant 1760 : index
    %get3A_520 = tpu.vector_load %arg7[%get3A_519] {strides = array<i32>} : memref<6400xf32, #tpu.memory_space<vmem>>, vector<16xf32>,
    %get3A_521 = vector.shape_cast %get3A_520 : vector<16xf32> to vector<16xf32>
    %max3A_522 = arith.maximumf %max3A_518, %get3A_521 : vector<16xf32>
    %get3A_523 = arith.constant 1776 : index
    %get3A_524 = tpu.vector_load %arg7[%get3A_523] {strides = array<i32>} : memref<6400xf32, #tpu.memory_space<vmem>>, vector<16xf32>,
    %get3A_525 = vector.shape_cast %get3A_524 : vector<16xf32> to vector<16xf32>
    %max3A_526 = arith.maximumf %max3A_522, %get3A_525 : vector<16xf32>
    %swap3A_527 = arith.constant 96 : index
    %swap3A_528 = tpu.vector_load %arg8[%swap3A_527] {strides = array<i32>} : memref<400xf32, #tpu.memory_space<vmem>>, vector<16xf32>,
    %swap3A_529 = vector.shape_cast %swap3A_528 : vector<16xf32> to vector<16xf32>
    %swap3A_530 = vector.shape_cast %max3A_526 : vector<16xf32> to vector<16xf32>
    tpu.vector_store %arg8[%swap3A_527], %swap3A_530 {strides = array<i32>} : memref<400xf32, #tpu.memory_space<vmem>>, vector<16xf32>,
    %broadcast_in_dim3A_531 = arith.constant 0xFF800000 : f32
    %broadcast_in_dim3A_532 = vector.broadcast %broadcast_in_dim3A_531 : f32 to vector<16xf32>
    %get3A_533 = arith.constant 1792 : index
    %get3A_534 = tpu.vector_load %arg7[%get3A_533] {strides = array<i32>} : memref<6400xf32, #tpu.memory_space<vmem>>, vector<16xf32>,
    %get3A_535 = vector.shape_cast %get3A_534 : vector<16xf32> to vector<16xf32>
    %max3A_536 = arith.maximumf %broadcast_in_dim3A_532, %get3A_535 : vector<16xf32>
    %get3A_537 = arith.constant 1808 : index
    %get3A_538 = tpu.vector_load %arg7[%get3A_537] {strides = array<i32>} : memref<6400xf32, #tpu.memory_space<vmem>>, vector<16xf32>,
    %get3A_539 = vector.shape_cast %get3A_538 : vector<16xf32> to vector<16xf32>
    %max3A_540 = arith.maximumf %max3A_536, %get3A_539 : vector<16xf32>
    %get3A_541 = arith.constant 1824 : index
    %get3A_542 = tpu.vector_load %arg7[%get3A_541] {strides = array<i32>} : memref<6400xf32, #tpu.memory_space<vmem>>, vector<16xf32>,
    %get3A_543 = vector.shape_cast %get3A_542 : vector<16xf32> to vector<16xf32>
    %max3A_544 = arith.maximumf %max3A_540, %get3A_543 : vector<16xf32>
    %get3A_545 = arith.constant 1840 : index
    %get3A_546 = tpu.vector_load %arg7[%get3A_545] {strides = array<i32>} : memref<6400xf32, #tpu.memory_space<vmem>>, vector<16xf32>,
    %get3A_547 = vector.shape_cast %get3A_546 : vector<16xf32> to vector<16xf32>
    %max3A_548 = arith.maximumf %max3A_544, %get3A_547 : vector<16xf32>
    %get3A_549 = arith.constant 1856 : index
    %get3A_550 = tpu.vector_load %arg7[%get3A_549] {strides = array<i32>} : memref<6400xf32, #tpu.memory_space<vmem>>, vector<16xf32>,
    %get3A_551 = vector.shape_cast %get3A_550 : vector<16xf32> to vector<16xf32>
    %max3A_552 = arith.maximumf %max3A_548, %get3A_551 : vector<16xf32>
    %get3A_553 = arith.constant 1872 : index
    %get3A_554 = tpu.vector_load %arg7[%get3A_553] {strides = array<i32>} : memref<6400xf32, #tpu.memory_space<vmem>>, vector<16xf32>,
    %get3A_555 = vector.shape_cast %get3A_554 : vector<16xf32> to vector<16xf32>
    %max3A_556 = arith.maximumf %max3A_552, %get3A_555 : vector<16xf32>
    %get3A_557 = arith.constant 1888 : index
    %get3A_558 = tpu.vector_load %arg7[%get3A_557] {strides = array<i32>} : memref<6400xf32, #tpu.memory_space<vmem>>, vector<16xf32>,
    %get3A_559 = vector.shape_cast %get3A_558 : vector<16xf32> to vector<16xf32>
    %max3A_560 = arith.maximumf %max3A_556, %get3A_559 : vector<16xf32>
    %get3A_561 = arith.constant 1904 : index
    %get3A_562 = tpu.vector_load %arg7[%get3A_561] {strides = array<i32>} : memref<6400xf32, #tpu.memory_space<vmem>>, vector<16xf32>,
    %get3A_563 = vector.shape_cast %get3A_562 : vector<16xf32> to vector<16xf32>
    %max3A_564 = arith.maximumf %max3A_560, %get3A_563 : vector<16xf32>
    %get3A_565 = arith.constant 1920 : index
    %get3A_566 = tpu.vector_load %arg7[%get3A_565] {strides = array<i32>} : memref<6400xf32, #tpu.memory_space<vmem>>, vector<16xf32>,
    %get3A_567 = vector.shape_cast %get3A_566 : vector<16xf32> to vector<16xf32>
    %max3A_568 = arith.maximumf %max3A_564, %get3A_567 : vector<16xf32>
    %get3A_569 = arith.constant 1936 : index
    %get3A_570 = tpu.vector_load %arg7[%get3A_569] {strides = array<i32>} : memref<6400xf32, #tpu.memory_space<vmem>>, vector<16xf32>,
    %get3A_571 = vector.shape_cast %get3A_570 : vector<16xf32> to vector<16xf32>
    %max3A_572 = arith.maximumf %max3A_568, %get3A_571 : vector<16xf32>
    %get3A_573 = arith.constant 1952 : index
    %get3A_574 = tpu.vector_load %arg7[%get3A_573] {strides = array<i32>} : memref<6400xf32, #tpu.memory_space<vmem>>, vector<16xf32>,
    %get3A_575 = vector.shape_cast %get3A_574 : vector<16xf32> to vector<16xf32>
    %max3A_576 = arith.maximumf %max3A_572, %get3A_575 : vector<16xf32>
    %get3A_577 = arith.constant 1968 : index
    %get3A_578 = tpu.vector_load %arg7[%get3A_577] {strides = array<i32>} : memref<6400xf32, #tpu.memory_space<vmem>>, vector<16xf32>,
    %get3A_579 = vector.shape_cast %get3A_578 : vector<16xf32> to vector<16xf32>
    %max3A_580 = arith.maximumf %max3A_576, %get3A_579 : vector<16xf32>
    %get3A_581 = arith.constant 1984 : index
    %get3A_582 = tpu.vector_load %arg7[%get3A_581] {strides = array<i32>} : memref<6400xf32, #tpu.memory_space<vmem>>, vector<16xf32>,
    %get3A_583 = vector.shape_cast %get3A_582 : vector<16xf32> to vector<16xf32>
    %max3A_584 = arith.maximumf %max3A_580, %get3A_583 : vector<16xf32>
    %get3A_585 = arith.constant 2000 : index
    %get3A_586 = tpu.vector_load %arg7[%get3A_585] {strides = array<i32>} : memref<6400xf32, #tpu.memory_space<vmem>>, vector<16xf32>,
    %get3A_587 = vector.shape_cast %get3A_586 : vector<16xf32> to vector<16xf32>
    %max3A_588 = arith.maximumf %max3A_584, %get3A_587 : vector<16xf32>
    %get3A_589 = arith.constant 2016 : index
    %get3A_590 = tpu.vector_load %arg7[%get3A_589] {strides = array<i32>} : memref<6400xf32, #tpu.memory_space<vmem>>, vector<16xf32>,
    %get3A_591 = vector.shape_cast %get3A_590 : vector<16xf32> to vector<16xf32>
    %max3A_592 = arith.maximumf %max3A_588, %get3A_591 : vector<16xf32>
    %get3A_593 = arith.constant 2032 : index
    %get3A_594 = tpu.vector_load %arg7[%get3A_593] {strides = array<i32>} : memref<6400xf32, #tpu.memory_space<vmem>>, vector<16xf32>,
    %get3A_595 = vector.shape_cast %get3A_594 : vector<16xf32> to vector<16xf32>
    %max3A_596 = arith.maximumf %max3A_592, %get3A_595 : vector<16xf32>
    %swap3A_597 = arith.constant 112 : index
    %swap3A_598 = tpu.vector_load %arg8[%swap3A_597] {strides = array<i32>} : memref<400xf32, #tpu.memory_space<vmem>>, vector<16xf32>,
    %swap3A_599 = vector.shape_cast %swap3A_598 : vector<16xf32> to vector<16xf32>
    %swap3A_600 = vector.shape_cast %max3A_596 : vector<16xf32> to vector<16xf32>
    tpu.vector_store %arg8[%swap3A_597], %swap3A_600 {strides = array<i32>} : memref<400xf32, #tpu.memory_space<vmem>>, vector<16xf32>,
    %broadcast_in_dim3A_601 = arith.constant 0xFF800000 : f32
    %broadcast_in_dim3A_602 = vector.broadcast %broadcast_in_dim3A_601 : f32 to vector<16xf32>
    %get3A_603 = arith.constant 2048 : index
    %get3A_604 = tpu.vector_load %arg7[%get3A_603] {strides = array<i32>} : memref<6400xf32, #tpu.memory_space<vmem>>, vector<16xf32>,
    %get3A_605 = vector.shape_cast %get3A_604 : vector<16xf32> to vector<16xf32>
    %max3A_606 = arith.maximumf %broadcast_in_dim3A_602, %get3A_605 : vector<16xf32>
    %get3A_607 = arith.constant 2064 : index
    %get3A_608 = tpu.vector_load %arg7[%get3A_607] {strides = array<i32>} : memref<6400xf32, #tpu.memory_space<vmem>>, vector<16xf32>,
    %get3A_609 = vector.shape_cast %get3A_608 : vector<16xf32> to vector<16xf32>
    %max3A_610 = arith.maximumf %max3A_606, %get3A_609 : vector<16xf32>
    %get3A_611 = arith.constant 2080 : index
    %get3A_612 = tpu.vector_load %arg7[%get3A_611] {strides = array<i32>} : memref<6400xf32, #tpu.memory_space<vmem>>, vector<16xf32>,
    %get3A_613 = vector.shape_cast %get3A_612 : vector<16xf32> to vector<16xf32>
    %max3A_614 = arith.maximumf %max3A_610, %get3A_613 : vector<16xf32>
    %get3A_615 = arith.constant 2096 : index
    %get3A_616 = tpu.vector_load %arg7[%get3A_615] {strides = array<i32>} : memref<6400xf32, #tpu.memory_space<vmem>>, vector<16xf32>,
    %get3A_617 = vector.shape_cast %get3A_616 : vector<16xf32> to vector<16xf32>
    %max3A_618 = arith.maximumf %max3A_614, %get3A_617 : vector<16xf32>
    %get3A_619 = arith.constant 2112 : index
    %get3A_620 = tpu.vector_load %arg7[%get3A_619] {strides = array<i32>} : memref<6400xf32, #tpu.memory_space<vmem>>, vector<16xf32>,
    %get3A_621 = vector.shape_cast %get3A_620 : vector<16xf32> to vector<16xf32>
    %max3A_622 = arith.maximumf %max3A_618, %get3A_621 : vector<16xf32>
    %get3A_623 = arith.constant 2128 : index
    %get3A_624 = tpu.vector_load %arg7[%get3A_623] {strides = array<i32>} : memref<6400xf32, #tpu.memory_space<vmem>>, vector<16xf32>,
    %get3A_625 = vector.shape_cast %get3A_624 : vector<16xf32> to vector<16xf32>
    %max3A_626 = arith.maximumf %max3A_622, %get3A_625 : vector<16xf32>
    %get3A_627 = arith.constant 2144 : index
    %get3A_628 = tpu.vector_load %arg7[%get3A_627] {strides = array<i32>} : memref<6400xf32, #tpu.memory_space<vmem>>, vector<16xf32>,
    %get3A_629 = vector.shape_cast %get3A_628 : vector<16xf32> to vector<16xf32>
    %max3A_630 = arith.maximumf %max3A_626, %get3A_629 : vector<16xf32>
    %get3A_631 = arith.constant 2160 : index
    %get3A_632 = tpu.vector_load %arg7[%get3A_631] {strides = array<i32>} : memref<6400xf32, #tpu.memory_space<vmem>>, vector<16xf32>,
    %get3A_633 = vector.shape_cast %get3A_632 : vector<16xf32> to vector<16xf32>
    %max3A_634 = arith.maximumf %max3A_630, %get3A_633 : vector<16xf32>
    %get3A_635 = arith.constant 2176 : index
    %get3A_636 = tpu.vector_load %arg7[%get3A_635] {strides = array<i32>} : memref<6400xf32, #tpu.memory_space<vmem>>, vector<16xf32>,
    %get3A_637 = vector.shape_cast %get3A_636 : vector<16xf32> to vector<16xf32>
    %max3A_638 = arith.maximumf %max3A_634, %get3A_637 : vector<16xf32>
    %get3A_639 = arith.constant 2192 : index
    %get3A_640 = tpu.vector_load %arg7[%get3A_639] {strides = array<i32>} : memref<6400xf32, #tpu.memory_space<vmem>>, vector<16xf32>,
    %get3A_641 = vector.shape_cast %get3A_640 : vector<16xf32> to vector<16xf32>
    %max3A_642 = arith.maximumf %max3A_638, %get3A_641 : vector<16xf32>
    %get3A_643 = arith.constant 2208 : index
    %get3A_644 = tpu.vector_load %arg7[%get3A_643] {strides = array<i32>} : memref<6400xf32, #tpu.memory_space<vmem>>, vector<16xf32>,
    %get3A_645 = vector.shape_cast %get3A_644 : vector<16xf32> to vector<16xf32>
    %max3A_646 = arith.maximumf %max3A_642, %get3A_645 : vector<16xf32>
    %get3A_647 = arith.constant 2224 : index
    %get3A_648 = tpu.vector_load %arg7[%get3A_647] {strides = array<i32>} : memref<6400xf32, #tpu.memory_space<vmem>>, vector<16xf32>,
    %get3A_649 = vector.shape_cast %get3A_648 : vector<16xf32> to vector<16xf32>
    %max3A_650 = arith.maximumf %max3A_646, %get3A_649 : vector<16xf32>
    %get3A_651 = arith.constant 2240 : index
    %get3A_652 = tpu.vector_load %arg7[%get3A_651] {strides = array<i32>} : memref<6400xf32, #tpu.memory_space<vmem>>, vector<16xf32>,
    %get3A_653 = vector.shape_cast %get3A_652 : vector<16xf32> to vector<16xf32>
    %max3A_654 = arith.maximumf %max3A_650, %get3A_653 : vector<16xf32>
    %get3A_655 = arith.constant 2256 : index
    %get3A_656 = tpu.vector_load %arg7[%get3A_655] {strides = array<i32>} : memref<6400xf32, #tpu.memory_space<vmem>>, vector<16xf32>,
    %get3A_657 = vector.shape_cast %get3A_656 : vector<16xf32> to vector<16xf32>
    %max3A_658 = arith.maximumf %max3A_654, %get3A_657 : vector<16xf32>
    %get3A_659 = arith.constant 2272 : index
    %get3A_660 = tpu.vector_load %arg7[%get3A_659] {strides = array<i32>} : memref<6400xf32, #tpu.memory_space<vmem>>, vector<16xf32>,
    %get3A_661 = vector.shape_cast %get3A_660 : vector<16xf32> to vector<16xf32>
    %max3A_662 = arith.maximumf %max3A_658, %get3A_661 : vector<16xf32>
    %get3A_663 = arith.constant 2288 : index
    %get3A_664 = tpu.vector_load %arg7[%get3A_663] {strides = array<i32>} : memref<6400xf32, #tpu.memory_space<vmem>>, vector<16xf32>,
    %get3A_665 = vector.shape_cast %get3A_664 : vector<16xf32> to vector<16xf32>
    %max3A_666 = arith.maximumf %max3A_662, %get3A_665 : vector<16xf32>
    %swap3A_667 = arith.constant 128 : index
    %swap3A_668 = tpu.vector_load %arg8[%swap3A_667] {strides = array<i32>} : memref<400xf32, #tpu.memory_space<vmem>>, vector<16xf32>,
    %swap3A_669 = vector.shape_cast %swap3A_668 : vector<16xf32> to vector<16xf32>
    %swap3A_670 = vector.shape_cast %max3A_666 : vector<16xf32> to vector<16xf32>
    tpu.vector_store %arg8[%swap3A_667], %swap3A_670 {strides = array<i32>} : memref<400xf32, #tpu.memory_space<vmem>>, vector<16xf32>,
    %broadcast_in_dim3A_671 = arith.constant 0xFF800000 : f32
    %broadcast_in_dim3A_672 = vector.broadcast %broadcast_in_dim3A_671 : f32 to vector<16xf32>
    %get3A_673 = arith.constant 2304 : index
    %get3A_674 = tpu.vector_load %arg7[%get3A_673] {strides = array<i32>} : memref<6400xf32, #tpu.memory_space<vmem>>, vector<16xf32>,
    %get3A_675 = vector.shape_cast %get3A_674 : vector<16xf32> to vector<16xf32>
    %max3A_676 = arith.maximumf %broadcast_in_dim3A_672, %get3A_675 : vector<16xf32>
    %get3A_677 = arith.constant 2320 : index
    %get3A_678 = tpu.vector_load %arg7[%get3A_677] {strides = array<i32>} : memref<6400xf32, #tpu.memory_space<vmem>>, vector<16xf32>,
    %get3A_679 = vector.shape_cast %get3A_678 : vector<16xf32> to vector<16xf32>
    %max3A_680 = arith.maximumf %max3A_676, %get3A_679 : vector<16xf32>
    %get3A_681 = arith.constant 2336 : index
    %get3A_682 = tpu.vector_load %arg7[%get3A_681] {strides = array<i32>} : memref<6400xf32, #tpu.memory_space<vmem>>, vector<16xf32>,
    %get3A_683 = vector.shape_cast %get3A_682 : vector<16xf32> to vector<16xf32>
    %max3A_684 = arith.maximumf %max3A_680, %get3A_683 : vector<16xf32>
    %get3A_685 = arith.constant 2352 : index
    %get3A_686 = tpu.vector_load %arg7[%get3A_685] {strides = array<i32>} : memref<6400xf32, #tpu.memory_space<vmem>>, vector<16xf32>,
    %get3A_687 = vector.shape_cast %get3A_686 : vector<16xf32> to vector<16xf32>
    %max3A_688 = arith.maximumf %max3A_684, %get3A_687 : vector<16xf32>
    %get3A_689 = arith.constant 2368 : index
    %get3A_690 = tpu.vector_load %arg7[%get3A_689] {strides = array<i32>} : memref<6400xf32, #tpu.memory_space<vmem>>, vector<16xf32>,
    %get3A_691 = vector.shape_cast %get3A_690 : vector<16xf32> to vector<16xf32>
    %max3A_692 = arith.maximumf %max3A_688, %get3A_691 : vector<16xf32>
    %get3A_693 = arith.constant 2384 : index
    %get3A_694 = tpu.vector_load %arg7[%get3A_693] {strides = array<i32>} : memref<6400xf32, #tpu.memory_space<vmem>>, vector<16xf32>,
    %get3A_695 = vector.shape_cast %get3A_694 : vector<16xf32> to vector<16xf32>
    %max3A_696 = arith.maximumf %max3A_692, %get3A_695 : vector<16xf32>
    %get3A_697 = arith.constant 2400 : index
    %get3A_698 = tpu.vector_load %arg7[%get3A_697] {strides = array<i32>} : memref<6400xf32, #tpu.memory_space<vmem>>, vector<16xf32>,
    %get3A_699 = vector.shape_cast %get3A_698 : vector<16xf32> to vector<16xf32>
    %max3A_700 = arith.maximumf %max3A_696, %get3A_699 : vector<16xf32>
    %get3A_701 = arith.constant 2416 : index
    %get3A_702 = tpu.vector_load %arg7[%get3A_701] {strides = array<i32>} : memref<6400xf32, #tpu.memory_space<vmem>>, vector<16xf32>,
    %get3A_703 = vector.shape_cast %get3A_702 : vector<16xf32> to vector<16xf32>
    %max3A_704 = arith.maximumf %max3A_700, %get3A_703 : vector<16xf32>
    %get3A_705 = arith.constant 2432 : index
    %get3A_706 = tpu.vector_load %arg7[%get3A_705] {strides = array<i32>} : memref<6400xf32, #tpu.memory_space<vmem>>, vector<16xf32>,
    %get3A_707 = vector.shape_cast %get3A_706 : vector<16xf32> to vector<16xf32>
    %max3A_708 = arith.maximumf %max3A_704, %get3A_707 : vector<16xf32>
    %get3A_709 = arith.constant 2448 : index
    %get3A_710 = tpu.vector_load %arg7[%get3A_709] {strides = array<i32>} : memref<6400xf32, #tpu.memory_space<vmem>>, vector<16xf32>,
    %get3A_711 = vector.shape_cast %get3A_710 : vector<16xf32> to vector<16xf32>
    %max3A_712 = arith.maximumf %max3A_708, %get3A_711 : vector<16xf32>
    %get3A_713 = arith.constant 2464 : index
    %get3A_714 = tpu.vector_load %arg7[%get3A_713] {strides = array<i32>} : memref<6400xf32, #tpu.memory_space<vmem>>, vector<16xf32>,
    %get3A_715 = vector.shape_cast %get3A_714 : vector<16xf32> to vector<16xf32>
    %max3A_716 = arith.maximumf %max3A_712, %get3A_715 : vector<16xf32>
    %get3A_717 = arith.constant 2480 : index
    %get3A_718 = tpu.vector_load %arg7[%get3A_717] {strides = array<i32>} : memref<6400xf32, #tpu.memory_space<vmem>>, vector<16xf32>,
    %get3A_719 = vector.shape_cast %get3A_718 : vector<16xf32> to vector<16xf32>
    %max3A_720 = arith.maximumf %max3A_716, %get3A_719 : vector<16xf32>
    %get3A_721 = arith.constant 2496 : index
    %get3A_722 = tpu.vector_load %arg7[%get3A_721] {strides = array<i32>} : memref<6400xf32, #tpu.memory_space<vmem>>, vector<16xf32>,
    %get3A_723 = vector.shape_cast %get3A_722 : vector<16xf32> to vector<16xf32>
    %max3A_724 = arith.maximumf %max3A_720, %get3A_723 : vector<16xf32>
    %get3A_725 = arith.constant 2512 : index
    %get3A_726 = tpu.vector_load %arg7[%get3A_725] {strides = array<i32>} : memref<6400xf32, #tpu.memory_space<vmem>>, vector<16xf32>,
    %get3A_727 = vector.shape_cast %get3A_726 : vector<16xf32> to vector<16xf32>
    %max3A_728 = arith.maximumf %max3A_724, %get3A_727 : vector<16xf32>
    %get3A_729 = arith.constant 2528 : index
    %get3A_730 = tpu.vector_load %arg7[%get3A_729] {strides = array<i32>} : memref<6400xf32, #tpu.memory_space<vmem>>, vector<16xf32>,
    %get3A_731 = vector.shape_cast %get3A_730 : vector<16xf32> to vector<16xf32>
    %max3A_732 = arith.maximumf %max3A_728, %get3A_731 : vector<16xf32>
    %get3A_733 = arith.constant 2544 : index
    %get3A_734 = tpu.vector_load %arg7[%get3A_733] {strides = array<i32>} : memref<6400xf32, #tpu.memory_space<vmem>>, vector<16xf32>,
    %get3A_735 = vector.shape_cast %get3A_734 : vector<16xf32> to vector<16xf32>
    %max3A_736 = arith.maximumf %max3A_732, %get3A_735 : vector<16xf32>
    %swap3A_737 = arith.constant 144 : index
    %swap3A_738 = tpu.vector_load %arg8[%swap3A_737] {strides = array<i32>} : memref<400xf32, #tpu.memory_space<vmem>>, vector<16xf32>,
    %swap3A_739 = vector.shape_cast %swap3A_738 : vector<16xf32> to vector<16xf32>
    %swap3A_740 = vector.shape_cast %max3A_736 : vector<16xf32> to vector<16xf32>
    tpu.vector_store %arg8[%swap3A_737], %swap3A_740 {strides = array<i32>} : memref<400xf32, #tpu.memory_space<vmem>>, vector<16xf32>,
    %broadcast_in_dim3A_741 = arith.constant 0xFF800000 : f32
    %broadcast_in_dim3A_742 = vector.broadcast %broadcast_in_dim3A_741 : f32 to vector<16xf32>
    %get3A_743 = arith.constant 2560 : index
    %get3A_744 = tpu.vector_load %arg7[%get3A_743] {strides = array<i32>} : memref<6400xf32, #tpu.memory_space<vmem>>, vector<16xf32>,
    %get3A_745 = vector.shape_cast %get3A_744 : vector<16xf32> to vector<16xf32>
    %max3A_746 = arith.maximumf %broadcast_in_dim3A_742, %get3A_745 : vector<16xf32>
    %get3A_747 = arith.constant 2576 : index
    %get3A_748 = tpu.vector_load %arg7[%get3A_747] {strides = array<i32>} : memref<6400xf32, #tpu.memory_space<vmem>>, vector<16xf32>,
    %get3A_749 = vector.shape_cast %get3A_748 : vector<16xf32> to vector<16xf32>
    %max3A_750 = arith.maximumf %max3A_746, %get3A_749 : vector<16xf32>
    %get3A_751 = arith.constant 2592 : index
    %get3A_752 = tpu.vector_load %arg7[%get3A_751] {strides = array<i32>} : memref<6400xf32, #tpu.memory_space<vmem>>, vector<16xf32>,
    %get3A_753 = vector.shape_cast %get3A_752 : vector<16xf32> to vector<16xf32>
    %max3A_754 = arith.maximumf %max3A_750, %get3A_753 : vector<16xf32>
    %get3A_755 = arith.constant 2608 : index
    %get3A_756 = tpu.vector_load %arg7[%get3A_755] {strides = array<i32>} : memref<6400xf32, #tpu.memory_space<vmem>>, vector<16xf32>,
    %get3A_757 = vector.shape_cast %get3A_756 : vector<16xf32> to vector<16xf32>
    %max3A_758 = arith.maximumf %max3A_754, %get3A_757 : vector<16xf32>
    %get3A_759 = arith.constant 2624 : index
    %get3A_760 = tpu.vector_load %arg7[%get3A_759] {strides = array<i32>} : memref<6400xf32, #tpu.memory_space<vmem>>, vector<16xf32>,
    %get3A_761 = vector.shape_cast %get3A_760 : vector<16xf32> to vector<16xf32>
    %max3A_762 = arith.maximumf %max3A_758, %get3A_761 : vector<16xf32>
    %get3A_763 = arith.constant 2640 : index
    %get3A_764 = tpu.vector_load %arg7[%get3A_763] {strides = array<i32>} : memref<6400xf32, #tpu.memory_space<vmem>>, vector<16xf32>,
    %get3A_765 = vector.shape_cast %get3A_764 : vector<16xf32> to vector<16xf32>
    %max3A_766 = arith.maximumf %max3A_762, %get3A_765 : vector<16xf32>
    %get3A_767 = arith.constant 2656 : index
    %get3A_768 = tpu.vector_load %arg7[%get3A_767] {strides = array<i32>} : memref<6400xf32, #tpu.memory_space<vmem>>, vector<16xf32>,
    %get3A_769 = vector.shape_cast %get3A_768 : vector<16xf32> to vector<16xf32>
    %max3A_770 = arith.maximumf %max3A_766, %get3A_769 : vector<16xf32>
    %get3A_771 = arith.constant 2672 : index
    %get3A_772 = tpu.vector_load %arg7[%get3A_771] {strides = array<i32>} : memref<6400xf32, #tpu.memory_space<vmem>>, vector<16xf32>,
    %get3A_773 = vector.shape_cast %get3A_772 : vector<16xf32> to vector<16xf32>
    %max3A_774 = arith.maximumf %max3A_770, %get3A_773 : vector<16xf32>
    %get3A_775 = arith.constant 2688 : index
    %get3A_776 = tpu.vector_load %arg7[%get3A_775] {strides = array<i32>} : memref<6400xf32, #tpu.memory_space<vmem>>, vector<16xf32>,
    %get3A_777 = vector.shape_cast %get3A_776 : vector<16xf32> to vector<16xf32>
    %max3A_778 = arith.maximumf %max3A_774, %get3A_777 : vector<16xf32>
    %get3A_779 = arith.constant 2704 : index
    %get3A_780 = tpu.vector_load %arg7[%get3A_779] {strides = array<i32>} : memref<6400xf32, #tpu.memory_space<vmem>>, vector<16xf32>,
    %get3A_781 = vector.shape_cast %get3A_780 : vector<16xf32> to vector<16xf32>
    %max3A_782 = arith.maximumf %max3A_778, %get3A_781 : vector<16xf32>
    %get3A_783 = arith.constant 2720 : index
    %get3A_784 = tpu.vector_load %arg7[%get3A_783] {strides = array<i32>} : memref<6400xf32, #tpu.memory_space<vmem>>, vector<16xf32>,
    %get3A_785 = vector.shape_cast %get3A_784 : vector<16xf32> to vector<16xf32>
    %max3A_786 = arith.maximumf %max3A_782, %get3A_785 : vector<16xf32>
    %get3A_787 = arith.constant 2736 : index
    %get3A_788 = tpu.vector_load %arg7[%get3A_787] {strides = array<i32>} : memref<6400xf32, #tpu.memory_space<vmem>>, vector<16xf32>,
    %get3A_789 = vector.shape_cast %get3A_788 : vector<16xf32> to vector<16xf32>
    %max3A_790 = arith.maximumf %max3A_786, %get3A_789 : vector<16xf32>
    %get3A_791 = arith.constant 2752 : index
    %get3A_792 = tpu.vector_load %arg7[%get3A_791] {strides = array<i32>} : memref<6400xf32, #tpu.memory_space<vmem>>, vector<16xf32>,
    %get3A_793 = vector.shape_cast %get3A_792 : vector<16xf32> to vector<16xf32>
    %max3A_794 = arith.maximumf %max3A_790, %get3A_793 : vector<16xf32>
    %get3A_795 = arith.constant 2768 : index
    %get3A_796 = tpu.vector_load %arg7[%get3A_795] {strides = array<i32>} : memref<6400xf32, #tpu.memory_space<vmem>>, vector<16xf32>,
    %get3A_797 = vector.shape_cast %get3A_796 : vector<16xf32> to vector<16xf32>
    %max3A_798 = arith.maximumf %max3A_794, %get3A_797 : vector<16xf32>
    %get3A_799 = arith.constant 2784 : index
    %get3A_800 = tpu.vector_load %arg7[%get3A_799] {strides = array<i32>} : memref<6400xf32, #tpu.memory_space<vmem>>, vector<16xf32>,
    %get3A_801 = vector.shape_cast %get3A_800 : vector<16xf32> to vector<16xf32>
    %max3A_802 = arith.maximumf %max3A_798, %get3A_801 : vector<16xf32>
    %get3A_803 = arith.constant 2800 : index
    %get3A_804 = tpu.vector_load %arg7[%get3A_803] {strides = array<i32>} : memref<6400xf32, #tpu.memory_space<vmem>>, vector<16xf32>,
    %get3A_805 = vector.shape_cast %get3A_804 : vector<16xf32> to vector<16xf32>
    %max3A_806 = arith.maximumf %max3A_802, %get3A_805 : vector<16xf32>
    %swap3A_807 = arith.constant 160 : index
    %swap3A_808 = tpu.vector_load %arg8[%swap3A_807] {strides = array<i32>} : memref<400xf32, #tpu.memory_space<vmem>>, vector<16xf32>,
    %swap3A_809 = vector.shape_cast %swap3A_808 : vector<16xf32> to vector<16xf32>
    %swap3A_810 = vector.shape_cast %max3A_806 : vector<16xf32> to vector<16xf32>
    tpu.vector_store %arg8[%swap3A_807], %swap3A_810 {strides = array<i32>} : memref<400xf32, #tpu.memory_space<vmem>>, vector<16xf32>,
    %broadcast_in_dim3A_811 = arith.constant 0xFF800000 : f32
    %broadcast_in_dim3A_812 = vector.broadcast %broadcast_in_dim3A_811 : f32 to vector<16xf32>
    %get3A_813 = arith.constant 2816 : index
    %get3A_814 = tpu.vector_load %arg7[%get3A_813] {strides = array<i32>} : memref<6400xf32, #tpu.memory_space<vmem>>, vector<16xf32>,
    %get3A_815 = vector.shape_cast %get3A_814 : vector<16xf32> to vector<16xf32>
    %max3A_816 = arith.maximumf %broadcast_in_dim3A_812, %get3A_815 : vector<16xf32>
    %get3A_817 = arith.constant 2832 : index
    %get3A_818 = tpu.vector_load %arg7[%get3A_817] {strides = array<i32>} : memref<6400xf32, #tpu.memory_space<vmem>>, vector<16xf32>,
    %get3A_819 = vector.shape_cast %get3A_818 : vector<16xf32> to vector<16xf32>
    %max3A_820 = arith.maximumf %max3A_816, %get3A_819 : vector<16xf32>
    %get3A_821 = arith.constant 2848 : index
    %get3A_822 = tpu.vector_load %arg7[%get3A_821] {strides = array<i32>} : memref<6400xf32, #tpu.memory_space<vmem>>, vector<16xf32>,
    %get3A_823 = vector.shape_cast %get3A_822 : vector<16xf32> to vector<16xf32>
    %max3A_824 = arith.maximumf %max3A_820, %get3A_823 : vector<16xf32>
    %get3A_825 = arith.constant 2864 : index
    %get3A_826 = tpu.vector_load %arg7[%get3A_825] {strides = array<i32>} : memref<6400xf32, #tpu.memory_space<vmem>>, vector<16xf32>,
    %get3A_827 = vector.shape_cast %get3A_826 : vector<16xf32> to vector<16xf32>
    %max3A_828 = arith.maximumf %max3A_824, %get3A_827 : vector<16xf32>
    %get3A_829 = arith.constant 2880 : index
    %get3A_830 = tpu.vector_load %arg7[%get3A_829] {strides = array<i32>} : memref<6400xf32, #tpu.memory_space<vmem>>, vector<16xf32>,
    %get3A_831 = vector.shape_cast %get3A_830 : vector<16xf32> to vector<16xf32>
    %max3A_832 = arith.maximumf %max3A_828, %get3A_831 : vector<16xf32>
    %get3A_833 = arith.constant 2896 : index
    %get3A_834 = tpu.vector_load %arg7[%get3A_833] {strides = array<i32>} : memref<6400xf32, #tpu.memory_space<vmem>>, vector<16xf32>,
    %get3A_835 = vector.shape_cast %get3A_834 : vector<16xf32> to vector<16xf32>
    %max3A_836 = arith.maximumf %max3A_832, %get3A_835 : vector<16xf32>
    %get3A_837 = arith.constant 2912 : index
    %get3A_838 = tpu.vector_load %arg7[%get3A_837] {strides = array<i32>} : memref<6400xf32, #tpu.memory_space<vmem>>, vector<16xf32>,
    %get3A_839 = vector.shape_cast %get3A_838 : vector<16xf32> to vector<16xf32>
    %max3A_840 = arith.maximumf %max3A_836, %get3A_839 : vector<16xf32>
    %get3A_841 = arith.constant 2928 : index
    %get3A_842 = tpu.vector_load %arg7[%get3A_841] {strides = array<i32>} : memref<6400xf32, #tpu.memory_space<vmem>>, vector<16xf32>,
    %get3A_843 = vector.shape_cast %get3A_842 : vector<16xf32> to vector<16xf32>
    %max3A_844 = arith.maximumf %max3A_840, %get3A_843 : vector<16xf32>
    %get3A_845 = arith.constant 2944 : index
    %get3A_846 = tpu.vector_load %arg7[%get3A_845] {strides = array<i32>} : memref<6400xf32, #tpu.memory_space<vmem>>, vector<16xf32>,
    %get3A_847 = vector.shape_cast %get3A_846 : vector<16xf32> to vector<16xf32>
    %max3A_848 = arith.maximumf %max3A_844, %get3A_847 : vector<16xf32>
    %get3A_849 = arith.constant 2960 : index
    %get3A_850 = tpu.vector_load %arg7[%get3A_849] {strides = array<i32>} : memref<6400xf32, #tpu.memory_space<vmem>>, vector<16xf32>,
    %get3A_851 = vector.shape_cast %get3A_850 : vector<16xf32> to vector<16xf32>
    %max3A_852 = arith.maximumf %max3A_848, %get3A_851 : vector<16xf32>
    %get3A_853 = arith.constant 2976 : index
    %get3A_854 = tpu.vector_load %arg7[%get3A_853] {strides = array<i32>} : memref<6400xf32, #tpu.memory_space<vmem>>, vector<16xf32>,
    %get3A_855 = vector.shape_cast %get3A_854 : vector<16xf32> to vector<16xf32>
    %max3A_856 = arith.maximumf %max3A_852, %get3A_855 : vector<16xf32>
    %get3A_857 = arith.constant 2992 : index
    %get3A_858 = tpu.vector_load %arg7[%get3A_857] {strides = array<i32>} : memref<6400xf32, #tpu.memory_space<vmem>>, vector<16xf32>,
    %get3A_859 = vector.shape_cast %get3A_858 : vector<16xf32> to vector<16xf32>
    %max3A_860 = arith.maximumf %max3A_856, %get3A_859 : vector<16xf32>
    %get3A_861 = arith.constant 3008 : index
    %get3A_862 = tpu.vector_load %arg7[%get3A_861] {strides = array<i32>} : memref<6400xf32, #tpu.memory_space<vmem>>, vector<16xf32>,
    %get3A_863 = vector.shape_cast %get3A_862 : vector<16xf32> to vector<16xf32>
    %max3A_864 = arith.maximumf %max3A_860, %get3A_863 : vector<16xf32>
    %get3A_865 = arith.constant 3024 : index
    %get3A_866 = tpu.vector_load %arg7[%get3A_865] {strides = array<i32>} : memref<6400xf32, #tpu.memory_space<vmem>>, vector<16xf32>,
    %get3A_867 = vector.shape_cast %get3A_866 : vector<16xf32> to vector<16xf32>
    %max3A_868 = arith.maximumf %max3A_864, %get3A_867 : vector<16xf32>
    %get3A_869 = arith.constant 3040 : index
    %get3A_870 = tpu.vector_load %arg7[%get3A_869] {strides = array<i32>} : memref<6400xf32, #tpu.memory_space<vmem>>, vector<16xf32>,
    %get3A_871 = vector.shape_cast %get3A_870 : vector<16xf32> to vector<16xf32>
    %max3A_872 = arith.maximumf %max3A_868, %get3A_871 : vector<16xf32>
    %get3A_873 = arith.constant 3056 : index
    %get3A_874 = tpu.vector_load %arg7[%get3A_873] {strides = array<i32>} : memref<6400xf32, #tpu.memory_space<vmem>>, vector<16xf32>,
    %get3A_875 = vector.shape_cast %get3A_874 : vector<16xf32> to vector<16xf32>
    %max3A_876 = arith.maximumf %max3A_872, %get3A_875 : vector<16xf32>
    %swap3A_877 = arith.constant 176 : index
    %swap3A_878 = tpu.vector_load %arg8[%swap3A_877] {strides = array<i32>} : memref<400xf32, #tpu.memory_space<vmem>>, vector<16xf32>,
    %swap3A_879 = vector.shape_cast %swap3A_878 : vector<16xf32> to vector<16xf32>
    %swap3A_880 = vector.shape_cast %max3A_876 : vector<16xf32> to vector<16xf32>
    tpu.vector_store %arg8[%swap3A_877], %swap3A_880 {strides = array<i32>} : memref<400xf32, #tpu.memory_space<vmem>>, vector<16xf32>,
    %broadcast_in_dim3A_881 = arith.constant 0xFF800000 : f32
    %broadcast_in_dim3A_882 = vector.broadcast %broadcast_in_dim3A_881 : f32 to vector<16xf32>
    %get3A_883 = arith.constant 3072 : index
    %get3A_884 = tpu.vector_load %arg7[%get3A_883] {strides = array<i32>} : memref<6400xf32, #tpu.memory_space<vmem>>, vector<16xf32>,
    %get3A_885 = vector.shape_cast %get3A_884 : vector<16xf32> to vector<16xf32>
    %max3A_886 = arith.maximumf %broadcast_in_dim3A_882, %get3A_885 : vector<16xf32>
    %get3A_887 = arith.constant 3088 : index
    %get3A_888 = tpu.vector_load %arg7[%get3A_887] {strides = array<i32>} : memref<6400xf32, #tpu.memory_space<vmem>>, vector<16xf32>,
    %get3A_889 = vector.shape_cast %get3A_888 : vector<16xf32> to vector<16xf32>
    %max3A_890 = arith.maximumf %max3A_886, %get3A_889 : vector<16xf32>
    %get3A_891 = arith.constant 3104 : index
    %get3A_892 = tpu.vector_load %arg7[%get3A_891] {strides = array<i32>} : memref<6400xf32, #tpu.memory_space<vmem>>, vector<16xf32>,
    %get3A_893 = vector.shape_cast %get3A_892 : vector<16xf32> to vector<16xf32>
    %max3A_894 = arith.maximumf %max3A_890, %get3A_893 : vector<16xf32>
    %get3A_895 = arith.constant 3120 : index
    %get3A_896 = tpu.vector_load %arg7[%get3A_895] {strides = array<i32>} : memref<6400xf32, #tpu.memory_space<vmem>>, vector<16xf32>,
    %get3A_897 = vector.shape_cast %get3A_896 : vector<16xf32> to vector<16xf32>
    %max3A_898 = arith.maximumf %max3A_894, %get3A_897 : vector<16xf32>
    %get3A_899 = arith.constant 3136 : index
    %get3A_900 = tpu.vector_load %arg7[%get3A_899] {strides = array<i32>} : memref<6400xf32, #tpu.memory_space<vmem>>, vector<16xf32>,
    %get3A_901 = vector.shape_cast %get3A_900 : vector<16xf32> to vector<16xf32>
    %max3A_902 = arith.maximumf %max3A_898, %get3A_901 : vector<16xf32>
    %get3A_903 = arith.constant 3152 : index
    %get3A_904 = tpu.vector_load %arg7[%get3A_903] {strides = array<i32>} : memref<6400xf32, #tpu.memory_space<vmem>>, vector<16xf32>,
    %get3A_905 = vector.shape_cast %get3A_904 : vector<16xf32> to vector<16xf32>
    %max3A_906 = arith.maximumf %max3A_902, %get3A_905 : vector<16xf32>
    %get3A_907 = arith.constant 3168 : index
    %get3A_908 = tpu.vector_load %arg7[%get3A_907] {strides = array<i32>} : memref<6400xf32, #tpu.memory_space<vmem>>, vector<16xf32>,
    %get3A_909 = vector.shape_cast %get3A_908 : vector<16xf32> to vector<16xf32>
    %max3A_910 = arith.maximumf %max3A_906, %get3A_909 : vector<16xf32>
    %get3A_911 = arith.constant 3184 : index
    %get3A_912 = tpu.vector_load %arg7[%get3A_911] {strides = array<i32>} : memref<6400xf32, #tpu.memory_space<vmem>>, vector<16xf32>,
    %get3A_913 = vector.shape_cast %get3A_912 : vector<16xf32> to vector<16xf32>
    %max3A_914 = arith.maximumf %max3A_910, %get3A_913 : vector<16xf32>
    %get3A_915 = arith.constant 3200 : index
    %get3A_916 = tpu.vector_load %arg7[%get3A_915] {strides = array<i32>} : memref<6400xf32, #tpu.memory_space<vmem>>, vector<16xf32>,
    %get3A_917 = vector.shape_cast %get3A_916 : vector<16xf32> to vector<16xf32>
    %max3A_918 = arith.maximumf %max3A_914, %get3A_917 : vector<16xf32>
    %get3A_919 = arith.constant 3216 : index
    %get3A_920 = tpu.vector_load %arg7[%get3A_919] {strides = array<i32>} : memref<6400xf32, #tpu.memory_space<vmem>>, vector<16xf32>,
    %get3A_921 = vector.shape_cast %get3A_920 : vector<16xf32> to vector<16xf32>
    %max3A_922 = arith.maximumf %max3A_918, %get3A_921 : vector<16xf32>
    %get3A_923 = arith.constant 3232 : index
    %get3A_924 = tpu.vector_load %arg7[%get3A_923] {strides = array<i32>} : memref<6400xf32, #tpu.memory_space<vmem>>, vector<16xf32>,
    %get3A_925 = vector.shape_cast %get3A_924 : vector<16xf32> to vector<16xf32>
    %max3A_926 = arith.maximumf %max3A_922, %get3A_925 : vector<16xf32>
    %get3A_927 = arith.constant 3248 : index
    %get3A_928 = tpu.vector_load %arg7[%get3A_927] {strides = array<i32>} : memref<6400xf32, #tpu.memory_space<vmem>>, vector<16xf32>,
    %get3A_929 = vector.shape_cast %get3A_928 : vector<16xf32> to vector<16xf32>
    %max3A_930 = arith.maximumf %max3A_926, %get3A_929 : vector<16xf32>
    %get3A_931 = arith.constant 3264 : index
    %get3A_932 = tpu.vector_load %arg7[%get3A_931] {strides = array<i32>} : memref<6400xf32, #tpu.memory_space<vmem>>, vector<16xf32>,
    %get3A_933 = vector.shape_cast %get3A_932 : vector<16xf32> to vector<16xf32>
    %max3A_934 = arith.maximumf %max3A_930, %get3A_933 : vector<16xf32>
    %get3A_935 = arith.constant 3280 : index
    %get3A_936 = tpu.vector_load %arg7[%get3A_935] {strides = array<i32>} : memref<6400xf32, #tpu.memory_space<vmem>>, vector<16xf32>,
    %get3A_937 = vector.shape_cast %get3A_936 : vector<16xf32> to vector<16xf32>
    %max3A_938 = arith.maximumf %max3A_934, %get3A_937 : vector<16xf32>
    %get3A_939 = arith.constant 3296 : index
    %get3A_940 = tpu.vector_load %arg7[%get3A_939] {strides = array<i32>} : memref<6400xf32, #tpu.memory_space<vmem>>, vector<16xf32>,
    %get3A_941 = vector.shape_cast %get3A_940 : vector<16xf32> to vector<16xf32>
    %max3A_942 = arith.maximumf %max3A_938, %get3A_941 : vector<16xf32>
    %get3A_943 = arith.constant 3312 : index
    %get3A_944 = tpu.vector_load %arg7[%get3A_943] {strides = array<i32>} : memref<6400xf32, #tpu.memory_space<vmem>>, vector<16xf32>,
    %get3A_945 = vector.shape_cast %get3A_944 : vector<16xf32> to vector<16xf32>
    %max3A_946 = arith.maximumf %max3A_942, %get3A_945 : vector<16xf32>
    %swap3A_947 = arith.constant 192 : index
    %swap3A_948 = tpu.vector_load %arg8[%swap3A_947] {strides = array<i32>} : memref<400xf32, #tpu.memory_space<vmem>>, vector<16xf32>,
    %swap3A_949 = vector.shape_cast %swap3A_948 : vector<16xf32> to vector<16xf32>
    %swap3A_950 = vector.shape_cast %max3A_946 : vector<16xf32> to vector<16xf32>
    tpu.vector_store %arg8[%swap3A_947], %swap3A_950 {strides = array<i32>} : memref<400xf32, #tpu.memory_space<vmem>>, vector<16xf32>,
    %broadcast_in_dim3A_951 = arith.constant 0xFF800000 : f32
    %broadcast_in_dim3A_952 = vector.broadcast %broadcast_in_dim3A_951 : f32 to vector<16xf32>
    %get3A_953 = arith.constant 3328 : index
    %get3A_954 = tpu.vector_load %arg7[%get3A_953] {strides = array<i32>} : memref<6400xf32, #tpu.memory_space<vmem>>, vector<16xf32>,
    %get3A_955 = vector.shape_cast %get3A_954 : vector<16xf32> to vector<16xf32>
    %max3A_956 = arith.maximumf %broadcast_in_dim3A_952, %get3A_955 : vector<16xf32>
    %get3A_957 = arith.constant 3344 : index
    %get3A_958 = tpu.vector_load %arg7[%get3A_957] {strides = array<i32>} : memref<6400xf32, #tpu.memory_space<vmem>>, vector<16xf32>,
    %get3A_959 = vector.shape_cast %get3A_958 : vector<16xf32> to vector<16xf32>
    %max3A_960 = arith.maximumf %max3A_956, %get3A_959 : vector<16xf32>
    %get3A_961 = arith.constant 3360 : index
    %get3A_962 = tpu.vector_load %arg7[%get3A_961] {strides = array<i32>} : memref<6400xf32, #tpu.memory_space<vmem>>, vector<16xf32>,
    %get3A_963 = vector.shape_cast %get3A_962 : vector<16xf32> to vector<16xf32>
    %max3A_964 = arith.maximumf %max3A_960, %get3A_963 : vector<16xf32>
    %get3A_965 = arith.constant 3376 : index
    %get3A_966 = tpu.vector_load %arg7[%get3A_965] {strides = array<i32>} : memref<6400xf32, #tpu.memory_space<vmem>>, vector<16xf32>,
    %get3A_967 = vector.shape_cast %get3A_966 : vector<16xf32> to vector<16xf32>
    %max3A_968 = arith.maximumf %max3A_964, %get3A_967 : vector<16xf32>
    %get3A_969 = arith.constant 3392 : index
    %get3A_970 = tpu.vector_load %arg7[%get3A_969] {strides = array<i32>} : memref<6400xf32, #tpu.memory_space<vmem>>, vector<16xf32>,
    %get3A_971 = vector.shape_cast %get3A_970 : vector<16xf32> to vector<16xf32>
    %max3A_972 = arith.maximumf %max3A_968, %get3A_971 : vector<16xf32>
    %get3A_973 = arith.constant 3408 : index
    %get3A_974 = tpu.vector_load %arg7[%get3A_973] {strides = array<i32>} : memref<6400xf32, #tpu.memory_space<vmem>>, vector<16xf32>,
    %get3A_975 = vector.shape_cast %get3A_974 : vector<16xf32> to vector<16xf32>
    %max3A_976 = arith.maximumf %max3A_972, %get3A_975 : vector<16xf32>
    %get3A_977 = arith.constant 3424 : index
    %get3A_978 = tpu.vector_load %arg7[%get3A_977] {strides = array<i32>} : memref<6400xf32, #tpu.memory_space<vmem>>, vector<16xf32>,
    %get3A_979 = vector.shape_cast %get3A_978 : vector<16xf32> to vector<16xf32>
    %max3A_980 = arith.maximumf %max3A_976, %get3A_979 : vector<16xf32>
    %get3A_981 = arith.constant 3440 : index
    %get3A_982 = tpu.vector_load %arg7[%get3A_981] {strides = array<i32>} : memref<6400xf32, #tpu.memory_space<vmem>>, vector<16xf32>,
    %get3A_983 = vector.shape_cast %get3A_982 : vector<16xf32> to vector<16xf32>
    %max3A_984 = arith.maximumf %max3A_980, %get3A_983 : vector<16xf32>
    %get3A_985 = arith.constant 3456 : index
    %get3A_986 = tpu.vector_load %arg7[%get3A_985] {strides = array<i32>} : memref<6400xf32, #tpu.memory_space<vmem>>, vector<16xf32>,
    %get3A_987 = vector.shape_cast %get3A_986 : vector<16xf32> to vector<16xf32>
    %max3A_988 = arith.maximumf %max3A_984, %get3A_987 : vector<16xf32>
    %get3A_989 = arith.constant 3472 : index
    %get3A_990 = tpu.vector_load %arg7[%get3A_989] {strides = array<i32>} : memref<6400xf32, #tpu.memory_space<vmem>>, vector<16xf32>,
    %get3A_991 = vector.shape_cast %get3A_990 : vector<16xf32> to vector<16xf32>
    %max3A_992 = arith.maximumf %max3A_988, %get3A_991 : vector<16xf32>
    %get3A_993 = arith.constant 3488 : index
    %get3A_994 = tpu.vector_load %arg7[%get3A_993] {strides = array<i32>} : memref<6400xf32, #tpu.memory_space<vmem>>, vector<16xf32>,
    %get3A_995 = vector.shape_cast %get3A_994 : vector<16xf32> to vector<16xf32>
    %max3A_996 = arith.maximumf %max3A_992, %get3A_995 : vector<16xf32>
    %get3A_997 = arith.constant 3504 : index
    %get3A_998 = tpu.vector_load %arg7[%get3A_997] {strides = array<i32>} : memref<6400xf32, #tpu.memory_space<vmem>>, vector<16xf32>,
    %get3A_999 = vector.shape_cast %get3A_998 : vector<16xf32> to vector<16xf32>
    %max3A_1000 = arith.maximumf %max3A_996, %get3A_999 : vector<16xf32>
    %get3A_1001 = arith.constant 3520 : index
    %get3A_1002 = tpu.vector_load %arg7[%get3A_1001] {strides = array<i32>} : memref<6400xf32, #tpu.memory_space<vmem>>, vector<16xf32>,
    %get3A_1003 = vector.shape_cast %get3A_1002 : vector<16xf32> to vector<16xf32>
    %max3A_1004 = arith.maximumf %max3A_1000, %get3A_1003 : vector<16xf32>
    %get3A_1005 = arith.constant 3536 : index
    %get3A_1006 = tpu.vector_load %arg7[%get3A_1005] {strides = array<i32>} : memref<6400xf32, #tpu.memory_space<vmem>>, vector<16xf32>,
    %get3A_1007 = vector.shape_cast %get3A_1006 : vector<16xf32> to vector<16xf32>
    %max3A_1008 = arith.maximumf %max3A_1004, %get3A_1007 : vector<16xf32>
    %get3A_1009 = arith.constant 3552 : index
    %get3A_1010 = tpu.vector_load %arg7[%get3A_1009] {strides = array<i32>} : memref<6400xf32, #tpu.memory_space<vmem>>, vector<16xf32>,
    %get3A_1011 = vector.shape_cast %get3A_1010 : vector<16xf32> to vector<16xf32>
    %max3A_1012 = arith.maximumf %max3A_1008, %get3A_1011 : vector<16xf32>
    %get3A_1013 = arith.constant 3568 : index
    %get3A_1014 = tpu.vector_load %arg7[%get3A_1013] {strides = array<i32>} : memref<6400xf32, #tpu.memory_space<vmem>>, vector<16xf32>,
    %get3A_1015 = vector.shape_cast %get3A_1014 : vector<16xf32> to vector<16xf32>
    %max3A_1016 = arith.maximumf %max3A_1012, %get3A_1015 : vector<16xf32>
    %swap3A_1017 = arith.constant 208 : index
    %swap3A_1018 = tpu.vector_load %arg8[%swap3A_1017] {strides = array<i32>} : memref<400xf32, #tpu.memory_space<vmem>>, vector<16xf32>,
    %swap3A_1019 = vector.shape_cast %swap3A_1018 : vector<16xf32> to vector<16xf32>
    %swap3A_1020 = vector.shape_cast %max3A_1016 : vector<16xf32> to vector<16xf32>
    tpu.vector_store %arg8[%swap3A_1017], %swap3A_1020 {strides = array<i32>} : memref<400xf32, #tpu.memory_space<vmem>>, vector<16xf32>,
    %broadcast_in_dim3A_1021 = arith.constant 0xFF800000 : f32
    %broadcast_in_dim3A_1022 = vector.broadcast %broadcast_in_dim3A_1021 : f32 to vector<16xf32>
    %get3A_1023 = arith.constant 3584 : index
    %get3A_1024 = tpu.vector_load %arg7[%get3A_1023] {strides = array<i32>} : memref<6400xf32, #tpu.memory_space<vmem>>, vector<16xf32>,
    %get3A_1025 = vector.shape_cast %get3A_1024 : vector<16xf32> to vector<16xf32>
    %max3A_1026 = arith.maximumf %broadcast_in_dim3A_1022, %get3A_1025 : vector<16xf32>
    %get3A_1027 = arith.constant 3600 : index
    %get3A_1028 = tpu.vector_load %arg7[%get3A_1027] {strides = array<i32>} : memref<6400xf32, #tpu.memory_space<vmem>>, vector<16xf32>,
    %get3A_1029 = vector.shape_cast %get3A_1028 : vector<16xf32> to vector<16xf32>
    %max3A_1030 = arith.maximumf %max3A_1026, %get3A_1029 : vector<16xf32>
    %get3A_1031 = arith.constant 3616 : index
    %get3A_1032 = tpu.vector_load %arg7[%get3A_1031] {strides = array<i32>} : memref<6400xf32, #tpu.memory_space<vmem>>, vector<16xf32>,
    %get3A_1033 = vector.shape_cast %get3A_1032 : vector<16xf32> to vector<16xf32>
    %max3A_1034 = arith.maximumf %max3A_1030, %get3A_1033 : vector<16xf32>
    %get3A_1035 = arith.constant 3632 : index
    %get3A_1036 = tpu.vector_load %arg7[%get3A_1035] {strides = array<i32>} : memref<6400xf32, #tpu.memory_space<vmem>>, vector<16xf32>,
    %get3A_1037 = vector.shape_cast %get3A_1036 : vector<16xf32> to vector<16xf32>
    %max3A_1038 = arith.maximumf %max3A_1034, %get3A_1037 : vector<16xf32>
    %get3A_1039 = arith.constant 3648 : index
    %get3A_1040 = tpu.vector_load %arg7[%get3A_1039] {strides = array<i32>} : memref<6400xf32, #tpu.memory_space<vmem>>, vector<16xf32>,
    %get3A_1041 = vector.shape_cast %get3A_1040 : vector<16xf32> to vector<16xf32>
    %max3A_1042 = arith.maximumf %max3A_1038, %get3A_1041 : vector<16xf32>
    %get3A_1043 = arith.constant 3664 : index
    %get3A_1044 = tpu.vector_load %arg7[%get3A_1043] {strides = array<i32>} : memref<6400xf32, #tpu.memory_space<vmem>>, vector<16xf32>,
    %get3A_1045 = vector.shape_cast %get3A_1044 : vector<16xf32> to vector<16xf32>
    %max3A_1046 = arith.maximumf %max3A_1042, %get3A_1045 : vector<16xf32>
    %get3A_1047 = arith.constant 3680 : index
    %get3A_1048 = tpu.vector_load %arg7[%get3A_1047] {strides = array<i32>} : memref<6400xf32, #tpu.memory_space<vmem>>, vector<16xf32>,
    %get3A_1049 = vector.shape_cast %get3A_1048 : vector<16xf32> to vector<16xf32>
    %max3A_1050 = arith.maximumf %max3A_1046, %get3A_1049 : vector<16xf32>
    %get3A_1051 = arith.constant 3696 : index
    %get3A_1052 = tpu.vector_load %arg7[%get3A_1051] {strides = array<i32>} : memref<6400xf32, #tpu.memory_space<vmem>>, vector<16xf32>,
    %get3A_1053 = vector.shape_cast %get3A_1052 : vector<16xf32> to vector<16xf32>
    %max3A_1054 = arith.maximumf %max3A_1050, %get3A_1053 : vector<16xf32>
    %get3A_1055 = arith.constant 3712 : index
    %get3A_1056 = tpu.vector_load %arg7[%get3A_1055] {strides = array<i32>} : memref<6400xf32, #tpu.memory_space<vmem>>, vector<16xf32>,
    %get3A_1057 = vector.shape_cast %get3A_1056 : vector<16xf32> to vector<16xf32>
    %max3A_1058 = arith.maximumf %max3A_1054, %get3A_1057 : vector<16xf32>
    %get3A_1059 = arith.constant 3728 : index
    %get3A_1060 = tpu.vector_load %arg7[%get3A_1059] {strides = array<i32>} : memref<6400xf32, #tpu.memory_space<vmem>>, vector<16xf32>,
    %get3A_1061 = vector.shape_cast %get3A_1060 : vector<16xf32> to vector<16xf32>
    %max3A_1062 = arith.maximumf %max3A_1058, %get3A_1061 : vector<16xf32>
    %get3A_1063 = arith.constant 3744 : index
    %get3A_1064 = tpu.vector_load %arg7[%get3A_1063] {strides = array<i32>} : memref<6400xf32, #tpu.memory_space<vmem>>, vector<16xf32>,
    %get3A_1065 = vector.shape_cast %get3A_1064 : vector<16xf32> to vector<16xf32>
    %max3A_1066 = arith.maximumf %max3A_1062, %get3A_1065 : vector<16xf32>
    %get3A_1067 = arith.constant 3760 : index
    %get3A_1068 = tpu.vector_load %arg7[%get3A_1067] {strides = array<i32>} : memref<6400xf32, #tpu.memory_space<vmem>>, vector<16xf32>,
    %get3A_1069 = vector.shape_cast %get3A_1068 : vector<16xf32> to vector<16xf32>
    %max3A_1070 = arith.maximumf %max3A_1066, %get3A_1069 : vector<16xf32>
    %get3A_1071 = arith.constant 3776 : index
    %get3A_1072 = tpu.vector_load %arg7[%get3A_1071] {strides = array<i32>} : memref<6400xf32, #tpu.memory_space<vmem>>, vector<16xf32>,
    %get3A_1073 = vector.shape_cast %get3A_1072 : vector<16xf32> to vector<16xf32>
    %max3A_1074 = arith.maximumf %max3A_1070, %get3A_1073 : vector<16xf32>
    %get3A_1075 = arith.constant 3792 : index
    %get3A_1076 = tpu.vector_load %arg7[%get3A_1075] {strides = array<i32>} : memref<6400xf32, #tpu.memory_space<vmem>>, vector<16xf32>,
    %get3A_1077 = vector.shape_cast %get3A_1076 : vector<16xf32> to vector<16xf32>
    %max3A_1078 = arith.maximumf %max3A_1074, %get3A_1077 : vector<16xf32>
    %get3A_1079 = arith.constant 3808 : index
    %get3A_1080 = tpu.vector_load %arg7[%get3A_1079] {strides = array<i32>} : memref<6400xf32, #tpu.memory_space<vmem>>, vector<16xf32>,
    %get3A_1081 = vector.shape_cast %get3A_1080 : vector<16xf32> to vector<16xf32>
    %max3A_1082 = arith.maximumf %max3A_1078, %get3A_1081 : vector<16xf32>
    %get3A_1083 = arith.constant 3824 : index
    %get3A_1084 = tpu.vector_load %arg7[%get3A_1083] {strides = array<i32>} : memref<6400xf32, #tpu.memory_space<vmem>>, vector<16xf32>,
    %get3A_1085 = vector.shape_cast %get3A_1084 : vector<16xf32> to vector<16xf32>
    %max3A_1086 = arith.maximumf %max3A_1082, %get3A_1085 : vector<16xf32>
    %swap3A_1087 = arith.constant 224 : index
    %swap3A_1088 = tpu.vector_load %arg8[%swap3A_1087] {strides = array<i32>} : memref<400xf32, #tpu.memory_space<vmem>>, vector<16xf32>,
    %swap3A_1089 = vector.shape_cast %swap3A_1088 : vector<16xf32> to vector<16xf32>
    %swap3A_1090 = vector.shape_cast %max3A_1086 : vector<16xf32> to vector<16xf32>
    tpu.vector_store %arg8[%swap3A_1087], %swap3A_1090 {strides = array<i32>} : memref<400xf32, #tpu.memory_space<vmem>>, vector<16xf32>,
    %broadcast_in_dim3A_1091 = arith.constant 0xFF800000 : f32
    %broadcast_in_dim3A_1092 = vector.broadcast %broadcast_in_dim3A_1091 : f32 to vector<16xf32>
    %get3A_1093 = arith.constant 3840 : index
    %get3A_1094 = tpu.vector_load %arg7[%get3A_1093] {strides = array<i32>} : memref<6400xf32, #tpu.memory_space<vmem>>, vector<16xf32>,
    %get3A_1095 = vector.shape_cast %get3A_1094 : vector<16xf32> to vector<16xf32>
    %max3A_1096 = arith.maximumf %broadcast_in_dim3A_1092, %get3A_1095 : vector<16xf32>
    %get3A_1097 = arith.constant 3856 : index
    %get3A_1098 = tpu.vector_load %arg7[%get3A_1097] {strides = array<i32>} : memref<6400xf32, #tpu.memory_space<vmem>>, vector<16xf32>,
    %get3A_1099 = vector.shape_cast %get3A_1098 : vector<16xf32> to vector<16xf32>
    %max3A_1100 = arith.maximumf %max3A_1096, %get3A_1099 : vector<16xf32>
    %get3A_1101 = arith.constant 3872 : index
    %get3A_1102 = tpu.vector_load %arg7[%get3A_1101] {strides = array<i32>} : memref<6400xf32, #tpu.memory_space<vmem>>, vector<16xf32>,
    %get3A_1103 = vector.shape_cast %get3A_1102 : vector<16xf32> to vector<16xf32>
    %max3A_1104 = arith.maximumf %max3A_1100, %get3A_1103 : vector<16xf32>
    %get3A_1105 = arith.constant 3888 : index
    %get3A_1106 = tpu.vector_load %arg7[%get3A_1105] {strides = array<i32>} : memref<6400xf32, #tpu.memory_space<vmem>>, vector<16xf32>,
    %get3A_1107 = vector.shape_cast %get3A_1106 : vector<16xf32> to vector<16xf32>
    %max3A_1108 = arith.maximumf %max3A_1104, %get3A_1107 : vector<16xf32>
    %get3A_1109 = arith.constant 3904 : index
    %get3A_1110 = tpu.vector_load %arg7[%get3A_1109] {strides = array<i32>} : memref<6400xf32, #tpu.memory_space<vmem>>, vector<16xf32>,
    %get3A_1111 = vector.shape_cast %get3A_1110 : vector<16xf32> to vector<16xf32>
    %max3A_1112 = arith.maximumf %max3A_1108, %get3A_1111 : vector<16xf32>
    %get3A_1113 = arith.constant 3920 : index
    %get3A_1114 = tpu.vector_load %arg7[%get3A_1113] {strides = array<i32>} : memref<6400xf32, #tpu.memory_space<vmem>>, vector<16xf32>,
    %get3A_1115 = vector.shape_cast %get3A_1114 : vector<16xf32> to vector<16xf32>
    %max3A_1116 = arith.maximumf %max3A_1112, %get3A_1115 : vector<16xf32>
    %get3A_1117 = arith.constant 3936 : index
    %get3A_1118 = tpu.vector_load %arg7[%get3A_1117] {strides = array<i32>} : memref<6400xf32, #tpu.memory_space<vmem>>, vector<16xf32>,
    %get3A_1119 = vector.shape_cast %get3A_1118 : vector<16xf32> to vector<16xf32>
    %max3A_1120 = arith.maximumf %max3A_1116, %get3A_1119 : vector<16xf32>
    %get3A_1121 = arith.constant 3952 : index
    %get3A_1122 = tpu.vector_load %arg7[%get3A_1121] {strides = array<i32>} : memref<6400xf32, #tpu.memory_space<vmem>>, vector<16xf32>,
    %get3A_1123 = vector.shape_cast %get3A_1122 : vector<16xf32> to vector<16xf32>
    %max3A_1124 = arith.maximumf %max3A_1120, %get3A_1123 : vector<16xf32>
    %get3A_1125 = arith.constant 3968 : index
    %get3A_1126 = tpu.vector_load %arg7[%get3A_1125] {strides = array<i32>} : memref<6400xf32, #tpu.memory_space<vmem>>, vector<16xf32>,
    %get3A_1127 = vector.shape_cast %get3A_1126 : vector<16xf32> to vector<16xf32>
    %max3A_1128 = arith.maximumf %max3A_1124, %get3A_1127 : vector<16xf32>
    %get3A_1129 = arith.constant 3984 : index
    %get3A_1130 = tpu.vector_load %arg7[%get3A_1129] {strides = array<i32>} : memref<6400xf32, #tpu.memory_space<vmem>>, vector<16xf32>,
    %get3A_1131 = vector.shape_cast %get3A_1130 : vector<16xf32> to vector<16xf32>
    %max3A_1132 = arith.maximumf %max3A_1128, %get3A_1131 : vector<16xf32>
    %get3A_1133 = arith.constant 4000 : index
    %get3A_1134 = tpu.vector_load %arg7[%get3A_1133] {strides = array<i32>} : memref<6400xf32, #tpu.memory_space<vmem>>, vector<16xf32>,
    %get3A_1135 = vector.shape_cast %get3A_1134 : vector<16xf32> to vector<16xf32>
    %max3A_1136 = arith.maximumf %max3A_1132, %get3A_1135 : vector<16xf32>
    %get3A_1137 = arith.constant 4016 : index
    %get3A_1138 = tpu.vector_load %arg7[%get3A_1137] {strides = array<i32>} : memref<6400xf32, #tpu.memory_space<vmem>>, vector<16xf32>,
    %get3A_1139 = vector.shape_cast %get3A_1138 : vector<16xf32> to vector<16xf32>
    %max3A_1140 = arith.maximumf %max3A_1136, %get3A_1139 : vector<16xf32>
    %get3A_1141 = arith.constant 4032 : index
    %get3A_1142 = tpu.vector_load %arg7[%get3A_1141] {strides = array<i32>} : memref<6400xf32, #tpu.memory_space<vmem>>, vector<16xf32>,
    %get3A_1143 = vector.shape_cast %get3A_1142 : vector<16xf32> to vector<16xf32>
    %max3A_1144 = arith.maximumf %max3A_1140, %get3A_1143 : vector<16xf32>
    %get3A_1145 = arith.constant 4048 : index
    %get3A_1146 = tpu.vector_load %arg7[%get3A_1145] {strides = array<i32>} : memref<6400xf32, #tpu.memory_space<vmem>>, vector<16xf32>,
    %get3A_1147 = vector.shape_cast %get3A_1146 : vector<16xf32> to vector<16xf32>
    %max3A_1148 = arith.maximumf %max3A_1144, %get3A_1147 : vector<16xf32>
    %get3A_1149 = arith.constant 4064 : index
    %get3A_1150 = tpu.vector_load %arg7[%get3A_1149] {strides = array<i32>} : memref<6400xf32, #tpu.memory_space<vmem>>, vector<16xf32>,
    %get3A_1151 = vector.shape_cast %get3A_1150 : vector<16xf32> to vector<16xf32>
    %max3A_1152 = arith.maximumf %max3A_1148, %get3A_1151 : vector<16xf32>
    %get3A_1153 = arith.constant 4080 : index
    %get3A_1154 = tpu.vector_load %arg7[%get3A_1153] {strides = array<i32>} : memref<6400xf32, #tpu.memory_space<vmem>>, vector<16xf32>,
    %get3A_1155 = vector.shape_cast %get3A_1154 : vector<16xf32> to vector<16xf32>
    %max3A_1156 = arith.maximumf %max3A_1152, %get3A_1155 : vector<16xf32>
    %swap3A_1157 = arith.constant 240 : index
    %swap3A_1158 = tpu.vector_load %arg8[%swap3A_1157] {strides = array<i32>} : memref<400xf32, #tpu.memory_space<vmem>>, vector<16xf32>,
    %swap3A_1159 = vector.shape_cast %swap3A_1158 : vector<16xf32> to vector<16xf32>
    %swap3A_1160 = vector.shape_cast %max3A_1156 : vector<16xf32> to vector<16xf32>
    tpu.vector_store %arg8[%swap3A_1157], %swap3A_1160 {strides = array<i32>} : memref<400xf32, #tpu.memory_space<vmem>>, vector<16xf32>,
    %broadcast_in_dim3A_1161 = arith.constant 0xFF800000 : f32
    %broadcast_in_dim3A_1162 = vector.broadcast %broadcast_in_dim3A_1161 : f32 to vector<16xf32>
    %get3A_1163 = arith.constant 4096 : index
    %get3A_1164 = tpu.vector_load %arg7[%get3A_1163] {strides = array<i32>} : memref<6400xf32, #tpu.memory_space<vmem>>, vector<16xf32>,
    %get3A_1165 = vector.shape_cast %get3A_1164 : vector<16xf32> to vector<16xf32>
    %max3A_1166 = arith.maximumf %broadcast_in_dim3A_1162, %get3A_1165 : vector<16xf32>
    %get3A_1167 = arith.constant 4112 : index
    %get3A_1168 = tpu.vector_load %arg7[%get3A_1167] {strides = array<i32>} : memref<6400xf32, #tpu.memory_space<vmem>>, vector<16xf32>,
    %get3A_1169 = vector.shape_cast %get3A_1168 : vector<16xf32> to vector<16xf32>
    %max3A_1170 = arith.maximumf %max3A_1166, %get3A_1169 : vector<16xf32>
    %get3A_1171 = arith.constant 4128 : index
    %get3A_1172 = tpu.vector_load %arg7[%get3A_1171] {strides = array<i32>} : memref<6400xf32, #tpu.memory_space<vmem>>, vector<16xf32>,
    %get3A_1173 = vector.shape_cast %get3A_1172 : vector<16xf32> to vector<16xf32>
    %max3A_1174 = arith.maximumf %max3A_1170, %get3A_1173 : vector<16xf32>
    %get3A_1175 = arith.constant 4144 : index
    %get3A_1176 = tpu.vector_load %arg7[%get3A_1175] {strides = array<i32>} : memref<6400xf32, #tpu.memory_space<vmem>>, vector<16xf32>,
    %get3A_1177 = vector.shape_cast %get3A_1176 : vector<16xf32> to vector<16xf32>
    %max3A_1178 = arith.maximumf %max3A_1174, %get3A_1177 : vector<16xf32>
    %get3A_1179 = arith.constant 4160 : index
    %get3A_1180 = tpu.vector_load %arg7[%get3A_1179] {strides = array<i32>} : memref<6400xf32, #tpu.memory_space<vmem>>, vector<16xf32>,
    %get3A_1181 = vector.shape_cast %get3A_1180 : vector<16xf32> to vector<16xf32>
    %max3A_1182 = arith.maximumf %max3A_1178, %get3A_1181 : vector<16xf32>
    %get3A_1183 = arith.constant 4176 : index
    %get3A_1184 = tpu.vector_load %arg7[%get3A_1183] {strides = array<i32>} : memref<6400xf32, #tpu.memory_space<vmem>>, vector<16xf32>,
    %get3A_1185 = vector.shape_cast %get3A_1184 : vector<16xf32> to vector<16xf32>
    %max3A_1186 = arith.maximumf %max3A_1182, %get3A_1185 : vector<16xf32>
    %get3A_1187 = arith.constant 4192 : index
    %get3A_1188 = tpu.vector_load %arg7[%get3A_1187] {strides = array<i32>} : memref<6400xf32, #tpu.memory_space<vmem>>, vector<16xf32>,
    %get3A_1189 = vector.shape_cast %get3A_1188 : vector<16xf32> to vector<16xf32>
    %max3A_1190 = arith.maximumf %max3A_1186, %get3A_1189 : vector<16xf32>
    %get3A_1191 = arith.constant 4208 : index
    %get3A_1192 = tpu.vector_load %arg7[%get3A_1191] {strides = array<i32>} : memref<6400xf32, #tpu.memory_space<vmem>>, vector<16xf32>,
    %get3A_1193 = vector.shape_cast %get3A_1192 : vector<16xf32> to vector<16xf32>
    %max3A_1194 = arith.maximumf %max3A_1190, %get3A_1193 : vector<16xf32>
    %get3A_1195 = arith.constant 4224 : index
    %get3A_1196 = tpu.vector_load %arg7[%get3A_1195] {strides = array<i32>} : memref<6400xf32, #tpu.memory_space<vmem>>, vector<16xf32>,
    %get3A_1197 = vector.shape_cast %get3A_1196 : vector<16xf32> to vector<16xf32>
    %max3A_1198 = arith.maximumf %max3A_1194, %get3A_1197 : vector<16xf32>
    %get3A_1199 = arith.constant 4240 : index
    %get3A_1200 = tpu.vector_load %arg7[%get3A_1199] {strides = array<i32>} : memref<6400xf32, #tpu.memory_space<vmem>>, vector<16xf32>,
    %get3A_1201 = vector.shape_cast %get3A_1200 : vector<16xf32> to vector<16xf32>
    %max3A_1202 = arith.maximumf %max3A_1198, %get3A_1201 : vector<16xf32>
    %get3A_1203 = arith.constant 4256 : index
    %get3A_1204 = tpu.vector_load %arg7[%get3A_1203] {strides = array<i32>} : memref<6400xf32, #tpu.memory_space<vmem>>, vector<16xf32>,
    %get3A_1205 = vector.shape_cast %get3A_1204 : vector<16xf32> to vector<16xf32>
    %max3A_1206 = arith.maximumf %max3A_1202, %get3A_1205 : vector<16xf32>
    %get3A_1207 = arith.constant 4272 : index
    %get3A_1208 = tpu.vector_load %arg7[%get3A_1207] {strides = array<i32>} : memref<6400xf32, #tpu.memory_space<vmem>>, vector<16xf32>,
    %get3A_1209 = vector.shape_cast %get3A_1208 : vector<16xf32> to vector<16xf32>
    %max3A_1210 = arith.maximumf %max3A_1206, %get3A_1209 : vector<16xf32>
    %get3A_1211 = arith.constant 4288 : index
    %get3A_1212 = tpu.vector_load %arg7[%get3A_1211] {strides = array<i32>} : memref<6400xf32, #tpu.memory_space<vmem>>, vector<16xf32>,
    %get3A_1213 = vector.shape_cast %get3A_1212 : vector<16xf32> to vector<16xf32>
    %max3A_1214 = arith.maximumf %max3A_1210, %get3A_1213 : vector<16xf32>
    %get3A_1215 = arith.constant 4304 : index
    %get3A_1216 = tpu.vector_load %arg7[%get3A_1215] {strides = array<i32>} : memref<6400xf32, #tpu.memory_space<vmem>>, vector<16xf32>,
    %get3A_1217 = vector.shape_cast %get3A_1216 : vector<16xf32> to vector<16xf32>
    %max3A_1218 = arith.maximumf %max3A_1214, %get3A_1217 : vector<16xf32>
    %get3A_1219 = arith.constant 4320 : index
    %get3A_1220 = tpu.vector_load %arg7[%get3A_1219] {strides = array<i32>} : memref<6400xf32, #tpu.memory_space<vmem>>, vector<16xf32>,
    %get3A_1221 = vector.shape_cast %get3A_1220 : vector<16xf32> to vector<16xf32>
    %max3A_1222 = arith.maximumf %max3A_1218, %get3A_1221 : vector<16xf32>
    %get3A_1223 = arith.constant 4336 : index
    %get3A_1224 = tpu.vector_load %arg7[%get3A_1223] {strides = array<i32>} : memref<6400xf32, #tpu.memory_space<vmem>>, vector<16xf32>,
    %get3A_1225 = vector.shape_cast %get3A_1224 : vector<16xf32> to vector<16xf32>
    %max3A_1226 = arith.maximumf %max3A_1222, %get3A_1225 : vector<16xf32>
    %swap3A_1227 = arith.constant 256 : index
    %swap3A_1228 = tpu.vector_load %arg8[%swap3A_1227] {strides = array<i32>} : memref<400xf32, #tpu.memory_space<vmem>>, vector<16xf32>,
    %swap3A_1229 = vector.shape_cast %swap3A_1228 : vector<16xf32> to vector<16xf32>
    %swap3A_1230 = vector.shape_cast %max3A_1226 : vector<16xf32> to vector<16xf32>
    tpu.vector_store %arg8[%swap3A_1227], %swap3A_1230 {strides = array<i32>} : memref<400xf32, #tpu.memory_space<vmem>>, vector<16xf32>,
    %broadcast_in_dim3A_1231 = arith.constant 0xFF800000 : f32
    %broadcast_in_dim3A_1232 = vector.broadcast %broadcast_in_dim3A_1231 : f32 to vector<16xf32>
    %get3A_1233 = arith.constant 4352 : index
    %get3A_1234 = tpu.vector_load %arg7[%get3A_1233] {strides = array<i32>} : memref<6400xf32, #tpu.memory_space<vmem>>, vector<16xf32>,
    %get3A_1235 = vector.shape_cast %get3A_1234 : vector<16xf32> to vector<16xf32>
    %max3A_1236 = arith.maximumf %broadcast_in_dim3A_1232, %get3A_1235 : vector<16xf32>
    %get3A_1237 = arith.constant 4368 : index
    %get3A_1238 = tpu.vector_load %arg7[%get3A_1237] {strides = array<i32>} : memref<6400xf32, #tpu.memory_space<vmem>>, vector<16xf32>,
    %get3A_1239 = vector.shape_cast %get3A_1238 : vector<16xf32> to vector<16xf32>
    %max3A_1240 = arith.maximumf %max3A_1236, %get3A_1239 : vector<16xf32>
    %get3A_1241 = arith.constant 4384 : index
    %get3A_1242 = tpu.vector_load %arg7[%get3A_1241] {strides = array<i32>} : memref<6400xf32, #tpu.memory_space<vmem>>, vector<16xf32>,
    %get3A_1243 = vector.shape_cast %get3A_1242 : vector<16xf32> to vector<16xf32>
    %max3A_1244 = arith.maximumf %max3A_1240, %get3A_1243 : vector<16xf32>
    %get3A_1245 = arith.constant 4400 : index
    %get3A_1246 = tpu.vector_load %arg7[%get3A_1245] {strides = array<i32>} : memref<6400xf32, #tpu.memory_space<vmem>>, vector<16xf32>,
    %get3A_1247 = vector.shape_cast %get3A_1246 : vector<16xf32> to vector<16xf32>
    %max3A_1248 = arith.maximumf %max3A_1244, %get3A_1247 : vector<16xf32>
    %get3A_1249 = arith.constant 4416 : index
    %get3A_1250 = tpu.vector_load %arg7[%get3A_1249] {strides = array<i32>} : memref<6400xf32, #tpu.memory_space<vmem>>, vector<16xf32>,
    %get3A_1251 = vector.shape_cast %get3A_1250 : vector<16xf32> to vector<16xf32>
    %max3A_1252 = arith.maximumf %max3A_1248, %get3A_1251 : vector<16xf32>
    %get3A_1253 = arith.constant 4432 : index
    %get3A_1254 = tpu.vector_load %arg7[%get3A_1253] {strides = array<i32>} : memref<6400xf32, #tpu.memory_space<vmem>>, vector<16xf32>,
    %get3A_1255 = vector.shape_cast %get3A_1254 : vector<16xf32> to vector<16xf32>
    %max3A_1256 = arith.maximumf %max3A_1252, %get3A_1255 : vector<16xf32>
    %get3A_1257 = arith.constant 4448 : index
    %get3A_1258 = tpu.vector_load %arg7[%get3A_1257] {strides = array<i32>} : memref<6400xf32, #tpu.memory_space<vmem>>, vector<16xf32>,
    %get3A_1259 = vector.shape_cast %get3A_1258 : vector<16xf32> to vector<16xf32>
    %max3A_1260 = arith.maximumf %max3A_1256, %get3A_1259 : vector<16xf32>
    %get3A_1261 = arith.constant 4464 : index
    %get3A_1262 = tpu.vector_load %arg7[%get3A_1261] {strides = array<i32>} : memref<6400xf32, #tpu.memory_space<vmem>>, vector<16xf32>,
    %get3A_1263 = vector.shape_cast %get3A_1262 : vector<16xf32> to vector<16xf32>
    %max3A_1264 = arith.maximumf %max3A_1260, %get3A_1263 : vector<16xf32>
    %get3A_1265 = arith.constant 4480 : index
    %get3A_1266 = tpu.vector_load %arg7[%get3A_1265] {strides = array<i32>} : memref<6400xf32, #tpu.memory_space<vmem>>, vector<16xf32>,
    %get3A_1267 = vector.shape_cast %get3A_1266 : vector<16xf32> to vector<16xf32>
    %max3A_1268 = arith.maximumf %max3A_1264, %get3A_1267 : vector<16xf32>
    %get3A_1269 = arith.constant 4496 : index
    %get3A_1270 = tpu.vector_load %arg7[%get3A_1269] {strides = array<i32>} : memref<6400xf32, #tpu.memory_space<vmem>>, vector<16xf32>,
    %get3A_1271 = vector.shape_cast %get3A_1270 : vector<16xf32> to vector<16xf32>
    %max3A_1272 = arith.maximumf %max3A_1268, %get3A_1271 : vector<16xf32>
    %get3A_1273 = arith.constant 4512 : index
    %get3A_1274 = tpu.vector_load %arg7[%get3A_1273] {strides = array<i32>} : memref<6400xf32, #tpu.memory_space<vmem>>, vector<16xf32>,
    %get3A_1275 = vector.shape_cast %get3A_1274 : vector<16xf32> to vector<16xf32>
    %max3A_1276 = arith.maximumf %max3A_1272, %get3A_1275 : vector<16xf32>
    %get3A_1277 = arith.constant 4528 : index
    %get3A_1278 = tpu.vector_load %arg7[%get3A_1277] {strides = array<i32>} : memref<6400xf32, #tpu.memory_space<vmem>>, vector<16xf32>,
    %get3A_1279 = vector.shape_cast %get3A_1278 : vector<16xf32> to vector<16xf32>
    %max3A_1280 = arith.maximumf %max3A_1276, %get3A_1279 : vector<16xf32>
    %get3A_1281 = arith.constant 4544 : index
    %get3A_1282 = tpu.vector_load %arg7[%get3A_1281] {strides = array<i32>} : memref<6400xf32, #tpu.memory_space<vmem>>, vector<16xf32>,
    %get3A_1283 = vector.shape_cast %get3A_1282 : vector<16xf32> to vector<16xf32>
    %max3A_1284 = arith.maximumf %max3A_1280, %get3A_1283 : vector<16xf32>
    %get3A_1285 = arith.constant 4560 : index
    %get3A_1286 = tpu.vector_load %arg7[%get3A_1285] {strides = array<i32>} : memref<6400xf32, #tpu.memory_space<vmem>>, vector<16xf32>,
    %get3A_1287 = vector.shape_cast %get3A_1286 : vector<16xf32> to vector<16xf32>
    %max3A_1288 = arith.maximumf %max3A_1284, %get3A_1287 : vector<16xf32>
    %get3A_1289 = arith.constant 4576 : index
    %get3A_1290 = tpu.vector_load %arg7[%get3A_1289] {strides = array<i32>} : memref<6400xf32, #tpu.memory_space<vmem>>, vector<16xf32>,
    %get3A_1291 = vector.shape_cast %get3A_1290 : vector<16xf32> to vector<16xf32>
    %max3A_1292 = arith.maximumf %max3A_1288, %get3A_1291 : vector<16xf32>
    %get3A_1293 = arith.constant 4592 : index
    %get3A_1294 = tpu.vector_load %arg7[%get3A_1293] {strides = array<i32>} : memref<6400xf32, #tpu.memory_space<vmem>>, vector<16xf32>,
    %get3A_1295 = vector.shape_cast %get3A_1294 : vector<16xf32> to vector<16xf32>
    %max3A_1296 = arith.maximumf %max3A_1292, %get3A_1295 : vector<16xf32>
    %swap3A_1297 = arith.constant 272 : index
    %swap3A_1298 = tpu.vector_load %arg8[%swap3A_1297] {strides = array<i32>} : memref<400xf32, #tpu.memory_space<vmem>>, vector<16xf32>,
    %swap3A_1299 = vector.shape_cast %swap3A_1298 : vector<16xf32> to vector<16xf32>
    %swap3A_1300 = vector.shape_cast %max3A_1296 : vector<16xf32> to vector<16xf32>
    tpu.vector_store %arg8[%swap3A_1297], %swap3A_1300 {strides = array<i32>} : memref<400xf32, #tpu.memory_space<vmem>>, vector<16xf32>,
    %broadcast_in_dim3A_1301 = arith.constant 0xFF800000 : f32
    %broadcast_in_dim3A_1302 = vector.broadcast %broadcast_in_dim3A_1301 : f32 to vector<16xf32>
    %get3A_1303 = arith.constant 4608 : index
    %get3A_1304 = tpu.vector_load %arg7[%get3A_1303] {strides = array<i32>} : memref<6400xf32, #tpu.memory_space<vmem>>, vector<16xf32>,
    %get3A_1305 = vector.shape_cast %get3A_1304 : vector<16xf32> to vector<16xf32>
    %max3A_1306 = arith.maximumf %broadcast_in_dim3A_1302, %get3A_1305 : vector<16xf32>
    %get3A_1307 = arith.constant 4624 : index
    %get3A_1308 = tpu.vector_load %arg7[%get3A_1307] {strides = array<i32>} : memref<6400xf32, #tpu.memory_space<vmem>>, vector<16xf32>,
    %get3A_1309 = vector.shape_cast %get3A_1308 : vector<16xf32> to vector<16xf32>
    %max3A_1310 = arith.maximumf %max3A_1306, %get3A_1309 : vector<16xf32>
    %get3A_1311 = arith.constant 4640 : index
    %get3A_1312 = tpu.vector_load %arg7[%get3A_1311] {strides = array<i32>} : memref<6400xf32, #tpu.memory_space<vmem>>, vector<16xf32>,
    %get3A_1313 = vector.shape_cast %get3A_1312 : vector<16xf32> to vector<16xf32>
    %max3A_1314 = arith.maximumf %max3A_1310, %get3A_1313 : vector<16xf32>
    %get3A_1315 = arith.constant 4656 : index
    %get3A_1316 = tpu.vector_load %arg7[%get3A_1315] {strides = array<i32>} : memref<6400xf32, #tpu.memory_space<vmem>>, vector<16xf32>,
    %get3A_1317 = vector.shape_cast %get3A_1316 : vector<16xf32> to vector<16xf32>
    %max3A_1318 = arith.maximumf %max3A_1314, %get3A_1317 : vector<16xf32>
    %get3A_1319 = arith.constant 4672 : index
    %get3A_1320 = tpu.vector_load %arg7[%get3A_1319] {strides = array<i32>} : memref<6400xf32, #tpu.memory_space<vmem>>, vector<16xf32>,
    %get3A_1321 = vector.shape_cast %get3A_1320 : vector<16xf32> to vector<16xf32>
    %max3A_1322 = arith.maximumf %max3A_1318, %get3A_1321 : vector<16xf32>
    %get3A_1323 = arith.constant 4688 : index
    %get3A_1324 = tpu.vector_load %arg7[%get3A_1323] {strides = array<i32>} : memref<6400xf32, #tpu.memory_space<vmem>>, vector<16xf32>,
    %get3A_1325 = vector.shape_cast %get3A_1324 : vector<16xf32> to vector<16xf32>
    %max3A_1326 = arith.maximumf %max3A_1322, %get3A_1325 : vector<16xf32>
    %get3A_1327 = arith.constant 4704 : index
    %get3A_1328 = tpu.vector_load %arg7[%get3A_1327] {strides = array<i32>} : memref<6400xf32, #tpu.memory_space<vmem>>, vector<16xf32>,
    %get3A_1329 = vector.shape_cast %get3A_1328 : vector<16xf32> to vector<16xf32>
    %max3A_1330 = arith.maximumf %max3A_1326, %get3A_1329 : vector<16xf32>
    %get3A_1331 = arith.constant 4720 : index
    %get3A_1332 = tpu.vector_load %arg7[%get3A_1331] {strides = array<i32>} : memref<6400xf32, #tpu.memory_space<vmem>>, vector<16xf32>,
    %get3A_1333 = vector.shape_cast %get3A_1332 : vector<16xf32> to vector<16xf32>
    %max3A_1334 = arith.maximumf %max3A_1330, %get3A_1333 : vector<16xf32>
    %get3A_1335 = arith.constant 4736 : index
    %get3A_1336 = tpu.vector_load %arg7[%get3A_1335] {strides = array<i32>} : memref<6400xf32, #tpu.memory_space<vmem>>, vector<16xf32>,
    %get3A_1337 = vector.shape_cast %get3A_1336 : vector<16xf32> to vector<16xf32>
    %max3A_1338 = arith.maximumf %max3A_1334, %get3A_1337 : vector<16xf32>
    %get3A_1339 = arith.constant 4752 : index
    %get3A_1340 = tpu.vector_load %arg7[%get3A_1339] {strides = array<i32>} : memref<6400xf32, #tpu.memory_space<vmem>>, vector<16xf32>,
    %get3A_1341 = vector.shape_cast %get3A_1340 : vector<16xf32> to vector<16xf32>
    %max3A_1342 = arith.maximumf %max3A_1338, %get3A_1341 : vector<16xf32>
    %get3A_1343 = arith.constant 4768 : index
    %get3A_1344 = tpu.vector_load %arg7[%get3A_1343] {strides = array<i32>} : memref<6400xf32, #tpu.memory_space<vmem>>, vector<16xf32>,
    %get3A_1345 = vector.shape_cast %get3A_1344 : vector<16xf32> to vector<16xf32>
    %max3A_1346 = arith.maximumf %max3A_1342, %get3A_1345 : vector<16xf32>
    %get3A_1347 = arith.constant 4784 : index
    %get3A_1348 = tpu.vector_load %arg7[%get3A_1347] {strides = array<i32>} : memref<6400xf32, #tpu.memory_space<vmem>>, vector<16xf32>,
    %get3A_1349 = vector.shape_cast %get3A_1348 : vector<16xf32> to vector<16xf32>
    %max3A_1350 = arith.maximumf %max3A_1346, %get3A_1349 : vector<16xf32>
    %get3A_1351 = arith.constant 4800 : index
    %get3A_1352 = tpu.vector_load %arg7[%get3A_1351] {strides = array<i32>} : memref<6400xf32, #tpu.memory_space<vmem>>, vector<16xf32>,
    %get3A_1353 = vector.shape_cast %get3A_1352 : vector<16xf32> to vector<16xf32>
    %max3A_1354 = arith.maximumf %max3A_1350, %get3A_1353 : vector<16xf32>
    %get3A_1355 = arith.constant 4816 : index
    %get3A_1356 = tpu.vector_load %arg7[%get3A_1355] {strides = array<i32>} : memref<6400xf32, #tpu.memory_space<vmem>>, vector<16xf32>,
    %get3A_1357 = vector.shape_cast %get3A_1356 : vector<16xf32> to vector<16xf32>
    %max3A_1358 = arith.maximumf %max3A_1354, %get3A_1357 : vector<16xf32>
    %get3A_1359 = arith.constant 4832 : index
    %get3A_1360 = tpu.vector_load %arg7[%get3A_1359] {strides = array<i32>} : memref<6400xf32, #tpu.memory_space<vmem>>, vector<16xf32>,
    %get3A_1361 = vector.shape_cast %get3A_1360 : vector<16xf32> to vector<16xf32>
    %max3A_1362 = arith.maximumf %max3A_1358, %get3A_1361 : vector<16xf32>
    %get3A_1363 = arith.constant 4848 : index
    %get3A_1364 = tpu.vector_load %arg7[%get3A_1363] {strides = array<i32>} : memref<6400xf32, #tpu.memory_space<vmem>>, vector<16xf32>,
    %get3A_1365 = vector.shape_cast %get3A_1364 : vector<16xf32> to vector<16xf32>
    %max3A_1366 = arith.maximumf %max3A_1362, %get3A_1365 : vector<16xf32>
    %swap3A_1367 = arith.constant 288 : index
    %swap3A_1368 = tpu.vector_load %arg8[%swap3A_1367] {strides = array<i32>} : memref<400xf32, #tpu.memory_space<vmem>>, vector<16xf32>,
    %swap3A_1369 = vector.shape_cast %swap3A_1368 : vector<16xf32> to vector<16xf32>
    %swap3A_1370 = vector.shape_cast %max3A_1366 : vector<16xf32> to vector<16xf32>
    tpu.vector_store %arg8[%swap3A_1367], %swap3A_1370 {strides = array<i32>} : memref<400xf32, #tpu.memory_space<vmem>>, vector<16xf32>,
    %broadcast_in_dim3A_1371 = arith.constant 0xFF800000 : f32
    %broadcast_in_dim3A_1372 = vector.broadcast %broadcast_in_dim3A_1371 : f32 to vector<16xf32>
    %get3A_1373 = arith.constant 4864 : index
    %get3A_1374 = tpu.vector_load %arg7[%get3A_1373] {strides = array<i32>} : memref<6400xf32, #tpu.memory_space<vmem>>, vector<16xf32>,
    %get3A_1375 = vector.shape_cast %get3A_1374 : vector<16xf32> to vector<16xf32>
    %max3A_1376 = arith.maximumf %broadcast_in_dim3A_1372, %get3A_1375 : vector<16xf32>
    %get3A_1377 = arith.constant 4880 : index
    %get3A_1378 = tpu.vector_load %arg7[%get3A_1377] {strides = array<i32>} : memref<6400xf32, #tpu.memory_space<vmem>>, vector<16xf32>,
    %get3A_1379 = vector.shape_cast %get3A_1378 : vector<16xf32> to vector<16xf32>
    %max3A_1380 = arith.maximumf %max3A_1376, %get3A_1379 : vector<16xf32>
    %get3A_1381 = arith.constant 4896 : index
    %get3A_1382 = tpu.vector_load %arg7[%get3A_1381] {strides = array<i32>} : memref<6400xf32, #tpu.memory_space<vmem>>, vector<16xf32>,
    %get3A_1383 = vector.shape_cast %get3A_1382 : vector<16xf32> to vector<16xf32>
    %max3A_1384 = arith.maximumf %max3A_1380, %get3A_1383 : vector<16xf32>
    %get3A_1385 = arith.constant 4912 : index
    %get3A_1386 = tpu.vector_load %arg7[%get3A_1385] {strides = array<i32>} : memref<6400xf32, #tpu.memory_space<vmem>>, vector<16xf32>,
    %get3A_1387 = vector.shape_cast %get3A_1386 : vector<16xf32> to vector<16xf32>
    %max3A_1388 = arith.maximumf %max3A_1384, %get3A_1387 : vector<16xf32>
    %get3A_1389 = arith.constant 4928 : index
    %get3A_1390 = tpu.vector_load %arg7[%get3A_1389] {strides = array<i32>} : memref<6400xf32, #tpu.memory_space<vmem>>, vector<16xf32>,
    %get3A_1391 = vector.shape_cast %get3A_1390 : vector<16xf32> to vector<16xf32>
    %max3A_1392 = arith.maximumf %max3A_1388, %get3A_1391 : vector<16xf32>
    %get3A_1393 = arith.constant 4944 : index
    %get3A_1394 = tpu.vector_load %arg7[%get3A_1393] {strides = array<i32>} : memref<6400xf32, #tpu.memory_space<vmem>>, vector<16xf32>,
    %get3A_1395 = vector.shape_cast %get3A_1394 : vector<16xf32> to vector<16xf32>
    %max3A_1396 = arith.maximumf %max3A_1392, %get3A_1395 : vector<16xf32>
    %get3A_1397 = arith.constant 4960 : index
    %get3A_1398 = tpu.vector_load %arg7[%get3A_1397] {strides = array<i32>} : memref<6400xf32, #tpu.memory_space<vmem>>, vector<16xf32>,
    %get3A_1399 = vector.shape_cast %get3A_1398 : vector<16xf32> to vector<16xf32>
    %max3A_1400 = arith.maximumf %max3A_1396, %get3A_1399 : vector<16xf32>
    %get3A_1401 = arith.constant 4976 : index
    %get3A_1402 = tpu.vector_load %arg7[%get3A_1401] {strides = array<i32>} : memref<6400xf32, #tpu.memory_space<vmem>>, vector<16xf32>,
    %get3A_1403 = vector.shape_cast %get3A_1402 : vector<16xf32> to vector<16xf32>
    %max3A_1404 = arith.maximumf %max3A_1400, %get3A_1403 : vector<16xf32>
    %get3A_1405 = arith.constant 4992 : index
    %get3A_1406 = tpu.vector_load %arg7[%get3A_1405] {strides = array<i32>} : memref<6400xf32, #tpu.memory_space<vmem>>, vector<16xf32>,
    %get3A_1407 = vector.shape_cast %get3A_1406 : vector<16xf32> to vector<16xf32>
    %max3A_1408 = arith.maximumf %max3A_1404, %get3A_1407 : vector<16xf32>
    %get3A_1409 = arith.constant 5008 : index
    %get3A_1410 = tpu.vector_load %arg7[%get3A_1409] {strides = array<i32>} : memref<6400xf32, #tpu.memory_space<vmem>>, vector<16xf32>,
    %get3A_1411 = vector.shape_cast %get3A_1410 : vector<16xf32> to vector<16xf32>
    %max3A_1412 = arith.maximumf %max3A_1408, %get3A_1411 : vector<16xf32>
    %get3A_1413 = arith.constant 5024 : index
    %get3A_1414 = tpu.vector_load %arg7[%get3A_1413] {strides = array<i32>} : memref<6400xf32, #tpu.memory_space<vmem>>, vector<16xf32>,
    %get3A_1415 = vector.shape_cast %get3A_1414 : vector<16xf32> to vector<16xf32>
    %max3A_1416 = arith.maximumf %max3A_1412, %get3A_1415 : vector<16xf32>
    %get3A_1417 = arith.constant 5040 : index
    %get3A_1418 = tpu.vector_load %arg7[%get3A_1417] {strides = array<i32>} : memref<6400xf32, #tpu.memory_space<vmem>>, vector<16xf32>,
    %get3A_1419 = vector.shape_cast %get3A_1418 : vector<16xf32> to vector<16xf32>
    %max3A_1420 = arith.maximumf %max3A_1416, %get3A_1419 : vector<16xf32>
    %get3A_1421 = arith.constant 5056 : index
    %get3A_1422 = tpu.vector_load %arg7[%get3A_1421] {strides = array<i32>} : memref<6400xf32, #tpu.memory_space<vmem>>, vector<16xf32>,
    %get3A_1423 = vector.shape_cast %get3A_1422 : vector<16xf32> to vector<16xf32>
    %max3A_1424 = arith.maximumf %max3A_1420, %get3A_1423 : vector<16xf32>
    %get3A_1425 = arith.constant 5072 : index
    %get3A_1426 = tpu.vector_load %arg7[%get3A_1425] {strides = array<i32>} : memref<6400xf32, #tpu.memory_space<vmem>>, vector<16xf32>,
    %get3A_1427 = vector.shape_cast %get3A_1426 : vector<16xf32> to vector<16xf32>
    %max3A_1428 = arith.maximumf %max3A_1424, %get3A_1427 : vector<16xf32>
    %get3A_1429 = arith.constant 5088 : index
    %get3A_1430 = tpu.vector_load %arg7[%get3A_1429] {strides = array<i32>} : memref<6400xf32, #tpu.memory_space<vmem>>, vector<16xf32>,
    %get3A_1431 = vector.shape_cast %get3A_1430 : vector<16xf32> to vector<16xf32>
    %max3A_1432 = arith.maximumf %max3A_1428, %get3A_1431 : vector<16xf32>
    %get3A_1433 = arith.constant 5104 : index
    %get3A_1434 = tpu.vector_load %arg7[%get3A_1433] {strides = array<i32>} : memref<6400xf32, #tpu.memory_space<vmem>>, vector<16xf32>,
    %get3A_1435 = vector.shape_cast %get3A_1434 : vector<16xf32> to vector<16xf32>
    %max3A_1436 = arith.maximumf %max3A_1432, %get3A_1435 : vector<16xf32>
    %swap3A_1437 = arith.constant 304 : index
    %swap3A_1438 = tpu.vector_load %arg8[%swap3A_1437] {strides = array<i32>} : memref<400xf32, #tpu.memory_space<vmem>>, vector<16xf32>,
    %swap3A_1439 = vector.shape_cast %swap3A_1438 : vector<16xf32> to vector<16xf32>
    %swap3A_1440 = vector.shape_cast %max3A_1436 : vector<16xf32> to vector<16xf32>
    tpu.vector_store %arg8[%swap3A_1437], %swap3A_1440 {strides = array<i32>} : memref<400xf32, #tpu.memory_space<vmem>>, vector<16xf32>,
    %broadcast_in_dim3A_1441 = arith.constant 0xFF800000 : f32
    %broadcast_in_dim3A_1442 = vector.broadcast %broadcast_in_dim3A_1441 : f32 to vector<16xf32>
    %get3A_1443 = arith.constant 5120 : index
    %get3A_1444 = tpu.vector_load %arg7[%get3A_1443] {strides = array<i32>} : memref<6400xf32, #tpu.memory_space<vmem>>, vector<16xf32>,
    %get3A_1445 = vector.shape_cast %get3A_1444 : vector<16xf32> to vector<16xf32>
    %max3A_1446 = arith.maximumf %broadcast_in_dim3A_1442, %get3A_1445 : vector<16xf32>
    %get3A_1447 = arith.constant 5136 : index
    %get3A_1448 = tpu.vector_load %arg7[%get3A_1447] {strides = array<i32>} : memref<6400xf32, #tpu.memory_space<vmem>>, vector<16xf32>,
    %get3A_1449 = vector.shape_cast %get3A_1448 : vector<16xf32> to vector<16xf32>
    %max3A_1450 = arith.maximumf %max3A_1446, %get3A_1449 : vector<16xf32>
    %get3A_1451 = arith.constant 5152 : index
    %get3A_1452 = tpu.vector_load %arg7[%get3A_1451] {strides = array<i32>} : memref<6400xf32, #tpu.memory_space<vmem>>, vector<16xf32>,
    %get3A_1453 = vector.shape_cast %get3A_1452 : vector<16xf32> to vector<16xf32>
    %max3A_1454 = arith.maximumf %max3A_1450, %get3A_1453 : vector<16xf32>
    %get3A_1455 = arith.constant 5168 : index
    %get3A_1456 = tpu.vector_load %arg7[%get3A_1455] {strides = array<i32>} : memref<6400xf32, #tpu.memory_space<vmem>>, vector<16xf32>,
    %get3A_1457 = vector.shape_cast %get3A_1456 : vector<16xf32> to vector<16xf32>
    %max3A_1458 = arith.maximumf %max3A_1454, %get3A_1457 : vector<16xf32>
    %get3A_1459 = arith.constant 5184 : index
    %get3A_1460 = tpu.vector_load %arg7[%get3A_1459] {strides = array<i32>} : memref<6400xf32, #tpu.memory_space<vmem>>, vector<16xf32>,
    %get3A_1461 = vector.shape_cast %get3A_1460 : vector<16xf32> to vector<16xf32>
    %max3A_1462 = arith.maximumf %max3A_1458, %get3A_1461 : vector<16xf32>
    %get3A_1463 = arith.constant 5200 : index
    %get3A_1464 = tpu.vector_load %arg7[%get3A_1463] {strides = array<i32>} : memref<6400xf32, #tpu.memory_space<vmem>>, vector<16xf32>,
    %get3A_1465 = vector.shape_cast %get3A_1464 : vector<16xf32> to vector<16xf32>
    %max3A_1466 = arith.maximumf %max3A_1462, %get3A_1465 : vector<16xf32>
    %get3A_1467 = arith.constant 5216 : index
    %get3A_1468 = tpu.vector_load %arg7[%get3A_1467] {strides = array<i32>} : memref<6400xf32, #tpu.memory_space<vmem>>, vector<16xf32>,
    %get3A_1469 = vector.shape_cast %get3A_1468 : vector<16xf32> to vector<16xf32>
    %max3A_1470 = arith.maximumf %max3A_1466, %get3A_1469 : vector<16xf32>
    %get3A_1471 = arith.constant 5232 : index
    %get3A_1472 = tpu.vector_load %arg7[%get3A_1471] {strides = array<i32>} : memref<6400xf32, #tpu.memory_space<vmem>>, vector<16xf32>,
    %get3A_1473 = vector.shape_cast %get3A_1472 : vector<16xf32> to vector<16xf32>
    %max3A_1474 = arith.maximumf %max3A_1470, %get3A_1473 : vector<16xf32>
    %get3A_1475 = arith.constant 5248 : index
    %get3A_1476 = tpu.vector_load %arg7[%get3A_1475] {strides = array<i32>} : memref<6400xf32, #tpu.memory_space<vmem>>, vector<16xf32>,
    %get3A_1477 = vector.shape_cast %get3A_1476 : vector<16xf32> to vector<16xf32>
    %max3A_1478 = arith.maximumf %max3A_1474, %get3A_1477 : vector<16xf32>
    %get3A_1479 = arith.constant 5264 : index
    %get3A_1480 = tpu.vector_load %arg7[%get3A_1479] {strides = array<i32>} : memref<6400xf32, #tpu.memory_space<vmem>>, vector<16xf32>,
    %get3A_1481 = vector.shape_cast %get3A_1480 : vector<16xf32> to vector<16xf32>
    %max3A_1482 = arith.maximumf %max3A_1478, %get3A_1481 : vector<16xf32>
    %get3A_1483 = arith.constant 5280 : index
    %get3A_1484 = tpu.vector_load %arg7[%get3A_1483] {strides = array<i32>} : memref<6400xf32, #tpu.memory_space<vmem>>, vector<16xf32>,
    %get3A_1485 = vector.shape_cast %get3A_1484 : vector<16xf32> to vector<16xf32>
    %max3A_1486 = arith.maximumf %max3A_1482, %get3A_1485 : vector<16xf32>
    %get3A_1487 = arith.constant 5296 : index
    %get3A_1488 = tpu.vector_load %arg7[%get3A_1487] {strides = array<i32>} : memref<6400xf32, #tpu.memory_space<vmem>>, vector<16xf32>,
    %get3A_1489 = vector.shape_cast %get3A_1488 : vector<16xf32> to vector<16xf32>
    %max3A_1490 = arith.maximumf %max3A_1486, %get3A_1489 : vector<16xf32>
    %get3A_1491 = arith.constant 5312 : index
    %get3A_1492 = tpu.vector_load %arg7[%get3A_1491] {strides = array<i32>} : memref<6400xf32, #tpu.memory_space<vmem>>, vector<16xf32>,
    %get3A_1493 = vector.shape_cast %get3A_1492 : vector<16xf32> to vector<16xf32>
    %max3A_1494 = arith.maximumf %max3A_1490, %get3A_1493 : vector<16xf32>
    %get3A_1495 = arith.constant 5328 : index
    %get3A_1496 = tpu.vector_load %arg7[%get3A_1495] {strides = array<i32>} : memref<6400xf32, #tpu.memory_space<vmem>>, vector<16xf32>,
    %get3A_1497 = vector.shape_cast %get3A_1496 : vector<16xf32> to vector<16xf32>
    %max3A_1498 = arith.maximumf %max3A_1494, %get3A_1497 : vector<16xf32>
    %get3A_1499 = arith.constant 5344 : index
    %get3A_1500 = tpu.vector_load %arg7[%get3A_1499] {strides = array<i32>} : memref<6400xf32, #tpu.memory_space<vmem>>, vector<16xf32>,
    %get3A_1501 = vector.shape_cast %get3A_1500 : vector<16xf32> to vector<16xf32>
    %max3A_1502 = arith.maximumf %max3A_1498, %get3A_1501 : vector<16xf32>
    %get3A_1503 = arith.constant 5360 : index
    %get3A_1504 = tpu.vector_load %arg7[%get3A_1503] {strides = array<i32>} : memref<6400xf32, #tpu.memory_space<vmem>>, vector<16xf32>,
    %get3A_1505 = vector.shape_cast %get3A_1504 : vector<16xf32> to vector<16xf32>
    %max3A_1506 = arith.maximumf %max3A_1502, %get3A_1505 : vector<16xf32>
    %swap3A_1507 = arith.constant 320 : index
    %swap3A_1508 = tpu.vector_load %arg8[%swap3A_1507] {strides = array<i32>} : memref<400xf32, #tpu.memory_space<vmem>>, vector<16xf32>,
    %swap3A_1509 = vector.shape_cast %swap3A_1508 : vector<16xf32> to vector<16xf32>
    %swap3A_1510 = vector.shape_cast %max3A_1506 : vector<16xf32> to vector<16xf32>
    tpu.vector_store %arg8[%swap3A_1507], %swap3A_1510 {strides = array<i32>} : memref<400xf32, #tpu.memory_space<vmem>>, vector<16xf32>,
    %broadcast_in_dim3A_1511 = arith.constant 0xFF800000 : f32
    %broadcast_in_dim3A_1512 = vector.broadcast %broadcast_in_dim3A_1511 : f32 to vector<16xf32>
    %get3A_1513 = arith.constant 5376 : index
    %get3A_1514 = tpu.vector_load %arg7[%get3A_1513] {strides = array<i32>} : memref<6400xf32, #tpu.memory_space<vmem>>, vector<16xf32>,
    %get3A_1515 = vector.shape_cast %get3A_1514 : vector<16xf32> to vector<16xf32>
    %max3A_1516 = arith.maximumf %broadcast_in_dim3A_1512, %get3A_1515 : vector<16xf32>
    %get3A_1517 = arith.constant 5392 : index
    %get3A_1518 = tpu.vector_load %arg7[%get3A_1517] {strides = array<i32>} : memref<6400xf32, #tpu.memory_space<vmem>>, vector<16xf32>,
    %get3A_1519 = vector.shape_cast %get3A_1518 : vector<16xf32> to vector<16xf32>
    %max3A_1520 = arith.maximumf %max3A_1516, %get3A_1519 : vector<16xf32>
    %get3A_1521 = arith.constant 5408 : index
    %get3A_1522 = tpu.vector_load %arg7[%get3A_1521] {strides = array<i32>} : memref<6400xf32, #tpu.memory_space<vmem>>, vector<16xf32>,
    %get3A_1523 = vector.shape_cast %get3A_1522 : vector<16xf32> to vector<16xf32>
    %max3A_1524 = arith.maximumf %max3A_1520, %get3A_1523 : vector<16xf32>
    %get3A_1525 = arith.constant 5424 : index
    %get3A_1526 = tpu.vector_load %arg7[%get3A_1525] {strides = array<i32>} : memref<6400xf32, #tpu.memory_space<vmem>>, vector<16xf32>,
    %get3A_1527 = vector.shape_cast %get3A_1526 : vector<16xf32> to vector<16xf32>
    %max3A_1528 = arith.maximumf %max3A_1524, %get3A_1527 : vector<16xf32>
    %get3A_1529 = arith.constant 5440 : index
    %get3A_1530 = tpu.vector_load %arg7[%get3A_1529] {strides = array<i32>} : memref<6400xf32, #tpu.memory_space<vmem>>, vector<16xf32>,
    %get3A_1531 = vector.shape_cast %get3A_1530 : vector<16xf32> to vector<16xf32>
    %max3A_1532 = arith.maximumf %max3A_1528, %get3A_1531 : vector<16xf32>
    %get3A_1533 = arith.constant 5456 : index
    %get3A_1534 = tpu.vector_load %arg7[%get3A_1533] {strides = array<i32>} : memref<6400xf32, #tpu.memory_space<vmem>>, vector<16xf32>,
    %get3A_1535 = vector.shape_cast %get3A_1534 : vector<16xf32> to vector<16xf32>
    %max3A_1536 = arith.maximumf %max3A_1532, %get3A_1535 : vector<16xf32>
    %get3A_1537 = arith.constant 5472 : index
    %get3A_1538 = tpu.vector_load %arg7[%get3A_1537] {strides = array<i32>} : memref<6400xf32, #tpu.memory_space<vmem>>, vector<16xf32>,
    %get3A_1539 = vector.shape_cast %get3A_1538 : vector<16xf32> to vector<16xf32>
    %max3A_1540 = arith.maximumf %max3A_1536, %get3A_1539 : vector<16xf32>
    %get3A_1541 = arith.constant 5488 : index
    %get3A_1542 = tpu.vector_load %arg7[%get3A_1541] {strides = array<i32>} : memref<6400xf32, #tpu.memory_space<vmem>>, vector<16xf32>,
    %get3A_1543 = vector.shape_cast %get3A_1542 : vector<16xf32> to vector<16xf32>
    %max3A_1544 = arith.maximumf %max3A_1540, %get3A_1543 : vector<16xf32>
    %get3A_1545 = arith.constant 5504 : index
    %get3A_1546 = tpu.vector_load %arg7[%get3A_1545] {strides = array<i32>} : memref<6400xf32, #tpu.memory_space<vmem>>, vector<16xf32>,
    %get3A_1547 = vector.shape_cast %get3A_1546 : vector<16xf32> to vector<16xf32>
    %max3A_1548 = arith.maximumf %max3A_1544, %get3A_1547 : vector<16xf32>
    %get3A_1549 = arith.constant 5520 : index
    %get3A_1550 = tpu.vector_load %arg7[%get3A_1549] {strides = array<i32>} : memref<6400xf32, #tpu.memory_space<vmem>>, vector<16xf32>,
    %get3A_1551 = vector.shape_cast %get3A_1550 : vector<16xf32> to vector<16xf32>
    %max3A_1552 = arith.maximumf %max3A_1548, %get3A_1551 : vector<16xf32>
    %get3A_1553 = arith.constant 5536 : index
    %get3A_1554 = tpu.vector_load %arg7[%get3A_1553] {strides = array<i32>} : memref<6400xf32, #tpu.memory_space<vmem>>, vector<16xf32>,
    %get3A_1555 = vector.shape_cast %get3A_1554 : vector<16xf32> to vector<16xf32>
    %max3A_1556 = arith.maximumf %max3A_1552, %get3A_1555 : vector<16xf32>
    %get3A_1557 = arith.constant 5552 : index
    %get3A_1558 = tpu.vector_load %arg7[%get3A_1557] {strides = array<i32>} : memref<6400xf32, #tpu.memory_space<vmem>>, vector<16xf32>,
    %get3A_1559 = vector.shape_cast %get3A_1558 : vector<16xf32> to vector<16xf32>
    %max3A_1560 = arith.maximumf %max3A_1556, %get3A_1559 : vector<16xf32>
    %get3A_1561 = arith.constant 5568 : index
    %get3A_1562 = tpu.vector_load %arg7[%get3A_1561] {strides = array<i32>} : memref<6400xf32, #tpu.memory_space<vmem>>, vector<16xf32>,
    %get3A_1563 = vector.shape_cast %get3A_1562 : vector<16xf32> to vector<16xf32>
    %max3A_1564 = arith.maximumf %max3A_1560, %get3A_1563 : vector<16xf32>
    %get3A_1565 = arith.constant 5584 : index
    %get3A_1566 = tpu.vector_load %arg7[%get3A_1565] {strides = array<i32>} : memref<6400xf32, #tpu.memory_space<vmem>>, vector<16xf32>,
    %get3A_1567 = vector.shape_cast %get3A_1566 : vector<16xf32> to vector<16xf32>
    %max3A_1568 = arith.maximumf %max3A_1564, %get3A_1567 : vector<16xf32>
    %get3A_1569 = arith.constant 5600 : index
    %get3A_1570 = tpu.vector_load %arg7[%get3A_1569] {strides = array<i32>} : memref<6400xf32, #tpu.memory_space<vmem>>, vector<16xf32>,
    %get3A_1571 = vector.shape_cast %get3A_1570 : vector<16xf32> to vector<16xf32>
    %max3A_1572 = arith.maximumf %max3A_1568, %get3A_1571 : vector<16xf32>
    %get3A_1573 = arith.constant 5616 : index
    %get3A_1574 = tpu.vector_load %arg7[%get3A_1573] {strides = array<i32>} : memref<6400xf32, #tpu.memory_space<vmem>>, vector<16xf32>,
    %get3A_1575 = vector.shape_cast %get3A_1574 : vector<16xf32> to vector<16xf32>
    %max3A_1576 = arith.maximumf %max3A_1572, %get3A_1575 : vector<16xf32>
    %swap3A_1577 = arith.constant 336 : index
    %swap3A_1578 = tpu.vector_load %arg8[%swap3A_1577] {strides = array<i32>} : memref<400xf32, #tpu.memory_space<vmem>>, vector<16xf32>,
    %swap3A_1579 = vector.shape_cast %swap3A_1578 : vector<16xf32> to vector<16xf32>
    %swap3A_1580 = vector.shape_cast %max3A_1576 : vector<16xf32> to vector<16xf32>
    tpu.vector_store %arg8[%swap3A_1577], %swap3A_1580 {strides = array<i32>} : memref<400xf32, #tpu.memory_space<vmem>>, vector<16xf32>,
    %broadcast_in_dim3A_1581 = arith.constant 0xFF800000 : f32
    %broadcast_in_dim3A_1582 = vector.broadcast %broadcast_in_dim3A_1581 : f32 to vector<16xf32>
    %get3A_1583 = arith.constant 5632 : index
    %get3A_1584 = tpu.vector_load %arg7[%get3A_1583] {strides = array<i32>} : memref<6400xf32, #tpu.memory_space<vmem>>, vector<16xf32>,
    %get3A_1585 = vector.shape_cast %get3A_1584 : vector<16xf32> to vector<16xf32>
    %max3A_1586 = arith.maximumf %broadcast_in_dim3A_1582, %get3A_1585 : vector<16xf32>
    %get3A_1587 = arith.constant 5648 : index
    %get3A_1588 = tpu.vector_load %arg7[%get3A_1587] {strides = array<i32>} : memref<6400xf32, #tpu.memory_space<vmem>>, vector<16xf32>,
    %get3A_1589 = vector.shape_cast %get3A_1588 : vector<16xf32> to vector<16xf32>
    %max3A_1590 = arith.maximumf %max3A_1586, %get3A_1589 : vector<16xf32>
    %get3A_1591 = arith.constant 5664 : index
    %get3A_1592 = tpu.vector_load %arg7[%get3A_1591] {strides = array<i32>} : memref<6400xf32, #tpu.memory_space<vmem>>, vector<16xf32>,
    %get3A_1593 = vector.shape_cast %get3A_1592 : vector<16xf32> to vector<16xf32>
    %max3A_1594 = arith.maximumf %max3A_1590, %get3A_1593 : vector<16xf32>
    %get3A_1595 = arith.constant 5680 : index
    %get3A_1596 = tpu.vector_load %arg7[%get3A_1595] {strides = array<i32>} : memref<6400xf32, #tpu.memory_space<vmem>>, vector<16xf32>,
    %get3A_1597 = vector.shape_cast %get3A_1596 : vector<16xf32> to vector<16xf32>
    %max3A_1598 = arith.maximumf %max3A_1594, %get3A_1597 : vector<16xf32>
    %get3A_1599 = arith.constant 5696 : index
    %get3A_1600 = tpu.vector_load %arg7[%get3A_1599] {strides = array<i32>} : memref<6400xf32, #tpu.memory_space<vmem>>, vector<16xf32>,
    %get3A_1601 = vector.shape_cast %get3A_1600 : vector<16xf32> to vector<16xf32>
    %max3A_1602 = arith.maximumf %max3A_1598, %get3A_1601 : vector<16xf32>
    %get3A_1603 = arith.constant 5712 : index
    %get3A_1604 = tpu.vector_load %arg7[%get3A_1603] {strides = array<i32>} : memref<6400xf32, #tpu.memory_space<vmem>>, vector<16xf32>,
    %get3A_1605 = vector.shape_cast %get3A_1604 : vector<16xf32> to vector<16xf32>
    %max3A_1606 = arith.maximumf %max3A_1602, %get3A_1605 : vector<16xf32>
    %get3A_1607 = arith.constant 5728 : index
    %get3A_1608 = tpu.vector_load %arg7[%get3A_1607] {strides = array<i32>} : memref<6400xf32, #tpu.memory_space<vmem>>, vector<16xf32>,
    %get3A_1609 = vector.shape_cast %get3A_1608 : vector<16xf32> to vector<16xf32>
    %max3A_1610 = arith.maximumf %max3A_1606, %get3A_1609 : vector<16xf32>
    %get3A_1611 = arith.constant 5744 : index
    %get3A_1612 = tpu.vector_load %arg7[%get3A_1611] {strides = array<i32>} : memref<6400xf32, #tpu.memory_space<vmem>>, vector<16xf32>,
    %get3A_1613 = vector.shape_cast %get3A_1612 : vector<16xf32> to vector<16xf32>
    %max3A_1614 = arith.maximumf %max3A_1610, %get3A_1613 : vector<16xf32>
    %get3A_1615 = arith.constant 5760 : index
    %get3A_1616 = tpu.vector_load %arg7[%get3A_1615] {strides = array<i32>} : memref<6400xf32, #tpu.memory_space<vmem>>, vector<16xf32>,
    %get3A_1617 = vector.shape_cast %get3A_1616 : vector<16xf32> to vector<16xf32>
    %max3A_1618 = arith.maximumf %max3A_1614, %get3A_1617 : vector<16xf32>
    %get3A_1619 = arith.constant 5776 : index
    %get3A_1620 = tpu.vector_load %arg7[%get3A_1619] {strides = array<i32>} : memref<6400xf32, #tpu.memory_space<vmem>>, vector<16xf32>,
    %get3A_1621 = vector.shape_cast %get3A_1620 : vector<16xf32> to vector<16xf32>
    %max3A_1622 = arith.maximumf %max3A_1618, %get3A_1621 : vector<16xf32>
    %get3A_1623 = arith.constant 5792 : index
    %get3A_1624 = tpu.vector_load %arg7[%get3A_1623] {strides = array<i32>} : memref<6400xf32, #tpu.memory_space<vmem>>, vector<16xf32>,
    %get3A_1625 = vector.shape_cast %get3A_1624 : vector<16xf32> to vector<16xf32>
    %max3A_1626 = arith.maximumf %max3A_1622, %get3A_1625 : vector<16xf32>
    %get3A_1627 = arith.constant 5808 : index
    %get3A_1628 = tpu.vector_load %arg7[%get3A_1627] {strides = array<i32>} : memref<6400xf32, #tpu.memory_space<vmem>>, vector<16xf32>,
    %get3A_1629 = vector.shape_cast %get3A_1628 : vector<16xf32> to vector<16xf32>
    %max3A_1630 = arith.maximumf %max3A_1626, %get3A_1629 : vector<16xf32>
    %get3A_1631 = arith.constant 5824 : index
    %get3A_1632 = tpu.vector_load %arg7[%get3A_1631] {strides = array<i32>} : memref<6400xf32, #tpu.memory_space<vmem>>, vector<16xf32>,
    %get3A_1633 = vector.shape_cast %get3A_1632 : vector<16xf32> to vector<16xf32>
    %max3A_1634 = arith.maximumf %max3A_1630, %get3A_1633 : vector<16xf32>
    %get3A_1635 = arith.constant 5840 : index
    %get3A_1636 = tpu.vector_load %arg7[%get3A_1635] {strides = array<i32>} : memref<6400xf32, #tpu.memory_space<vmem>>, vector<16xf32>,
    %get3A_1637 = vector.shape_cast %get3A_1636 : vector<16xf32> to vector<16xf32>
    %max3A_1638 = arith.maximumf %max3A_1634, %get3A_1637 : vector<16xf32>
    %get3A_1639 = arith.constant 5856 : index
    %get3A_1640 = tpu.vector_load %arg7[%get3A_1639] {strides = array<i32>} : memref<6400xf32, #tpu.memory_space<vmem>>, vector<16xf32>,
    %get3A_1641 = vector.shape_cast %get3A_1640 : vector<16xf32> to vector<16xf32>
    %max3A_1642 = arith.maximumf %max3A_1638, %get3A_1641 : vector<16xf32>
    %get3A_1643 = arith.constant 5872 : index
    %get3A_1644 = tpu.vector_load %arg7[%get3A_1643] {strides = array<i32>} : memref<6400xf32, #tpu.memory_space<vmem>>, vector<16xf32>,
    %get3A_1645 = vector.shape_cast %get3A_1644 : vector<16xf32> to vector<16xf32>
    %max3A_1646 = arith.maximumf %max3A_1642, %get3A_1645 : vector<16xf32>
    %swap3A_1647 = arith.constant 352 : index
    %swap3A_1648 = tpu.vector_load %arg8[%swap3A_1647] {strides = array<i32>} : memref<400xf32, #tpu.memory_space<vmem>>, vector<16xf32>,
    %swap3A_1649 = vector.shape_cast %swap3A_1648 : vector<16xf32> to vector<16xf32>
    %swap3A_1650 = vector.shape_cast %max3A_1646 : vector<16xf32> to vector<16xf32>
    tpu.vector_store %arg8[%swap3A_1647], %swap3A_1650 {strides = array<i32>} : memref<400xf32, #tpu.memory_space<vmem>>, vector<16xf32>,
    %broadcast_in_dim3A_1651 = arith.constant 0xFF800000 : f32
    %broadcast_in_dim3A_1652 = vector.broadcast %broadcast_in_dim3A_1651 : f32 to vector<16xf32>
    %get3A_1653 = arith.constant 5888 : index
    %get3A_1654 = tpu.vector_load %arg7[%get3A_1653] {strides = array<i32>} : memref<6400xf32, #tpu.memory_space<vmem>>, vector<16xf32>,
    %get3A_1655 = vector.shape_cast %get3A_1654 : vector<16xf32> to vector<16xf32>
    %max3A_1656 = arith.maximumf %broadcast_in_dim3A_1652, %get3A_1655 : vector<16xf32>
    %get3A_1657 = arith.constant 5904 : index
    %get3A_1658 = tpu.vector_load %arg7[%get3A_1657] {strides = array<i32>} : memref<6400xf32, #tpu.memory_space<vmem>>, vector<16xf32>,
    %get3A_1659 = vector.shape_cast %get3A_1658 : vector<16xf32> to vector<16xf32>
    %max3A_1660 = arith.maximumf %max3A_1656, %get3A_1659 : vector<16xf32>
    %get3A_1661 = arith.constant 5920 : index
    %get3A_1662 = tpu.vector_load %arg7[%get3A_1661] {strides = array<i32>} : memref<6400xf32, #tpu.memory_space<vmem>>, vector<16xf32>,
    %get3A_1663 = vector.shape_cast %get3A_1662 : vector<16xf32> to vector<16xf32>
    %max3A_1664 = arith.maximumf %max3A_1660, %get3A_1663 : vector<16xf32>
    %get3A_1665 = arith.constant 5936 : index
    %get3A_1666 = tpu.vector_load %arg7[%get3A_1665] {strides = array<i32>} : memref<6400xf32, #tpu.memory_space<vmem>>, vector<16xf32>,
    %get3A_1667 = vector.shape_cast %get3A_1666 : vector<16xf32> to vector<16xf32>
    %max3A_1668 = arith.maximumf %max3A_1664, %get3A_1667 : vector<16xf32>
    %get3A_1669 = arith.constant 5952 : index
    %get3A_1670 = tpu.vector_load %arg7[%get3A_1669] {strides = array<i32>} : memref<6400xf32, #tpu.memory_space<vmem>>, vector<16xf32>,
    %get3A_1671 = vector.shape_cast %get3A_1670 : vector<16xf32> to vector<16xf32>
    %max3A_1672 = arith.maximumf %max3A_1668, %get3A_1671 : vector<16xf32>
    %get3A_1673 = arith.constant 5968 : index
    %get3A_1674 = tpu.vector_load %arg7[%get3A_1673] {strides = array<i32>} : memref<6400xf32, #tpu.memory_space<vmem>>, vector<16xf32>,
    %get3A_1675 = vector.shape_cast %get3A_1674 : vector<16xf32> to vector<16xf32>
    %max3A_1676 = arith.maximumf %max3A_1672, %get3A_1675 : vector<16xf32>
    %get3A_1677 = arith.constant 5984 : index
    %get3A_1678 = tpu.vector_load %arg7[%get3A_1677] {strides = array<i32>} : memref<6400xf32, #tpu.memory_space<vmem>>, vector<16xf32>,
    %get3A_1679 = vector.shape_cast %get3A_1678 : vector<16xf32> to vector<16xf32>
    %max3A_1680 = arith.maximumf %max3A_1676, %get3A_1679 : vector<16xf32>
    %get3A_1681 = arith.constant 6000 : index
    %get3A_1682 = tpu.vector_load %arg7[%get3A_1681] {strides = array<i32>} : memref<6400xf32, #tpu.memory_space<vmem>>, vector<16xf32>,
    %get3A_1683 = vector.shape_cast %get3A_1682 : vector<16xf32> to vector<16xf32>
    %max3A_1684 = arith.maximumf %max3A_1680, %get3A_1683 : vector<16xf32>
    %get3A_1685 = arith.constant 6016 : index
    %get3A_1686 = tpu.vector_load %arg7[%get3A_1685] {strides = array<i32>} : memref<6400xf32, #tpu.memory_space<vmem>>, vector<16xf32>,
    %get3A_1687 = vector.shape_cast %get3A_1686 : vector<16xf32> to vector<16xf32>
    %max3A_1688 = arith.maximumf %max3A_1684, %get3A_1687 : vector<16xf32>
    %get3A_1689 = arith.constant 6032 : index
    %get3A_1690 = tpu.vector_load %arg7[%get3A_1689] {strides = array<i32>} : memref<6400xf32, #tpu.memory_space<vmem>>, vector<16xf32>,
    %get3A_1691 = vector.shape_cast %get3A_1690 : vector<16xf32> to vector<16xf32>
    %max3A_1692 = arith.maximumf %max3A_1688, %get3A_1691 : vector<16xf32>
    %get3A_1693 = arith.constant 6048 : index
    %get3A_1694 = tpu.vector_load %arg7[%get3A_1693] {strides = array<i32>} : memref<6400xf32, #tpu.memory_space<vmem>>, vector<16xf32>,
    %get3A_1695 = vector.shape_cast %get3A_1694 : vector<16xf32> to vector<16xf32>
    %max3A_1696 = arith.maximumf %max3A_1692, %get3A_1695 : vector<16xf32>
    %get3A_1697 = arith.constant 6064 : index
    %get3A_1698 = tpu.vector_load %arg7[%get3A_1697] {strides = array<i32>} : memref<6400xf32, #tpu.memory_space<vmem>>, vector<16xf32>,
    %get3A_1699 = vector.shape_cast %get3A_1698 : vector<16xf32> to vector<16xf32>
    %max3A_1700 = arith.maximumf %max3A_1696, %get3A_1699 : vector<16xf32>
    %get3A_1701 = arith.constant 6080 : index
    %get3A_1702 = tpu.vector_load %arg7[%get3A_1701] {strides = array<i32>} : memref<6400xf32, #tpu.memory_space<vmem>>, vector<16xf32>,
    %get3A_1703 = vector.shape_cast %get3A_1702 : vector<16xf32> to vector<16xf32>
    %max3A_1704 = arith.maximumf %max3A_1700, %get3A_1703 : vector<16xf32>
    %get3A_1705 = arith.constant 6096 : index
    %get3A_1706 = tpu.vector_load %arg7[%get3A_1705] {strides = array<i32>} : memref<6400xf32, #tpu.memory_space<vmem>>, vector<16xf32>,
    %get3A_1707 = vector.shape_cast %get3A_1706 : vector<16xf32> to vector<16xf32>
    %max3A_1708 = arith.maximumf %max3A_1704, %get3A_1707 : vector<16xf32>
    %get3A_1709 = arith.constant 6112 : index
    %get3A_1710 = tpu.vector_load %arg7[%get3A_1709] {strides = array<i32>} : memref<6400xf32, #tpu.memory_space<vmem>>, vector<16xf32>,
    %get3A_1711 = vector.shape_cast %get3A_1710 : vector<16xf32> to vector<16xf32>
    %max3A_1712 = arith.maximumf %max3A_1708, %get3A_1711 : vector<16xf32>
    %get3A_1713 = arith.constant 6128 : index
    %get3A_1714 = tpu.vector_load %arg7[%get3A_1713] {strides = array<i32>} : memref<6400xf32, #tpu.memory_space<vmem>>, vector<16xf32>,
    %get3A_1715 = vector.shape_cast %get3A_1714 : vector<16xf32> to vector<16xf32>
    %max3A_1716 = arith.maximumf %max3A_1712, %get3A_1715 : vector<16xf32>
    %swap3A_1717 = arith.constant 368 : index
    %swap3A_1718 = tpu.vector_load %arg8[%swap3A_1717] {strides = array<i32>} : memref<400xf32, #tpu.memory_space<vmem>>, vector<16xf32>,
    %swap3A_1719 = vector.shape_cast %swap3A_1718 : vector<16xf32> to vector<16xf32>
    %swap3A_1720 = vector.shape_cast %max3A_1716 : vector<16xf32> to vector<16xf32>
    tpu.vector_store %arg8[%swap3A_1717], %swap3A_1720 {strides = array<i32>} : memref<400xf32, #tpu.memory_space<vmem>>, vector<16xf32>,
    %broadcast_in_dim3A_1721 = arith.constant 0xFF800000 : f32
    %broadcast_in_dim3A_1722 = vector.broadcast %broadcast_in_dim3A_1721 : f32 to vector<16xf32>
    %get3A_1723 = arith.constant 6144 : index
    %get3A_1724 = tpu.vector_load %arg7[%get3A_1723] {strides = array<i32>} : memref<6400xf32, #tpu.memory_space<vmem>>, vector<16xf32>,
    %get3A_1725 = vector.shape_cast %get3A_1724 : vector<16xf32> to vector<16xf32>
    %max3A_1726 = arith.maximumf %broadcast_in_dim3A_1722, %get3A_1725 : vector<16xf32>
    %get3A_1727 = arith.constant 6160 : index
    %get3A_1728 = tpu.vector_load %arg7[%get3A_1727] {strides = array<i32>} : memref<6400xf32, #tpu.memory_space<vmem>>, vector<16xf32>,
    %get3A_1729 = vector.shape_cast %get3A_1728 : vector<16xf32> to vector<16xf32>
    %max3A_1730 = arith.maximumf %max3A_1726, %get3A_1729 : vector<16xf32>
    %get3A_1731 = arith.constant 6176 : index
    %get3A_1732 = tpu.vector_load %arg7[%get3A_1731] {strides = array<i32>} : memref<6400xf32, #tpu.memory_space<vmem>>, vector<16xf32>,
    %get3A_1733 = vector.shape_cast %get3A_1732 : vector<16xf32> to vector<16xf32>
    %max3A_1734 = arith.maximumf %max3A_1730, %get3A_1733 : vector<16xf32>
    %get3A_1735 = arith.constant 6192 : index
    %get3A_1736 = tpu.vector_load %arg7[%get3A_1735] {strides = array<i32>} : memref<6400xf32, #tpu.memory_space<vmem>>, vector<16xf32>,
    %get3A_1737 = vector.shape_cast %get3A_1736 : vector<16xf32> to vector<16xf32>
    %max3A_1738 = arith.maximumf %max3A_1734, %get3A_1737 : vector<16xf32>
    %get3A_1739 = arith.constant 6208 : index
    %get3A_1740 = tpu.vector_load %arg7[%get3A_1739] {strides = array<i32>} : memref<6400xf32, #tpu.memory_space<vmem>>, vector<16xf32>,
    %get3A_1741 = vector.shape_cast %get3A_1740 : vector<16xf32> to vector<16xf32>
    %max3A_1742 = arith.maximumf %max3A_1738, %get3A_1741 : vector<16xf32>
    %get3A_1743 = arith.constant 6224 : index
    %get3A_1744 = tpu.vector_load %arg7[%get3A_1743] {strides = array<i32>} : memref<6400xf32, #tpu.memory_space<vmem>>, vector<16xf32>,
    %get3A_1745 = vector.shape_cast %get3A_1744 : vector<16xf32> to vector<16xf32>
    %max3A_1746 = arith.maximumf %max3A_1742, %get3A_1745 : vector<16xf32>
    %get3A_1747 = arith.constant 6240 : index
    %get3A_1748 = tpu.vector_load %arg7[%get3A_1747] {strides = array<i32>} : memref<6400xf32, #tpu.memory_space<vmem>>, vector<16xf32>,
    %get3A_1749 = vector.shape_cast %get3A_1748 : vector<16xf32> to vector<16xf32>
    %max3A_1750 = arith.maximumf %max3A_1746, %get3A_1749 : vector<16xf32>
    %get3A_1751 = arith.constant 6256 : index
    %get3A_1752 = tpu.vector_load %arg7[%get3A_1751] {strides = array<i32>} : memref<6400xf32, #tpu.memory_space<vmem>>, vector<16xf32>,
    %get3A_1753 = vector.shape_cast %get3A_1752 : vector<16xf32> to vector<16xf32>
    %max3A_1754 = arith.maximumf %max3A_1750, %get3A_1753 : vector<16xf32>
    %get3A_1755 = arith.constant 6272 : index
    %get3A_1756 = tpu.vector_load %arg7[%get3A_1755] {strides = array<i32>} : memref<6400xf32, #tpu.memory_space<vmem>>, vector<16xf32>,
    %get3A_1757 = vector.shape_cast %get3A_1756 : vector<16xf32> to vector<16xf32>
    %max3A_1758 = arith.maximumf %max3A_1754, %get3A_1757 : vector<16xf32>
    %get3A_1759 = arith.constant 6288 : index
    %get3A_1760 = tpu.vector_load %arg7[%get3A_1759] {strides = array<i32>} : memref<6400xf32, #tpu.memory_space<vmem>>, vector<16xf32>,
    %get3A_1761 = vector.shape_cast %get3A_1760 : vector<16xf32> to vector<16xf32>
    %max3A_1762 = arith.maximumf %max3A_1758, %get3A_1761 : vector<16xf32>
    %get3A_1763 = arith.constant 6304 : index
    %get3A_1764 = tpu.vector_load %arg7[%get3A_1763] {strides = array<i32>} : memref<6400xf32, #tpu.memory_space<vmem>>, vector<16xf32>,
    %get3A_1765 = vector.shape_cast %get3A_1764 : vector<16xf32> to vector<16xf32>
    %max3A_1766 = arith.maximumf %max3A_1762, %get3A_1765 : vector<16xf32>
    %get3A_1767 = arith.constant 6320 : index
    %get3A_1768 = tpu.vector_load %arg7[%get3A_1767] {strides = array<i32>} : memref<6400xf32, #tpu.memory_space<vmem>>, vector<16xf32>,
    %get3A_1769 = vector.shape_cast %get3A_1768 : vector<16xf32> to vector<16xf32>
    %max3A_1770 = arith.maximumf %max3A_1766, %get3A_1769 : vector<16xf32>
    %get3A_1771 = arith.constant 6336 : index
    %get3A_1772 = tpu.vector_load %arg7[%get3A_1771] {strides = array<i32>} : memref<6400xf32, #tpu.memory_space<vmem>>, vector<16xf32>,
    %get3A_1773 = vector.shape_cast %get3A_1772 : vector<16xf32> to vector<16xf32>
    %max3A_1774 = arith.maximumf %max3A_1770, %get3A_1773 : vector<16xf32>
    %get3A_1775 = arith.constant 6352 : index
    %get3A_1776 = tpu.vector_load %arg7[%get3A_1775] {strides = array<i32>} : memref<6400xf32, #tpu.memory_space<vmem>>, vector<16xf32>,
    %get3A_1777 = vector.shape_cast %get3A_1776 : vector<16xf32> to vector<16xf32>
    %max3A_1778 = arith.maximumf %max3A_1774, %get3A_1777 : vector<16xf32>
    %get3A_1779 = arith.constant 6368 : index
    %get3A_1780 = tpu.vector_load %arg7[%get3A_1779] {strides = array<i32>} : memref<6400xf32, #tpu.memory_space<vmem>>, vector<16xf32>,
    %get3A_1781 = vector.shape_cast %get3A_1780 : vector<16xf32> to vector<16xf32>
    %max3A_1782 = arith.maximumf %max3A_1778, %get3A_1781 : vector<16xf32>
    %get3A_1783 = arith.constant 6384 : index
    %get3A_1784 = tpu.vector_load %arg7[%get3A_1783] {strides = array<i32>} : memref<6400xf32, #tpu.memory_space<vmem>>, vector<16xf32>,
    %get3A_1785 = vector.shape_cast %get3A_1784 : vector<16xf32> to vector<16xf32>
    %max3A_1786 = arith.maximumf %max3A_1782, %get3A_1785 : vector<16xf32>
    %swap3A_1787 = arith.constant 384 : index
    %swap3A_1788 = tpu.vector_load %arg8[%swap3A_1787] {strides = array<i32>} : memref<400xf32, #tpu.memory_space<vmem>>, vector<16xf32>,
    %swap3A_1789 = vector.shape_cast %swap3A_1788 : vector<16xf32> to vector<16xf32>
    %swap3A_1790 = vector.shape_cast %max3A_1786 : vector<16xf32> to vector<16xf32>
    tpu.vector_store %arg8[%swap3A_1787], %swap3A_1790 {strides = array<i32>} : memref<400xf32, #tpu.memory_space<vmem>>, vector<16xf32>,
    %iota3A = tpu.iota {dimensions = array<i32: 0>} : vector<16xi32>
    %broadcast_in_dim3A_1791 = arith.constant 0xFF800000 : f32
    %broadcast_in_dim3A_1792 = vector.broadcast %broadcast_in_dim3A_1791 : f32 to vector<16xf32>
    %broadcast_in_dim3A_1793 = arith.constant 0xFF800000 : f32
    %broadcast_in_dim3A_1794 = vector.broadcast %broadcast_in_dim3A_1793 : f32 to vector<16xf32>
    %broadcast_in_dim3A_1795 = arith.constant 0xFF800000 : f32
    %broadcast_in_dim3A_1796 = vector.broadcast %broadcast_in_dim3A_1795 : f32 to vector<16xf32>
    %broadcast_in_dim3A_1797 = arith.constant 0xFF800000 : f32
    %broadcast_in_dim3A_1798 = vector.broadcast %broadcast_in_dim3A_1797 : f32 to vector<16xf32>
    %broadcast_in_dim3A_1799 = arith.constant 0 : i32
    %broadcast_in_dim3A_1800 = vector.broadcast %broadcast_in_dim3A_1799 : i32 to vector<16xi32>
    %broadcast_in_dim3A_1801 = arith.constant 0 : i32
    %broadcast_in_dim3A_1802 = vector.broadcast %broadcast_in_dim3A_1801 : i32 to vector<16xi32>
    %broadcast_in_dim3A_1803 = arith.constant 0 : i32
    %broadcast_in_dim3A_1804 = vector.broadcast %broadcast_in_dim3A_1803 : i32 to vector<16xi32>
    %broadcast_in_dim3A_1805 = arith.constant 0 : i32
    %broadcast_in_dim3A_1806 = vector.broadcast %broadcast_in_dim3A_1805 : i32 to vector<16xi32>
    %scan3A = arith.constant 0 : i32
    %scan3A_1807 = arith.constant 64 : i32
    %scan3A_1808 = arith.addi %scan3A, %scan3A_1807 : i32
    %scan3A_1809 = arith.constant 1 : i32
    %scan3A_1810:8 = scf.for %scan3A_1853 = %scan3A to %scan3A_1808 step %scan3A_1809 iter_args(%scan3A_1854 = %broadcast_in_dim3A_1792, %scan3A_1855 = %broadcast_in_dim3A_1794, %scan3A_1856 = %broadcast_in_dim3A_1796, %scan3A_1857 = %broadcast_in_dim3A_1798, %scan3A_1858 = %broadcast_in_dim3A_1800, %scan3A_1859 = %broadcast_in_dim3A_1802, %scan3A_1860 = %broadcast_in_dim3A_1804, %scan3A_1861 = %broadcast_in_dim3A_1806) -> (vector<16xf32>, vector<16xf32>, vector<16xf32>, vector<16xf32>, vector<16xi32>, vector<16xi32>, vector<16xi32>, vector<16xi32>)  : i32 {
      %broadcast_in_dim3A_1862 = arith.constant 0xFF800000 : f32
      %broadcast_in_dim3A_1863 = vector.broadcast %broadcast_in_dim3A_1862 : f32 to vector<16xf32>
      %broadcast_in_dim3A_1864 = arith.constant 0 : i32
      %broadcast_in_dim3A_1865 = vector.broadcast %broadcast_in_dim3A_1864 : i32 to vector<16xi32>
      %get3A_1866 = arith.constant 0 : index
      %get3A_1867 = tpu.vector_load %arg8[%get3A_1866] {strides = array<i32>} : memref<400xf32, #tpu.memory_space<vmem>>, vector<16xf32>,
      %get3A_1868 = vector.shape_cast %get3A_1867 : vector<16xf32> to vector<16xf32>
      %gt3A = arith.cmpf ogt, %get3A_1868, %broadcast_in_dim3A_1863 : vector<16xf32>
      %select_n3A = arith.select %gt3A, %get3A_1868, %broadcast_in_dim3A_1863 : vector<16xi1>, vector<16xf32>
      %jit3A = arith.constant 0 : i32
      %broadcast_in_dim3A_1869 = vector.broadcast %jit3A : i32 to vector<16xi32>
      %select_n3A_1870 = arith.select %gt3A, %broadcast_in_dim3A_1869, %broadcast_in_dim3A_1865 : vector<16xi1>, vector<16xi32>
      %get3A_1871 = arith.constant 16 : index
      %get3A_1872 = tpu.vector_load %arg8[%get3A_1871] {strides = array<i32>} : memref<400xf32, #tpu.memory_space<vmem>>, vector<16xf32>,
      %get3A_1873 = vector.shape_cast %get3A_1872 : vector<16xf32> to vector<16xf32>
      %gt3A_1874 = arith.cmpf ogt, %get3A_1873, %select_n3A : vector<16xf32>
      %select_n3A_1875 = arith.select %gt3A_1874, %get3A_1873, %select_n3A : vector<16xi1>, vector<16xf32>
      %jit3A_1876 = arith.constant 1 : i32
      %broadcast_in_dim3A_1877 = vector.broadcast %jit3A_1876 : i32 to vector<16xi32>
      %select_n3A_1878 = arith.select %gt3A_1874, %broadcast_in_dim3A_1877, %select_n3A_1870 : vector<16xi1>, vector<16xi32>
      %get3A_1879 = arith.constant 32 : index
      %get3A_1880 = tpu.vector_load %arg8[%get3A_1879] {strides = array<i32>} : memref<400xf32, #tpu.memory_space<vmem>>, vector<16xf32>,
      %get3A_1881 = vector.shape_cast %get3A_1880 : vector<16xf32> to vector<16xf32>
      %gt3A_1882 = arith.cmpf ogt, %get3A_1881, %select_n3A_1875 : vector<16xf32>
      %select_n3A_1883 = arith.select %gt3A_1882, %get3A_1881, %select_n3A_1875 : vector<16xi1>, vector<16xf32>
      %jit3A_1884 = arith.constant 2 : i32
      %broadcast_in_dim3A_1885 = vector.broadcast %jit3A_1884 : i32 to vector<16xi32>
      %select_n3A_1886 = arith.select %gt3A_1882, %broadcast_in_dim3A_1885, %select_n3A_1878 : vector<16xi1>, vector<16xi32>
      %get3A_1887 = arith.constant 48 : index
      %get3A_1888 = tpu.vector_load %arg8[%get3A_1887] {strides = array<i32>} : memref<400xf32, #tpu.memory_space<vmem>>, vector<16xf32>,
      %get3A_1889 = vector.shape_cast %get3A_1888 : vector<16xf32> to vector<16xf32>
      %gt3A_1890 = arith.cmpf ogt, %get3A_1889, %select_n3A_1883 : vector<16xf32>
      %select_n3A_1891 = arith.select %gt3A_1890, %get3A_1889, %select_n3A_1883 : vector<16xi1>, vector<16xf32>
      %jit3A_1892 = arith.constant 3 : i32
      %broadcast_in_dim3A_1893 = vector.broadcast %jit3A_1892 : i32 to vector<16xi32>
      %select_n3A_1894 = arith.select %gt3A_1890, %broadcast_in_dim3A_1893, %select_n3A_1886 : vector<16xi1>, vector<16xi32>
      %get3A_1895 = arith.constant 64 : index
      %get3A_1896 = tpu.vector_load %arg8[%get3A_1895] {strides = array<i32>} : memref<400xf32, #tpu.memory_space<vmem>>, vector<16xf32>,
      %get3A_1897 = vector.shape_cast %get3A_1896 : vector<16xf32> to vector<16xf32>
      %gt3A_1898 = arith.cmpf ogt, %get3A_1897, %select_n3A_1891 : vector<16xf32>
      %select_n3A_1899 = arith.select %gt3A_1898, %get3A_1897, %select_n3A_1891 : vector<16xi1>, vector<16xf32>
      %jit3A_1900 = arith.constant 4 : i32
      %broadcast_in_dim3A_1901 = vector.broadcast %jit3A_1900 : i32 to vector<16xi32>
      %select_n3A_1902 = arith.select %gt3A_1898, %broadcast_in_dim3A_1901, %select_n3A_1894 : vector<16xi1>, vector<16xi32>
      %get3A_1903 = arith.constant 80 : index
      %get3A_1904 = tpu.vector_load %arg8[%get3A_1903] {strides = array<i32>} : memref<400xf32, #tpu.memory_space<vmem>>, vector<16xf32>,
      %get3A_1905 = vector.shape_cast %get3A_1904 : vector<16xf32> to vector<16xf32>
      %gt3A_1906 = arith.cmpf ogt, %get3A_1905, %select_n3A_1899 : vector<16xf32>
      %select_n3A_1907 = arith.select %gt3A_1906, %get3A_1905, %select_n3A_1899 : vector<16xi1>, vector<16xf32>
      %jit3A_1908 = arith.constant 5 : i32
      %broadcast_in_dim3A_1909 = vector.broadcast %jit3A_1908 : i32 to vector<16xi32>
      %select_n3A_1910 = arith.select %gt3A_1906, %broadcast_in_dim3A_1909, %select_n3A_1902 : vector<16xi1>, vector<16xi32>
      %get3A_1911 = arith.constant 96 : index
      %get3A_1912 = tpu.vector_load %arg8[%get3A_1911] {strides = array<i32>} : memref<400xf32, #tpu.memory_space<vmem>>, vector<16xf32>,
      %get3A_1913 = vector.shape_cast %get3A_1912 : vector<16xf32> to vector<16xf32>
      %gt3A_1914 = arith.cmpf ogt, %get3A_1913, %select_n3A_1907 : vector<16xf32>
      %select_n3A_1915 = arith.select %gt3A_1914, %get3A_1913, %select_n3A_1907 : vector<16xi1>, vector<16xf32>
      %jit3A_1916 = arith.constant 6 : i32
      %broadcast_in_dim3A_1917 = vector.broadcast %jit3A_1916 : i32 to vector<16xi32>
      %select_n3A_1918 = arith.select %gt3A_1914, %broadcast_in_dim3A_1917, %select_n3A_1910 : vector<16xi1>, vector<16xi32>
      %get3A_1919 = arith.constant 112 : index
      %get3A_1920 = tpu.vector_load %arg8[%get3A_1919] {strides = array<i32>} : memref<400xf32, #tpu.memory_space<vmem>>, vector<16xf32>,
      %get3A_1921 = vector.shape_cast %get3A_1920 : vector<16xf32> to vector<16xf32>
      %gt3A_1922 = arith.cmpf ogt, %get3A_1921, %select_n3A_1915 : vector<16xf32>
      %select_n3A_1923 = arith.select %gt3A_1922, %get3A_1921, %select_n3A_1915 : vector<16xi1>, vector<16xf32>
      %jit3A_1924 = arith.constant 7 : i32
      %broadcast_in_dim3A_1925 = vector.broadcast %jit3A_1924 : i32 to vector<16xi32>
      %select_n3A_1926 = arith.select %gt3A_1922, %broadcast_in_dim3A_1925, %select_n3A_1918 : vector<16xi1>, vector<16xi32>
      %get3A_1927 = arith.constant 128 : index
      %get3A_1928 = tpu.vector_load %arg8[%get3A_1927] {strides = array<i32>} : memref<400xf32, #tpu.memory_space<vmem>>, vector<16xf32>,
      %get3A_1929 = vector.shape_cast %get3A_1928 : vector<16xf32> to vector<16xf32>
      %gt3A_1930 = arith.cmpf ogt, %get3A_1929, %select_n3A_1923 : vector<16xf32>
      %select_n3A_1931 = arith.select %gt3A_1930, %get3A_1929, %select_n3A_1923 : vector<16xi1>, vector<16xf32>
      %jit3A_1932 = arith.constant 8 : i32
      %broadcast_in_dim3A_1933 = vector.broadcast %jit3A_1932 : i32 to vector<16xi32>
      %select_n3A_1934 = arith.select %gt3A_1930, %broadcast_in_dim3A_1933, %select_n3A_1926 : vector<16xi1>, vector<16xi32>
      %get3A_1935 = arith.constant 144 : index
      %get3A_1936 = tpu.vector_load %arg8[%get3A_1935] {strides = array<i32>} : memref<400xf32, #tpu.memory_space<vmem>>, vector<16xf32>,
      %get3A_1937 = vector.shape_cast %get3A_1936 : vector<16xf32> to vector<16xf32>
      %gt3A_1938 = arith.cmpf ogt, %get3A_1937, %select_n3A_1931 : vector<16xf32>
      %select_n3A_1939 = arith.select %gt3A_1938, %get3A_1937, %select_n3A_1931 : vector<16xi1>, vector<16xf32>
      %jit3A_1940 = arith.constant 9 : i32
      %broadcast_in_dim3A_1941 = vector.broadcast %jit3A_1940 : i32 to vector<16xi32>
      %select_n3A_1942 = arith.select %gt3A_1938, %broadcast_in_dim3A_1941, %select_n3A_1934 : vector<16xi1>, vector<16xi32>
      %get3A_1943 = arith.constant 160 : index
      %get3A_1944 = tpu.vector_load %arg8[%get3A_1943] {strides = array<i32>} : memref<400xf32, #tpu.memory_space<vmem>>, vector<16xf32>,
      %get3A_1945 = vector.shape_cast %get3A_1944 : vector<16xf32> to vector<16xf32>
      %gt3A_1946 = arith.cmpf ogt, %get3A_1945, %select_n3A_1939 : vector<16xf32>
      %select_n3A_1947 = arith.select %gt3A_1946, %get3A_1945, %select_n3A_1939 : vector<16xi1>, vector<16xf32>
      %jit3A_1948 = arith.constant 10 : i32
      %broadcast_in_dim3A_1949 = vector.broadcast %jit3A_1948 : i32 to vector<16xi32>
      %select_n3A_1950 = arith.select %gt3A_1946, %broadcast_in_dim3A_1949, %select_n3A_1942 : vector<16xi1>, vector<16xi32>
      %get3A_1951 = arith.constant 176 : index
      %get3A_1952 = tpu.vector_load %arg8[%get3A_1951] {strides = array<i32>} : memref<400xf32, #tpu.memory_space<vmem>>, vector<16xf32>,
      %get3A_1953 = vector.shape_cast %get3A_1952 : vector<16xf32> to vector<16xf32>
      %gt3A_1954 = arith.cmpf ogt, %get3A_1953, %select_n3A_1947 : vector<16xf32>
      %select_n3A_1955 = arith.select %gt3A_1954, %get3A_1953, %select_n3A_1947 : vector<16xi1>, vector<16xf32>
      %jit3A_1956 = arith.constant 11 : i32
      %broadcast_in_dim3A_1957 = vector.broadcast %jit3A_1956 : i32 to vector<16xi32>
      %select_n3A_1958 = arith.select %gt3A_1954, %broadcast_in_dim3A_1957, %select_n3A_1950 : vector<16xi1>, vector<16xi32>
      %get3A_1959 = arith.constant 192 : index
      %get3A_1960 = tpu.vector_load %arg8[%get3A_1959] {strides = array<i32>} : memref<400xf32, #tpu.memory_space<vmem>>, vector<16xf32>,
      %get3A_1961 = vector.shape_cast %get3A_1960 : vector<16xf32> to vector<16xf32>
      %gt3A_1962 = arith.cmpf ogt, %get3A_1961, %select_n3A_1955 : vector<16xf32>
      %select_n3A_1963 = arith.select %gt3A_1962, %get3A_1961, %select_n3A_1955 : vector<16xi1>, vector<16xf32>
      %jit3A_1964 = arith.constant 12 : i32
      %broadcast_in_dim3A_1965 = vector.broadcast %jit3A_1964 : i32 to vector<16xi32>
      %select_n3A_1966 = arith.select %gt3A_1962, %broadcast_in_dim3A_1965, %select_n3A_1958 : vector<16xi1>, vector<16xi32>
      %get3A_1967 = arith.constant 208 : index
      %get3A_1968 = tpu.vector_load %arg8[%get3A_1967] {strides = array<i32>} : memref<400xf32, #tpu.memory_space<vmem>>, vector<16xf32>,
      %get3A_1969 = vector.shape_cast %get3A_1968 : vector<16xf32> to vector<16xf32>
      %gt3A_1970 = arith.cmpf ogt, %get3A_1969, %select_n3A_1963 : vector<16xf32>
      %select_n3A_1971 = arith.select %gt3A_1970, %get3A_1969, %select_n3A_1963 : vector<16xi1>, vector<16xf32>
      %jit3A_1972 = arith.constant 13 : i32
      %broadcast_in_dim3A_1973 = vector.broadcast %jit3A_1972 : i32 to vector<16xi32>
      %select_n3A_1974 = arith.select %gt3A_1970, %broadcast_in_dim3A_1973, %select_n3A_1966 : vector<16xi1>, vector<16xi32>
      %get3A_1975 = arith.constant 224 : index
      %get3A_1976 = tpu.vector_load %arg8[%get3A_1975] {strides = array<i32>} : memref<400xf32, #tpu.memory_space<vmem>>, vector<16xf32>,
      %get3A_1977 = vector.shape_cast %get3A_1976 : vector<16xf32> to vector<16xf32>
      %gt3A_1978 = arith.cmpf ogt, %get3A_1977, %select_n3A_1971 : vector<16xf32>
      %select_n3A_1979 = arith.select %gt3A_1978, %get3A_1977, %select_n3A_1971 : vector<16xi1>, vector<16xf32>
      %jit3A_1980 = arith.constant 14 : i32
      %broadcast_in_dim3A_1981 = vector.broadcast %jit3A_1980 : i32 to vector<16xi32>
      %select_n3A_1982 = arith.select %gt3A_1978, %broadcast_in_dim3A_1981, %select_n3A_1974 : vector<16xi1>, vector<16xi32>
      %get3A_1983 = arith.constant 240 : index
      %get3A_1984 = tpu.vector_load %arg8[%get3A_1983] {strides = array<i32>} : memref<400xf32, #tpu.memory_space<vmem>>, vector<16xf32>,
      %get3A_1985 = vector.shape_cast %get3A_1984 : vector<16xf32> to vector<16xf32>
      %gt3A_1986 = arith.cmpf ogt, %get3A_1985, %select_n3A_1979 : vector<16xf32>
      %select_n3A_1987 = arith.select %gt3A_1986, %get3A_1985, %select_n3A_1979 : vector<16xi1>, vector<16xf32>
      %jit3A_1988 = arith.constant 15 : i32
      %broadcast_in_dim3A_1989 = vector.broadcast %jit3A_1988 : i32 to vector<16xi32>
      %select_n3A_1990 = arith.select %gt3A_1986, %broadcast_in_dim3A_1989, %select_n3A_1982 : vector<16xi1>, vector<16xi32>
      %get3A_1991 = arith.constant 256 : index
      %get3A_1992 = tpu.vector_load %arg8[%get3A_1991] {strides = array<i32>} : memref<400xf32, #tpu.memory_space<vmem>>, vector<16xf32>,
      %get3A_1993 = vector.shape_cast %get3A_1992 : vector<16xf32> to vector<16xf32>
      %gt3A_1994 = arith.cmpf ogt, %get3A_1993, %select_n3A_1987 : vector<16xf32>
      %select_n3A_1995 = arith.select %gt3A_1994, %get3A_1993, %select_n3A_1987 : vector<16xi1>, vector<16xf32>
      %jit3A_1996 = arith.constant 16 : i32
      %broadcast_in_dim3A_1997 = vector.broadcast %jit3A_1996 : i32 to vector<16xi32>
      %select_n3A_1998 = arith.select %gt3A_1994, %broadcast_in_dim3A_1997, %select_n3A_1990 : vector<16xi1>, vector<16xi32>
      %get3A_1999 = arith.constant 272 : index
      %get3A_2000 = tpu.vector_load %arg8[%get3A_1999] {strides = array<i32>} : memref<400xf32, #tpu.memory_space<vmem>>, vector<16xf32>,
      %get3A_2001 = vector.shape_cast %get3A_2000 : vector<16xf32> to vector<16xf32>
      %gt3A_2002 = arith.cmpf ogt, %get3A_2001, %select_n3A_1995 : vector<16xf32>
      %select_n3A_2003 = arith.select %gt3A_2002, %get3A_2001, %select_n3A_1995 : vector<16xi1>, vector<16xf32>
      %jit3A_2004 = arith.constant 17 : i32
      %broadcast_in_dim3A_2005 = vector.broadcast %jit3A_2004 : i32 to vector<16xi32>
      %select_n3A_2006 = arith.select %gt3A_2002, %broadcast_in_dim3A_2005, %select_n3A_1998 : vector<16xi1>, vector<16xi32>
      %get3A_2007 = arith.constant 288 : index
      %get3A_2008 = tpu.vector_load %arg8[%get3A_2007] {strides = array<i32>} : memref<400xf32, #tpu.memory_space<vmem>>, vector<16xf32>,
      %get3A_2009 = vector.shape_cast %get3A_2008 : vector<16xf32> to vector<16xf32>
      %gt3A_2010 = arith.cmpf ogt, %get3A_2009, %select_n3A_2003 : vector<16xf32>
      %select_n3A_2011 = arith.select %gt3A_2010, %get3A_2009, %select_n3A_2003 : vector<16xi1>, vector<16xf32>
      %jit3A_2012 = arith.constant 18 : i32
      %broadcast_in_dim3A_2013 = vector.broadcast %jit3A_2012 : i32 to vector<16xi32>
      %select_n3A_2014 = arith.select %gt3A_2010, %broadcast_in_dim3A_2013, %select_n3A_2006 : vector<16xi1>, vector<16xi32>
      %get3A_2015 = arith.constant 304 : index
      %get3A_2016 = tpu.vector_load %arg8[%get3A_2015] {strides = array<i32>} : memref<400xf32, #tpu.memory_space<vmem>>, vector<16xf32>,
      %get3A_2017 = vector.shape_cast %get3A_2016 : vector<16xf32> to vector<16xf32>
      %gt3A_2018 = arith.cmpf ogt, %get3A_2017, %select_n3A_2011 : vector<16xf32>
      %select_n3A_2019 = arith.select %gt3A_2018, %get3A_2017, %select_n3A_2011 : vector<16xi1>, vector<16xf32>
      %jit3A_2020 = arith.constant 19 : i32
      %broadcast_in_dim3A_2021 = vector.broadcast %jit3A_2020 : i32 to vector<16xi32>
      %select_n3A_2022 = arith.select %gt3A_2018, %broadcast_in_dim3A_2021, %select_n3A_2014 : vector<16xi1>, vector<16xi32>
      %get3A_2023 = arith.constant 320 : index
      %get3A_2024 = tpu.vector_load %arg8[%get3A_2023] {strides = array<i32>} : memref<400xf32, #tpu.memory_space<vmem>>, vector<16xf32>,
      %get3A_2025 = vector.shape_cast %get3A_2024 : vector<16xf32> to vector<16xf32>
      %gt3A_2026 = arith.cmpf ogt, %get3A_2025, %select_n3A_2019 : vector<16xf32>
      %select_n3A_2027 = arith.select %gt3A_2026, %get3A_2025, %select_n3A_2019 : vector<16xi1>, vector<16xf32>
      %jit3A_2028 = arith.constant 20 : i32
      %broadcast_in_dim3A_2029 = vector.broadcast %jit3A_2028 : i32 to vector<16xi32>
      %select_n3A_2030 = arith.select %gt3A_2026, %broadcast_in_dim3A_2029, %select_n3A_2022 : vector<16xi1>, vector<16xi32>
      %get3A_2031 = arith.constant 336 : index
      %get3A_2032 = tpu.vector_load %arg8[%get3A_2031] {strides = array<i32>} : memref<400xf32, #tpu.memory_space<vmem>>, vector<16xf32>,
      %get3A_2033 = vector.shape_cast %get3A_2032 : vector<16xf32> to vector<16xf32>
      %gt3A_2034 = arith.cmpf ogt, %get3A_2033, %select_n3A_2027 : vector<16xf32>
      %select_n3A_2035 = arith.select %gt3A_2034, %get3A_2033, %select_n3A_2027 : vector<16xi1>, vector<16xf32>
      %jit3A_2036 = arith.constant 21 : i32
      %broadcast_in_dim3A_2037 = vector.broadcast %jit3A_2036 : i32 to vector<16xi32>
      %select_n3A_2038 = arith.select %gt3A_2034, %broadcast_in_dim3A_2037, %select_n3A_2030 : vector<16xi1>, vector<16xi32>
      %get3A_2039 = arith.constant 352 : index
      %get3A_2040 = tpu.vector_load %arg8[%get3A_2039] {strides = array<i32>} : memref<400xf32, #tpu.memory_space<vmem>>, vector<16xf32>,
      %get3A_2041 = vector.shape_cast %get3A_2040 : vector<16xf32> to vector<16xf32>
      %gt3A_2042 = arith.cmpf ogt, %get3A_2041, %select_n3A_2035 : vector<16xf32>
      %select_n3A_2043 = arith.select %gt3A_2042, %get3A_2041, %select_n3A_2035 : vector<16xi1>, vector<16xf32>
      %jit3A_2044 = arith.constant 22 : i32
      %broadcast_in_dim3A_2045 = vector.broadcast %jit3A_2044 : i32 to vector<16xi32>
      %select_n3A_2046 = arith.select %gt3A_2042, %broadcast_in_dim3A_2045, %select_n3A_2038 : vector<16xi1>, vector<16xi32>
      %get3A_2047 = arith.constant 368 : index
      %get3A_2048 = tpu.vector_load %arg8[%get3A_2047] {strides = array<i32>} : memref<400xf32, #tpu.memory_space<vmem>>, vector<16xf32>,
      %get3A_2049 = vector.shape_cast %get3A_2048 : vector<16xf32> to vector<16xf32>
      %gt3A_2050 = arith.cmpf ogt, %get3A_2049, %select_n3A_2043 : vector<16xf32>
      %select_n3A_2051 = arith.select %gt3A_2050, %get3A_2049, %select_n3A_2043 : vector<16xi1>, vector<16xf32>
      %jit3A_2052 = arith.constant 23 : i32
      %broadcast_in_dim3A_2053 = vector.broadcast %jit3A_2052 : i32 to vector<16xi32>
      %select_n3A_2054 = arith.select %gt3A_2050, %broadcast_in_dim3A_2053, %select_n3A_2046 : vector<16xi1>, vector<16xi32>
      %get3A_2055 = arith.constant 384 : index
      %get3A_2056 = tpu.vector_load %arg8[%get3A_2055] {strides = array<i32>} : memref<400xf32, #tpu.memory_space<vmem>>, vector<16xf32>,
      %get3A_2057 = vector.shape_cast %get3A_2056 : vector<16xf32> to vector<16xf32>
      %gt3A_2058 = arith.cmpf ogt, %get3A_2057, %select_n3A_2051 : vector<16xf32>
      %select_n3A_2059 = arith.select %gt3A_2058, %get3A_2057, %select_n3A_2051 : vector<16xi1>, vector<16xf32>
      %jit3A_2060 = arith.constant 24 : i32
      %broadcast_in_dim3A_2061 = vector.broadcast %jit3A_2060 : i32 to vector<16xi32>
      %select_n3A_2062 = arith.select %gt3A_2058, %broadcast_in_dim3A_2061, %select_n3A_2054 : vector<16xi1>, vector<16xi32>
      %iota3A_2063 = tpu.iota {dimensions = array<i32: 0>} : vector<16xi32>
      %xor3A = arith.constant 8 : i32
      %xor3A_2064 = vector.broadcast %xor3A : i32 to vector<16xi32>
      %xor3A_2065 = arith.xori %iota3A_2063, %xor3A_2064 : vector<16xi32>
      %lt3A_2066 = arith.constant 0 : i32
      %lt3A_2067 = vector.broadcast %lt3A_2066 : i32 to vector<16xi32>
      %lt3A_2068 = arith.cmpi slt, %xor3A_2065, %lt3A_2067 : vector<16xi32>
      %add3A = arith.constant 16 : i32
      %add3A_2069 = vector.broadcast %add3A : i32 to vector<16xi32>
      %add3A_2070 = arith.addi %xor3A_2065, %add3A_2069 : vector<16xi32>
      %select_n3A_2071 = arith.select %lt3A_2068, %add3A_2070, %xor3A_2065 : vector<16xi1>, vector<16xi32>
      %broadcast_in_dim3A_2072 = vector.shape_cast %select_n3A_2071 : vector<16xi32> to vector<16x1xi32>
      %gather3A = vector.shape_cast %broadcast_in_dim3A_2072 : vector<16x1xi32> to vector<16xi32>
      %gather3A_2073 = tpu.dynamic_gather %select_n3A_2059[%gather3A] in [0] : vector<16xf32>, vector<16xi32> -> vector<16xf32>
      %max3A_2074 = arith.maximumf %select_n3A_2059, %gather3A_2073 : vector<16xf32>
      %xor3A_2075 = arith.constant 4 : i32
      %xor3A_2076 = vector.broadcast %xor3A_2075 : i32 to vector<16xi32>
      %xor3A_2077 = arith.xori %iota3A_2063, %xor3A_2076 : vector<16xi32>
      %lt3A_2078 = arith.constant 0 : i32
      %lt3A_2079 = vector.broadcast %lt3A_2078 : i32 to vector<16xi32>
      %lt3A_2080 = arith.cmpi slt, %xor3A_2077, %lt3A_2079 : vector<16xi32>
      %add3A_2081 = arith.constant 16 : i32
      %add3A_2082 = vector.broadcast %add3A_2081 : i32 to vector<16xi32>
      %add3A_2083 = arith.addi %xor3A_2077, %add3A_2082 : vector<16xi32>
      %select_n3A_2084 = arith.select %lt3A_2080, %add3A_2083, %xor3A_2077 : vector<16xi1>, vector<16xi32>
      %broadcast_in_dim3A_2085 = vector.shape_cast %select_n3A_2084 : vector<16xi32> to vector<16x1xi32>
      %gather3A_2086 = vector.shape_cast %broadcast_in_dim3A_2085 : vector<16x1xi32> to vector<16xi32>
      %gather3A_2087 = tpu.dynamic_gather %max3A_2074[%gather3A_2086] in [0] : vector<16xf32>, vector<16xi32> -> vector<16xf32>
      %max3A_2088 = arith.maximumf %max3A_2074, %gather3A_2087 : vector<16xf32>
      %xor3A_2089 = arith.constant 2 : i32
      %xor3A_2090 = vector.broadcast %xor3A_2089 : i32 to vector<16xi32>
      %xor3A_2091 = arith.xori %iota3A_2063, %xor3A_2090 : vector<16xi32>
      %lt3A_2092 = arith.constant 0 : i32
      %lt3A_2093 = vector.broadcast %lt3A_2092 : i32 to vector<16xi32>
      %lt3A_2094 = arith.cmpi slt, %xor3A_2091, %lt3A_2093 : vector<16xi32>
      %add3A_2095 = arith.constant 16 : i32
      %add3A_2096 = vector.broadcast %add3A_2095 : i32 to vector<16xi32>
      %add3A_2097 = arith.addi %xor3A_2091, %add3A_2096 : vector<16xi32>
      %select_n3A_2098 = arith.select %lt3A_2094, %add3A_2097, %xor3A_2091 : vector<16xi1>, vector<16xi32>
      %broadcast_in_dim3A_2099 = vector.shape_cast %select_n3A_2098 : vector<16xi32> to vector<16x1xi32>
      %gather3A_2100 = vector.shape_cast %broadcast_in_dim3A_2099 : vector<16x1xi32> to vector<16xi32>
      %gather3A_2101 = tpu.dynamic_gather %max3A_2088[%gather3A_2100] in [0] : vector<16xf32>, vector<16xi32> -> vector<16xf32>
      %max3A_2102 = arith.maximumf %max3A_2088, %gather3A_2101 : vector<16xf32>
      %xor3A_2103 = arith.constant 1 : i32
      %xor3A_2104 = vector.broadcast %xor3A_2103 : i32 to vector<16xi32>
      %xor3A_2105 = arith.xori %iota3A_2063, %xor3A_2104 : vector<16xi32>
      %lt3A_2106 = arith.constant 0 : i32
      %lt3A_2107 = vector.broadcast %lt3A_2106 : i32 to vector<16xi32>
      %lt3A_2108 = arith.cmpi slt, %xor3A_2105, %lt3A_2107 : vector<16xi32>
      %add3A_2109 = arith.constant 16 : i32
      %add3A_2110 = vector.broadcast %add3A_2109 : i32 to vector<16xi32>
      %add3A_2111 = arith.addi %xor3A_2105, %add3A_2110 : vector<16xi32>
      %select_n3A_2112 = arith.select %lt3A_2108, %add3A_2111, %xor3A_2105 : vector<16xi1>, vector<16xi32>
      %broadcast_in_dim3A_2113 = vector.shape_cast %select_n3A_2112 : vector<16xi32> to vector<16x1xi32>
      %gather3A_2114 = vector.shape_cast %broadcast_in_dim3A_2113 : vector<16x1xi32> to vector<16xi32>
      %gather3A_2115 = tpu.dynamic_gather %max3A_2102[%gather3A_2114] in [0] : vector<16xf32>, vector<16xi32> -> vector<16xf32>
      %max3A_2116 = arith.maximumf %max3A_2102, %gather3A_2115 : vector<16xf32>
      %eq3A_2117 = arith.cmpf oeq, %select_n3A_2059, %max3A_2116 : vector<16xf32>
      %jit3A_2118 = arith.constant 1073741824 : i32
      %broadcast_in_dim3A_2119 = vector.broadcast %jit3A_2118 : i32 to vector<16xi32>
      %select_n3A_2120 = arith.select %eq3A_2117, %select_n3A_2062, %broadcast_in_dim3A_2119 : vector<16xi1>, vector<16xi32>
      %iota3A_2121 = tpu.iota {dimensions = array<i32: 0>} : vector<16xi32>
      %xor3A_2122 = arith.constant 8 : i32
      %xor3A_2123 = vector.broadcast %xor3A_2122 : i32 to vector<16xi32>
      %xor3A_2124 = arith.xori %iota3A_2121, %xor3A_2123 : vector<16xi32>
      %lt3A_2125 = arith.constant 0 : i32
      %lt3A_2126 = vector.broadcast %lt3A_2125 : i32 to vector<16xi32>
      %lt3A_2127 = arith.cmpi slt, %xor3A_2124, %lt3A_2126 : vector<16xi32>
      %add3A_2128 = arith.constant 16 : i32
      %add3A_2129 = vector.broadcast %add3A_2128 : i32 to vector<16xi32>
      %add3A_2130 = arith.addi %xor3A_2124, %add3A_2129 : vector<16xi32>
      %select_n3A_2131 = arith.select %lt3A_2127, %add3A_2130, %xor3A_2124 : vector<16xi1>, vector<16xi32>
      %broadcast_in_dim3A_2132 = vector.shape_cast %select_n3A_2131 : vector<16xi32> to vector<16x1xi32>
      %gather3A_2133 = vector.shape_cast %broadcast_in_dim3A_2132 : vector<16x1xi32> to vector<16xi32>
      %gather3A_2134 = tpu.dynamic_gather %select_n3A_2120[%gather3A_2133] in [0] : vector<16xi32>, vector<16xi32> -> vector<16xi32>
      %min3A = arith.minsi %select_n3A_2120, %gather3A_2134 : vector<16xi32>
      %xor3A_2135 = arith.constant 4 : i32
      %xor3A_2136 = vector.broadcast %xor3A_2135 : i32 to vector<16xi32>
      %xor3A_2137 = arith.xori %iota3A_2121, %xor3A_2136 : vector<16xi32>
      %lt3A_2138 = arith.constant 0 : i32
      %lt3A_2139 = vector.broadcast %lt3A_2138 : i32 to vector<16xi32>
      %lt3A_2140 = arith.cmpi slt, %xor3A_2137, %lt3A_2139 : vector<16xi32>
      %add3A_2141 = arith.constant 16 : i32
      %add3A_2142 = vector.broadcast %add3A_2141 : i32 to vector<16xi32>
      %add3A_2143 = arith.addi %xor3A_2137, %add3A_2142 : vector<16xi32>
      %select_n3A_2144 = arith.select %lt3A_2140, %add3A_2143, %xor3A_2137 : vector<16xi1>, vector<16xi32>
      %broadcast_in_dim3A_2145 = vector.shape_cast %select_n3A_2144 : vector<16xi32> to vector<16x1xi32>
      %gather3A_2146 = vector.shape_cast %broadcast_in_dim3A_2145 : vector<16x1xi32> to vector<16xi32>
      %gather3A_2147 = tpu.dynamic_gather %min3A[%gather3A_2146] in [0] : vector<16xi32>, vector<16xi32> -> vector<16xi32>
      %min3A_2148 = arith.minsi %min3A, %gather3A_2147 : vector<16xi32>
      %xor3A_2149 = arith.constant 2 : i32
      %xor3A_2150 = vector.broadcast %xor3A_2149 : i32 to vector<16xi32>
      %xor3A_2151 = arith.xori %iota3A_2121, %xor3A_2150 : vector<16xi32>
      %lt3A_2152 = arith.constant 0 : i32
      %lt3A_2153 = vector.broadcast %lt3A_2152 : i32 to vector<16xi32>
      %lt3A_2154 = arith.cmpi slt, %xor3A_2151, %lt3A_2153 : vector<16xi32>
      %add3A_2155 = arith.constant 16 : i32
      %add3A_2156 = vector.broadcast %add3A_2155 : i32 to vector<16xi32>
      %add3A_2157 = arith.addi %xor3A_2151, %add3A_2156 : vector<16xi32>
      %select_n3A_2158 = arith.select %lt3A_2154, %add3A_2157, %xor3A_2151 : vector<16xi1>, vector<16xi32>
      %broadcast_in_dim3A_2159 = vector.shape_cast %select_n3A_2158 : vector<16xi32> to vector<16x1xi32>
      %gather3A_2160 = vector.shape_cast %broadcast_in_dim3A_2159 : vector<16x1xi32> to vector<16xi32>
      %gather3A_2161 = tpu.dynamic_gather %min3A_2148[%gather3A_2160] in [0] : vector<16xi32>, vector<16xi32> -> vector<16xi32>
      %min3A_2162 = arith.minsi %min3A_2148, %gather3A_2161 : vector<16xi32>
      %xor3A_2163 = arith.constant 1 : i32
      %xor3A_2164 = vector.broadcast %xor3A_2163 : i32 to vector<16xi32>
      %xor3A_2165 = arith.xori %iota3A_2121, %xor3A_2164 : vector<16xi32>
      %lt3A_2166 = arith.constant 0 : i32
      %lt3A_2167 = vector.broadcast %lt3A_2166 : i32 to vector<16xi32>
      %lt3A_2168 = arith.cmpi slt, %xor3A_2165, %lt3A_2167 : vector<16xi32>
      %add3A_2169 = arith.constant 16 : i32
      %add3A_2170 = vector.broadcast %add3A_2169 : i32 to vector<16xi32>
      %add3A_2171 = arith.addi %xor3A_2165, %add3A_2170 : vector<16xi32>
      %select_n3A_2172 = arith.select %lt3A_2168, %add3A_2171, %xor3A_2165 : vector<16xi1>, vector<16xi32>
      %broadcast_in_dim3A_2173 = vector.shape_cast %select_n3A_2172 : vector<16xi32> to vector<16x1xi32>
      %gather3A_2174 = vector.shape_cast %broadcast_in_dim3A_2173 : vector<16x1xi32> to vector<16xi32>
      %gather3A_2175 = tpu.dynamic_gather %min3A_2162[%gather3A_2174] in [0] : vector<16xi32>, vector<16xi32> -> vector<16xi32>
      %min3A_2176 = arith.minsi %min3A_2162, %gather3A_2175 : vector<16xi32>
      %slice3A = vector.extract_strided_slice %min3A_2176 {offsets = [0], sizes = [1], strides = [1]} : vector<16xi32> to vector<1xi32>
      %squeeze3A = vector.extract %slice3A[0] : i32 from vector<1xi32>
      %broadcast_in_dim3A_2177 = arith.constant 1073741824 : i32
      %broadcast_in_dim3A_2178 = vector.broadcast %broadcast_in_dim3A_2177 : i32 to vector<16xi32>
      %mul3A_2179 = arith.constant 256 : i32
      %mul3A_2180 = arith.muli %squeeze3A, %mul3A_2179 : i32
      %add3A_2181 = arith.constant 0 : i32
      %add3A_2182 = arith.addi %mul3A_2180, %add3A_2181 : i32
      %get3A_2183 = arith.index_cast %add3A_2182 : i32 to index
      %get3A_2184 = tpu.vector_load %arg7[%get3A_2183] {strides = array<i32>} : memref<6400xf32, #tpu.memory_space<vmem>>, vector<16xf32>,
      %get3A_2185 = vector.shape_cast %get3A_2184 : vector<16xf32> to vector<16xf32>
      %eq3A_2186 = arith.cmpf oeq, %get3A_2185, %max3A_2116 : vector<16xf32>
      %jit3A_2187 = arith.constant 0 : i32
      %jit3A_2188 = arith.constant 1073741824 : i32
      %broadcast_in_dim3A_2189 = vector.broadcast %jit3A_2187 : i32 to vector<16xi32>
      %broadcast_in_dim3A_2190 = vector.broadcast %jit3A_2188 : i32 to vector<16xi32>
      %select_n3A_2191 = arith.select %eq3A_2186, %broadcast_in_dim3A_2189, %broadcast_in_dim3A_2190 : vector<16xi1>, vector<16xi32>
      %min3A_2192 = arith.minsi %broadcast_in_dim3A_2178, %select_n3A_2191 : vector<16xi32>
      %mul3A_2193 = arith.constant 256 : i32
      %mul3A_2194 = arith.muli %squeeze3A, %mul3A_2193 : i32
      %add3A_2195 = arith.constant 16 : i32
      %add3A_2196 = arith.addi %mul3A_2194, %add3A_2195 : i32
      %get3A_2197 = arith.index_cast %add3A_2196 : i32 to index
      %get3A_2198 = tpu.vector_load %arg7[%get3A_2197] {strides = array<i32>} : memref<6400xf32, #tpu.memory_space<vmem>>, vector<16xf32>,
      %get3A_2199 = vector.shape_cast %get3A_2198 : vector<16xf32> to vector<16xf32>
      %eq3A_2200 = arith.cmpf oeq, %get3A_2199, %max3A_2116 : vector<16xf32>
      %jit3A_2201 = arith.constant 1 : i32
      %jit3A_2202 = arith.constant 1073741824 : i32
      %broadcast_in_dim3A_2203 = vector.broadcast %jit3A_2201 : i32 to vector<16xi32>
      %broadcast_in_dim3A_2204 = vector.broadcast %jit3A_2202 : i32 to vector<16xi32>
      %select_n3A_2205 = arith.select %eq3A_2200, %broadcast_in_dim3A_2203, %broadcast_in_dim3A_2204 : vector<16xi1>, vector<16xi32>
      %min3A_2206 = arith.minsi %min3A_2192, %select_n3A_2205 : vector<16xi32>
      %mul3A_2207 = arith.constant 256 : i32
      %mul3A_2208 = arith.muli %squeeze3A, %mul3A_2207 : i32
      %add3A_2209 = arith.constant 32 : i32
      %add3A_2210 = arith.addi %mul3A_2208, %add3A_2209 : i32
      %get3A_2211 = arith.index_cast %add3A_2210 : i32 to index
      %get3A_2212 = tpu.vector_load %arg7[%get3A_2211] {strides = array<i32>} : memref<6400xf32, #tpu.memory_space<vmem>>, vector<16xf32>,
      %get3A_2213 = vector.shape_cast %get3A_2212 : vector<16xf32> to vector<16xf32>
      %eq3A_2214 = arith.cmpf oeq, %get3A_2213, %max3A_2116 : vector<16xf32>
      %jit3A_2215 = arith.constant 2 : i32
      %jit3A_2216 = arith.constant 1073741824 : i32
      %broadcast_in_dim3A_2217 = vector.broadcast %jit3A_2215 : i32 to vector<16xi32>
      %broadcast_in_dim3A_2218 = vector.broadcast %jit3A_2216 : i32 to vector<16xi32>
      %select_n3A_2219 = arith.select %eq3A_2214, %broadcast_in_dim3A_2217, %broadcast_in_dim3A_2218 : vector<16xi1>, vector<16xi32>
      %min3A_2220 = arith.minsi %min3A_2206, %select_n3A_2219 : vector<16xi32>
      %mul3A_2221 = arith.constant 256 : i32
      %mul3A_2222 = arith.muli %squeeze3A, %mul3A_2221 : i32
      %add3A_2223 = arith.constant 48 : i32
      %add3A_2224 = arith.addi %mul3A_2222, %add3A_2223 : i32
      %get3A_2225 = arith.index_cast %add3A_2224 : i32 to index
      %get3A_2226 = tpu.vector_load %arg7[%get3A_2225] {strides = array<i32>} : memref<6400xf32, #tpu.memory_space<vmem>>, vector<16xf32>,
      %get3A_2227 = vector.shape_cast %get3A_2226 : vector<16xf32> to vector<16xf32>
      %eq3A_2228 = arith.cmpf oeq, %get3A_2227, %max3A_2116 : vector<16xf32>
      %jit3A_2229 = arith.constant 3 : i32
      %jit3A_2230 = arith.constant 1073741824 : i32
      %broadcast_in_dim3A_2231 = vector.broadcast %jit3A_2229 : i32 to vector<16xi32>
      %broadcast_in_dim3A_2232 = vector.broadcast %jit3A_2230 : i32 to vector<16xi32>
      %select_n3A_2233 = arith.select %eq3A_2228, %broadcast_in_dim3A_2231, %broadcast_in_dim3A_2232 : vector<16xi1>, vector<16xi32>
      %min3A_2234 = arith.minsi %min3A_2220, %select_n3A_2233 : vector<16xi32>
      %mul3A_2235 = arith.constant 256 : i32
      %mul3A_2236 = arith.muli %squeeze3A, %mul3A_2235 : i32
      %add3A_2237 = arith.constant 64 : i32
      %add3A_2238 = arith.addi %mul3A_2236, %add3A_2237 : i32
      %get3A_2239 = arith.index_cast %add3A_2238 : i32 to index
      %get3A_2240 = tpu.vector_load %arg7[%get3A_2239] {strides = array<i32>} : memref<6400xf32, #tpu.memory_space<vmem>>, vector<16xf32>,
      %get3A_2241 = vector.shape_cast %get3A_2240 : vector<16xf32> to vector<16xf32>
      %eq3A_2242 = arith.cmpf oeq, %get3A_2241, %max3A_2116 : vector<16xf32>
      %jit3A_2243 = arith.constant 4 : i32
      %jit3A_2244 = arith.constant 1073741824 : i32
      %broadcast_in_dim3A_2245 = vector.broadcast %jit3A_2243 : i32 to vector<16xi32>
      %broadcast_in_dim3A_2246 = vector.broadcast %jit3A_2244 : i32 to vector<16xi32>
      %select_n3A_2247 = arith.select %eq3A_2242, %broadcast_in_dim3A_2245, %broadcast_in_dim3A_2246 : vector<16xi1>, vector<16xi32>
      %min3A_2248 = arith.minsi %min3A_2234, %select_n3A_2247 : vector<16xi32>
      %mul3A_2249 = arith.constant 256 : i32
      %mul3A_2250 = arith.muli %squeeze3A, %mul3A_2249 : i32
      %add3A_2251 = arith.constant 80 : i32
      %add3A_2252 = arith.addi %mul3A_2250, %add3A_2251 : i32
      %get3A_2253 = arith.index_cast %add3A_2252 : i32 to index
      %get3A_2254 = tpu.vector_load %arg7[%get3A_2253] {strides = array<i32>} : memref<6400xf32, #tpu.memory_space<vmem>>, vector<16xf32>,
      %get3A_2255 = vector.shape_cast %get3A_2254 : vector<16xf32> to vector<16xf32>
      %eq3A_2256 = arith.cmpf oeq, %get3A_2255, %max3A_2116 : vector<16xf32>
      %jit3A_2257 = arith.constant 5 : i32
      %jit3A_2258 = arith.constant 1073741824 : i32
      %broadcast_in_dim3A_2259 = vector.broadcast %jit3A_2257 : i32 to vector<16xi32>
      %broadcast_in_dim3A_2260 = vector.broadcast %jit3A_2258 : i32 to vector<16xi32>
      %select_n3A_2261 = arith.select %eq3A_2256, %broadcast_in_dim3A_2259, %broadcast_in_dim3A_2260 : vector<16xi1>, vector<16xi32>
      %min3A_2262 = arith.minsi %min3A_2248, %select_n3A_2261 : vector<16xi32>
      %mul3A_2263 = arith.constant 256 : i32
      %mul3A_2264 = arith.muli %squeeze3A, %mul3A_2263 : i32
      %add3A_2265 = arith.constant 96 : i32
      %add3A_2266 = arith.addi %mul3A_2264, %add3A_2265 : i32
      %get3A_2267 = arith.index_cast %add3A_2266 : i32 to index
      %get3A_2268 = tpu.vector_load %arg7[%get3A_2267] {strides = array<i32>} : memref<6400xf32, #tpu.memory_space<vmem>>, vector<16xf32>,
      %get3A_2269 = vector.shape_cast %get3A_2268 : vector<16xf32> to vector<16xf32>
      %eq3A_2270 = arith.cmpf oeq, %get3A_2269, %max3A_2116 : vector<16xf32>
      %jit3A_2271 = arith.constant 6 : i32
      %jit3A_2272 = arith.constant 1073741824 : i32
      %broadcast_in_dim3A_2273 = vector.broadcast %jit3A_2271 : i32 to vector<16xi32>
      %broadcast_in_dim3A_2274 = vector.broadcast %jit3A_2272 : i32 to vector<16xi32>
      %select_n3A_2275 = arith.select %eq3A_2270, %broadcast_in_dim3A_2273, %broadcast_in_dim3A_2274 : vector<16xi1>, vector<16xi32>
      %min3A_2276 = arith.minsi %min3A_2262, %select_n3A_2275 : vector<16xi32>
      %mul3A_2277 = arith.constant 256 : i32
      %mul3A_2278 = arith.muli %squeeze3A, %mul3A_2277 : i32
      %add3A_2279 = arith.constant 112 : i32
      %add3A_2280 = arith.addi %mul3A_2278, %add3A_2279 : i32
      %get3A_2281 = arith.index_cast %add3A_2280 : i32 to index
      %get3A_2282 = tpu.vector_load %arg7[%get3A_2281] {strides = array<i32>} : memref<6400xf32, #tpu.memory_space<vmem>>, vector<16xf32>,
      %get3A_2283 = vector.shape_cast %get3A_2282 : vector<16xf32> to vector<16xf32>
      %eq3A_2284 = arith.cmpf oeq, %get3A_2283, %max3A_2116 : vector<16xf32>
      %jit3A_2285 = arith.constant 7 : i32
      %jit3A_2286 = arith.constant 1073741824 : i32
      %broadcast_in_dim3A_2287 = vector.broadcast %jit3A_2285 : i32 to vector<16xi32>
      %broadcast_in_dim3A_2288 = vector.broadcast %jit3A_2286 : i32 to vector<16xi32>
      %select_n3A_2289 = arith.select %eq3A_2284, %broadcast_in_dim3A_2287, %broadcast_in_dim3A_2288 : vector<16xi1>, vector<16xi32>
      %min3A_2290 = arith.minsi %min3A_2276, %select_n3A_2289 : vector<16xi32>
      %mul3A_2291 = arith.constant 256 : i32
      %mul3A_2292 = arith.muli %squeeze3A, %mul3A_2291 : i32
      %add3A_2293 = arith.constant 128 : i32
      %add3A_2294 = arith.addi %mul3A_2292, %add3A_2293 : i32
      %get3A_2295 = arith.index_cast %add3A_2294 : i32 to index
      %get3A_2296 = tpu.vector_load %arg7[%get3A_2295] {strides = array<i32>} : memref<6400xf32, #tpu.memory_space<vmem>>, vector<16xf32>,
      %get3A_2297 = vector.shape_cast %get3A_2296 : vector<16xf32> to vector<16xf32>
      %eq3A_2298 = arith.cmpf oeq, %get3A_2297, %max3A_2116 : vector<16xf32>
      %jit3A_2299 = arith.constant 8 : i32
      %jit3A_2300 = arith.constant 1073741824 : i32
      %broadcast_in_dim3A_2301 = vector.broadcast %jit3A_2299 : i32 to vector<16xi32>
      %broadcast_in_dim3A_2302 = vector.broadcast %jit3A_2300 : i32 to vector<16xi32>
      %select_n3A_2303 = arith.select %eq3A_2298, %broadcast_in_dim3A_2301, %broadcast_in_dim3A_2302 : vector<16xi1>, vector<16xi32>
      %min3A_2304 = arith.minsi %min3A_2290, %select_n3A_2303 : vector<16xi32>
      %mul3A_2305 = arith.constant 256 : i32
      %mul3A_2306 = arith.muli %squeeze3A, %mul3A_2305 : i32
      %add3A_2307 = arith.constant 144 : i32
      %add3A_2308 = arith.addi %mul3A_2306, %add3A_2307 : i32
      %get3A_2309 = arith.index_cast %add3A_2308 : i32 to index
      %get3A_2310 = tpu.vector_load %arg7[%get3A_2309] {strides = array<i32>} : memref<6400xf32, #tpu.memory_space<vmem>>, vector<16xf32>,
      %get3A_2311 = vector.shape_cast %get3A_2310 : vector<16xf32> to vector<16xf32>
      %eq3A_2312 = arith.cmpf oeq, %get3A_2311, %max3A_2116 : vector<16xf32>
      %jit3A_2313 = arith.constant 9 : i32
      %jit3A_2314 = arith.constant 1073741824 : i32
      %broadcast_in_dim3A_2315 = vector.broadcast %jit3A_2313 : i32 to vector<16xi32>
      %broadcast_in_dim3A_2316 = vector.broadcast %jit3A_2314 : i32 to vector<16xi32>
      %select_n3A_2317 = arith.select %eq3A_2312, %broadcast_in_dim3A_2315, %broadcast_in_dim3A_2316 : vector<16xi1>, vector<16xi32>
      %min3A_2318 = arith.minsi %min3A_2304, %select_n3A_2317 : vector<16xi32>
      %mul3A_2319 = arith.constant 256 : i32
      %mul3A_2320 = arith.muli %squeeze3A, %mul3A_2319 : i32
      %add3A_2321 = arith.constant 160 : i32
      %add3A_2322 = arith.addi %mul3A_2320, %add3A_2321 : i32
      %get3A_2323 = arith.index_cast %add3A_2322 : i32 to index
      %get3A_2324 = tpu.vector_load %arg7[%get3A_2323] {strides = array<i32>} : memref<6400xf32, #tpu.memory_space<vmem>>, vector<16xf32>,
      %get3A_2325 = vector.shape_cast %get3A_2324 : vector<16xf32> to vector<16xf32>
      %eq3A_2326 = arith.cmpf oeq, %get3A_2325, %max3A_2116 : vector<16xf32>
      %jit3A_2327 = arith.constant 10 : i32
      %jit3A_2328 = arith.constant 1073741824 : i32
      %broadcast_in_dim3A_2329 = vector.broadcast %jit3A_2327 : i32 to vector<16xi32>
      %broadcast_in_dim3A_2330 = vector.broadcast %jit3A_2328 : i32 to vector<16xi32>
      %select_n3A_2331 = arith.select %eq3A_2326, %broadcast_in_dim3A_2329, %broadcast_in_dim3A_2330 : vector<16xi1>, vector<16xi32>
      %min3A_2332 = arith.minsi %min3A_2318, %select_n3A_2331 : vector<16xi32>
      %mul3A_2333 = arith.constant 256 : i32
      %mul3A_2334 = arith.muli %squeeze3A, %mul3A_2333 : i32
      %add3A_2335 = arith.constant 176 : i32
      %add3A_2336 = arith.addi %mul3A_2334, %add3A_2335 : i32
      %get3A_2337 = arith.index_cast %add3A_2336 : i32 to index
      %get3A_2338 = tpu.vector_load %arg7[%get3A_2337] {strides = array<i32>} : memref<6400xf32, #tpu.memory_space<vmem>>, vector<16xf32>,
      %get3A_2339 = vector.shape_cast %get3A_2338 : vector<16xf32> to vector<16xf32>
      %eq3A_2340 = arith.cmpf oeq, %get3A_2339, %max3A_2116 : vector<16xf32>
      %jit3A_2341 = arith.constant 11 : i32
      %jit3A_2342 = arith.constant 1073741824 : i32
      %broadcast_in_dim3A_2343 = vector.broadcast %jit3A_2341 : i32 to vector<16xi32>
      %broadcast_in_dim3A_2344 = vector.broadcast %jit3A_2342 : i32 to vector<16xi32>
      %select_n3A_2345 = arith.select %eq3A_2340, %broadcast_in_dim3A_2343, %broadcast_in_dim3A_2344 : vector<16xi1>, vector<16xi32>
      %min3A_2346 = arith.minsi %min3A_2332, %select_n3A_2345 : vector<16xi32>
      %mul3A_2347 = arith.constant 256 : i32
      %mul3A_2348 = arith.muli %squeeze3A, %mul3A_2347 : i32
      %add3A_2349 = arith.constant 192 : i32
      %add3A_2350 = arith.addi %mul3A_2348, %add3A_2349 : i32
      %get3A_2351 = arith.index_cast %add3A_2350 : i32 to index
      %get3A_2352 = tpu.vector_load %arg7[%get3A_2351] {strides = array<i32>} : memref<6400xf32, #tpu.memory_space<vmem>>, vector<16xf32>,
      %get3A_2353 = vector.shape_cast %get3A_2352 : vector<16xf32> to vector<16xf32>
      %eq3A_2354 = arith.cmpf oeq, %get3A_2353, %max3A_2116 : vector<16xf32>
      %jit3A_2355 = arith.constant 12 : i32
      %jit3A_2356 = arith.constant 1073741824 : i32
      %broadcast_in_dim3A_2357 = vector.broadcast %jit3A_2355 : i32 to vector<16xi32>
      %broadcast_in_dim3A_2358 = vector.broadcast %jit3A_2356 : i32 to vector<16xi32>
      %select_n3A_2359 = arith.select %eq3A_2354, %broadcast_in_dim3A_2357, %broadcast_in_dim3A_2358 : vector<16xi1>, vector<16xi32>
      %min3A_2360 = arith.minsi %min3A_2346, %select_n3A_2359 : vector<16xi32>
      %mul3A_2361 = arith.constant 256 : i32
      %mul3A_2362 = arith.muli %squeeze3A, %mul3A_2361 : i32
      %add3A_2363 = arith.constant 208 : i32
      %add3A_2364 = arith.addi %mul3A_2362, %add3A_2363 : i32
      %get3A_2365 = arith.index_cast %add3A_2364 : i32 to index
      %get3A_2366 = tpu.vector_load %arg7[%get3A_2365] {strides = array<i32>} : memref<6400xf32, #tpu.memory_space<vmem>>, vector<16xf32>,
      %get3A_2367 = vector.shape_cast %get3A_2366 : vector<16xf32> to vector<16xf32>
      %eq3A_2368 = arith.cmpf oeq, %get3A_2367, %max3A_2116 : vector<16xf32>
      %jit3A_2369 = arith.constant 13 : i32
      %jit3A_2370 = arith.constant 1073741824 : i32
      %broadcast_in_dim3A_2371 = vector.broadcast %jit3A_2369 : i32 to vector<16xi32>
      %broadcast_in_dim3A_2372 = vector.broadcast %jit3A_2370 : i32 to vector<16xi32>
      %select_n3A_2373 = arith.select %eq3A_2368, %broadcast_in_dim3A_2371, %broadcast_in_dim3A_2372 : vector<16xi1>, vector<16xi32>
      %min3A_2374 = arith.minsi %min3A_2360, %select_n3A_2373 : vector<16xi32>
      %mul3A_2375 = arith.constant 256 : i32
      %mul3A_2376 = arith.muli %squeeze3A, %mul3A_2375 : i32
      %add3A_2377 = arith.constant 224 : i32
      %add3A_2378 = arith.addi %mul3A_2376, %add3A_2377 : i32
      %get3A_2379 = arith.index_cast %add3A_2378 : i32 to index
      %get3A_2380 = tpu.vector_load %arg7[%get3A_2379] {strides = array<i32>} : memref<6400xf32, #tpu.memory_space<vmem>>, vector<16xf32>,
      %get3A_2381 = vector.shape_cast %get3A_2380 : vector<16xf32> to vector<16xf32>
      %eq3A_2382 = arith.cmpf oeq, %get3A_2381, %max3A_2116 : vector<16xf32>
      %jit3A_2383 = arith.constant 14 : i32
      %jit3A_2384 = arith.constant 1073741824 : i32
      %broadcast_in_dim3A_2385 = vector.broadcast %jit3A_2383 : i32 to vector<16xi32>
      %broadcast_in_dim3A_2386 = vector.broadcast %jit3A_2384 : i32 to vector<16xi32>
      %select_n3A_2387 = arith.select %eq3A_2382, %broadcast_in_dim3A_2385, %broadcast_in_dim3A_2386 : vector<16xi1>, vector<16xi32>
      %min3A_2388 = arith.minsi %min3A_2374, %select_n3A_2387 : vector<16xi32>
      %mul3A_2389 = arith.constant 256 : i32
      %mul3A_2390 = arith.muli %squeeze3A, %mul3A_2389 : i32
      %add3A_2391 = arith.constant 240 : i32
      %add3A_2392 = arith.addi %mul3A_2390, %add3A_2391 : i32
      %get3A_2393 = arith.index_cast %add3A_2392 : i32 to index
      %get3A_2394 = tpu.vector_load %arg7[%get3A_2393] {strides = array<i32>} : memref<6400xf32, #tpu.memory_space<vmem>>, vector<16xf32>,
      %get3A_2395 = vector.shape_cast %get3A_2394 : vector<16xf32> to vector<16xf32>
      %eq3A_2396 = arith.cmpf oeq, %get3A_2395, %max3A_2116 : vector<16xf32>
      %jit3A_2397 = arith.constant 15 : i32
      %jit3A_2398 = arith.constant 1073741824 : i32
      %broadcast_in_dim3A_2399 = vector.broadcast %jit3A_2397 : i32 to vector<16xi32>
      %broadcast_in_dim3A_2400 = vector.broadcast %jit3A_2398 : i32 to vector<16xi32>
      %select_n3A_2401 = arith.select %eq3A_2396, %broadcast_in_dim3A_2399, %broadcast_in_dim3A_2400 : vector<16xi1>, vector<16xi32>
      %min3A_2402 = arith.minsi %min3A_2388, %select_n3A_2401 : vector<16xi32>
      %iota3A_2403 = tpu.iota {dimensions = array<i32: 0>} : vector<16xi32>
      %xor3A_2404 = arith.constant 8 : i32
      %xor3A_2405 = vector.broadcast %xor3A_2404 : i32 to vector<16xi32>
      %xor3A_2406 = arith.xori %iota3A_2403, %xor3A_2405 : vector<16xi32>
      %lt3A_2407 = arith.constant 0 : i32
      %lt3A_2408 = vector.broadcast %lt3A_2407 : i32 to vector<16xi32>
      %lt3A_2409 = arith.cmpi slt, %xor3A_2406, %lt3A_2408 : vector<16xi32>
      %add3A_2410 = arith.constant 16 : i32
      %add3A_2411 = vector.broadcast %add3A_2410 : i32 to vector<16xi32>
      %add3A_2412 = arith.addi %xor3A_2406, %add3A_2411 : vector<16xi32>
      %select_n3A_2413 = arith.select %lt3A_2409, %add3A_2412, %xor3A_2406 : vector<16xi1>, vector<16xi32>
      %broadcast_in_dim3A_2414 = vector.shape_cast %select_n3A_2413 : vector<16xi32> to vector<16x1xi32>
      %gather3A_2415 = vector.shape_cast %broadcast_in_dim3A_2414 : vector<16x1xi32> to vector<16xi32>
      %gather3A_2416 = tpu.dynamic_gather %min3A_2402[%gather3A_2415] in [0] : vector<16xi32>, vector<16xi32> -> vector<16xi32>
      %min3A_2417 = arith.minsi %min3A_2402, %gather3A_2416 : vector<16xi32>
      %xor3A_2418 = arith.constant 4 : i32
      %xor3A_2419 = vector.broadcast %xor3A_2418 : i32 to vector<16xi32>
      %xor3A_2420 = arith.xori %iota3A_2403, %xor3A_2419 : vector<16xi32>
      %lt3A_2421 = arith.constant 0 : i32
      %lt3A_2422 = vector.broadcast %lt3A_2421 : i32 to vector<16xi32>
      %lt3A_2423 = arith.cmpi slt, %xor3A_2420, %lt3A_2422 : vector<16xi32>
      %add3A_2424 = arith.constant 16 : i32
      %add3A_2425 = vector.broadcast %add3A_2424 : i32 to vector<16xi32>
      %add3A_2426 = arith.addi %xor3A_2420, %add3A_2425 : vector<16xi32>
      %select_n3A_2427 = arith.select %lt3A_2423, %add3A_2426, %xor3A_2420 : vector<16xi1>, vector<16xi32>
      %broadcast_in_dim3A_2428 = vector.shape_cast %select_n3A_2427 : vector<16xi32> to vector<16x1xi32>
      %gather3A_2429 = vector.shape_cast %broadcast_in_dim3A_2428 : vector<16x1xi32> to vector<16xi32>
      %gather3A_2430 = tpu.dynamic_gather %min3A_2417[%gather3A_2429] in [0] : vector<16xi32>, vector<16xi32> -> vector<16xi32>
      %min3A_2431 = arith.minsi %min3A_2417, %gather3A_2430 : vector<16xi32>
      %xor3A_2432 = arith.constant 2 : i32
      %xor3A_2433 = vector.broadcast %xor3A_2432 : i32 to vector<16xi32>
      %xor3A_2434 = arith.xori %iota3A_2403, %xor3A_2433 : vector<16xi32>
      %lt3A_2435 = arith.constant 0 : i32
      %lt3A_2436 = vector.broadcast %lt3A_2435 : i32 to vector<16xi32>
      %lt3A_2437 = arith.cmpi slt, %xor3A_2434, %lt3A_2436 : vector<16xi32>
      %add3A_2438 = arith.constant 16 : i32
      %add3A_2439 = vector.broadcast %add3A_2438 : i32 to vector<16xi32>
      %add3A_2440 = arith.addi %xor3A_2434, %add3A_2439 : vector<16xi32>
      %select_n3A_2441 = arith.select %lt3A_2437, %add3A_2440, %xor3A_2434 : vector<16xi1>, vector<16xi32>
      %broadcast_in_dim3A_2442 = vector.shape_cast %select_n3A_2441 : vector<16xi32> to vector<16x1xi32>
      %gather3A_2443 = vector.shape_cast %broadcast_in_dim3A_2442 : vector<16x1xi32> to vector<16xi32>
      %gather3A_2444 = tpu.dynamic_gather %min3A_2431[%gather3A_2443] in [0] : vector<16xi32>, vector<16xi32> -> vector<16xi32>
      %min3A_2445 = arith.minsi %min3A_2431, %gather3A_2444 : vector<16xi32>
      %xor3A_2446 = arith.constant 1 : i32
      %xor3A_2447 = vector.broadcast %xor3A_2446 : i32 to vector<16xi32>
      %xor3A_2448 = arith.xori %iota3A_2403, %xor3A_2447 : vector<16xi32>
      %lt3A_2449 = arith.constant 0 : i32
      %lt3A_2450 = vector.broadcast %lt3A_2449 : i32 to vector<16xi32>
      %lt3A_2451 = arith.cmpi slt, %xor3A_2448, %lt3A_2450 : vector<16xi32>
      %add3A_2452 = arith.constant 16 : i32
      %add3A_2453 = vector.broadcast %add3A_2452 : i32 to vector<16xi32>
      %add3A_2454 = arith.addi %xor3A_2448, %add3A_2453 : vector<16xi32>
      %select_n3A_2455 = arith.select %lt3A_2451, %add3A_2454, %xor3A_2448 : vector<16xi1>, vector<16xi32>
      %broadcast_in_dim3A_2456 = vector.shape_cast %select_n3A_2455 : vector<16xi32> to vector<16x1xi32>
      %gather3A_2457 = vector.shape_cast %broadcast_in_dim3A_2456 : vector<16x1xi32> to vector<16xi32>
      %gather3A_2458 = tpu.dynamic_gather %min3A_2445[%gather3A_2457] in [0] : vector<16xi32>, vector<16xi32> -> vector<16xi32>
      %min3A_2459 = arith.minsi %min3A_2445, %gather3A_2458 : vector<16xi32>
      %slice3A_2460 = vector.extract_strided_slice %min3A_2459 {offsets = [0], sizes = [1], strides = [1]} : vector<16xi32> to vector<1xi32>
      %squeeze3A_2461 = vector.extract %slice3A_2460[0] : i32 from vector<1xi32>
      %mul3A_2462 = arith.constant 256 : i32
      %mul3A_2463 = arith.muli %squeeze3A, %mul3A_2462 : i32
      %mul3A_2464 = arith.constant 16 : i32
      %mul3A_2465 = arith.muli %squeeze3A_2461, %mul3A_2464 : i32
      %add3A_2466 = arith.addi %mul3A_2463, %mul3A_2465 : i32
      %get3A_2467 = arith.index_cast %add3A_2466 : i32 to index
      %get3A_2468 = tpu.vector_load %arg7[%get3A_2467] {strides = array<i32>} : memref<6400xf32, #tpu.memory_space<vmem>>, vector<16xf32>,
      %get3A_2469 = vector.shape_cast %get3A_2468 : vector<16xf32> to vector<16xf32>
      %eq3A_2470 = arith.cmpf oeq, %get3A_2469, %max3A_2116 : vector<16xf32>
      %jit3A_2471 = arith.constant 1073741824 : i32
      %broadcast_in_dim3A_2472 = vector.broadcast %jit3A_2471 : i32 to vector<16xi32>
      %select_n3A_2473 = arith.select %eq3A_2470, %iota3A, %broadcast_in_dim3A_2472 : vector<16xi1>, vector<16xi32>
      %iota3A_2474 = tpu.iota {dimensions = array<i32: 0>} : vector<16xi32>
      %xor3A_2475 = arith.constant 8 : i32
      %xor3A_2476 = vector.broadcast %xor3A_2475 : i32 to vector<16xi32>
      %xor3A_2477 = arith.xori %iota3A_2474, %xor3A_2476 : vector<16xi32>
      %lt3A_2478 = arith.constant 0 : i32
      %lt3A_2479 = vector.broadcast %lt3A_2478 : i32 to vector<16xi32>
      %lt3A_2480 = arith.cmpi slt, %xor3A_2477, %lt3A_2479 : vector<16xi32>
      %add3A_2481 = arith.constant 16 : i32
      %add3A_2482 = vector.broadcast %add3A_2481 : i32 to vector<16xi32>
      %add3A_2483 = arith.addi %xor3A_2477, %add3A_2482 : vector<16xi32>
      %select_n3A_2484 = arith.select %lt3A_2480, %add3A_2483, %xor3A_2477 : vector<16xi1>, vector<16xi32>
      %broadcast_in_dim3A_2485 = vector.shape_cast %select_n3A_2484 : vector<16xi32> to vector<16x1xi32>
      %gather3A_2486 = vector.shape_cast %broadcast_in_dim3A_2485 : vector<16x1xi32> to vector<16xi32>
      %gather3A_2487 = tpu.dynamic_gather %select_n3A_2473[%gather3A_2486] in [0] : vector<16xi32>, vector<16xi32> -> vector<16xi32>
      %min3A_2488 = arith.minsi %select_n3A_2473, %gather3A_2487 : vector<16xi32>
      %xor3A_2489 = arith.constant 4 : i32
      %xor3A_2490 = vector.broadcast %xor3A_2489 : i32 to vector<16xi32>
      %xor3A_2491 = arith.xori %iota3A_2474, %xor3A_2490 : vector<16xi32>
      %lt3A_2492 = arith.constant 0 : i32
      %lt3A_2493 = vector.broadcast %lt3A_2492 : i32 to vector<16xi32>
      %lt3A_2494 = arith.cmpi slt, %xor3A_2491, %lt3A_2493 : vector<16xi32>
      %add3A_2495 = arith.constant 16 : i32
      %add3A_2496 = vector.broadcast %add3A_2495 : i32 to vector<16xi32>
      %add3A_2497 = arith.addi %xor3A_2491, %add3A_2496 : vector<16xi32>
      %select_n3A_2498 = arith.select %lt3A_2494, %add3A_2497, %xor3A_2491 : vector<16xi1>, vector<16xi32>
      %broadcast_in_dim3A_2499 = vector.shape_cast %select_n3A_2498 : vector<16xi32> to vector<16x1xi32>
      %gather3A_2500 = vector.shape_cast %broadcast_in_dim3A_2499 : vector<16x1xi32> to vector<16xi32>
      %gather3A_2501 = tpu.dynamic_gather %min3A_2488[%gather3A_2500] in [0] : vector<16xi32>, vector<16xi32> -> vector<16xi32>
      %min3A_2502 = arith.minsi %min3A_2488, %gather3A_2501 : vector<16xi32>
      %xor3A_2503 = arith.constant 2 : i32
      %xor3A_2504 = vector.broadcast %xor3A_2503 : i32 to vector<16xi32>
      %xor3A_2505 = arith.xori %iota3A_2474, %xor3A_2504 : vector<16xi32>
      %lt3A_2506 = arith.constant 0 : i32
      %lt3A_2507 = vector.broadcast %lt3A_2506 : i32 to vector<16xi32>
      %lt3A_2508 = arith.cmpi slt, %xor3A_2505, %lt3A_2507 : vector<16xi32>
      %add3A_2509 = arith.constant 16 : i32
      %add3A_2510 = vector.broadcast %add3A_2509 : i32 to vector<16xi32>
      %add3A_2511 = arith.addi %xor3A_2505, %add3A_2510 : vector<16xi32>
      %select_n3A_2512 = arith.select %lt3A_2508, %add3A_2511, %xor3A_2505 : vector<16xi1>, vector<16xi32>
      %broadcast_in_dim3A_2513 = vector.shape_cast %select_n3A_2512 : vector<16xi32> to vector<16x1xi32>
      %gather3A_2514 = vector.shape_cast %broadcast_in_dim3A_2513 : vector<16x1xi32> to vector<16xi32>
      %gather3A_2515 = tpu.dynamic_gather %min3A_2502[%gather3A_2514] in [0] : vector<16xi32>, vector<16xi32> -> vector<16xi32>
      %min3A_2516 = arith.minsi %min3A_2502, %gather3A_2515 : vector<16xi32>
      %xor3A_2517 = arith.constant 1 : i32
      %xor3A_2518 = vector.broadcast %xor3A_2517 : i32 to vector<16xi32>
      %xor3A_2519 = arith.xori %iota3A_2474, %xor3A_2518 : vector<16xi32>
      %lt3A_2520 = arith.constant 0 : i32
      %lt3A_2521 = vector.broadcast %lt3A_2520 : i32 to vector<16xi32>
      %lt3A_2522 = arith.cmpi slt, %xor3A_2519, %lt3A_2521 : vector<16xi32>
      %add3A_2523 = arith.constant 16 : i32
      %add3A_2524 = vector.broadcast %add3A_2523 : i32 to vector<16xi32>
      %add3A_2525 = arith.addi %xor3A_2519, %add3A_2524 : vector<16xi32>
      %select_n3A_2526 = arith.select %lt3A_2522, %add3A_2525, %xor3A_2519 : vector<16xi1>, vector<16xi32>
      %broadcast_in_dim3A_2527 = vector.shape_cast %select_n3A_2526 : vector<16xi32> to vector<16x1xi32>
      %gather3A_2528 = vector.shape_cast %broadcast_in_dim3A_2527 : vector<16x1xi32> to vector<16xi32>
      %gather3A_2529 = tpu.dynamic_gather %min3A_2516[%gather3A_2528] in [0] : vector<16xi32>, vector<16xi32> -> vector<16xi32>
      %min3A_2530 = arith.minsi %min3A_2516, %gather3A_2529 : vector<16xi32>
      %eq3A_2531 = arith.cmpi eq, %iota3A, %min3A_2530 : vector<16xi32>
      %jit3A_2532 = arith.constant 0xFF800000 : f32
      %broadcast_in_dim3A_2533 = vector.broadcast %jit3A_2532 : f32 to vector<16xf32>
      %select_n3A_2534 = arith.select %eq3A_2531, %broadcast_in_dim3A_2533, %get3A_2469 : vector<16xi1>, vector<16xf32>
      %mul3A_2535 = arith.constant 256 : i32
      %mul3A_2536 = arith.muli %squeeze3A, %mul3A_2535 : i32
      %mul3A_2537 = arith.constant 16 : i32
      %mul3A_2538 = arith.muli %squeeze3A_2461, %mul3A_2537 : i32
      %add3A_2539 = arith.addi %mul3A_2536, %mul3A_2538 : i32
      %swap3A_2540 = arith.index_cast %add3A_2539 : i32 to index
      %swap3A_2541 = tpu.vector_load %arg7[%swap3A_2540] {strides = array<i32>} : memref<6400xf32, #tpu.memory_space<vmem>>, vector<16xf32>,
      %swap3A_2542 = vector.shape_cast %swap3A_2541 : vector<16xf32> to vector<16xf32>
      %swap3A_2543 = vector.shape_cast %select_n3A_2534 : vector<16xf32> to vector<16xf32>
      tpu.vector_store %arg7[%swap3A_2540], %swap3A_2543 {strides = array<i32>} : memref<6400xf32, #tpu.memory_space<vmem>>, vector<16xf32>,
      %broadcast_in_dim3A_2544 = arith.constant 0xFF800000 : f32
      %broadcast_in_dim3A_2545 = vector.broadcast %broadcast_in_dim3A_2544 : f32 to vector<16xf32>
      %mul3A_2546 = arith.constant 256 : i32
      %mul3A_2547 = arith.muli %squeeze3A, %mul3A_2546 : i32
      %add3A_2548 = arith.constant 0 : i32
      %add3A_2549 = arith.addi %mul3A_2547, %add3A_2548 : i32
      %get3A_2550 = arith.index_cast %add3A_2549 : i32 to index
      %get3A_2551 = tpu.vector_load %arg7[%get3A_2550] {strides = array<i32>} : memref<6400xf32, #tpu.memory_space<vmem>>, vector<16xf32>,
      %get3A_2552 = vector.shape_cast %get3A_2551 : vector<16xf32> to vector<16xf32>
      %max3A_2553 = arith.maximumf %broadcast_in_dim3A_2545, %get3A_2552 : vector<16xf32>
      %mul3A_2554 = arith.constant 256 : i32
      %mul3A_2555 = arith.muli %squeeze3A, %mul3A_2554 : i32
      %add3A_2556 = arith.constant 16 : i32
      %add3A_2557 = arith.addi %mul3A_2555, %add3A_2556 : i32
      %get3A_2558 = arith.index_cast %add3A_2557 : i32 to index
      %get3A_2559 = tpu.vector_load %arg7[%get3A_2558] {strides = array<i32>} : memref<6400xf32, #tpu.memory_space<vmem>>, vector<16xf32>,
      %get3A_2560 = vector.shape_cast %get3A_2559 : vector<16xf32> to vector<16xf32>
      %max3A_2561 = arith.maximumf %max3A_2553, %get3A_2560 : vector<16xf32>
      %mul3A_2562 = arith.constant 256 : i32
      %mul3A_2563 = arith.muli %squeeze3A, %mul3A_2562 : i32
      %add3A_2564 = arith.constant 32 : i32
      %add3A_2565 = arith.addi %mul3A_2563, %add3A_2564 : i32
      %get3A_2566 = arith.index_cast %add3A_2565 : i32 to index
      %get3A_2567 = tpu.vector_load %arg7[%get3A_2566] {strides = array<i32>} : memref<6400xf32, #tpu.memory_space<vmem>>, vector<16xf32>,
      %get3A_2568 = vector.shape_cast %get3A_2567 : vector<16xf32> to vector<16xf32>
      %max3A_2569 = arith.maximumf %max3A_2561, %get3A_2568 : vector<16xf32>
      %mul3A_2570 = arith.constant 256 : i32
      %mul3A_2571 = arith.muli %squeeze3A, %mul3A_2570 : i32
      %add3A_2572 = arith.constant 48 : i32
      %add3A_2573 = arith.addi %mul3A_2571, %add3A_2572 : i32
      %get3A_2574 = arith.index_cast %add3A_2573 : i32 to index
      %get3A_2575 = tpu.vector_load %arg7[%get3A_2574] {strides = array<i32>} : memref<6400xf32, #tpu.memory_space<vmem>>, vector<16xf32>,
      %get3A_2576 = vector.shape_cast %get3A_2575 : vector<16xf32> to vector<16xf32>
      %max3A_2577 = arith.maximumf %max3A_2569, %get3A_2576 : vector<16xf32>
      %mul3A_2578 = arith.constant 256 : i32
      %mul3A_2579 = arith.muli %squeeze3A, %mul3A_2578 : i32
      %add3A_2580 = arith.constant 64 : i32
      %add3A_2581 = arith.addi %mul3A_2579, %add3A_2580 : i32
      %get3A_2582 = arith.index_cast %add3A_2581 : i32 to index
      %get3A_2583 = tpu.vector_load %arg7[%get3A_2582] {strides = array<i32>} : memref<6400xf32, #tpu.memory_space<vmem>>, vector<16xf32>,
      %get3A_2584 = vector.shape_cast %get3A_2583 : vector<16xf32> to vector<16xf32>
      %max3A_2585 = arith.maximumf %max3A_2577, %get3A_2584 : vector<16xf32>
      %mul3A_2586 = arith.constant 256 : i32
      %mul3A_2587 = arith.muli %squeeze3A, %mul3A_2586 : i32
      %add3A_2588 = arith.constant 80 : i32
      %add3A_2589 = arith.addi %mul3A_2587, %add3A_2588 : i32
      %get3A_2590 = arith.index_cast %add3A_2589 : i32 to index
      %get3A_2591 = tpu.vector_load %arg7[%get3A_2590] {strides = array<i32>} : memref<6400xf32, #tpu.memory_space<vmem>>, vector<16xf32>,
      %get3A_2592 = vector.shape_cast %get3A_2591 : vector<16xf32> to vector<16xf32>
      %max3A_2593 = arith.maximumf %max3A_2585, %get3A_2592 : vector<16xf32>
      %mul3A_2594 = arith.constant 256 : i32
      %mul3A_2595 = arith.muli %squeeze3A, %mul3A_2594 : i32
      %add3A_2596 = arith.constant 96 : i32
      %add3A_2597 = arith.addi %mul3A_2595, %add3A_2596 : i32
      %get3A_2598 = arith.index_cast %add3A_2597 : i32 to index
      %get3A_2599 = tpu.vector_load %arg7[%get3A_2598] {strides = array<i32>} : memref<6400xf32, #tpu.memory_space<vmem>>, vector<16xf32>,
      %get3A_2600 = vector.shape_cast %get3A_2599 : vector<16xf32> to vector<16xf32>
      %max3A_2601 = arith.maximumf %max3A_2593, %get3A_2600 : vector<16xf32>
      %mul3A_2602 = arith.constant 256 : i32
      %mul3A_2603 = arith.muli %squeeze3A, %mul3A_2602 : i32
      %add3A_2604 = arith.constant 112 : i32
      %add3A_2605 = arith.addi %mul3A_2603, %add3A_2604 : i32
      %get3A_2606 = arith.index_cast %add3A_2605 : i32 to index
      %get3A_2607 = tpu.vector_load %arg7[%get3A_2606] {strides = array<i32>} : memref<6400xf32, #tpu.memory_space<vmem>>, vector<16xf32>,
      %get3A_2608 = vector.shape_cast %get3A_2607 : vector<16xf32> to vector<16xf32>
      %max3A_2609 = arith.maximumf %max3A_2601, %get3A_2608 : vector<16xf32>
      %mul3A_2610 = arith.constant 256 : i32
      %mul3A_2611 = arith.muli %squeeze3A, %mul3A_2610 : i32
      %add3A_2612 = arith.constant 128 : i32
      %add3A_2613 = arith.addi %mul3A_2611, %add3A_2612 : i32
      %get3A_2614 = arith.index_cast %add3A_2613 : i32 to index
      %get3A_2615 = tpu.vector_load %arg7[%get3A_2614] {strides = array<i32>} : memref<6400xf32, #tpu.memory_space<vmem>>, vector<16xf32>,
      %get3A_2616 = vector.shape_cast %get3A_2615 : vector<16xf32> to vector<16xf32>
      %max3A_2617 = arith.maximumf %max3A_2609, %get3A_2616 : vector<16xf32>
      %mul3A_2618 = arith.constant 256 : i32
      %mul3A_2619 = arith.muli %squeeze3A, %mul3A_2618 : i32
      %add3A_2620 = arith.constant 144 : i32
      %add3A_2621 = arith.addi %mul3A_2619, %add3A_2620 : i32
      %get3A_2622 = arith.index_cast %add3A_2621 : i32 to index
      %get3A_2623 = tpu.vector_load %arg7[%get3A_2622] {strides = array<i32>} : memref<6400xf32, #tpu.memory_space<vmem>>, vector<16xf32>,
      %get3A_2624 = vector.shape_cast %get3A_2623 : vector<16xf32> to vector<16xf32>
      %max3A_2625 = arith.maximumf %max3A_2617, %get3A_2624 : vector<16xf32>
      %mul3A_2626 = arith.constant 256 : i32
      %mul3A_2627 = arith.muli %squeeze3A, %mul3A_2626 : i32
      %add3A_2628 = arith.constant 160 : i32
      %add3A_2629 = arith.addi %mul3A_2627, %add3A_2628 : i32
      %get3A_2630 = arith.index_cast %add3A_2629 : i32 to index
      %get3A_2631 = tpu.vector_load %arg7[%get3A_2630] {strides = array<i32>} : memref<6400xf32, #tpu.memory_space<vmem>>, vector<16xf32>,
      %get3A_2632 = vector.shape_cast %get3A_2631 : vector<16xf32> to vector<16xf32>
      %max3A_2633 = arith.maximumf %max3A_2625, %get3A_2632 : vector<16xf32>
      %mul3A_2634 = arith.constant 256 : i32
      %mul3A_2635 = arith.muli %squeeze3A, %mul3A_2634 : i32
      %add3A_2636 = arith.constant 176 : i32
      %add3A_2637 = arith.addi %mul3A_2635, %add3A_2636 : i32
      %get3A_2638 = arith.index_cast %add3A_2637 : i32 to index
      %get3A_2639 = tpu.vector_load %arg7[%get3A_2638] {strides = array<i32>} : memref<6400xf32, #tpu.memory_space<vmem>>, vector<16xf32>,
      %get3A_2640 = vector.shape_cast %get3A_2639 : vector<16xf32> to vector<16xf32>
      %max3A_2641 = arith.maximumf %max3A_2633, %get3A_2640 : vector<16xf32>
      %mul3A_2642 = arith.constant 256 : i32
      %mul3A_2643 = arith.muli %squeeze3A, %mul3A_2642 : i32
      %add3A_2644 = arith.constant 192 : i32
      %add3A_2645 = arith.addi %mul3A_2643, %add3A_2644 : i32
      %get3A_2646 = arith.index_cast %add3A_2645 : i32 to index
      %get3A_2647 = tpu.vector_load %arg7[%get3A_2646] {strides = array<i32>} : memref<6400xf32, #tpu.memory_space<vmem>>, vector<16xf32>,
      %get3A_2648 = vector.shape_cast %get3A_2647 : vector<16xf32> to vector<16xf32>
      %max3A_2649 = arith.maximumf %max3A_2641, %get3A_2648 : vector<16xf32>
      %mul3A_2650 = arith.constant 256 : i32
      %mul3A_2651 = arith.muli %squeeze3A, %mul3A_2650 : i32
      %add3A_2652 = arith.constant 208 : i32
      %add3A_2653 = arith.addi %mul3A_2651, %add3A_2652 : i32
      %get3A_2654 = arith.index_cast %add3A_2653 : i32 to index
      %get3A_2655 = tpu.vector_load %arg7[%get3A_2654] {strides = array<i32>} : memref<6400xf32, #tpu.memory_space<vmem>>, vector<16xf32>,
      %get3A_2656 = vector.shape_cast %get3A_2655 : vector<16xf32> to vector<16xf32>
      %max3A_2657 = arith.maximumf %max3A_2649, %get3A_2656 : vector<16xf32>
      %mul3A_2658 = arith.constant 256 : i32
      %mul3A_2659 = arith.muli %squeeze3A, %mul3A_2658 : i32
      %add3A_2660 = arith.constant 224 : i32
      %add3A_2661 = arith.addi %mul3A_2659, %add3A_2660 : i32
      %get3A_2662 = arith.index_cast %add3A_2661 : i32 to index
      %get3A_2663 = tpu.vector_load %arg7[%get3A_2662] {strides = array<i32>} : memref<6400xf32, #tpu.memory_space<vmem>>, vector<16xf32>,
      %get3A_2664 = vector.shape_cast %get3A_2663 : vector<16xf32> to vector<16xf32>
      %max3A_2665 = arith.maximumf %max3A_2657, %get3A_2664 : vector<16xf32>
      %mul3A_2666 = arith.constant 256 : i32
      %mul3A_2667 = arith.muli %squeeze3A, %mul3A_2666 : i32
      %add3A_2668 = arith.constant 240 : i32
      %add3A_2669 = arith.addi %mul3A_2667, %add3A_2668 : i32
      %get3A_2670 = arith.index_cast %add3A_2669 : i32 to index
      %get3A_2671 = tpu.vector_load %arg7[%get3A_2670] {strides = array<i32>} : memref<6400xf32, #tpu.memory_space<vmem>>, vector<16xf32>,
      %get3A_2672 = vector.shape_cast %get3A_2671 : vector<16xf32> to vector<16xf32>
      %max3A_2673 = arith.maximumf %max3A_2665, %get3A_2672 : vector<16xf32>
      %mul3A_2674 = arith.constant 16 : i32
      %mul3A_2675 = arith.muli %squeeze3A, %mul3A_2674 : i32
      %swap3A_2676 = arith.index_cast %mul3A_2675 : i32 to index
      %swap3A_2677 = tpu.vector_load %arg8[%swap3A_2676] {strides = array<i32>} : memref<400xf32, #tpu.memory_space<vmem>>, vector<16xf32>,
      %swap3A_2678 = vector.shape_cast %swap3A_2677 : vector<16xf32> to vector<16xf32>
      %swap3A_2679 = vector.shape_cast %max3A_2673 : vector<16xf32> to vector<16xf32>
      tpu.vector_store %arg8[%swap3A_2676], %swap3A_2679 {strides = array<i32>} : memref<400xf32, #tpu.memory_space<vmem>>, vector<16xf32>,
      %mul3A_2680 = arith.constant 16 : i32
      %mul3A_2681 = vector.broadcast %mul3A_2680 : i32 to vector<16xi32>
      %mul3A_2682 = arith.muli %min3A_2176, %mul3A_2681 : vector<16xi32>
      %add3A_2683 = arith.addi %mul3A_2682, %min3A_2459 : vector<16xi32>
      %mul3A_2684 = arith.constant 16 : i32
      %mul3A_2685 = vector.broadcast %mul3A_2684 : i32 to vector<16xi32>
      %mul3A_2686 = arith.muli %add3A_2683, %mul3A_2685 : vector<16xi32>
      %add3A_2687 = arith.addi %mul3A_2686, %min3A_2530 : vector<16xi32>
      %add3A_2688 = vector.broadcast %mul3A_0 : i32 to vector<16xi32>
      %add3A_2689 = arith.addi %add3A_2687, %add3A_2688 : vector<16xi32>
      %sub3A = arith.constant 0 : i32
      %sub3A_2690 = arith.subi %scan3A_1853, %sub3A : i32
      %eq3A_2691 = vector.broadcast %sub3A_2690 : i32 to vector<16xi32>
      %eq3A_2692 = arith.cmpi eq, %iota3A, %eq3A_2691 : vector<16xi32>
      %ge3A = arith.constant 0 : i32
      %ge3A_2693 = arith.cmpi sge, %scan3A_1853, %ge3A : i32
      %lt3A_2694 = arith.constant 16 : i32
      %lt3A_2695 = arith.cmpi slt, %scan3A_1853, %lt3A_2694 : i32
      %and3A = arith.andi %ge3A_2693, %lt3A_2695 : i1
      %select_n3A_2696 = arith.select %eq3A_2692, %max3A_2116, %scan3A_1854 : vector<16xi1>, vector<16xf32>
      %select_n3A_2697 = arith.select %and3A, %select_n3A_2696, %scan3A_1854 : vector<16xf32>
      %select_n3A_2698 = arith.select %eq3A_2692, %add3A_2689, %scan3A_1858 : vector<16xi1>, vector<16xi32>
      %select_n3A_2699 = arith.select %and3A, %select_n3A_2698, %scan3A_1858 : vector<16xi32>
      %sub3A_2700 = arith.constant 16 : i32
      %sub3A_2701 = arith.subi %scan3A_1853, %sub3A_2700 : i32
      %eq3A_2702 = vector.broadcast %sub3A_2701 : i32 to vector<16xi32>
      %eq3A_2703 = arith.cmpi eq, %iota3A, %eq3A_2702 : vector<16xi32>
      %ge3A_2704 = arith.constant 16 : i32
      %ge3A_2705 = arith.cmpi sge, %scan3A_1853, %ge3A_2704 : i32
      %lt3A_2706 = arith.constant 32 : i32
      %lt3A_2707 = arith.cmpi slt, %scan3A_1853, %lt3A_2706 : i32
      %and3A_2708 = arith.andi %ge3A_2705, %lt3A_2707 : i1
      %select_n3A_2709 = arith.select %eq3A_2703, %max3A_2116, %scan3A_1855 : vector<16xi1>, vector<16xf32>
      %select_n3A_2710 = arith.select %and3A_2708, %select_n3A_2709, %scan3A_1855 : vector<16xf32>
      %select_n3A_2711 = arith.select %eq3A_2703, %add3A_2689, %scan3A_1859 : vector<16xi1>, vector<16xi32>
      %select_n3A_2712 = arith.select %and3A_2708, %select_n3A_2711, %scan3A_1859 : vector<16xi32>
      %sub3A_2713 = arith.constant 32 : i32
      %sub3A_2714 = arith.subi %scan3A_1853, %sub3A_2713 : i32
      %eq3A_2715 = vector.broadcast %sub3A_2714 : i32 to vector<16xi32>
      %eq3A_2716 = arith.cmpi eq, %iota3A, %eq3A_2715 : vector<16xi32>
      %ge3A_2717 = arith.constant 32 : i32
      %ge3A_2718 = arith.cmpi sge, %scan3A_1853, %ge3A_2717 : i32
      %lt3A_2719 = arith.constant 48 : i32
      %lt3A_2720 = arith.cmpi slt, %scan3A_1853, %lt3A_2719 : i32
      %and3A_2721 = arith.andi %ge3A_2718, %lt3A_2720 : i1
      %select_n3A_2722 = arith.select %eq3A_2716, %max3A_2116, %scan3A_1856 : vector<16xi1>, vector<16xf32>
      %select_n3A_2723 = arith.select %and3A_2721, %select_n3A_2722, %scan3A_1856 : vector<16xf32>
      %select_n3A_2724 = arith.select %eq3A_2716, %add3A_2689, %scan3A_1860 : vector<16xi1>, vector<16xi32>
      %select_n3A_2725 = arith.select %and3A_2721, %select_n3A_2724, %scan3A_1860 : vector<16xi32>
      %sub3A_2726 = arith.constant 48 : i32
      %sub3A_2727 = arith.subi %scan3A_1853, %sub3A_2726 : i32
      %eq3A_2728 = vector.broadcast %sub3A_2727 : i32 to vector<16xi32>
      %eq3A_2729 = arith.cmpi eq, %iota3A, %eq3A_2728 : vector<16xi32>
      %ge3A_2730 = arith.constant 48 : i32
      %ge3A_2731 = arith.cmpi sge, %scan3A_1853, %ge3A_2730 : i32
      %lt3A_2732 = arith.constant 64 : i32
      %lt3A_2733 = arith.cmpi slt, %scan3A_1853, %lt3A_2732 : i32
      %and3A_2734 = arith.andi %ge3A_2731, %lt3A_2733 : i1
      %select_n3A_2735 = arith.select %eq3A_2729, %max3A_2116, %scan3A_1857 : vector<16xi1>, vector<16xf32>
      %select_n3A_2736 = arith.select %and3A_2734, %select_n3A_2735, %scan3A_1857 : vector<16xf32>
      %select_n3A_2737 = arith.select %eq3A_2729, %add3A_2689, %scan3A_1861 : vector<16xi1>, vector<16xi32>
      %select_n3A_2738 = arith.select %and3A_2734, %select_n3A_2737, %scan3A_1861 : vector<16xi32>
      scf.yield %select_n3A_2697, %select_n3A_2710, %select_n3A_2723, %select_n3A_2736, %select_n3A_2699, %select_n3A_2712, %select_n3A_2725, %select_n3A_2738 : vector<16xf32>, vector<16xf32>, vector<16xf32>, vector<16xf32>, vector<16xi32>, vector<16xi32>, vector<16xi32>, vector<16xi32>
    }
    %scan3A_1811 = arith.constant 64 : i32
    %swap3A_1812 = arith.constant 0 : index
    %swap3A_1813 = tpu.vector_load %arg9[%swap3A_1812] {strides = array<i32>} : memref<64xf32, #tpu.memory_space<vmem>>, vector<16xf32>,
    %swap3A_1814 = vector.shape_cast %swap3A_1813 : vector<16xf32> to vector<16xf32>
    %swap3A_1815 = vector.shape_cast %scan3A_1810#0 : vector<16xf32> to vector<16xf32>
    tpu.vector_store %arg9[%swap3A_1812], %swap3A_1815 {strides = array<i32>} : memref<64xf32, #tpu.memory_space<vmem>>, vector<16xf32>,
    %swap3A_1816 = arith.constant 0 : index
    %swap3A_1817 = tpu.vector_load %arg10[%swap3A_1816] {strides = array<i32>} : memref<64xi32, #tpu.memory_space<vmem>>, vector<16xi32>,
    %swap3A_1818 = vector.shape_cast %swap3A_1817 : vector<16xi32> to vector<16xi32>
    %swap3A_1819 = vector.shape_cast %scan3A_1810#4 : vector<16xi32> to vector<16xi32>
    tpu.vector_store %arg10[%swap3A_1816], %swap3A_1819 {strides = array<i32>} : memref<64xi32, #tpu.memory_space<vmem>>, vector<16xi32>,
    %swap3A_1820 = arith.constant 16 : index
    %swap3A_1821 = tpu.vector_load %arg9[%swap3A_1820] {strides = array<i32>} : memref<64xf32, #tpu.memory_space<vmem>>, vector<16xf32>,
    %swap3A_1822 = vector.shape_cast %swap3A_1821 : vector<16xf32> to vector<16xf32>
    %swap3A_1823 = vector.shape_cast %scan3A_1810#1 : vector<16xf32> to vector<16xf32>
    tpu.vector_store %arg9[%swap3A_1820], %swap3A_1823 {strides = array<i32>} : memref<64xf32, #tpu.memory_space<vmem>>, vector<16xf32>,
    %swap3A_1824 = arith.constant 16 : index
    %swap3A_1825 = tpu.vector_load %arg10[%swap3A_1824] {strides = array<i32>} : memref<64xi32, #tpu.memory_space<vmem>>, vector<16xi32>,
    %swap3A_1826 = vector.shape_cast %swap3A_1825 : vector<16xi32> to vector<16xi32>
    %swap3A_1827 = vector.shape_cast %scan3A_1810#5 : vector<16xi32> to vector<16xi32>
    tpu.vector_store %arg10[%swap3A_1824], %swap3A_1827 {strides = array<i32>} : memref<64xi32, #tpu.memory_space<vmem>>, vector<16xi32>,
    %swap3A_1828 = arith.constant 32 : index
    %swap3A_1829 = tpu.vector_load %arg9[%swap3A_1828] {strides = array<i32>} : memref<64xf32, #tpu.memory_space<vmem>>, vector<16xf32>,
    %swap3A_1830 = vector.shape_cast %swap3A_1829 : vector<16xf32> to vector<16xf32>
    %swap3A_1831 = vector.shape_cast %scan3A_1810#2 : vector<16xf32> to vector<16xf32>
    tpu.vector_store %arg9[%swap3A_1828], %swap3A_1831 {strides = array<i32>} : memref<64xf32, #tpu.memory_space<vmem>>, vector<16xf32>,
    %swap3A_1832 = arith.constant 32 : index
    %swap3A_1833 = tpu.vector_load %arg10[%swap3A_1832] {strides = array<i32>} : memref<64xi32, #tpu.memory_space<vmem>>, vector<16xi32>,
    %swap3A_1834 = vector.shape_cast %swap3A_1833 : vector<16xi32> to vector<16xi32>
    %swap3A_1835 = vector.shape_cast %scan3A_1810#6 : vector<16xi32> to vector<16xi32>
    tpu.vector_store %arg10[%swap3A_1832], %swap3A_1835 {strides = array<i32>} : memref<64xi32, #tpu.memory_space<vmem>>, vector<16xi32>,
    %swap3A_1836 = arith.constant 48 : index
    %swap3A_1837 = tpu.vector_load %arg9[%swap3A_1836] {strides = array<i32>} : memref<64xf32, #tpu.memory_space<vmem>>, vector<16xf32>,
    %swap3A_1838 = vector.shape_cast %swap3A_1837 : vector<16xf32> to vector<16xf32>
    %swap3A_1839 = vector.shape_cast %scan3A_1810#3 : vector<16xf32> to vector<16xf32>
    tpu.vector_store %arg9[%swap3A_1836], %swap3A_1839 {strides = array<i32>} : memref<64xf32, #tpu.memory_space<vmem>>, vector<16xf32>,
    %swap3A_1840 = arith.constant 48 : index
    %swap3A_1841 = tpu.vector_load %arg10[%swap3A_1840] {strides = array<i32>} : memref<64xi32, #tpu.memory_space<vmem>>, vector<16xi32>,
    %swap3A_1842 = vector.shape_cast %swap3A_1841 : vector<16xi32> to vector<16xi32>
    %swap3A_1843 = vector.shape_cast %scan3A_1810#7 : vector<16xi32> to vector<16xi32>
    tpu.vector_store %arg10[%swap3A_1840], %swap3A_1843 {strides = array<i32>} : memref<64xi32, #tpu.memory_space<vmem>>, vector<16xi32>,
    %mul3A_1844 = arith.constant 64 : i32
    %mul3A_1845 = arith.muli %arg1, %mul3A_1844 : i32
    "tpu.region"() ({
      %run_scoped3A = tpu.sem_alloc : memref<!tpu.dma_semaphore, #tpu.memory_space<semaphore_mem>>
      %dma_start3A = tpu.memref_slice %arg18[%mul3A_1845] : memref<1024xf32, #tpu.memory_space<vmem_shared>> -> memref<64xf32, #tpu.memory_space<vmem_shared>>
      %dma_start3A_1853 = tpu.memref_slice %arg18[%mul3A_1845] : memref<1024xf32, #tpu.memory_space<vmem_shared>> -> memref<64xf32, #tpu.memory_space<vmem_shared>>
      tpu.enqueue_dma source(%arg9 : memref<64xf32, #tpu.memory_space<vmem>>) target(%dma_start3A_1853 : memref<64xf32, #tpu.memory_space<vmem_shared>>) target_semaphore(%run_scoped3A : memref<!tpu.dma_semaphore, #tpu.memory_space<semaphore_mem>>)
      %dma_wait3A = tpu.memref_slice %arg18[%mul3A_1845] : memref<1024xf32, #tpu.memory_space<vmem_shared>> -> memref<64xf32, #tpu.memory_space<vmem_shared>>
      %dma_wait3A_1854 = tpu.memref_slice %arg18[%mul3A_1845] : memref<1024xf32, #tpu.memory_space<vmem_shared>> -> memref<64xf32, #tpu.memory_space<vmem_shared>>
      tpu.wait_dma2 semaphore(%run_scoped3A : memref<!tpu.dma_semaphore, #tpu.memory_space<semaphore_mem>>) src(%arg9 : memref<64xf32, #tpu.memory_space<vmem>>) dst(%dma_wait3A_1854 : memref<64xf32, #tpu.memory_space<vmem_shared>>)
      tpu.yield
    }) : () -> ()
    %mul3A_1846 = arith.constant 64 : i32
    %mul3A_1847 = arith.muli %arg1, %mul3A_1846 : i32
    "tpu.region"() ({
      %run_scoped3A = tpu.sem_alloc : memref<!tpu.dma_semaphore, #tpu.memory_space<semaphore_mem>>
      %dma_start3A = tpu.memref_slice %arg19[%mul3A_1847] : memref<1024xi32, #tpu.memory_space<vmem_shared>> -> memref<64xi32, #tpu.memory_space<vmem_shared>>
      %dma_start3A_1853 = tpu.memref_slice %arg19[%mul3A_1847] : memref<1024xi32, #tpu.memory_space<vmem_shared>> -> memref<64xi32, #tpu.memory_space<vmem_shared>>
      tpu.enqueue_dma source(%arg10 : memref<64xi32, #tpu.memory_space<vmem>>) target(%dma_start3A_1853 : memref<64xi32, #tpu.memory_space<vmem_shared>>) target_semaphore(%run_scoped3A : memref<!tpu.dma_semaphore, #tpu.memory_space<semaphore_mem>>)
      %dma_wait3A = tpu.memref_slice %arg19[%mul3A_1847] : memref<1024xi32, #tpu.memory_space<vmem_shared>> -> memref<64xi32, #tpu.memory_space<vmem_shared>>
      %dma_wait3A_1854 = tpu.memref_slice %arg19[%mul3A_1847] : memref<1024xi32, #tpu.memory_space<vmem_shared>> -> memref<64xi32, #tpu.memory_space<vmem_shared>>
      tpu.wait_dma2 semaphore(%run_scoped3A : memref<!tpu.dma_semaphore, #tpu.memory_space<semaphore_mem>>) src(%arg10 : memref<64xi32, #tpu.memory_space<vmem>>) dst(%dma_wait3A_1854 : memref<64xi32, #tpu.memory_space<vmem_shared>>)
      tpu.yield
    }) : () -> ()
    %barrier3A = arith.constant 0 : index
    tpu.barrier barrier_id(%barrier3A)
    %eq3A_1848 = arith.constant 0 : i32
    %eq3A_1849 = arith.cmpi eq, %arg1, %eq3A_1848 : i32
    %convert_element_type3A_1850 = arith.extui %eq3A_1849 : i1 to i32
    %cond3A_1851 = arith.constant 0 : i32
    %cond3A_1852 = arith.cmpi ne, %convert_element_type3A_1850, %cond3A_1851 : i32
    scf.if %cond3A_1852 {
      "tpu.region"() ({
        %run_scoped3A = tpu.sem_alloc : memref<!tpu.dma_semaphore, #tpu.memory_space<semaphore_mem>>
        tpu.enqueue_dma source(%arg18 : memref<1024xf32, #tpu.memory_space<vmem_shared>>) target(%arg11 : memref<1024xf32, #tpu.memory_space<vmem>>) target_semaphore(%run_scoped3A : memref<!tpu.dma_semaphore, #tpu.memory_space<semaphore_mem>>)
        tpu.wait_dma2 semaphore(%run_scoped3A : memref<!tpu.dma_semaphore, #tpu.memory_space<semaphore_mem>>) src(%arg18 : memref<1024xf32, #tpu.memory_space<vmem_shared>>) dst(%arg11 : memref<1024xf32, #tpu.memory_space<vmem>>)
        tpu.yield
      }) : () -> ()
      "tpu.region"() ({
        %run_scoped3A = tpu.sem_alloc : memref<!tpu.dma_semaphore, #tpu.memory_space<semaphore_mem>>
        tpu.enqueue_dma source(%arg19 : memref<1024xi32, #tpu.memory_space<vmem_shared>>) target(%arg12 : memref<1024xi32, #tpu.memory_space<vmem>>) target_semaphore(%run_scoped3A : memref<!tpu.dma_semaphore, #tpu.memory_space<semaphore_mem>>)
        tpu.wait_dma2 semaphore(%run_scoped3A : memref<!tpu.dma_semaphore, #tpu.memory_space<semaphore_mem>>) src(%arg19 : memref<1024xi32, #tpu.memory_space<vmem_shared>>) dst(%arg12 : memref<1024xi32, #tpu.memory_space<vmem>>)
        tpu.yield
      }) : () -> ()
      "tpu.region"() ({
        %run_scoped3A = tpu.sem_alloc : memref<!tpu.dma_semaphore, #tpu.memory_space<semaphore_mem>>
        tpu.enqueue_dma source(%arg3 : memref<16xf32, #tpu.memory_space<hbm>>) target(%arg16 : memref<16xf32, #tpu.memory_space<vmem>>) target_semaphore(%run_scoped3A : memref<!tpu.dma_semaphore, #tpu.memory_space<semaphore_mem>>)
        tpu.wait_dma2 semaphore(%run_scoped3A : memref<!tpu.dma_semaphore, #tpu.memory_space<semaphore_mem>>) src(%arg3 : memref<16xf32, #tpu.memory_space<hbm>>) dst(%arg16 : memref<16xf32, #tpu.memory_space<vmem>>)
        tpu.yield
      }) : () -> ()
      "tpu.region"() ({
        %run_scoped3A = tpu.sem_alloc : memref<!tpu.dma_semaphore, #tpu.memory_space<semaphore_mem>>
        tpu.enqueue_dma source(%arg4 : memref<16xf32, #tpu.memory_space<hbm>>) target(%arg17 : memref<16xf32, #tpu.memory_space<vmem>>) target_semaphore(%run_scoped3A : memref<!tpu.dma_semaphore, #tpu.memory_space<semaphore_mem>>)
        tpu.wait_dma2 semaphore(%run_scoped3A : memref<!tpu.dma_semaphore, #tpu.memory_space<semaphore_mem>>) src(%arg4 : memref<16xf32, #tpu.memory_space<hbm>>) dst(%arg17 : memref<16xf32, #tpu.memory_space<vmem>>)
        tpu.yield
      }) : () -> ()
      %broadcast_in_dim3A_1853 = arith.constant 0xFF800000 : f32
      %broadcast_in_dim3A_1854 = vector.broadcast %broadcast_in_dim3A_1853 : f32 to vector<16xf32>
      %get3A_1855 = arith.constant 0 : index
      %get3A_1856 = tpu.vector_load %arg11[%get3A_1855] {strides = array<i32>} : memref<1024xf32, #tpu.memory_space<vmem>>, vector<16xf32>,
      %get3A_1857 = vector.shape_cast %get3A_1856 : vector<16xf32> to vector<16xf32>
      %max3A_1858 = arith.maximumf %broadcast_in_dim3A_1854, %get3A_1857 : vector<16xf32>
      %get3A_1859 = arith.constant 16 : index
      %get3A_1860 = tpu.vector_load %arg11[%get3A_1859] {strides = array<i32>} : memref<1024xf32, #tpu.memory_space<vmem>>, vector<16xf32>,
      %get3A_1861 = vector.shape_cast %get3A_1860 : vector<16xf32> to vector<16xf32>
      %max3A_1862 = arith.maximumf %max3A_1858, %get3A_1861 : vector<16xf32>
      %get3A_1863 = arith.constant 32 : index
      %get3A_1864 = tpu.vector_load %arg11[%get3A_1863] {strides = array<i32>} : memref<1024xf32, #tpu.memory_space<vmem>>, vector<16xf32>,
      %get3A_1865 = vector.shape_cast %get3A_1864 : vector<16xf32> to vector<16xf32>
      %max3A_1866 = arith.maximumf %max3A_1862, %get3A_1865 : vector<16xf32>
      %get3A_1867 = arith.constant 48 : index
      %get3A_1868 = tpu.vector_load %arg11[%get3A_1867] {strides = array<i32>} : memref<1024xf32, #tpu.memory_space<vmem>>, vector<16xf32>,
      %get3A_1869 = vector.shape_cast %get3A_1868 : vector<16xf32> to vector<16xf32>
      %max3A_1870 = arith.maximumf %max3A_1866, %get3A_1869 : vector<16xf32>
      %get3A_1871 = arith.constant 64 : index
      %get3A_1872 = tpu.vector_load %arg11[%get3A_1871] {strides = array<i32>} : memref<1024xf32, #tpu.memory_space<vmem>>, vector<16xf32>,
      %get3A_1873 = vector.shape_cast %get3A_1872 : vector<16xf32> to vector<16xf32>
      %max3A_1874 = arith.maximumf %max3A_1870, %get3A_1873 : vector<16xf32>
      %get3A_1875 = arith.constant 80 : index
      %get3A_1876 = tpu.vector_load %arg11[%get3A_1875] {strides = array<i32>} : memref<1024xf32, #tpu.memory_space<vmem>>, vector<16xf32>,
      %get3A_1877 = vector.shape_cast %get3A_1876 : vector<16xf32> to vector<16xf32>
      %max3A_1878 = arith.maximumf %max3A_1874, %get3A_1877 : vector<16xf32>
      %get3A_1879 = arith.constant 96 : index
      %get3A_1880 = tpu.vector_load %arg11[%get3A_1879] {strides = array<i32>} : memref<1024xf32, #tpu.memory_space<vmem>>, vector<16xf32>,
      %get3A_1881 = vector.shape_cast %get3A_1880 : vector<16xf32> to vector<16xf32>
      %max3A_1882 = arith.maximumf %max3A_1878, %get3A_1881 : vector<16xf32>
      %get3A_1883 = arith.constant 112 : index
      %get3A_1884 = tpu.vector_load %arg11[%get3A_1883] {strides = array<i32>} : memref<1024xf32, #tpu.memory_space<vmem>>, vector<16xf32>,
      %get3A_1885 = vector.shape_cast %get3A_1884 : vector<16xf32> to vector<16xf32>
      %max3A_1886 = arith.maximumf %max3A_1882, %get3A_1885 : vector<16xf32>
      %get3A_1887 = arith.constant 128 : index
      %get3A_1888 = tpu.vector_load %arg11[%get3A_1887] {strides = array<i32>} : memref<1024xf32, #tpu.memory_space<vmem>>, vector<16xf32>,
      %get3A_1889 = vector.shape_cast %get3A_1888 : vector<16xf32> to vector<16xf32>
      %max3A_1890 = arith.maximumf %max3A_1886, %get3A_1889 : vector<16xf32>
      %get3A_1891 = arith.constant 144 : index
      %get3A_1892 = tpu.vector_load %arg11[%get3A_1891] {strides = array<i32>} : memref<1024xf32, #tpu.memory_space<vmem>>, vector<16xf32>,
      %get3A_1893 = vector.shape_cast %get3A_1892 : vector<16xf32> to vector<16xf32>
      %max3A_1894 = arith.maximumf %max3A_1890, %get3A_1893 : vector<16xf32>
      %get3A_1895 = arith.constant 160 : index
      %get3A_1896 = tpu.vector_load %arg11[%get3A_1895] {strides = array<i32>} : memref<1024xf32, #tpu.memory_space<vmem>>, vector<16xf32>,
      %get3A_1897 = vector.shape_cast %get3A_1896 : vector<16xf32> to vector<16xf32>
      %max3A_1898 = arith.maximumf %max3A_1894, %get3A_1897 : vector<16xf32>
      %get3A_1899 = arith.constant 176 : index
      %get3A_1900 = tpu.vector_load %arg11[%get3A_1899] {strides = array<i32>} : memref<1024xf32, #tpu.memory_space<vmem>>, vector<16xf32>,
      %get3A_1901 = vector.shape_cast %get3A_1900 : vector<16xf32> to vector<16xf32>
      %max3A_1902 = arith.maximumf %max3A_1898, %get3A_1901 : vector<16xf32>
      %get3A_1903 = arith.constant 192 : index
      %get3A_1904 = tpu.vector_load %arg11[%get3A_1903] {strides = array<i32>} : memref<1024xf32, #tpu.memory_space<vmem>>, vector<16xf32>,
      %get3A_1905 = vector.shape_cast %get3A_1904 : vector<16xf32> to vector<16xf32>
      %max3A_1906 = arith.maximumf %max3A_1902, %get3A_1905 : vector<16xf32>
      %get3A_1907 = arith.constant 208 : index
      %get3A_1908 = tpu.vector_load %arg11[%get3A_1907] {strides = array<i32>} : memref<1024xf32, #tpu.memory_space<vmem>>, vector<16xf32>,
      %get3A_1909 = vector.shape_cast %get3A_1908 : vector<16xf32> to vector<16xf32>
      %max3A_1910 = arith.maximumf %max3A_1906, %get3A_1909 : vector<16xf32>
      %get3A_1911 = arith.constant 224 : index
      %get3A_1912 = tpu.vector_load %arg11[%get3A_1911] {strides = array<i32>} : memref<1024xf32, #tpu.memory_space<vmem>>, vector<16xf32>,
      %get3A_1913 = vector.shape_cast %get3A_1912 : vector<16xf32> to vector<16xf32>
      %max3A_1914 = arith.maximumf %max3A_1910, %get3A_1913 : vector<16xf32>
      %get3A_1915 = arith.constant 240 : index
      %get3A_1916 = tpu.vector_load %arg11[%get3A_1915] {strides = array<i32>} : memref<1024xf32, #tpu.memory_space<vmem>>, vector<16xf32>,
      %get3A_1917 = vector.shape_cast %get3A_1916 : vector<16xf32> to vector<16xf32>
      %max3A_1918 = arith.maximumf %max3A_1914, %get3A_1917 : vector<16xf32>
      %swap3A_1919 = arith.constant 0 : index
      %swap3A_1920 = tpu.vector_load %arg13[%swap3A_1919] {strides = array<i32>} : memref<64xf32, #tpu.memory_space<vmem>>, vector<16xf32>,
      %swap3A_1921 = vector.shape_cast %swap3A_1920 : vector<16xf32> to vector<16xf32>
      %swap3A_1922 = vector.shape_cast %max3A_1918 : vector<16xf32> to vector<16xf32>
      tpu.vector_store %arg13[%swap3A_1919], %swap3A_1922 {strides = array<i32>} : memref<64xf32, #tpu.memory_space<vmem>>, vector<16xf32>,
      %broadcast_in_dim3A_1923 = arith.constant 0xFF800000 : f32
      %broadcast_in_dim3A_1924 = vector.broadcast %broadcast_in_dim3A_1923 : f32 to vector<16xf32>
      %get3A_1925 = arith.constant 256 : index
      %get3A_1926 = tpu.vector_load %arg11[%get3A_1925] {strides = array<i32>} : memref<1024xf32, #tpu.memory_space<vmem>>, vector<16xf32>,
      %get3A_1927 = vector.shape_cast %get3A_1926 : vector<16xf32> to vector<16xf32>
      %max3A_1928 = arith.maximumf %broadcast_in_dim3A_1924, %get3A_1927 : vector<16xf32>
      %get3A_1929 = arith.constant 272 : index
      %get3A_1930 = tpu.vector_load %arg11[%get3A_1929] {strides = array<i32>} : memref<1024xf32, #tpu.memory_space<vmem>>, vector<16xf32>,
      %get3A_1931 = vector.shape_cast %get3A_1930 : vector<16xf32> to vector<16xf32>
      %max3A_1932 = arith.maximumf %max3A_1928, %get3A_1931 : vector<16xf32>
      %get3A_1933 = arith.constant 288 : index
      %get3A_1934 = tpu.vector_load %arg11[%get3A_1933] {strides = array<i32>} : memref<1024xf32, #tpu.memory_space<vmem>>, vector<16xf32>,
      %get3A_1935 = vector.shape_cast %get3A_1934 : vector<16xf32> to vector<16xf32>
      %max3A_1936 = arith.maximumf %max3A_1932, %get3A_1935 : vector<16xf32>
      %get3A_1937 = arith.constant 304 : index
      %get3A_1938 = tpu.vector_load %arg11[%get3A_1937] {strides = array<i32>} : memref<1024xf32, #tpu.memory_space<vmem>>, vector<16xf32>,
      %get3A_1939 = vector.shape_cast %get3A_1938 : vector<16xf32> to vector<16xf32>
      %max3A_1940 = arith.maximumf %max3A_1936, %get3A_1939 : vector<16xf32>
      %get3A_1941 = arith.constant 320 : index
      %get3A_1942 = tpu.vector_load %arg11[%get3A_1941] {strides = array<i32>} : memref<1024xf32, #tpu.memory_space<vmem>>, vector<16xf32>,
      %get3A_1943 = vector.shape_cast %get3A_1942 : vector<16xf32> to vector<16xf32>
      %max3A_1944 = arith.maximumf %max3A_1940, %get3A_1943 : vector<16xf32>
      %get3A_1945 = arith.constant 336 : index
      %get3A_1946 = tpu.vector_load %arg11[%get3A_1945] {strides = array<i32>} : memref<1024xf32, #tpu.memory_space<vmem>>, vector<16xf32>,
      %get3A_1947 = vector.shape_cast %get3A_1946 : vector<16xf32> to vector<16xf32>
      %max3A_1948 = arith.maximumf %max3A_1944, %get3A_1947 : vector<16xf32>
      %get3A_1949 = arith.constant 352 : index
      %get3A_1950 = tpu.vector_load %arg11[%get3A_1949] {strides = array<i32>} : memref<1024xf32, #tpu.memory_space<vmem>>, vector<16xf32>,
      %get3A_1951 = vector.shape_cast %get3A_1950 : vector<16xf32> to vector<16xf32>
      %max3A_1952 = arith.maximumf %max3A_1948, %get3A_1951 : vector<16xf32>
      %get3A_1953 = arith.constant 368 : index
      %get3A_1954 = tpu.vector_load %arg11[%get3A_1953] {strides = array<i32>} : memref<1024xf32, #tpu.memory_space<vmem>>, vector<16xf32>,
      %get3A_1955 = vector.shape_cast %get3A_1954 : vector<16xf32> to vector<16xf32>
      %max3A_1956 = arith.maximumf %max3A_1952, %get3A_1955 : vector<16xf32>
      %get3A_1957 = arith.constant 384 : index
      %get3A_1958 = tpu.vector_load %arg11[%get3A_1957] {strides = array<i32>} : memref<1024xf32, #tpu.memory_space<vmem>>, vector<16xf32>,
      %get3A_1959 = vector.shape_cast %get3A_1958 : vector<16xf32> to vector<16xf32>
      %max3A_1960 = arith.maximumf %max3A_1956, %get3A_1959 : vector<16xf32>
      %get3A_1961 = arith.constant 400 : index
      %get3A_1962 = tpu.vector_load %arg11[%get3A_1961] {strides = array<i32>} : memref<1024xf32, #tpu.memory_space<vmem>>, vector<16xf32>,
      %get3A_1963 = vector.shape_cast %get3A_1962 : vector<16xf32> to vector<16xf32>
      %max3A_1964 = arith.maximumf %max3A_1960, %get3A_1963 : vector<16xf32>
      %get3A_1965 = arith.constant 416 : index
      %get3A_1966 = tpu.vector_load %arg11[%get3A_1965] {strides = array<i32>} : memref<1024xf32, #tpu.memory_space<vmem>>, vector<16xf32>,
      %get3A_1967 = vector.shape_cast %get3A_1966 : vector<16xf32> to vector<16xf32>
      %max3A_1968 = arith.maximumf %max3A_1964, %get3A_1967 : vector<16xf32>
      %get3A_1969 = arith.constant 432 : index
      %get3A_1970 = tpu.vector_load %arg11[%get3A_1969] {strides = array<i32>} : memref<1024xf32, #tpu.memory_space<vmem>>, vector<16xf32>,
      %get3A_1971 = vector.shape_cast %get3A_1970 : vector<16xf32> to vector<16xf32>
      %max3A_1972 = arith.maximumf %max3A_1968, %get3A_1971 : vector<16xf32>
      %get3A_1973 = arith.constant 448 : index
      %get3A_1974 = tpu.vector_load %arg11[%get3A_1973] {strides = array<i32>} : memref<1024xf32, #tpu.memory_space<vmem>>, vector<16xf32>,
      %get3A_1975 = vector.shape_cast %get3A_1974 : vector<16xf32> to vector<16xf32>
      %max3A_1976 = arith.maximumf %max3A_1972, %get3A_1975 : vector<16xf32>
      %get3A_1977 = arith.constant 464 : index
      %get3A_1978 = tpu.vector_load %arg11[%get3A_1977] {strides = array<i32>} : memref<1024xf32, #tpu.memory_space<vmem>>, vector<16xf32>,
      %get3A_1979 = vector.shape_cast %get3A_1978 : vector<16xf32> to vector<16xf32>
      %max3A_1980 = arith.maximumf %max3A_1976, %get3A_1979 : vector<16xf32>
      %get3A_1981 = arith.constant 480 : index
      %get3A_1982 = tpu.vector_load %arg11[%get3A_1981] {strides = array<i32>} : memref<1024xf32, #tpu.memory_space<vmem>>, vector<16xf32>,
      %get3A_1983 = vector.shape_cast %get3A_1982 : vector<16xf32> to vector<16xf32>
      %max3A_1984 = arith.maximumf %max3A_1980, %get3A_1983 : vector<16xf32>
      %get3A_1985 = arith.constant 496 : index
      %get3A_1986 = tpu.vector_load %arg11[%get3A_1985] {strides = array<i32>} : memref<1024xf32, #tpu.memory_space<vmem>>, vector<16xf32>,
      %get3A_1987 = vector.shape_cast %get3A_1986 : vector<16xf32> to vector<16xf32>
      %max3A_1988 = arith.maximumf %max3A_1984, %get3A_1987 : vector<16xf32>
      %swap3A_1989 = arith.constant 16 : index
      %swap3A_1990 = tpu.vector_load %arg13[%swap3A_1989] {strides = array<i32>} : memref<64xf32, #tpu.memory_space<vmem>>, vector<16xf32>,
      %swap3A_1991 = vector.shape_cast %swap3A_1990 : vector<16xf32> to vector<16xf32>
      %swap3A_1992 = vector.shape_cast %max3A_1988 : vector<16xf32> to vector<16xf32>
      tpu.vector_store %arg13[%swap3A_1989], %swap3A_1992 {strides = array<i32>} : memref<64xf32, #tpu.memory_space<vmem>>, vector<16xf32>,
      %broadcast_in_dim3A_1993 = arith.constant 0xFF800000 : f32
      %broadcast_in_dim3A_1994 = vector.broadcast %broadcast_in_dim3A_1993 : f32 to vector<16xf32>
      %get3A_1995 = arith.constant 512 : index
      %get3A_1996 = tpu.vector_load %arg11[%get3A_1995] {strides = array<i32>} : memref<1024xf32, #tpu.memory_space<vmem>>, vector<16xf32>,
      %get3A_1997 = vector.shape_cast %get3A_1996 : vector<16xf32> to vector<16xf32>
      %max3A_1998 = arith.maximumf %broadcast_in_dim3A_1994, %get3A_1997 : vector<16xf32>
      %get3A_1999 = arith.constant 528 : index
      %get3A_2000 = tpu.vector_load %arg11[%get3A_1999] {strides = array<i32>} : memref<1024xf32, #tpu.memory_space<vmem>>, vector<16xf32>,
      %get3A_2001 = vector.shape_cast %get3A_2000 : vector<16xf32> to vector<16xf32>
      %max3A_2002 = arith.maximumf %max3A_1998, %get3A_2001 : vector<16xf32>
      %get3A_2003 = arith.constant 544 : index
      %get3A_2004 = tpu.vector_load %arg11[%get3A_2003] {strides = array<i32>} : memref<1024xf32, #tpu.memory_space<vmem>>, vector<16xf32>,
      %get3A_2005 = vector.shape_cast %get3A_2004 : vector<16xf32> to vector<16xf32>
      %max3A_2006 = arith.maximumf %max3A_2002, %get3A_2005 : vector<16xf32>
      %get3A_2007 = arith.constant 560 : index
      %get3A_2008 = tpu.vector_load %arg11[%get3A_2007] {strides = array<i32>} : memref<1024xf32, #tpu.memory_space<vmem>>, vector<16xf32>,
      %get3A_2009 = vector.shape_cast %get3A_2008 : vector<16xf32> to vector<16xf32>
      %max3A_2010 = arith.maximumf %max3A_2006, %get3A_2009 : vector<16xf32>
      %get3A_2011 = arith.constant 576 : index
      %get3A_2012 = tpu.vector_load %arg11[%get3A_2011] {strides = array<i32>} : memref<1024xf32, #tpu.memory_space<vmem>>, vector<16xf32>,
      %get3A_2013 = vector.shape_cast %get3A_2012 : vector<16xf32> to vector<16xf32>
      %max3A_2014 = arith.maximumf %max3A_2010, %get3A_2013 : vector<16xf32>
      %get3A_2015 = arith.constant 592 : index
      %get3A_2016 = tpu.vector_load %arg11[%get3A_2015] {strides = array<i32>} : memref<1024xf32, #tpu.memory_space<vmem>>, vector<16xf32>,
      %get3A_2017 = vector.shape_cast %get3A_2016 : vector<16xf32> to vector<16xf32>
      %max3A_2018 = arith.maximumf %max3A_2014, %get3A_2017 : vector<16xf32>
      %get3A_2019 = arith.constant 608 : index
      %get3A_2020 = tpu.vector_load %arg11[%get3A_2019] {strides = array<i32>} : memref<1024xf32, #tpu.memory_space<vmem>>, vector<16xf32>,
      %get3A_2021 = vector.shape_cast %get3A_2020 : vector<16xf32> to vector<16xf32>
      %max3A_2022 = arith.maximumf %max3A_2018, %get3A_2021 : vector<16xf32>
      %get3A_2023 = arith.constant 624 : index
      %get3A_2024 = tpu.vector_load %arg11[%get3A_2023] {strides = array<i32>} : memref<1024xf32, #tpu.memory_space<vmem>>, vector<16xf32>,
      %get3A_2025 = vector.shape_cast %get3A_2024 : vector<16xf32> to vector<16xf32>
      %max3A_2026 = arith.maximumf %max3A_2022, %get3A_2025 : vector<16xf32>
      %get3A_2027 = arith.constant 640 : index
      %get3A_2028 = tpu.vector_load %arg11[%get3A_2027] {strides = array<i32>} : memref<1024xf32, #tpu.memory_space<vmem>>, vector<16xf32>,
      %get3A_2029 = vector.shape_cast %get3A_2028 : vector<16xf32> to vector<16xf32>
      %max3A_2030 = arith.maximumf %max3A_2026, %get3A_2029 : vector<16xf32>
      %get3A_2031 = arith.constant 656 : index
      %get3A_2032 = tpu.vector_load %arg11[%get3A_2031] {strides = array<i32>} : memref<1024xf32, #tpu.memory_space<vmem>>, vector<16xf32>,
      %get3A_2033 = vector.shape_cast %get3A_2032 : vector<16xf32> to vector<16xf32>
      %max3A_2034 = arith.maximumf %max3A_2030, %get3A_2033 : vector<16xf32>
      %get3A_2035 = arith.constant 672 : index
      %get3A_2036 = tpu.vector_load %arg11[%get3A_2035] {strides = array<i32>} : memref<1024xf32, #tpu.memory_space<vmem>>, vector<16xf32>,
      %get3A_2037 = vector.shape_cast %get3A_2036 : vector<16xf32> to vector<16xf32>
      %max3A_2038 = arith.maximumf %max3A_2034, %get3A_2037 : vector<16xf32>
      %get3A_2039 = arith.constant 688 : index
      %get3A_2040 = tpu.vector_load %arg11[%get3A_2039] {strides = array<i32>} : memref<1024xf32, #tpu.memory_space<vmem>>, vector<16xf32>,
      %get3A_2041 = vector.shape_cast %get3A_2040 : vector<16xf32> to vector<16xf32>
      %max3A_2042 = arith.maximumf %max3A_2038, %get3A_2041 : vector<16xf32>
      %get3A_2043 = arith.constant 704 : index
      %get3A_2044 = tpu.vector_load %arg11[%get3A_2043] {strides = array<i32>} : memref<1024xf32, #tpu.memory_space<vmem>>, vector<16xf32>,
      %get3A_2045 = vector.shape_cast %get3A_2044 : vector<16xf32> to vector<16xf32>
      %max3A_2046 = arith.maximumf %max3A_2042, %get3A_2045 : vector<16xf32>
      %get3A_2047 = arith.constant 720 : index
      %get3A_2048 = tpu.vector_load %arg11[%get3A_2047] {strides = array<i32>} : memref<1024xf32, #tpu.memory_space<vmem>>, vector<16xf32>,
      %get3A_2049 = vector.shape_cast %get3A_2048 : vector<16xf32> to vector<16xf32>
      %max3A_2050 = arith.maximumf %max3A_2046, %get3A_2049 : vector<16xf32>
      %get3A_2051 = arith.constant 736 : index
      %get3A_2052 = tpu.vector_load %arg11[%get3A_2051] {strides = array<i32>} : memref<1024xf32, #tpu.memory_space<vmem>>, vector<16xf32>,
      %get3A_2053 = vector.shape_cast %get3A_2052 : vector<16xf32> to vector<16xf32>
      %max3A_2054 = arith.maximumf %max3A_2050, %get3A_2053 : vector<16xf32>
      %get3A_2055 = arith.constant 752 : index
      %get3A_2056 = tpu.vector_load %arg11[%get3A_2055] {strides = array<i32>} : memref<1024xf32, #tpu.memory_space<vmem>>, vector<16xf32>,
      %get3A_2057 = vector.shape_cast %get3A_2056 : vector<16xf32> to vector<16xf32>
      %max3A_2058 = arith.maximumf %max3A_2054, %get3A_2057 : vector<16xf32>
      %swap3A_2059 = arith.constant 32 : index
      %swap3A_2060 = tpu.vector_load %arg13[%swap3A_2059] {strides = array<i32>} : memref<64xf32, #tpu.memory_space<vmem>>, vector<16xf32>,
      %swap3A_2061 = vector.shape_cast %swap3A_2060 : vector<16xf32> to vector<16xf32>
      %swap3A_2062 = vector.shape_cast %max3A_2058 : vector<16xf32> to vector<16xf32>
      tpu.vector_store %arg13[%swap3A_2059], %swap3A_2062 {strides = array<i32>} : memref<64xf32, #tpu.memory_space<vmem>>, vector<16xf32>,
      %broadcast_in_dim3A_2063 = arith.constant 0xFF800000 : f32
      %broadcast_in_dim3A_2064 = vector.broadcast %broadcast_in_dim3A_2063 : f32 to vector<16xf32>
      %get3A_2065 = arith.constant 768 : index
      %get3A_2066 = tpu.vector_load %arg11[%get3A_2065] {strides = array<i32>} : memref<1024xf32, #tpu.memory_space<vmem>>, vector<16xf32>,
      %get3A_2067 = vector.shape_cast %get3A_2066 : vector<16xf32> to vector<16xf32>
      %max3A_2068 = arith.maximumf %broadcast_in_dim3A_2064, %get3A_2067 : vector<16xf32>
      %get3A_2069 = arith.constant 784 : index
      %get3A_2070 = tpu.vector_load %arg11[%get3A_2069] {strides = array<i32>} : memref<1024xf32, #tpu.memory_space<vmem>>, vector<16xf32>,
      %get3A_2071 = vector.shape_cast %get3A_2070 : vector<16xf32> to vector<16xf32>
      %max3A_2072 = arith.maximumf %max3A_2068, %get3A_2071 : vector<16xf32>
      %get3A_2073 = arith.constant 800 : index
      %get3A_2074 = tpu.vector_load %arg11[%get3A_2073] {strides = array<i32>} : memref<1024xf32, #tpu.memory_space<vmem>>, vector<16xf32>,
      %get3A_2075 = vector.shape_cast %get3A_2074 : vector<16xf32> to vector<16xf32>
      %max3A_2076 = arith.maximumf %max3A_2072, %get3A_2075 : vector<16xf32>
      %get3A_2077 = arith.constant 816 : index
      %get3A_2078 = tpu.vector_load %arg11[%get3A_2077] {strides = array<i32>} : memref<1024xf32, #tpu.memory_space<vmem>>, vector<16xf32>,
      %get3A_2079 = vector.shape_cast %get3A_2078 : vector<16xf32> to vector<16xf32>
      %max3A_2080 = arith.maximumf %max3A_2076, %get3A_2079 : vector<16xf32>
      %get3A_2081 = arith.constant 832 : index
      %get3A_2082 = tpu.vector_load %arg11[%get3A_2081] {strides = array<i32>} : memref<1024xf32, #tpu.memory_space<vmem>>, vector<16xf32>,
      %get3A_2083 = vector.shape_cast %get3A_2082 : vector<16xf32> to vector<16xf32>
      %max3A_2084 = arith.maximumf %max3A_2080, %get3A_2083 : vector<16xf32>
      %get3A_2085 = arith.constant 848 : index
      %get3A_2086 = tpu.vector_load %arg11[%get3A_2085] {strides = array<i32>} : memref<1024xf32, #tpu.memory_space<vmem>>, vector<16xf32>,
      %get3A_2087 = vector.shape_cast %get3A_2086 : vector<16xf32> to vector<16xf32>
      %max3A_2088 = arith.maximumf %max3A_2084, %get3A_2087 : vector<16xf32>
      %get3A_2089 = arith.constant 864 : index
      %get3A_2090 = tpu.vector_load %arg11[%get3A_2089] {strides = array<i32>} : memref<1024xf32, #tpu.memory_space<vmem>>, vector<16xf32>,
      %get3A_2091 = vector.shape_cast %get3A_2090 : vector<16xf32> to vector<16xf32>
      %max3A_2092 = arith.maximumf %max3A_2088, %get3A_2091 : vector<16xf32>
      %get3A_2093 = arith.constant 880 : index
      %get3A_2094 = tpu.vector_load %arg11[%get3A_2093] {strides = array<i32>} : memref<1024xf32, #tpu.memory_space<vmem>>, vector<16xf32>,
      %get3A_2095 = vector.shape_cast %get3A_2094 : vector<16xf32> to vector<16xf32>
      %max3A_2096 = arith.maximumf %max3A_2092, %get3A_2095 : vector<16xf32>
      %get3A_2097 = arith.constant 896 : index
      %get3A_2098 = tpu.vector_load %arg11[%get3A_2097] {strides = array<i32>} : memref<1024xf32, #tpu.memory_space<vmem>>, vector<16xf32>,
      %get3A_2099 = vector.shape_cast %get3A_2098 : vector<16xf32> to vector<16xf32>
      %max3A_2100 = arith.maximumf %max3A_2096, %get3A_2099 : vector<16xf32>
      %get3A_2101 = arith.constant 912 : index
      %get3A_2102 = tpu.vector_load %arg11[%get3A_2101] {strides = array<i32>} : memref<1024xf32, #tpu.memory_space<vmem>>, vector<16xf32>,
      %get3A_2103 = vector.shape_cast %get3A_2102 : vector<16xf32> to vector<16xf32>
      %max3A_2104 = arith.maximumf %max3A_2100, %get3A_2103 : vector<16xf32>
      %get3A_2105 = arith.constant 928 : index
      %get3A_2106 = tpu.vector_load %arg11[%get3A_2105] {strides = array<i32>} : memref<1024xf32, #tpu.memory_space<vmem>>, vector<16xf32>,
      %get3A_2107 = vector.shape_cast %get3A_2106 : vector<16xf32> to vector<16xf32>
      %max3A_2108 = arith.maximumf %max3A_2104, %get3A_2107 : vector<16xf32>
      %get3A_2109 = arith.constant 944 : index
      %get3A_2110 = tpu.vector_load %arg11[%get3A_2109] {strides = array<i32>} : memref<1024xf32, #tpu.memory_space<vmem>>, vector<16xf32>,
      %get3A_2111 = vector.shape_cast %get3A_2110 : vector<16xf32> to vector<16xf32>
      %max3A_2112 = arith.maximumf %max3A_2108, %get3A_2111 : vector<16xf32>
      %get3A_2113 = arith.constant 960 : index
      %get3A_2114 = tpu.vector_load %arg11[%get3A_2113] {strides = array<i32>} : memref<1024xf32, #tpu.memory_space<vmem>>, vector<16xf32>,
      %get3A_2115 = vector.shape_cast %get3A_2114 : vector<16xf32> to vector<16xf32>
      %max3A_2116 = arith.maximumf %max3A_2112, %get3A_2115 : vector<16xf32>
      %get3A_2117 = arith.constant 976 : index
      %get3A_2118 = tpu.vector_load %arg11[%get3A_2117] {strides = array<i32>} : memref<1024xf32, #tpu.memory_space<vmem>>, vector<16xf32>,
      %get3A_2119 = vector.shape_cast %get3A_2118 : vector<16xf32> to vector<16xf32>
      %max3A_2120 = arith.maximumf %max3A_2116, %get3A_2119 : vector<16xf32>
      %get3A_2121 = arith.constant 992 : index
      %get3A_2122 = tpu.vector_load %arg11[%get3A_2121] {strides = array<i32>} : memref<1024xf32, #tpu.memory_space<vmem>>, vector<16xf32>,
      %get3A_2123 = vector.shape_cast %get3A_2122 : vector<16xf32> to vector<16xf32>
      %max3A_2124 = arith.maximumf %max3A_2120, %get3A_2123 : vector<16xf32>
      %get3A_2125 = arith.constant 1008 : index
      %get3A_2126 = tpu.vector_load %arg11[%get3A_2125] {strides = array<i32>} : memref<1024xf32, #tpu.memory_space<vmem>>, vector<16xf32>,
      %get3A_2127 = vector.shape_cast %get3A_2126 : vector<16xf32> to vector<16xf32>
      %max3A_2128 = arith.maximumf %max3A_2124, %get3A_2127 : vector<16xf32>
      %swap3A_2129 = arith.constant 48 : index
      %swap3A_2130 = tpu.vector_load %arg13[%swap3A_2129] {strides = array<i32>} : memref<64xf32, #tpu.memory_space<vmem>>, vector<16xf32>,
      %swap3A_2131 = vector.shape_cast %swap3A_2130 : vector<16xf32> to vector<16xf32>
      %swap3A_2132 = vector.shape_cast %max3A_2128 : vector<16xf32> to vector<16xf32>
      tpu.vector_store %arg13[%swap3A_2129], %swap3A_2132 {strides = array<i32>} : memref<64xf32, #tpu.memory_space<vmem>>, vector<16xf32>,
      %iota3A_2133 = tpu.iota {dimensions = array<i32: 0>} : vector<16xi32>
      %broadcast_in_dim3A_2134 = arith.constant 0xFF800000 : f32
      %broadcast_in_dim3A_2135 = vector.broadcast %broadcast_in_dim3A_2134 : f32 to vector<16xf32>
      %broadcast_in_dim3A_2136 = arith.constant 0xFF800000 : f32
      %broadcast_in_dim3A_2137 = vector.broadcast %broadcast_in_dim3A_2136 : f32 to vector<16xf32>
      %broadcast_in_dim3A_2138 = arith.constant 0xFF800000 : f32
      %broadcast_in_dim3A_2139 = vector.broadcast %broadcast_in_dim3A_2138 : f32 to vector<16xf32>
      %broadcast_in_dim3A_2140 = arith.constant 0xFF800000 : f32
      %broadcast_in_dim3A_2141 = vector.broadcast %broadcast_in_dim3A_2140 : f32 to vector<16xf32>
      %broadcast_in_dim3A_2142 = arith.constant 0 : i32
      %broadcast_in_dim3A_2143 = vector.broadcast %broadcast_in_dim3A_2142 : i32 to vector<16xi32>
      %broadcast_in_dim3A_2144 = arith.constant 0 : i32
      %broadcast_in_dim3A_2145 = vector.broadcast %broadcast_in_dim3A_2144 : i32 to vector<16xi32>
      %broadcast_in_dim3A_2146 = arith.constant 0 : i32
      %broadcast_in_dim3A_2147 = vector.broadcast %broadcast_in_dim3A_2146 : i32 to vector<16xi32>
      %broadcast_in_dim3A_2148 = arith.constant 0 : i32
      %broadcast_in_dim3A_2149 = vector.broadcast %broadcast_in_dim3A_2148 : i32 to vector<16xi32>
      %scan3A_2150 = arith.constant 0 : i32
      %scan3A_2151 = arith.constant 64 : i32
      %scan3A_2152 = arith.addi %scan3A_2150, %scan3A_2151 : i32
      %scan3A_2153 = arith.constant 1 : i32
      %scan3A_2154:8 = scf.for %scan3A_2231 = %scan3A_2150 to %scan3A_2152 step %scan3A_2153 iter_args(%scan3A_2232 = %broadcast_in_dim3A_2135, %scan3A_2233 = %broadcast_in_dim3A_2137, %scan3A_2234 = %broadcast_in_dim3A_2139, %scan3A_2235 = %broadcast_in_dim3A_2141, %scan3A_2236 = %broadcast_in_dim3A_2143, %scan3A_2237 = %broadcast_in_dim3A_2145, %scan3A_2238 = %broadcast_in_dim3A_2147, %scan3A_2239 = %broadcast_in_dim3A_2149) -> (vector<16xf32>, vector<16xf32>, vector<16xf32>, vector<16xf32>, vector<16xi32>, vector<16xi32>, vector<16xi32>, vector<16xi32>)  : i32 {
        %broadcast_in_dim3A_2240 = arith.constant 0xFF800000 : f32
        %broadcast_in_dim3A_2241 = vector.broadcast %broadcast_in_dim3A_2240 : f32 to vector<16xf32>
        %broadcast_in_dim3A_2242 = arith.constant 0 : i32
        %broadcast_in_dim3A_2243 = vector.broadcast %broadcast_in_dim3A_2242 : i32 to vector<16xi32>
        %get3A_2244 = arith.constant 0 : index
        %get3A_2245 = tpu.vector_load %arg13[%get3A_2244] {strides = array<i32>} : memref<64xf32, #tpu.memory_space<vmem>>, vector<16xf32>,
        %get3A_2246 = vector.shape_cast %get3A_2245 : vector<16xf32> to vector<16xf32>
        %gt3A = arith.cmpf ogt, %get3A_2246, %broadcast_in_dim3A_2241 : vector<16xf32>
        %select_n3A = arith.select %gt3A, %get3A_2246, %broadcast_in_dim3A_2241 : vector<16xi1>, vector<16xf32>
        %jit3A = arith.constant 0 : i32
        %broadcast_in_dim3A_2247 = vector.broadcast %jit3A : i32 to vector<16xi32>
        %select_n3A_2248 = arith.select %gt3A, %broadcast_in_dim3A_2247, %broadcast_in_dim3A_2243 : vector<16xi1>, vector<16xi32>
        %get3A_2249 = arith.constant 16 : index
        %get3A_2250 = tpu.vector_load %arg13[%get3A_2249] {strides = array<i32>} : memref<64xf32, #tpu.memory_space<vmem>>, vector<16xf32>,
        %get3A_2251 = vector.shape_cast %get3A_2250 : vector<16xf32> to vector<16xf32>
        %gt3A_2252 = arith.cmpf ogt, %get3A_2251, %select_n3A : vector<16xf32>
        %select_n3A_2253 = arith.select %gt3A_2252, %get3A_2251, %select_n3A : vector<16xi1>, vector<16xf32>
        %jit3A_2254 = arith.constant 1 : i32
        %broadcast_in_dim3A_2255 = vector.broadcast %jit3A_2254 : i32 to vector<16xi32>
        %select_n3A_2256 = arith.select %gt3A_2252, %broadcast_in_dim3A_2255, %select_n3A_2248 : vector<16xi1>, vector<16xi32>
        %get3A_2257 = arith.constant 32 : index
        %get3A_2258 = tpu.vector_load %arg13[%get3A_2257] {strides = array<i32>} : memref<64xf32, #tpu.memory_space<vmem>>, vector<16xf32>,
        %get3A_2259 = vector.shape_cast %get3A_2258 : vector<16xf32> to vector<16xf32>
        %gt3A_2260 = arith.cmpf ogt, %get3A_2259, %select_n3A_2253 : vector<16xf32>
        %select_n3A_2261 = arith.select %gt3A_2260, %get3A_2259, %select_n3A_2253 : vector<16xi1>, vector<16xf32>
        %jit3A_2262 = arith.constant 2 : i32
        %broadcast_in_dim3A_2263 = vector.broadcast %jit3A_2262 : i32 to vector<16xi32>
        %select_n3A_2264 = arith.select %gt3A_2260, %broadcast_in_dim3A_2263, %select_n3A_2256 : vector<16xi1>, vector<16xi32>
        %get3A_2265 = arith.constant 48 : index
        %get3A_2266 = tpu.vector_load %arg13[%get3A_2265] {strides = array<i32>} : memref<64xf32, #tpu.memory_space<vmem>>, vector<16xf32>,
        %get3A_2267 = vector.shape_cast %get3A_2266 : vector<16xf32> to vector<16xf32>
        %gt3A_2268 = arith.cmpf ogt, %get3A_2267, %select_n3A_2261 : vector<16xf32>
        %select_n3A_2269 = arith.select %gt3A_2268, %get3A_2267, %select_n3A_2261 : vector<16xi1>, vector<16xf32>
        %jit3A_2270 = arith.constant 3 : i32
        %broadcast_in_dim3A_2271 = vector.broadcast %jit3A_2270 : i32 to vector<16xi32>
        %select_n3A_2272 = arith.select %gt3A_2268, %broadcast_in_dim3A_2271, %select_n3A_2264 : vector<16xi1>, vector<16xi32>
        %iota3A_2273 = tpu.iota {dimensions = array<i32: 0>} : vector<16xi32>
        %xor3A = arith.constant 8 : i32
        %xor3A_2274 = vector.broadcast %xor3A : i32 to vector<16xi32>
        %xor3A_2275 = arith.xori %iota3A_2273, %xor3A_2274 : vector<16xi32>
        %lt3A_2276 = arith.constant 0 : i32
        %lt3A_2277 = vector.broadcast %lt3A_2276 : i32 to vector<16xi32>
        %lt3A_2278 = arith.cmpi slt, %xor3A_2275, %lt3A_2277 : vector<16xi32>
        %add3A = arith.constant 16 : i32
        %add3A_2279 = vector.broadcast %add3A : i32 to vector<16xi32>
        %add3A_2280 = arith.addi %xor3A_2275, %add3A_2279 : vector<16xi32>
        %select_n3A_2281 = arith.select %lt3A_2278, %add3A_2280, %xor3A_2275 : vector<16xi1>, vector<16xi32>
        %broadcast_in_dim3A_2282 = vector.shape_cast %select_n3A_2281 : vector<16xi32> to vector<16x1xi32>
        %gather3A = vector.shape_cast %broadcast_in_dim3A_2282 : vector<16x1xi32> to vector<16xi32>
        %gather3A_2283 = tpu.dynamic_gather %select_n3A_2269[%gather3A] in [0] : vector<16xf32>, vector<16xi32> -> vector<16xf32>
        %max3A_2284 = arith.maximumf %select_n3A_2269, %gather3A_2283 : vector<16xf32>
        %xor3A_2285 = arith.constant 4 : i32
        %xor3A_2286 = vector.broadcast %xor3A_2285 : i32 to vector<16xi32>
        %xor3A_2287 = arith.xori %iota3A_2273, %xor3A_2286 : vector<16xi32>
        %lt3A_2288 = arith.constant 0 : i32
        %lt3A_2289 = vector.broadcast %lt3A_2288 : i32 to vector<16xi32>
        %lt3A_2290 = arith.cmpi slt, %xor3A_2287, %lt3A_2289 : vector<16xi32>
        %add3A_2291 = arith.constant 16 : i32
        %add3A_2292 = vector.broadcast %add3A_2291 : i32 to vector<16xi32>
        %add3A_2293 = arith.addi %xor3A_2287, %add3A_2292 : vector<16xi32>
        %select_n3A_2294 = arith.select %lt3A_2290, %add3A_2293, %xor3A_2287 : vector<16xi1>, vector<16xi32>
        %broadcast_in_dim3A_2295 = vector.shape_cast %select_n3A_2294 : vector<16xi32> to vector<16x1xi32>
        %gather3A_2296 = vector.shape_cast %broadcast_in_dim3A_2295 : vector<16x1xi32> to vector<16xi32>
        %gather3A_2297 = tpu.dynamic_gather %max3A_2284[%gather3A_2296] in [0] : vector<16xf32>, vector<16xi32> -> vector<16xf32>
        %max3A_2298 = arith.maximumf %max3A_2284, %gather3A_2297 : vector<16xf32>
        %xor3A_2299 = arith.constant 2 : i32
        %xor3A_2300 = vector.broadcast %xor3A_2299 : i32 to vector<16xi32>
        %xor3A_2301 = arith.xori %iota3A_2273, %xor3A_2300 : vector<16xi32>
        %lt3A_2302 = arith.constant 0 : i32
        %lt3A_2303 = vector.broadcast %lt3A_2302 : i32 to vector<16xi32>
        %lt3A_2304 = arith.cmpi slt, %xor3A_2301, %lt3A_2303 : vector<16xi32>
        %add3A_2305 = arith.constant 16 : i32
        %add3A_2306 = vector.broadcast %add3A_2305 : i32 to vector<16xi32>
        %add3A_2307 = arith.addi %xor3A_2301, %add3A_2306 : vector<16xi32>
        %select_n3A_2308 = arith.select %lt3A_2304, %add3A_2307, %xor3A_2301 : vector<16xi1>, vector<16xi32>
        %broadcast_in_dim3A_2309 = vector.shape_cast %select_n3A_2308 : vector<16xi32> to vector<16x1xi32>
        %gather3A_2310 = vector.shape_cast %broadcast_in_dim3A_2309 : vector<16x1xi32> to vector<16xi32>
        %gather3A_2311 = tpu.dynamic_gather %max3A_2298[%gather3A_2310] in [0] : vector<16xf32>, vector<16xi32> -> vector<16xf32>
        %max3A_2312 = arith.maximumf %max3A_2298, %gather3A_2311 : vector<16xf32>
        %xor3A_2313 = arith.constant 1 : i32
        %xor3A_2314 = vector.broadcast %xor3A_2313 : i32 to vector<16xi32>
        %xor3A_2315 = arith.xori %iota3A_2273, %xor3A_2314 : vector<16xi32>
        %lt3A_2316 = arith.constant 0 : i32
        %lt3A_2317 = vector.broadcast %lt3A_2316 : i32 to vector<16xi32>
        %lt3A_2318 = arith.cmpi slt, %xor3A_2315, %lt3A_2317 : vector<16xi32>
        %add3A_2319 = arith.constant 16 : i32
        %add3A_2320 = vector.broadcast %add3A_2319 : i32 to vector<16xi32>
        %add3A_2321 = arith.addi %xor3A_2315, %add3A_2320 : vector<16xi32>
        %select_n3A_2322 = arith.select %lt3A_2318, %add3A_2321, %xor3A_2315 : vector<16xi1>, vector<16xi32>
        %broadcast_in_dim3A_2323 = vector.shape_cast %select_n3A_2322 : vector<16xi32> to vector<16x1xi32>
        %gather3A_2324 = vector.shape_cast %broadcast_in_dim3A_2323 : vector<16x1xi32> to vector<16xi32>
        %gather3A_2325 = tpu.dynamic_gather %max3A_2312[%gather3A_2324] in [0] : vector<16xf32>, vector<16xi32> -> vector<16xf32>
        %max3A_2326 = arith.maximumf %max3A_2312, %gather3A_2325 : vector<16xf32>
        %eq3A_2327 = arith.cmpf oeq, %select_n3A_2269, %max3A_2326 : vector<16xf32>
        %jit3A_2328 = arith.constant 1073741824 : i32
        %broadcast_in_dim3A_2329 = vector.broadcast %jit3A_2328 : i32 to vector<16xi32>
        %select_n3A_2330 = arith.select %eq3A_2327, %select_n3A_2272, %broadcast_in_dim3A_2329 : vector<16xi1>, vector<16xi32>
        %iota3A_2331 = tpu.iota {dimensions = array<i32: 0>} : vector<16xi32>
        %xor3A_2332 = arith.constant 8 : i32
        %xor3A_2333 = vector.broadcast %xor3A_2332 : i32 to vector<16xi32>
        %xor3A_2334 = arith.xori %iota3A_2331, %xor3A_2333 : vector<16xi32>
        %lt3A_2335 = arith.constant 0 : i32
        %lt3A_2336 = vector.broadcast %lt3A_2335 : i32 to vector<16xi32>
        %lt3A_2337 = arith.cmpi slt, %xor3A_2334, %lt3A_2336 : vector<16xi32>
        %add3A_2338 = arith.constant 16 : i32
        %add3A_2339 = vector.broadcast %add3A_2338 : i32 to vector<16xi32>
        %add3A_2340 = arith.addi %xor3A_2334, %add3A_2339 : vector<16xi32>
        %select_n3A_2341 = arith.select %lt3A_2337, %add3A_2340, %xor3A_2334 : vector<16xi1>, vector<16xi32>
        %broadcast_in_dim3A_2342 = vector.shape_cast %select_n3A_2341 : vector<16xi32> to vector<16x1xi32>
        %gather3A_2343 = vector.shape_cast %broadcast_in_dim3A_2342 : vector<16x1xi32> to vector<16xi32>
        %gather3A_2344 = tpu.dynamic_gather %select_n3A_2330[%gather3A_2343] in [0] : vector<16xi32>, vector<16xi32> -> vector<16xi32>
        %min3A = arith.minsi %select_n3A_2330, %gather3A_2344 : vector<16xi32>
        %xor3A_2345 = arith.constant 4 : i32
        %xor3A_2346 = vector.broadcast %xor3A_2345 : i32 to vector<16xi32>
        %xor3A_2347 = arith.xori %iota3A_2331, %xor3A_2346 : vector<16xi32>
        %lt3A_2348 = arith.constant 0 : i32
        %lt3A_2349 = vector.broadcast %lt3A_2348 : i32 to vector<16xi32>
        %lt3A_2350 = arith.cmpi slt, %xor3A_2347, %lt3A_2349 : vector<16xi32>
        %add3A_2351 = arith.constant 16 : i32
        %add3A_2352 = vector.broadcast %add3A_2351 : i32 to vector<16xi32>
        %add3A_2353 = arith.addi %xor3A_2347, %add3A_2352 : vector<16xi32>
        %select_n3A_2354 = arith.select %lt3A_2350, %add3A_2353, %xor3A_2347 : vector<16xi1>, vector<16xi32>
        %broadcast_in_dim3A_2355 = vector.shape_cast %select_n3A_2354 : vector<16xi32> to vector<16x1xi32>
        %gather3A_2356 = vector.shape_cast %broadcast_in_dim3A_2355 : vector<16x1xi32> to vector<16xi32>
        %gather3A_2357 = tpu.dynamic_gather %min3A[%gather3A_2356] in [0] : vector<16xi32>, vector<16xi32> -> vector<16xi32>
        %min3A_2358 = arith.minsi %min3A, %gather3A_2357 : vector<16xi32>
        %xor3A_2359 = arith.constant 2 : i32
        %xor3A_2360 = vector.broadcast %xor3A_2359 : i32 to vector<16xi32>
        %xor3A_2361 = arith.xori %iota3A_2331, %xor3A_2360 : vector<16xi32>
        %lt3A_2362 = arith.constant 0 : i32
        %lt3A_2363 = vector.broadcast %lt3A_2362 : i32 to vector<16xi32>
        %lt3A_2364 = arith.cmpi slt, %xor3A_2361, %lt3A_2363 : vector<16xi32>
        %add3A_2365 = arith.constant 16 : i32
        %add3A_2366 = vector.broadcast %add3A_2365 : i32 to vector<16xi32>
        %add3A_2367 = arith.addi %xor3A_2361, %add3A_2366 : vector<16xi32>
        %select_n3A_2368 = arith.select %lt3A_2364, %add3A_2367, %xor3A_2361 : vector<16xi1>, vector<16xi32>
        %broadcast_in_dim3A_2369 = vector.shape_cast %select_n3A_2368 : vector<16xi32> to vector<16x1xi32>
        %gather3A_2370 = vector.shape_cast %broadcast_in_dim3A_2369 : vector<16x1xi32> to vector<16xi32>
        %gather3A_2371 = tpu.dynamic_gather %min3A_2358[%gather3A_2370] in [0] : vector<16xi32>, vector<16xi32> -> vector<16xi32>
        %min3A_2372 = arith.minsi %min3A_2358, %gather3A_2371 : vector<16xi32>
        %xor3A_2373 = arith.constant 1 : i32
        %xor3A_2374 = vector.broadcast %xor3A_2373 : i32 to vector<16xi32>
        %xor3A_2375 = arith.xori %iota3A_2331, %xor3A_2374 : vector<16xi32>
        %lt3A_2376 = arith.constant 0 : i32
        %lt3A_2377 = vector.broadcast %lt3A_2376 : i32 to vector<16xi32>
        %lt3A_2378 = arith.cmpi slt, %xor3A_2375, %lt3A_2377 : vector<16xi32>
        %add3A_2379 = arith.constant 16 : i32
        %add3A_2380 = vector.broadcast %add3A_2379 : i32 to vector<16xi32>
        %add3A_2381 = arith.addi %xor3A_2375, %add3A_2380 : vector<16xi32>
        %select_n3A_2382 = arith.select %lt3A_2378, %add3A_2381, %xor3A_2375 : vector<16xi1>, vector<16xi32>
        %broadcast_in_dim3A_2383 = vector.shape_cast %select_n3A_2382 : vector<16xi32> to vector<16x1xi32>
        %gather3A_2384 = vector.shape_cast %broadcast_in_dim3A_2383 : vector<16x1xi32> to vector<16xi32>
        %gather3A_2385 = tpu.dynamic_gather %min3A_2372[%gather3A_2384] in [0] : vector<16xi32>, vector<16xi32> -> vector<16xi32>
        %min3A_2386 = arith.minsi %min3A_2372, %gather3A_2385 : vector<16xi32>
        %slice3A = vector.extract_strided_slice %min3A_2386 {offsets = [0], sizes = [1], strides = [1]} : vector<16xi32> to vector<1xi32>
        %squeeze3A = vector.extract %slice3A[0] : i32 from vector<1xi32>
        %broadcast_in_dim3A_2387 = arith.constant 1073741824 : i32
        %broadcast_in_dim3A_2388 = vector.broadcast %broadcast_in_dim3A_2387 : i32 to vector<16xi32>
        %mul3A_2389 = arith.constant 256 : i32
        %mul3A_2390 = arith.muli %squeeze3A, %mul3A_2389 : i32
        %add3A_2391 = arith.constant 0 : i32
        %add3A_2392 = arith.addi %mul3A_2390, %add3A_2391 : i32
        %get3A_2393 = arith.index_cast %add3A_2392 : i32 to index
        %get3A_2394 = tpu.vector_load %arg11[%get3A_2393] {strides = array<i32>} : memref<1024xf32, #tpu.memory_space<vmem>>, vector<16xf32>,
        %get3A_2395 = vector.shape_cast %get3A_2394 : vector<16xf32> to vector<16xf32>
        %eq3A_2396 = arith.cmpf oeq, %get3A_2395, %max3A_2326 : vector<16xf32>
        %jit3A_2397 = arith.constant 0 : i32
        %jit3A_2398 = arith.constant 1073741824 : i32
        %broadcast_in_dim3A_2399 = vector.broadcast %jit3A_2397 : i32 to vector<16xi32>
        %broadcast_in_dim3A_2400 = vector.broadcast %jit3A_2398 : i32 to vector<16xi32>
        %select_n3A_2401 = arith.select %eq3A_2396, %broadcast_in_dim3A_2399, %broadcast_in_dim3A_2400 : vector<16xi1>, vector<16xi32>
        %min3A_2402 = arith.minsi %broadcast_in_dim3A_2388, %select_n3A_2401 : vector<16xi32>
        %mul3A_2403 = arith.constant 256 : i32
        %mul3A_2404 = arith.muli %squeeze3A, %mul3A_2403 : i32
        %add3A_2405 = arith.constant 16 : i32
        %add3A_2406 = arith.addi %mul3A_2404, %add3A_2405 : i32
        %get3A_2407 = arith.index_cast %add3A_2406 : i32 to index
        %get3A_2408 = tpu.vector_load %arg11[%get3A_2407] {strides = array<i32>} : memref<1024xf32, #tpu.memory_space<vmem>>, vector<16xf32>,
        %get3A_2409 = vector.shape_cast %get3A_2408 : vector<16xf32> to vector<16xf32>
        %eq3A_2410 = arith.cmpf oeq, %get3A_2409, %max3A_2326 : vector<16xf32>
        %jit3A_2411 = arith.constant 1 : i32
        %jit3A_2412 = arith.constant 1073741824 : i32
        %broadcast_in_dim3A_2413 = vector.broadcast %jit3A_2411 : i32 to vector<16xi32>
        %broadcast_in_dim3A_2414 = vector.broadcast %jit3A_2412 : i32 to vector<16xi32>
        %select_n3A_2415 = arith.select %eq3A_2410, %broadcast_in_dim3A_2413, %broadcast_in_dim3A_2414 : vector<16xi1>, vector<16xi32>
        %min3A_2416 = arith.minsi %min3A_2402, %select_n3A_2415 : vector<16xi32>
        %mul3A_2417 = arith.constant 256 : i32
        %mul3A_2418 = arith.muli %squeeze3A, %mul3A_2417 : i32
        %add3A_2419 = arith.constant 32 : i32
        %add3A_2420 = arith.addi %mul3A_2418, %add3A_2419 : i32
        %get3A_2421 = arith.index_cast %add3A_2420 : i32 to index
        %get3A_2422 = tpu.vector_load %arg11[%get3A_2421] {strides = array<i32>} : memref<1024xf32, #tpu.memory_space<vmem>>, vector<16xf32>,
        %get3A_2423 = vector.shape_cast %get3A_2422 : vector<16xf32> to vector<16xf32>
        %eq3A_2424 = arith.cmpf oeq, %get3A_2423, %max3A_2326 : vector<16xf32>
        %jit3A_2425 = arith.constant 2 : i32
        %jit3A_2426 = arith.constant 1073741824 : i32
        %broadcast_in_dim3A_2427 = vector.broadcast %jit3A_2425 : i32 to vector<16xi32>
        %broadcast_in_dim3A_2428 = vector.broadcast %jit3A_2426 : i32 to vector<16xi32>
        %select_n3A_2429 = arith.select %eq3A_2424, %broadcast_in_dim3A_2427, %broadcast_in_dim3A_2428 : vector<16xi1>, vector<16xi32>
        %min3A_2430 = arith.minsi %min3A_2416, %select_n3A_2429 : vector<16xi32>
        %mul3A_2431 = arith.constant 256 : i32
        %mul3A_2432 = arith.muli %squeeze3A, %mul3A_2431 : i32
        %add3A_2433 = arith.constant 48 : i32
        %add3A_2434 = arith.addi %mul3A_2432, %add3A_2433 : i32
        %get3A_2435 = arith.index_cast %add3A_2434 : i32 to index
        %get3A_2436 = tpu.vector_load %arg11[%get3A_2435] {strides = array<i32>} : memref<1024xf32, #tpu.memory_space<vmem>>, vector<16xf32>,
        %get3A_2437 = vector.shape_cast %get3A_2436 : vector<16xf32> to vector<16xf32>
        %eq3A_2438 = arith.cmpf oeq, %get3A_2437, %max3A_2326 : vector<16xf32>
        %jit3A_2439 = arith.constant 3 : i32
        %jit3A_2440 = arith.constant 1073741824 : i32
        %broadcast_in_dim3A_2441 = vector.broadcast %jit3A_2439 : i32 to vector<16xi32>
        %broadcast_in_dim3A_2442 = vector.broadcast %jit3A_2440 : i32 to vector<16xi32>
        %select_n3A_2443 = arith.select %eq3A_2438, %broadcast_in_dim3A_2441, %broadcast_in_dim3A_2442 : vector<16xi1>, vector<16xi32>
        %min3A_2444 = arith.minsi %min3A_2430, %select_n3A_2443 : vector<16xi32>
        %mul3A_2445 = arith.constant 256 : i32
        %mul3A_2446 = arith.muli %squeeze3A, %mul3A_2445 : i32
        %add3A_2447 = arith.constant 64 : i32
        %add3A_2448 = arith.addi %mul3A_2446, %add3A_2447 : i32
        %get3A_2449 = arith.index_cast %add3A_2448 : i32 to index
        %get3A_2450 = tpu.vector_load %arg11[%get3A_2449] {strides = array<i32>} : memref<1024xf32, #tpu.memory_space<vmem>>, vector<16xf32>,
        %get3A_2451 = vector.shape_cast %get3A_2450 : vector<16xf32> to vector<16xf32>
        %eq3A_2452 = arith.cmpf oeq, %get3A_2451, %max3A_2326 : vector<16xf32>
        %jit3A_2453 = arith.constant 4 : i32
        %jit3A_2454 = arith.constant 1073741824 : i32
        %broadcast_in_dim3A_2455 = vector.broadcast %jit3A_2453 : i32 to vector<16xi32>
        %broadcast_in_dim3A_2456 = vector.broadcast %jit3A_2454 : i32 to vector<16xi32>
        %select_n3A_2457 = arith.select %eq3A_2452, %broadcast_in_dim3A_2455, %broadcast_in_dim3A_2456 : vector<16xi1>, vector<16xi32>
        %min3A_2458 = arith.minsi %min3A_2444, %select_n3A_2457 : vector<16xi32>
        %mul3A_2459 = arith.constant 256 : i32
        %mul3A_2460 = arith.muli %squeeze3A, %mul3A_2459 : i32
        %add3A_2461 = arith.constant 80 : i32
        %add3A_2462 = arith.addi %mul3A_2460, %add3A_2461 : i32
        %get3A_2463 = arith.index_cast %add3A_2462 : i32 to index
        %get3A_2464 = tpu.vector_load %arg11[%get3A_2463] {strides = array<i32>} : memref<1024xf32, #tpu.memory_space<vmem>>, vector<16xf32>,
        %get3A_2465 = vector.shape_cast %get3A_2464 : vector<16xf32> to vector<16xf32>
        %eq3A_2466 = arith.cmpf oeq, %get3A_2465, %max3A_2326 : vector<16xf32>
        %jit3A_2467 = arith.constant 5 : i32
        %jit3A_2468 = arith.constant 1073741824 : i32
        %broadcast_in_dim3A_2469 = vector.broadcast %jit3A_2467 : i32 to vector<16xi32>
        %broadcast_in_dim3A_2470 = vector.broadcast %jit3A_2468 : i32 to vector<16xi32>
        %select_n3A_2471 = arith.select %eq3A_2466, %broadcast_in_dim3A_2469, %broadcast_in_dim3A_2470 : vector<16xi1>, vector<16xi32>
        %min3A_2472 = arith.minsi %min3A_2458, %select_n3A_2471 : vector<16xi32>
        %mul3A_2473 = arith.constant 256 : i32
        %mul3A_2474 = arith.muli %squeeze3A, %mul3A_2473 : i32
        %add3A_2475 = arith.constant 96 : i32
        %add3A_2476 = arith.addi %mul3A_2474, %add3A_2475 : i32
        %get3A_2477 = arith.index_cast %add3A_2476 : i32 to index
        %get3A_2478 = tpu.vector_load %arg11[%get3A_2477] {strides = array<i32>} : memref<1024xf32, #tpu.memory_space<vmem>>, vector<16xf32>,
        %get3A_2479 = vector.shape_cast %get3A_2478 : vector<16xf32> to vector<16xf32>
        %eq3A_2480 = arith.cmpf oeq, %get3A_2479, %max3A_2326 : vector<16xf32>
        %jit3A_2481 = arith.constant 6 : i32
        %jit3A_2482 = arith.constant 1073741824 : i32
        %broadcast_in_dim3A_2483 = vector.broadcast %jit3A_2481 : i32 to vector<16xi32>
        %broadcast_in_dim3A_2484 = vector.broadcast %jit3A_2482 : i32 to vector<16xi32>
        %select_n3A_2485 = arith.select %eq3A_2480, %broadcast_in_dim3A_2483, %broadcast_in_dim3A_2484 : vector<16xi1>, vector<16xi32>
        %min3A_2486 = arith.minsi %min3A_2472, %select_n3A_2485 : vector<16xi32>
        %mul3A_2487 = arith.constant 256 : i32
        %mul3A_2488 = arith.muli %squeeze3A, %mul3A_2487 : i32
        %add3A_2489 = arith.constant 112 : i32
        %add3A_2490 = arith.addi %mul3A_2488, %add3A_2489 : i32
        %get3A_2491 = arith.index_cast %add3A_2490 : i32 to index
        %get3A_2492 = tpu.vector_load %arg11[%get3A_2491] {strides = array<i32>} : memref<1024xf32, #tpu.memory_space<vmem>>, vector<16xf32>,
        %get3A_2493 = vector.shape_cast %get3A_2492 : vector<16xf32> to vector<16xf32>
        %eq3A_2494 = arith.cmpf oeq, %get3A_2493, %max3A_2326 : vector<16xf32>
        %jit3A_2495 = arith.constant 7 : i32
        %jit3A_2496 = arith.constant 1073741824 : i32
        %broadcast_in_dim3A_2497 = vector.broadcast %jit3A_2495 : i32 to vector<16xi32>
        %broadcast_in_dim3A_2498 = vector.broadcast %jit3A_2496 : i32 to vector<16xi32>
        %select_n3A_2499 = arith.select %eq3A_2494, %broadcast_in_dim3A_2497, %broadcast_in_dim3A_2498 : vector<16xi1>, vector<16xi32>
        %min3A_2500 = arith.minsi %min3A_2486, %select_n3A_2499 : vector<16xi32>
        %mul3A_2501 = arith.constant 256 : i32
        %mul3A_2502 = arith.muli %squeeze3A, %mul3A_2501 : i32
        %add3A_2503 = arith.constant 128 : i32
        %add3A_2504 = arith.addi %mul3A_2502, %add3A_2503 : i32
        %get3A_2505 = arith.index_cast %add3A_2504 : i32 to index
        %get3A_2506 = tpu.vector_load %arg11[%get3A_2505] {strides = array<i32>} : memref<1024xf32, #tpu.memory_space<vmem>>, vector<16xf32>,
        %get3A_2507 = vector.shape_cast %get3A_2506 : vector<16xf32> to vector<16xf32>
        %eq3A_2508 = arith.cmpf oeq, %get3A_2507, %max3A_2326 : vector<16xf32>
        %jit3A_2509 = arith.constant 8 : i32
        %jit3A_2510 = arith.constant 1073741824 : i32
        %broadcast_in_dim3A_2511 = vector.broadcast %jit3A_2509 : i32 to vector<16xi32>
        %broadcast_in_dim3A_2512 = vector.broadcast %jit3A_2510 : i32 to vector<16xi32>
        %select_n3A_2513 = arith.select %eq3A_2508, %broadcast_in_dim3A_2511, %broadcast_in_dim3A_2512 : vector<16xi1>, vector<16xi32>
        %min3A_2514 = arith.minsi %min3A_2500, %select_n3A_2513 : vector<16xi32>
        %mul3A_2515 = arith.constant 256 : i32
        %mul3A_2516 = arith.muli %squeeze3A, %mul3A_2515 : i32
        %add3A_2517 = arith.constant 144 : i32
        %add3A_2518 = arith.addi %mul3A_2516, %add3A_2517 : i32
        %get3A_2519 = arith.index_cast %add3A_2518 : i32 to index
        %get3A_2520 = tpu.vector_load %arg11[%get3A_2519] {strides = array<i32>} : memref<1024xf32, #tpu.memory_space<vmem>>, vector<16xf32>,
        %get3A_2521 = vector.shape_cast %get3A_2520 : vector<16xf32> to vector<16xf32>
        %eq3A_2522 = arith.cmpf oeq, %get3A_2521, %max3A_2326 : vector<16xf32>
        %jit3A_2523 = arith.constant 9 : i32
        %jit3A_2524 = arith.constant 1073741824 : i32
        %broadcast_in_dim3A_2525 = vector.broadcast %jit3A_2523 : i32 to vector<16xi32>
        %broadcast_in_dim3A_2526 = vector.broadcast %jit3A_2524 : i32 to vector<16xi32>
        %select_n3A_2527 = arith.select %eq3A_2522, %broadcast_in_dim3A_2525, %broadcast_in_dim3A_2526 : vector<16xi1>, vector<16xi32>
        %min3A_2528 = arith.minsi %min3A_2514, %select_n3A_2527 : vector<16xi32>
        %mul3A_2529 = arith.constant 256 : i32
        %mul3A_2530 = arith.muli %squeeze3A, %mul3A_2529 : i32
        %add3A_2531 = arith.constant 160 : i32
        %add3A_2532 = arith.addi %mul3A_2530, %add3A_2531 : i32
        %get3A_2533 = arith.index_cast %add3A_2532 : i32 to index
        %get3A_2534 = tpu.vector_load %arg11[%get3A_2533] {strides = array<i32>} : memref<1024xf32, #tpu.memory_space<vmem>>, vector<16xf32>,
        %get3A_2535 = vector.shape_cast %get3A_2534 : vector<16xf32> to vector<16xf32>
        %eq3A_2536 = arith.cmpf oeq, %get3A_2535, %max3A_2326 : vector<16xf32>
        %jit3A_2537 = arith.constant 10 : i32
        %jit3A_2538 = arith.constant 1073741824 : i32
        %broadcast_in_dim3A_2539 = vector.broadcast %jit3A_2537 : i32 to vector<16xi32>
        %broadcast_in_dim3A_2540 = vector.broadcast %jit3A_2538 : i32 to vector<16xi32>
        %select_n3A_2541 = arith.select %eq3A_2536, %broadcast_in_dim3A_2539, %broadcast_in_dim3A_2540 : vector<16xi1>, vector<16xi32>
        %min3A_2542 = arith.minsi %min3A_2528, %select_n3A_2541 : vector<16xi32>
        %mul3A_2543 = arith.constant 256 : i32
        %mul3A_2544 = arith.muli %squeeze3A, %mul3A_2543 : i32
        %add3A_2545 = arith.constant 176 : i32
        %add3A_2546 = arith.addi %mul3A_2544, %add3A_2545 : i32
        %get3A_2547 = arith.index_cast %add3A_2546 : i32 to index
        %get3A_2548 = tpu.vector_load %arg11[%get3A_2547] {strides = array<i32>} : memref<1024xf32, #tpu.memory_space<vmem>>, vector<16xf32>,
        %get3A_2549 = vector.shape_cast %get3A_2548 : vector<16xf32> to vector<16xf32>
        %eq3A_2550 = arith.cmpf oeq, %get3A_2549, %max3A_2326 : vector<16xf32>
        %jit3A_2551 = arith.constant 11 : i32
        %jit3A_2552 = arith.constant 1073741824 : i32
        %broadcast_in_dim3A_2553 = vector.broadcast %jit3A_2551 : i32 to vector<16xi32>
        %broadcast_in_dim3A_2554 = vector.broadcast %jit3A_2552 : i32 to vector<16xi32>
        %select_n3A_2555 = arith.select %eq3A_2550, %broadcast_in_dim3A_2553, %broadcast_in_dim3A_2554 : vector<16xi1>, vector<16xi32>
        %min3A_2556 = arith.minsi %min3A_2542, %select_n3A_2555 : vector<16xi32>
        %mul3A_2557 = arith.constant 256 : i32
        %mul3A_2558 = arith.muli %squeeze3A, %mul3A_2557 : i32
        %add3A_2559 = arith.constant 192 : i32
        %add3A_2560 = arith.addi %mul3A_2558, %add3A_2559 : i32
        %get3A_2561 = arith.index_cast %add3A_2560 : i32 to index
        %get3A_2562 = tpu.vector_load %arg11[%get3A_2561] {strides = array<i32>} : memref<1024xf32, #tpu.memory_space<vmem>>, vector<16xf32>,
        %get3A_2563 = vector.shape_cast %get3A_2562 : vector<16xf32> to vector<16xf32>
        %eq3A_2564 = arith.cmpf oeq, %get3A_2563, %max3A_2326 : vector<16xf32>
        %jit3A_2565 = arith.constant 12 : i32
        %jit3A_2566 = arith.constant 1073741824 : i32
        %broadcast_in_dim3A_2567 = vector.broadcast %jit3A_2565 : i32 to vector<16xi32>
        %broadcast_in_dim3A_2568 = vector.broadcast %jit3A_2566 : i32 to vector<16xi32>
        %select_n3A_2569 = arith.select %eq3A_2564, %broadcast_in_dim3A_2567, %broadcast_in_dim3A_2568 : vector<16xi1>, vector<16xi32>
        %min3A_2570 = arith.minsi %min3A_2556, %select_n3A_2569 : vector<16xi32>
        %mul3A_2571 = arith.constant 256 : i32
        %mul3A_2572 = arith.muli %squeeze3A, %mul3A_2571 : i32
        %add3A_2573 = arith.constant 208 : i32
        %add3A_2574 = arith.addi %mul3A_2572, %add3A_2573 : i32
        %get3A_2575 = arith.index_cast %add3A_2574 : i32 to index
        %get3A_2576 = tpu.vector_load %arg11[%get3A_2575] {strides = array<i32>} : memref<1024xf32, #tpu.memory_space<vmem>>, vector<16xf32>,
        %get3A_2577 = vector.shape_cast %get3A_2576 : vector<16xf32> to vector<16xf32>
        %eq3A_2578 = arith.cmpf oeq, %get3A_2577, %max3A_2326 : vector<16xf32>
        %jit3A_2579 = arith.constant 13 : i32
        %jit3A_2580 = arith.constant 1073741824 : i32
        %broadcast_in_dim3A_2581 = vector.broadcast %jit3A_2579 : i32 to vector<16xi32>
        %broadcast_in_dim3A_2582 = vector.broadcast %jit3A_2580 : i32 to vector<16xi32>
        %select_n3A_2583 = arith.select %eq3A_2578, %broadcast_in_dim3A_2581, %broadcast_in_dim3A_2582 : vector<16xi1>, vector<16xi32>
        %min3A_2584 = arith.minsi %min3A_2570, %select_n3A_2583 : vector<16xi32>
        %mul3A_2585 = arith.constant 256 : i32
        %mul3A_2586 = arith.muli %squeeze3A, %mul3A_2585 : i32
        %add3A_2587 = arith.constant 224 : i32
        %add3A_2588 = arith.addi %mul3A_2586, %add3A_2587 : i32
        %get3A_2589 = arith.index_cast %add3A_2588 : i32 to index
        %get3A_2590 = tpu.vector_load %arg11[%get3A_2589] {strides = array<i32>} : memref<1024xf32, #tpu.memory_space<vmem>>, vector<16xf32>,
        %get3A_2591 = vector.shape_cast %get3A_2590 : vector<16xf32> to vector<16xf32>
        %eq3A_2592 = arith.cmpf oeq, %get3A_2591, %max3A_2326 : vector<16xf32>
        %jit3A_2593 = arith.constant 14 : i32
        %jit3A_2594 = arith.constant 1073741824 : i32
        %broadcast_in_dim3A_2595 = vector.broadcast %jit3A_2593 : i32 to vector<16xi32>
        %broadcast_in_dim3A_2596 = vector.broadcast %jit3A_2594 : i32 to vector<16xi32>
        %select_n3A_2597 = arith.select %eq3A_2592, %broadcast_in_dim3A_2595, %broadcast_in_dim3A_2596 : vector<16xi1>, vector<16xi32>
        %min3A_2598 = arith.minsi %min3A_2584, %select_n3A_2597 : vector<16xi32>
        %mul3A_2599 = arith.constant 256 : i32
        %mul3A_2600 = arith.muli %squeeze3A, %mul3A_2599 : i32
        %add3A_2601 = arith.constant 240 : i32
        %add3A_2602 = arith.addi %mul3A_2600, %add3A_2601 : i32
        %get3A_2603 = arith.index_cast %add3A_2602 : i32 to index
        %get3A_2604 = tpu.vector_load %arg11[%get3A_2603] {strides = array<i32>} : memref<1024xf32, #tpu.memory_space<vmem>>, vector<16xf32>,
        %get3A_2605 = vector.shape_cast %get3A_2604 : vector<16xf32> to vector<16xf32>
        %eq3A_2606 = arith.cmpf oeq, %get3A_2605, %max3A_2326 : vector<16xf32>
        %jit3A_2607 = arith.constant 15 : i32
        %jit3A_2608 = arith.constant 1073741824 : i32
        %broadcast_in_dim3A_2609 = vector.broadcast %jit3A_2607 : i32 to vector<16xi32>
        %broadcast_in_dim3A_2610 = vector.broadcast %jit3A_2608 : i32 to vector<16xi32>
        %select_n3A_2611 = arith.select %eq3A_2606, %broadcast_in_dim3A_2609, %broadcast_in_dim3A_2610 : vector<16xi1>, vector<16xi32>
        %min3A_2612 = arith.minsi %min3A_2598, %select_n3A_2611 : vector<16xi32>
        %iota3A_2613 = tpu.iota {dimensions = array<i32: 0>} : vector<16xi32>
        %xor3A_2614 = arith.constant 8 : i32
        %xor3A_2615 = vector.broadcast %xor3A_2614 : i32 to vector<16xi32>
        %xor3A_2616 = arith.xori %iota3A_2613, %xor3A_2615 : vector<16xi32>
        %lt3A_2617 = arith.constant 0 : i32
        %lt3A_2618 = vector.broadcast %lt3A_2617 : i32 to vector<16xi32>
        %lt3A_2619 = arith.cmpi slt, %xor3A_2616, %lt3A_2618 : vector<16xi32>
        %add3A_2620 = arith.constant 16 : i32
        %add3A_2621 = vector.broadcast %add3A_2620 : i32 to vector<16xi32>
        %add3A_2622 = arith.addi %xor3A_2616, %add3A_2621 : vector<16xi32>
        %select_n3A_2623 = arith.select %lt3A_2619, %add3A_2622, %xor3A_2616 : vector<16xi1>, vector<16xi32>
        %broadcast_in_dim3A_2624 = vector.shape_cast %select_n3A_2623 : vector<16xi32> to vector<16x1xi32>
        %gather3A_2625 = vector.shape_cast %broadcast_in_dim3A_2624 : vector<16x1xi32> to vector<16xi32>
        %gather3A_2626 = tpu.dynamic_gather %min3A_2612[%gather3A_2625] in [0] : vector<16xi32>, vector<16xi32> -> vector<16xi32>
        %min3A_2627 = arith.minsi %min3A_2612, %gather3A_2626 : vector<16xi32>
        %xor3A_2628 = arith.constant 4 : i32
        %xor3A_2629 = vector.broadcast %xor3A_2628 : i32 to vector<16xi32>
        %xor3A_2630 = arith.xori %iota3A_2613, %xor3A_2629 : vector<16xi32>
        %lt3A_2631 = arith.constant 0 : i32
        %lt3A_2632 = vector.broadcast %lt3A_2631 : i32 to vector<16xi32>
        %lt3A_2633 = arith.cmpi slt, %xor3A_2630, %lt3A_2632 : vector<16xi32>
        %add3A_2634 = arith.constant 16 : i32
        %add3A_2635 = vector.broadcast %add3A_2634 : i32 to vector<16xi32>
        %add3A_2636 = arith.addi %xor3A_2630, %add3A_2635 : vector<16xi32>
        %select_n3A_2637 = arith.select %lt3A_2633, %add3A_2636, %xor3A_2630 : vector<16xi1>, vector<16xi32>
        %broadcast_in_dim3A_2638 = vector.shape_cast %select_n3A_2637 : vector<16xi32> to vector<16x1xi32>
        %gather3A_2639 = vector.shape_cast %broadcast_in_dim3A_2638 : vector<16x1xi32> to vector<16xi32>
        %gather3A_2640 = tpu.dynamic_gather %min3A_2627[%gather3A_2639] in [0] : vector<16xi32>, vector<16xi32> -> vector<16xi32>
        %min3A_2641 = arith.minsi %min3A_2627, %gather3A_2640 : vector<16xi32>
        %xor3A_2642 = arith.constant 2 : i32
        %xor3A_2643 = vector.broadcast %xor3A_2642 : i32 to vector<16xi32>
        %xor3A_2644 = arith.xori %iota3A_2613, %xor3A_2643 : vector<16xi32>
        %lt3A_2645 = arith.constant 0 : i32
        %lt3A_2646 = vector.broadcast %lt3A_2645 : i32 to vector<16xi32>
        %lt3A_2647 = arith.cmpi slt, %xor3A_2644, %lt3A_2646 : vector<16xi32>
        %add3A_2648 = arith.constant 16 : i32
        %add3A_2649 = vector.broadcast %add3A_2648 : i32 to vector<16xi32>
        %add3A_2650 = arith.addi %xor3A_2644, %add3A_2649 : vector<16xi32>
        %select_n3A_2651 = arith.select %lt3A_2647, %add3A_2650, %xor3A_2644 : vector<16xi1>, vector<16xi32>
        %broadcast_in_dim3A_2652 = vector.shape_cast %select_n3A_2651 : vector<16xi32> to vector<16x1xi32>
        %gather3A_2653 = vector.shape_cast %broadcast_in_dim3A_2652 : vector<16x1xi32> to vector<16xi32>
        %gather3A_2654 = tpu.dynamic_gather %min3A_2641[%gather3A_2653] in [0] : vector<16xi32>, vector<16xi32> -> vector<16xi32>
        %min3A_2655 = arith.minsi %min3A_2641, %gather3A_2654 : vector<16xi32>
        %xor3A_2656 = arith.constant 1 : i32
        %xor3A_2657 = vector.broadcast %xor3A_2656 : i32 to vector<16xi32>
        %xor3A_2658 = arith.xori %iota3A_2613, %xor3A_2657 : vector<16xi32>
        %lt3A_2659 = arith.constant 0 : i32
        %lt3A_2660 = vector.broadcast %lt3A_2659 : i32 to vector<16xi32>
        %lt3A_2661 = arith.cmpi slt, %xor3A_2658, %lt3A_2660 : vector<16xi32>
        %add3A_2662 = arith.constant 16 : i32
        %add3A_2663 = vector.broadcast %add3A_2662 : i32 to vector<16xi32>
        %add3A_2664 = arith.addi %xor3A_2658, %add3A_2663 : vector<16xi32>
        %select_n3A_2665 = arith.select %lt3A_2661, %add3A_2664, %xor3A_2658 : vector<16xi1>, vector<16xi32>
        %broadcast_in_dim3A_2666 = vector.shape_cast %select_n3A_2665 : vector<16xi32> to vector<16x1xi32>
        %gather3A_2667 = vector.shape_cast %broadcast_in_dim3A_2666 : vector<16x1xi32> to vector<16xi32>
        %gather3A_2668 = tpu.dynamic_gather %min3A_2655[%gather3A_2667] in [0] : vector<16xi32>, vector<16xi32> -> vector<16xi32>
        %min3A_2669 = arith.minsi %min3A_2655, %gather3A_2668 : vector<16xi32>
        %slice3A_2670 = vector.extract_strided_slice %min3A_2669 {offsets = [0], sizes = [1], strides = [1]} : vector<16xi32> to vector<1xi32>
        %squeeze3A_2671 = vector.extract %slice3A_2670[0] : i32 from vector<1xi32>
        %mul3A_2672 = arith.constant 256 : i32
        %mul3A_2673 = arith.muli %squeeze3A, %mul3A_2672 : i32
        %mul3A_2674 = arith.constant 16 : i32
        %mul3A_2675 = arith.muli %squeeze3A_2671, %mul3A_2674 : i32
        %add3A_2676 = arith.addi %mul3A_2673, %mul3A_2675 : i32
        %get3A_2677 = arith.index_cast %add3A_2676 : i32 to index
        %get3A_2678 = tpu.vector_load %arg11[%get3A_2677] {strides = array<i32>} : memref<1024xf32, #tpu.memory_space<vmem>>, vector<16xf32>,
        %get3A_2679 = vector.shape_cast %get3A_2678 : vector<16xf32> to vector<16xf32>
        %eq3A_2680 = arith.cmpf oeq, %get3A_2679, %max3A_2326 : vector<16xf32>
        %jit3A_2681 = arith.constant 1073741824 : i32
        %broadcast_in_dim3A_2682 = vector.broadcast %jit3A_2681 : i32 to vector<16xi32>
        %select_n3A_2683 = arith.select %eq3A_2680, %iota3A_2133, %broadcast_in_dim3A_2682 : vector<16xi1>, vector<16xi32>
        %iota3A_2684 = tpu.iota {dimensions = array<i32: 0>} : vector<16xi32>
        %xor3A_2685 = arith.constant 8 : i32
        %xor3A_2686 = vector.broadcast %xor3A_2685 : i32 to vector<16xi32>
        %xor3A_2687 = arith.xori %iota3A_2684, %xor3A_2686 : vector<16xi32>
        %lt3A_2688 = arith.constant 0 : i32
        %lt3A_2689 = vector.broadcast %lt3A_2688 : i32 to vector<16xi32>
        %lt3A_2690 = arith.cmpi slt, %xor3A_2687, %lt3A_2689 : vector<16xi32>
        %add3A_2691 = arith.constant 16 : i32
        %add3A_2692 = vector.broadcast %add3A_2691 : i32 to vector<16xi32>
        %add3A_2693 = arith.addi %xor3A_2687, %add3A_2692 : vector<16xi32>
        %select_n3A_2694 = arith.select %lt3A_2690, %add3A_2693, %xor3A_2687 : vector<16xi1>, vector<16xi32>
        %broadcast_in_dim3A_2695 = vector.shape_cast %select_n3A_2694 : vector<16xi32> to vector<16x1xi32>
        %gather3A_2696 = vector.shape_cast %broadcast_in_dim3A_2695 : vector<16x1xi32> to vector<16xi32>
        %gather3A_2697 = tpu.dynamic_gather %select_n3A_2683[%gather3A_2696] in [0] : vector<16xi32>, vector<16xi32> -> vector<16xi32>
        %min3A_2698 = arith.minsi %select_n3A_2683, %gather3A_2697 : vector<16xi32>
        %xor3A_2699 = arith.constant 4 : i32
        %xor3A_2700 = vector.broadcast %xor3A_2699 : i32 to vector<16xi32>
        %xor3A_2701 = arith.xori %iota3A_2684, %xor3A_2700 : vector<16xi32>
        %lt3A_2702 = arith.constant 0 : i32
        %lt3A_2703 = vector.broadcast %lt3A_2702 : i32 to vector<16xi32>
        %lt3A_2704 = arith.cmpi slt, %xor3A_2701, %lt3A_2703 : vector<16xi32>
        %add3A_2705 = arith.constant 16 : i32
        %add3A_2706 = vector.broadcast %add3A_2705 : i32 to vector<16xi32>
        %add3A_2707 = arith.addi %xor3A_2701, %add3A_2706 : vector<16xi32>
        %select_n3A_2708 = arith.select %lt3A_2704, %add3A_2707, %xor3A_2701 : vector<16xi1>, vector<16xi32>
        %broadcast_in_dim3A_2709 = vector.shape_cast %select_n3A_2708 : vector<16xi32> to vector<16x1xi32>
        %gather3A_2710 = vector.shape_cast %broadcast_in_dim3A_2709 : vector<16x1xi32> to vector<16xi32>
        %gather3A_2711 = tpu.dynamic_gather %min3A_2698[%gather3A_2710] in [0] : vector<16xi32>, vector<16xi32> -> vector<16xi32>
        %min3A_2712 = arith.minsi %min3A_2698, %gather3A_2711 : vector<16xi32>
        %xor3A_2713 = arith.constant 2 : i32
        %xor3A_2714 = vector.broadcast %xor3A_2713 : i32 to vector<16xi32>
        %xor3A_2715 = arith.xori %iota3A_2684, %xor3A_2714 : vector<16xi32>
        %lt3A_2716 = arith.constant 0 : i32
        %lt3A_2717 = vector.broadcast %lt3A_2716 : i32 to vector<16xi32>
        %lt3A_2718 = arith.cmpi slt, %xor3A_2715, %lt3A_2717 : vector<16xi32>
        %add3A_2719 = arith.constant 16 : i32
        %add3A_2720 = vector.broadcast %add3A_2719 : i32 to vector<16xi32>
        %add3A_2721 = arith.addi %xor3A_2715, %add3A_2720 : vector<16xi32>
        %select_n3A_2722 = arith.select %lt3A_2718, %add3A_2721, %xor3A_2715 : vector<16xi1>, vector<16xi32>
        %broadcast_in_dim3A_2723 = vector.shape_cast %select_n3A_2722 : vector<16xi32> to vector<16x1xi32>
        %gather3A_2724 = vector.shape_cast %broadcast_in_dim3A_2723 : vector<16x1xi32> to vector<16xi32>
        %gather3A_2725 = tpu.dynamic_gather %min3A_2712[%gather3A_2724] in [0] : vector<16xi32>, vector<16xi32> -> vector<16xi32>
        %min3A_2726 = arith.minsi %min3A_2712, %gather3A_2725 : vector<16xi32>
        %xor3A_2727 = arith.constant 1 : i32
        %xor3A_2728 = vector.broadcast %xor3A_2727 : i32 to vector<16xi32>
        %xor3A_2729 = arith.xori %iota3A_2684, %xor3A_2728 : vector<16xi32>
        %lt3A_2730 = arith.constant 0 : i32
        %lt3A_2731 = vector.broadcast %lt3A_2730 : i32 to vector<16xi32>
        %lt3A_2732 = arith.cmpi slt, %xor3A_2729, %lt3A_2731 : vector<16xi32>
        %add3A_2733 = arith.constant 16 : i32
        %add3A_2734 = vector.broadcast %add3A_2733 : i32 to vector<16xi32>
        %add3A_2735 = arith.addi %xor3A_2729, %add3A_2734 : vector<16xi32>
        %select_n3A_2736 = arith.select %lt3A_2732, %add3A_2735, %xor3A_2729 : vector<16xi1>, vector<16xi32>
        %broadcast_in_dim3A_2737 = vector.shape_cast %select_n3A_2736 : vector<16xi32> to vector<16x1xi32>
        %gather3A_2738 = vector.shape_cast %broadcast_in_dim3A_2737 : vector<16x1xi32> to vector<16xi32>
        %gather3A_2739 = tpu.dynamic_gather %min3A_2726[%gather3A_2738] in [0] : vector<16xi32>, vector<16xi32> -> vector<16xi32>
        %min3A_2740 = arith.minsi %min3A_2726, %gather3A_2739 : vector<16xi32>
        %eq3A_2741 = arith.cmpi eq, %iota3A_2133, %min3A_2740 : vector<16xi32>
        %jit3A_2742 = arith.constant 0xFF800000 : f32
        %broadcast_in_dim3A_2743 = vector.broadcast %jit3A_2742 : f32 to vector<16xf32>
        %select_n3A_2744 = arith.select %eq3A_2741, %broadcast_in_dim3A_2743, %get3A_2679 : vector<16xi1>, vector<16xf32>
        %mul3A_2745 = arith.constant 256 : i32
        %mul3A_2746 = arith.muli %squeeze3A, %mul3A_2745 : i32
        %mul3A_2747 = arith.constant 16 : i32
        %mul3A_2748 = arith.muli %squeeze3A_2671, %mul3A_2747 : i32
        %add3A_2749 = arith.addi %mul3A_2746, %mul3A_2748 : i32
        %swap3A_2750 = arith.index_cast %add3A_2749 : i32 to index
        %swap3A_2751 = tpu.vector_load %arg11[%swap3A_2750] {strides = array<i32>} : memref<1024xf32, #tpu.memory_space<vmem>>, vector<16xf32>,
        %swap3A_2752 = vector.shape_cast %swap3A_2751 : vector<16xf32> to vector<16xf32>
        %swap3A_2753 = vector.shape_cast %select_n3A_2744 : vector<16xf32> to vector<16xf32>
        tpu.vector_store %arg11[%swap3A_2750], %swap3A_2753 {strides = array<i32>} : memref<1024xf32, #tpu.memory_space<vmem>>, vector<16xf32>,
        %broadcast_in_dim3A_2754 = arith.constant 0xFF800000 : f32
        %broadcast_in_dim3A_2755 = vector.broadcast %broadcast_in_dim3A_2754 : f32 to vector<16xf32>
        %mul3A_2756 = arith.constant 256 : i32
        %mul3A_2757 = arith.muli %squeeze3A, %mul3A_2756 : i32
        %add3A_2758 = arith.constant 0 : i32
        %add3A_2759 = arith.addi %mul3A_2757, %add3A_2758 : i32
        %get3A_2760 = arith.index_cast %add3A_2759 : i32 to index
        %get3A_2761 = tpu.vector_load %arg11[%get3A_2760] {strides = array<i32>} : memref<1024xf32, #tpu.memory_space<vmem>>, vector<16xf32>,
        %get3A_2762 = vector.shape_cast %get3A_2761 : vector<16xf32> to vector<16xf32>
        %max3A_2763 = arith.maximumf %broadcast_in_dim3A_2755, %get3A_2762 : vector<16xf32>
        %mul3A_2764 = arith.constant 256 : i32
        %mul3A_2765 = arith.muli %squeeze3A, %mul3A_2764 : i32
        %add3A_2766 = arith.constant 16 : i32
        %add3A_2767 = arith.addi %mul3A_2765, %add3A_2766 : i32
        %get3A_2768 = arith.index_cast %add3A_2767 : i32 to index
        %get3A_2769 = tpu.vector_load %arg11[%get3A_2768] {strides = array<i32>} : memref<1024xf32, #tpu.memory_space<vmem>>, vector<16xf32>,
        %get3A_2770 = vector.shape_cast %get3A_2769 : vector<16xf32> to vector<16xf32>
        %max3A_2771 = arith.maximumf %max3A_2763, %get3A_2770 : vector<16xf32>
        %mul3A_2772 = arith.constant 256 : i32
        %mul3A_2773 = arith.muli %squeeze3A, %mul3A_2772 : i32
        %add3A_2774 = arith.constant 32 : i32
        %add3A_2775 = arith.addi %mul3A_2773, %add3A_2774 : i32
        %get3A_2776 = arith.index_cast %add3A_2775 : i32 to index
        %get3A_2777 = tpu.vector_load %arg11[%get3A_2776] {strides = array<i32>} : memref<1024xf32, #tpu.memory_space<vmem>>, vector<16xf32>,
        %get3A_2778 = vector.shape_cast %get3A_2777 : vector<16xf32> to vector<16xf32>
        %max3A_2779 = arith.maximumf %max3A_2771, %get3A_2778 : vector<16xf32>
        %mul3A_2780 = arith.constant 256 : i32
        %mul3A_2781 = arith.muli %squeeze3A, %mul3A_2780 : i32
        %add3A_2782 = arith.constant 48 : i32
        %add3A_2783 = arith.addi %mul3A_2781, %add3A_2782 : i32
        %get3A_2784 = arith.index_cast %add3A_2783 : i32 to index
        %get3A_2785 = tpu.vector_load %arg11[%get3A_2784] {strides = array<i32>} : memref<1024xf32, #tpu.memory_space<vmem>>, vector<16xf32>,
        %get3A_2786 = vector.shape_cast %get3A_2785 : vector<16xf32> to vector<16xf32>
        %max3A_2787 = arith.maximumf %max3A_2779, %get3A_2786 : vector<16xf32>
        %mul3A_2788 = arith.constant 256 : i32
        %mul3A_2789 = arith.muli %squeeze3A, %mul3A_2788 : i32
        %add3A_2790 = arith.constant 64 : i32
        %add3A_2791 = arith.addi %mul3A_2789, %add3A_2790 : i32
        %get3A_2792 = arith.index_cast %add3A_2791 : i32 to index
        %get3A_2793 = tpu.vector_load %arg11[%get3A_2792] {strides = array<i32>} : memref<1024xf32, #tpu.memory_space<vmem>>, vector<16xf32>,
        %get3A_2794 = vector.shape_cast %get3A_2793 : vector<16xf32> to vector<16xf32>
        %max3A_2795 = arith.maximumf %max3A_2787, %get3A_2794 : vector<16xf32>
        %mul3A_2796 = arith.constant 256 : i32
        %mul3A_2797 = arith.muli %squeeze3A, %mul3A_2796 : i32
        %add3A_2798 = arith.constant 80 : i32
        %add3A_2799 = arith.addi %mul3A_2797, %add3A_2798 : i32
        %get3A_2800 = arith.index_cast %add3A_2799 : i32 to index
        %get3A_2801 = tpu.vector_load %arg11[%get3A_2800] {strides = array<i32>} : memref<1024xf32, #tpu.memory_space<vmem>>, vector<16xf32>,
        %get3A_2802 = vector.shape_cast %get3A_2801 : vector<16xf32> to vector<16xf32>
        %max3A_2803 = arith.maximumf %max3A_2795, %get3A_2802 : vector<16xf32>
        %mul3A_2804 = arith.constant 256 : i32
        %mul3A_2805 = arith.muli %squeeze3A, %mul3A_2804 : i32
        %add3A_2806 = arith.constant 96 : i32
        %add3A_2807 = arith.addi %mul3A_2805, %add3A_2806 : i32
        %get3A_2808 = arith.index_cast %add3A_2807 : i32 to index
        %get3A_2809 = tpu.vector_load %arg11[%get3A_2808] {strides = array<i32>} : memref<1024xf32, #tpu.memory_space<vmem>>, vector<16xf32>,
        %get3A_2810 = vector.shape_cast %get3A_2809 : vector<16xf32> to vector<16xf32>
        %max3A_2811 = arith.maximumf %max3A_2803, %get3A_2810 : vector<16xf32>
        %mul3A_2812 = arith.constant 256 : i32
        %mul3A_2813 = arith.muli %squeeze3A, %mul3A_2812 : i32
        %add3A_2814 = arith.constant 112 : i32
        %add3A_2815 = arith.addi %mul3A_2813, %add3A_2814 : i32
        %get3A_2816 = arith.index_cast %add3A_2815 : i32 to index
        %get3A_2817 = tpu.vector_load %arg11[%get3A_2816] {strides = array<i32>} : memref<1024xf32, #tpu.memory_space<vmem>>, vector<16xf32>,
        %get3A_2818 = vector.shape_cast %get3A_2817 : vector<16xf32> to vector<16xf32>
        %max3A_2819 = arith.maximumf %max3A_2811, %get3A_2818 : vector<16xf32>
        %mul3A_2820 = arith.constant 256 : i32
        %mul3A_2821 = arith.muli %squeeze3A, %mul3A_2820 : i32
        %add3A_2822 = arith.constant 128 : i32
        %add3A_2823 = arith.addi %mul3A_2821, %add3A_2822 : i32
        %get3A_2824 = arith.index_cast %add3A_2823 : i32 to index
        %get3A_2825 = tpu.vector_load %arg11[%get3A_2824] {strides = array<i32>} : memref<1024xf32, #tpu.memory_space<vmem>>, vector<16xf32>,
        %get3A_2826 = vector.shape_cast %get3A_2825 : vector<16xf32> to vector<16xf32>
        %max3A_2827 = arith.maximumf %max3A_2819, %get3A_2826 : vector<16xf32>
        %mul3A_2828 = arith.constant 256 : i32
        %mul3A_2829 = arith.muli %squeeze3A, %mul3A_2828 : i32
        %add3A_2830 = arith.constant 144 : i32
        %add3A_2831 = arith.addi %mul3A_2829, %add3A_2830 : i32
        %get3A_2832 = arith.index_cast %add3A_2831 : i32 to index
        %get3A_2833 = tpu.vector_load %arg11[%get3A_2832] {strides = array<i32>} : memref<1024xf32, #tpu.memory_space<vmem>>, vector<16xf32>,
        %get3A_2834 = vector.shape_cast %get3A_2833 : vector<16xf32> to vector<16xf32>
        %max3A_2835 = arith.maximumf %max3A_2827, %get3A_2834 : vector<16xf32>
        %mul3A_2836 = arith.constant 256 : i32
        %mul3A_2837 = arith.muli %squeeze3A, %mul3A_2836 : i32
        %add3A_2838 = arith.constant 160 : i32
        %add3A_2839 = arith.addi %mul3A_2837, %add3A_2838 : i32
        %get3A_2840 = arith.index_cast %add3A_2839 : i32 to index
        %get3A_2841 = tpu.vector_load %arg11[%get3A_2840] {strides = array<i32>} : memref<1024xf32, #tpu.memory_space<vmem>>, vector<16xf32>,
        %get3A_2842 = vector.shape_cast %get3A_2841 : vector<16xf32> to vector<16xf32>
        %max3A_2843 = arith.maximumf %max3A_2835, %get3A_2842 : vector<16xf32>
        %mul3A_2844 = arith.constant 256 : i32
        %mul3A_2845 = arith.muli %squeeze3A, %mul3A_2844 : i32
        %add3A_2846 = arith.constant 176 : i32
        %add3A_2847 = arith.addi %mul3A_2845, %add3A_2846 : i32
        %get3A_2848 = arith.index_cast %add3A_2847 : i32 to index
        %get3A_2849 = tpu.vector_load %arg11[%get3A_2848] {strides = array<i32>} : memref<1024xf32, #tpu.memory_space<vmem>>, vector<16xf32>,
        %get3A_2850 = vector.shape_cast %get3A_2849 : vector<16xf32> to vector<16xf32>
        %max3A_2851 = arith.maximumf %max3A_2843, %get3A_2850 : vector<16xf32>
        %mul3A_2852 = arith.constant 256 : i32
        %mul3A_2853 = arith.muli %squeeze3A, %mul3A_2852 : i32
        %add3A_2854 = arith.constant 192 : i32
        %add3A_2855 = arith.addi %mul3A_2853, %add3A_2854 : i32
        %get3A_2856 = arith.index_cast %add3A_2855 : i32 to index
        %get3A_2857 = tpu.vector_load %arg11[%get3A_2856] {strides = array<i32>} : memref<1024xf32, #tpu.memory_space<vmem>>, vector<16xf32>,
        %get3A_2858 = vector.shape_cast %get3A_2857 : vector<16xf32> to vector<16xf32>
        %max3A_2859 = arith.maximumf %max3A_2851, %get3A_2858 : vector<16xf32>
        %mul3A_2860 = arith.constant 256 : i32
        %mul3A_2861 = arith.muli %squeeze3A, %mul3A_2860 : i32
        %add3A_2862 = arith.constant 208 : i32
        %add3A_2863 = arith.addi %mul3A_2861, %add3A_2862 : i32
        %get3A_2864 = arith.index_cast %add3A_2863 : i32 to index
        %get3A_2865 = tpu.vector_load %arg11[%get3A_2864] {strides = array<i32>} : memref<1024xf32, #tpu.memory_space<vmem>>, vector<16xf32>,
        %get3A_2866 = vector.shape_cast %get3A_2865 : vector<16xf32> to vector<16xf32>
        %max3A_2867 = arith.maximumf %max3A_2859, %get3A_2866 : vector<16xf32>
        %mul3A_2868 = arith.constant 256 : i32
        %mul3A_2869 = arith.muli %squeeze3A, %mul3A_2868 : i32
        %add3A_2870 = arith.constant 224 : i32
        %add3A_2871 = arith.addi %mul3A_2869, %add3A_2870 : i32
        %get3A_2872 = arith.index_cast %add3A_2871 : i32 to index
        %get3A_2873 = tpu.vector_load %arg11[%get3A_2872] {strides = array<i32>} : memref<1024xf32, #tpu.memory_space<vmem>>, vector<16xf32>,
        %get3A_2874 = vector.shape_cast %get3A_2873 : vector<16xf32> to vector<16xf32>
        %max3A_2875 = arith.maximumf %max3A_2867, %get3A_2874 : vector<16xf32>
        %mul3A_2876 = arith.constant 256 : i32
        %mul3A_2877 = arith.muli %squeeze3A, %mul3A_2876 : i32
        %add3A_2878 = arith.constant 240 : i32
        %add3A_2879 = arith.addi %mul3A_2877, %add3A_2878 : i32
        %get3A_2880 = arith.index_cast %add3A_2879 : i32 to index
        %get3A_2881 = tpu.vector_load %arg11[%get3A_2880] {strides = array<i32>} : memref<1024xf32, #tpu.memory_space<vmem>>, vector<16xf32>,
        %get3A_2882 = vector.shape_cast %get3A_2881 : vector<16xf32> to vector<16xf32>
        %max3A_2883 = arith.maximumf %max3A_2875, %get3A_2882 : vector<16xf32>
        %mul3A_2884 = arith.constant 16 : i32
        %mul3A_2885 = arith.muli %squeeze3A, %mul3A_2884 : i32
        %swap3A_2886 = arith.index_cast %mul3A_2885 : i32 to index
        %swap3A_2887 = tpu.vector_load %arg13[%swap3A_2886] {strides = array<i32>} : memref<64xf32, #tpu.memory_space<vmem>>, vector<16xf32>,
        %swap3A_2888 = vector.shape_cast %swap3A_2887 : vector<16xf32> to vector<16xf32>
        %swap3A_2889 = vector.shape_cast %max3A_2883 : vector<16xf32> to vector<16xf32>
        tpu.vector_store %arg13[%swap3A_2886], %swap3A_2889 {strides = array<i32>} : memref<64xf32, #tpu.memory_space<vmem>>, vector<16xf32>,
        %iota3A_2890 = tpu.iota {dimensions = array<i32: 0>} : vector<16xi32>
        %mul3A_2891 = arith.constant 256 : i32
        %mul3A_2892 = arith.muli %squeeze3A, %mul3A_2891 : i32
        %mul3A_2893 = arith.constant 16 : i32
        %mul3A_2894 = arith.muli %squeeze3A_2671, %mul3A_2893 : i32
        %add3A_2895 = arith.addi %mul3A_2892, %mul3A_2894 : i32
        %get3A_2896 = arith.index_cast %add3A_2895 : i32 to index
        %get3A_2897 = tpu.vector_load %arg12[%get3A_2896] {strides = array<i32>} : memref<1024xi32, #tpu.memory_space<vmem>>, vector<16xi32>,
        %get3A_2898 = vector.shape_cast %get3A_2897 : vector<16xi32> to vector<16xi32>
        %eq3A_2899 = arith.cmpi eq, %iota3A_2890, %min3A_2740 : vector<16xi32>
        %jit3A_2900 = arith.constant -1 : i32
        %broadcast_in_dim3A_2901 = vector.broadcast %jit3A_2900 : i32 to vector<16xi32>
        %select_n3A_2902 = arith.select %eq3A_2899, %get3A_2898, %broadcast_in_dim3A_2901 : vector<16xi1>, vector<16xi32>
        %iota3A_2903 = tpu.iota {dimensions = array<i32: 0>} : vector<16xi32>
        %xor3A_2904 = arith.constant 8 : i32
        %xor3A_2905 = vector.broadcast %xor3A_2904 : i32 to vector<16xi32>
        %xor3A_2906 = arith.xori %iota3A_2903, %xor3A_2905 : vector<16xi32>
        %lt3A_2907 = arith.constant 0 : i32
        %lt3A_2908 = vector.broadcast %lt3A_2907 : i32 to vector<16xi32>
        %lt3A_2909 = arith.cmpi slt, %xor3A_2906, %lt3A_2908 : vector<16xi32>
        %add3A_2910 = arith.constant 16 : i32
        %add3A_2911 = vector.broadcast %add3A_2910 : i32 to vector<16xi32>
        %add3A_2912 = arith.addi %xor3A_2906, %add3A_2911 : vector<16xi32>
        %select_n3A_2913 = arith.select %lt3A_2909, %add3A_2912, %xor3A_2906 : vector<16xi1>, vector<16xi32>
        %broadcast_in_dim3A_2914 = vector.shape_cast %select_n3A_2913 : vector<16xi32> to vector<16x1xi32>
        %gather3A_2915 = vector.shape_cast %broadcast_in_dim3A_2914 : vector<16x1xi32> to vector<16xi32>
        %gather3A_2916 = tpu.dynamic_gather %select_n3A_2902[%gather3A_2915] in [0] : vector<16xi32>, vector<16xi32> -> vector<16xi32>
        %max3A_2917 = arith.maxsi %select_n3A_2902, %gather3A_2916 : vector<16xi32>
        %xor3A_2918 = arith.constant 4 : i32
        %xor3A_2919 = vector.broadcast %xor3A_2918 : i32 to vector<16xi32>
        %xor3A_2920 = arith.xori %iota3A_2903, %xor3A_2919 : vector<16xi32>
        %lt3A_2921 = arith.constant 0 : i32
        %lt3A_2922 = vector.broadcast %lt3A_2921 : i32 to vector<16xi32>
        %lt3A_2923 = arith.cmpi slt, %xor3A_2920, %lt3A_2922 : vector<16xi32>
        %add3A_2924 = arith.constant 16 : i32
        %add3A_2925 = vector.broadcast %add3A_2924 : i32 to vector<16xi32>
        %add3A_2926 = arith.addi %xor3A_2920, %add3A_2925 : vector<16xi32>
        %select_n3A_2927 = arith.select %lt3A_2923, %add3A_2926, %xor3A_2920 : vector<16xi1>, vector<16xi32>
        %broadcast_in_dim3A_2928 = vector.shape_cast %select_n3A_2927 : vector<16xi32> to vector<16x1xi32>
        %gather3A_2929 = vector.shape_cast %broadcast_in_dim3A_2928 : vector<16x1xi32> to vector<16xi32>
        %gather3A_2930 = tpu.dynamic_gather %max3A_2917[%gather3A_2929] in [0] : vector<16xi32>, vector<16xi32> -> vector<16xi32>
        %max3A_2931 = arith.maxsi %max3A_2917, %gather3A_2930 : vector<16xi32>
        %xor3A_2932 = arith.constant 2 : i32
        %xor3A_2933 = vector.broadcast %xor3A_2932 : i32 to vector<16xi32>
        %xor3A_2934 = arith.xori %iota3A_2903, %xor3A_2933 : vector<16xi32>
        %lt3A_2935 = arith.constant 0 : i32
        %lt3A_2936 = vector.broadcast %lt3A_2935 : i32 to vector<16xi32>
        %lt3A_2937 = arith.cmpi slt, %xor3A_2934, %lt3A_2936 : vector<16xi32>
        %add3A_2938 = arith.constant 16 : i32
        %add3A_2939 = vector.broadcast %add3A_2938 : i32 to vector<16xi32>
        %add3A_2940 = arith.addi %xor3A_2934, %add3A_2939 : vector<16xi32>
        %select_n3A_2941 = arith.select %lt3A_2937, %add3A_2940, %xor3A_2934 : vector<16xi1>, vector<16xi32>
        %broadcast_in_dim3A_2942 = vector.shape_cast %select_n3A_2941 : vector<16xi32> to vector<16x1xi32>
        %gather3A_2943 = vector.shape_cast %broadcast_in_dim3A_2942 : vector<16x1xi32> to vector<16xi32>
        %gather3A_2944 = tpu.dynamic_gather %max3A_2931[%gather3A_2943] in [0] : vector<16xi32>, vector<16xi32> -> vector<16xi32>
        %max3A_2945 = arith.maxsi %max3A_2931, %gather3A_2944 : vector<16xi32>
        %xor3A_2946 = arith.constant 1 : i32
        %xor3A_2947 = vector.broadcast %xor3A_2946 : i32 to vector<16xi32>
        %xor3A_2948 = arith.xori %iota3A_2903, %xor3A_2947 : vector<16xi32>
        %lt3A_2949 = arith.constant 0 : i32
        %lt3A_2950 = vector.broadcast %lt3A_2949 : i32 to vector<16xi32>
        %lt3A_2951 = arith.cmpi slt, %xor3A_2948, %lt3A_2950 : vector<16xi32>
        %add3A_2952 = arith.constant 16 : i32
        %add3A_2953 = vector.broadcast %add3A_2952 : i32 to vector<16xi32>
        %add3A_2954 = arith.addi %xor3A_2948, %add3A_2953 : vector<16xi32>
        %select_n3A_2955 = arith.select %lt3A_2951, %add3A_2954, %xor3A_2948 : vector<16xi1>, vector<16xi32>
        %broadcast_in_dim3A_2956 = vector.shape_cast %select_n3A_2955 : vector<16xi32> to vector<16x1xi32>
        %gather3A_2957 = vector.shape_cast %broadcast_in_dim3A_2956 : vector<16x1xi32> to vector<16xi32>
        %gather3A_2958 = tpu.dynamic_gather %max3A_2945[%gather3A_2957] in [0] : vector<16xi32>, vector<16xi32> -> vector<16xi32>
        %max3A_2959 = arith.maxsi %max3A_2945, %gather3A_2958 : vector<16xi32>
        %sub3A_2960 = arith.constant 0 : i32
        %sub3A_2961 = arith.subi %scan3A_2231, %sub3A_2960 : i32
        %eq3A_2962 = vector.broadcast %sub3A_2961 : i32 to vector<16xi32>
        %eq3A_2963 = arith.cmpi eq, %iota3A_2133, %eq3A_2962 : vector<16xi32>
        %ge3A = arith.constant 0 : i32
        %ge3A_2964 = arith.cmpi sge, %scan3A_2231, %ge3A : i32
        %lt3A_2965 = arith.constant 16 : i32
        %lt3A_2966 = arith.cmpi slt, %scan3A_2231, %lt3A_2965 : i32
        %and3A = arith.andi %ge3A_2964, %lt3A_2966 : i1
        %select_n3A_2967 = arith.select %eq3A_2963, %max3A_2326, %scan3A_2232 : vector<16xi1>, vector<16xf32>
        %select_n3A_2968 = arith.select %and3A, %select_n3A_2967, %scan3A_2232 : vector<16xf32>
        %select_n3A_2969 = arith.select %eq3A_2963, %max3A_2959, %scan3A_2236 : vector<16xi1>, vector<16xi32>
        %select_n3A_2970 = arith.select %and3A, %select_n3A_2969, %scan3A_2236 : vector<16xi32>
        %sub3A_2971 = arith.constant 16 : i32
        %sub3A_2972 = arith.subi %scan3A_2231, %sub3A_2971 : i32
        %eq3A_2973 = vector.broadcast %sub3A_2972 : i32 to vector<16xi32>
        %eq3A_2974 = arith.cmpi eq, %iota3A_2133, %eq3A_2973 : vector<16xi32>
        %ge3A_2975 = arith.constant 16 : i32
        %ge3A_2976 = arith.cmpi sge, %scan3A_2231, %ge3A_2975 : i32
        %lt3A_2977 = arith.constant 32 : i32
        %lt3A_2978 = arith.cmpi slt, %scan3A_2231, %lt3A_2977 : i32
        %and3A_2979 = arith.andi %ge3A_2976, %lt3A_2978 : i1
        %select_n3A_2980 = arith.select %eq3A_2974, %max3A_2326, %scan3A_2233 : vector<16xi1>, vector<16xf32>
        %select_n3A_2981 = arith.select %and3A_2979, %select_n3A_2980, %scan3A_2233 : vector<16xf32>
        %select_n3A_2982 = arith.select %eq3A_2974, %max3A_2959, %scan3A_2237 : vector<16xi1>, vector<16xi32>
        %select_n3A_2983 = arith.select %and3A_2979, %select_n3A_2982, %scan3A_2237 : vector<16xi32>
        %sub3A_2984 = arith.constant 32 : i32
        %sub3A_2985 = arith.subi %scan3A_2231, %sub3A_2984 : i32
        %eq3A_2986 = vector.broadcast %sub3A_2985 : i32 to vector<16xi32>
        %eq3A_2987 = arith.cmpi eq, %iota3A_2133, %eq3A_2986 : vector<16xi32>
        %ge3A_2988 = arith.constant 32 : i32
        %ge3A_2989 = arith.cmpi sge, %scan3A_2231, %ge3A_2988 : i32
        %lt3A_2990 = arith.constant 48 : i32
        %lt3A_2991 = arith.cmpi slt, %scan3A_2231, %lt3A_2990 : i32
        %and3A_2992 = arith.andi %ge3A_2989, %lt3A_2991 : i1
        %select_n3A_2993 = arith.select %eq3A_2987, %max3A_2326, %scan3A_2234 : vector<16xi1>, vector<16xf32>
        %select_n3A_2994 = arith.select %and3A_2992, %select_n3A_2993, %scan3A_2234 : vector<16xf32>
        %select_n3A_2995 = arith.select %eq3A_2987, %max3A_2959, %scan3A_2238 : vector<16xi1>, vector<16xi32>
        %select_n3A_2996 = arith.select %and3A_2992, %select_n3A_2995, %scan3A_2238 : vector<16xi32>
        %sub3A_2997 = arith.constant 48 : i32
        %sub3A_2998 = arith.subi %scan3A_2231, %sub3A_2997 : i32
        %eq3A_2999 = vector.broadcast %sub3A_2998 : i32 to vector<16xi32>
        %eq3A_3000 = arith.cmpi eq, %iota3A_2133, %eq3A_2999 : vector<16xi32>
        %ge3A_3001 = arith.constant 48 : i32
        %ge3A_3002 = arith.cmpi sge, %scan3A_2231, %ge3A_3001 : i32
        %lt3A_3003 = arith.constant 64 : i32
        %lt3A_3004 = arith.cmpi slt, %scan3A_2231, %lt3A_3003 : i32
        %and3A_3005 = arith.andi %ge3A_3002, %lt3A_3004 : i1
        %select_n3A_3006 = arith.select %eq3A_3000, %max3A_2326, %scan3A_2235 : vector<16xi1>, vector<16xf32>
        %select_n3A_3007 = arith.select %and3A_3005, %select_n3A_3006, %scan3A_2235 : vector<16xf32>
        %select_n3A_3008 = arith.select %eq3A_3000, %max3A_2959, %scan3A_2239 : vector<16xi1>, vector<16xi32>
        %select_n3A_3009 = arith.select %and3A_3005, %select_n3A_3008, %scan3A_2239 : vector<16xi32>
        scf.yield %select_n3A_2968, %select_n3A_2981, %select_n3A_2994, %select_n3A_3007, %select_n3A_2970, %select_n3A_2983, %select_n3A_2996, %select_n3A_3009 : vector<16xf32>, vector<16xf32>, vector<16xf32>, vector<16xf32>, vector<16xi32>, vector<16xi32>, vector<16xi32>, vector<16xi32>
      }
      %scan3A_2155 = arith.constant 64 : i32
      %swap3A_2156 = arith.constant 0 : index
      %swap3A_2157 = tpu.vector_load %arg14[%swap3A_2156] {strides = array<i32>} : memref<64xf32, #tpu.memory_space<vmem>>, vector<16xf32>,
      %swap3A_2158 = vector.shape_cast %swap3A_2157 : vector<16xf32> to vector<16xf32>
      %swap3A_2159 = vector.shape_cast %scan3A_2154#0 : vector<16xf32> to vector<16xf32>
      tpu.vector_store %arg14[%swap3A_2156], %swap3A_2159 {strides = array<i32>} : memref<64xf32, #tpu.memory_space<vmem>>, vector<16xf32>,
      %swap3A_2160 = arith.constant 0 : index
      %swap3A_2161 = tpu.vector_load %arg15[%swap3A_2160] {strides = array<i32>} : memref<64xi32, #tpu.memory_space<vmem>>, vector<16xi32>,
      %swap3A_2162 = vector.shape_cast %swap3A_2161 : vector<16xi32> to vector<16xi32>
      %swap3A_2163 = vector.shape_cast %scan3A_2154#4 : vector<16xi32> to vector<16xi32>
      tpu.vector_store %arg15[%swap3A_2160], %swap3A_2163 {strides = array<i32>} : memref<64xi32, #tpu.memory_space<vmem>>, vector<16xi32>,
      %swap3A_2164 = arith.constant 16 : index
      %swap3A_2165 = tpu.vector_load %arg14[%swap3A_2164] {strides = array<i32>} : memref<64xf32, #tpu.memory_space<vmem>>, vector<16xf32>,
      %swap3A_2166 = vector.shape_cast %swap3A_2165 : vector<16xf32> to vector<16xf32>
      %swap3A_2167 = vector.shape_cast %scan3A_2154#1 : vector<16xf32> to vector<16xf32>
      tpu.vector_store %arg14[%swap3A_2164], %swap3A_2167 {strides = array<i32>} : memref<64xf32, #tpu.memory_space<vmem>>, vector<16xf32>,
      %swap3A_2168 = arith.constant 16 : index
      %swap3A_2169 = tpu.vector_load %arg15[%swap3A_2168] {strides = array<i32>} : memref<64xi32, #tpu.memory_space<vmem>>, vector<16xi32>,
      %swap3A_2170 = vector.shape_cast %swap3A_2169 : vector<16xi32> to vector<16xi32>
      %swap3A_2171 = vector.shape_cast %scan3A_2154#5 : vector<16xi32> to vector<16xi32>
      tpu.vector_store %arg15[%swap3A_2168], %swap3A_2171 {strides = array<i32>} : memref<64xi32, #tpu.memory_space<vmem>>, vector<16xi32>,
      %swap3A_2172 = arith.constant 32 : index
      %swap3A_2173 = tpu.vector_load %arg14[%swap3A_2172] {strides = array<i32>} : memref<64xf32, #tpu.memory_space<vmem>>, vector<16xf32>,
      %swap3A_2174 = vector.shape_cast %swap3A_2173 : vector<16xf32> to vector<16xf32>
      %swap3A_2175 = vector.shape_cast %scan3A_2154#2 : vector<16xf32> to vector<16xf32>
      tpu.vector_store %arg14[%swap3A_2172], %swap3A_2175 {strides = array<i32>} : memref<64xf32, #tpu.memory_space<vmem>>, vector<16xf32>,
      %swap3A_2176 = arith.constant 32 : index
      %swap3A_2177 = tpu.vector_load %arg15[%swap3A_2176] {strides = array<i32>} : memref<64xi32, #tpu.memory_space<vmem>>, vector<16xi32>,
      %swap3A_2178 = vector.shape_cast %swap3A_2177 : vector<16xi32> to vector<16xi32>
      %swap3A_2179 = vector.shape_cast %scan3A_2154#6 : vector<16xi32> to vector<16xi32>
      tpu.vector_store %arg15[%swap3A_2176], %swap3A_2179 {strides = array<i32>} : memref<64xi32, #tpu.memory_space<vmem>>, vector<16xi32>,
      %swap3A_2180 = arith.constant 48 : index
      %swap3A_2181 = tpu.vector_load %arg14[%swap3A_2180] {strides = array<i32>} : memref<64xf32, #tpu.memory_space<vmem>>, vector<16xf32>,
      %swap3A_2182 = vector.shape_cast %swap3A_2181 : vector<16xf32> to vector<16xf32>
      %swap3A_2183 = vector.shape_cast %scan3A_2154#3 : vector<16xf32> to vector<16xf32>
      tpu.vector_store %arg14[%swap3A_2180], %swap3A_2183 {strides = array<i32>} : memref<64xf32, #tpu.memory_space<vmem>>, vector<16xf32>,
      %swap3A_2184 = arith.constant 48 : index
      %swap3A_2185 = tpu.vector_load %arg15[%swap3A_2184] {strides = array<i32>} : memref<64xi32, #tpu.memory_space<vmem>>, vector<16xi32>,
      %swap3A_2186 = vector.shape_cast %swap3A_2185 : vector<16xi32> to vector<16xi32>
      %swap3A_2187 = vector.shape_cast %scan3A_2154#7 : vector<16xi32> to vector<16xi32>
      tpu.vector_store %arg15[%swap3A_2184], %swap3A_2187 {strides = array<i32>} : memref<64xi32, #tpu.memory_space<vmem>>, vector<16xi32>,
      %get3A_2188 = arith.constant 0 : index
      %get3A_2189 = tpu.vector_load %arg16[%get3A_2188] {strides = array<i32>} : memref<16xf32, #tpu.memory_space<vmem>>, vector<16xf32>,
      %get3A_2190 = vector.shape_cast %get3A_2189 : vector<16xf32> to vector<16xf32>
      %get3A_2191 = arith.constant 0 : index
      %get3A_2192 = tpu.vector_load %arg17[%get3A_2191] {strides = array<i32>} : memref<16xf32, #tpu.memory_space<vmem>>, vector<16xf32>,
      %get3A_2193 = vector.shape_cast %get3A_2192 : vector<16xf32> to vector<16xf32>
      %get3A_2194 = arith.constant 0 : index
      %get3A_2195 = tpu.vector_load %arg14[%get3A_2194] {strides = array<i32>} : memref<64xf32, #tpu.memory_space<vmem>>, vector<16xf32>,
      %get3A_2196 = vector.shape_cast %get3A_2195 : vector<16xf32> to vector<16xf32>
      %sub3A = arith.subf %get3A_2196, %get3A_2190 : vector<16xf32>
      %exp3A = math.exp %sub3A : vector<16xf32>
      %div3A = arith.divf %exp3A, %get3A_2193 : vector<16xf32>
      %swap3A_2197 = arith.constant 0 : index
      %swap3A_2198 = tpu.vector_load %arg14[%swap3A_2197] {strides = array<i32>} : memref<64xf32, #tpu.memory_space<vmem>>, vector<16xf32>,
      %swap3A_2199 = vector.shape_cast %swap3A_2198 : vector<16xf32> to vector<16xf32>
      %swap3A_2200 = vector.shape_cast %div3A : vector<16xf32> to vector<16xf32>
      tpu.vector_store %arg14[%swap3A_2197], %swap3A_2200 {strides = array<i32>} : memref<64xf32, #tpu.memory_space<vmem>>, vector<16xf32>,
      %get3A_2201 = arith.constant 16 : index
      %get3A_2202 = tpu.vector_load %arg14[%get3A_2201] {strides = array<i32>} : memref<64xf32, #tpu.memory_space<vmem>>, vector<16xf32>,
      %get3A_2203 = vector.shape_cast %get3A_2202 : vector<16xf32> to vector<16xf32>
      %sub3A_2204 = arith.subf %get3A_2203, %get3A_2190 : vector<16xf32>
      %exp3A_2205 = math.exp %sub3A_2204 : vector<16xf32>
      %div3A_2206 = arith.divf %exp3A_2205, %get3A_2193 : vector<16xf32>
      %swap3A_2207 = arith.constant 16 : index
      %swap3A_2208 = tpu.vector_load %arg14[%swap3A_2207] {strides = array<i32>} : memref<64xf32, #tpu.memory_space<vmem>>, vector<16xf32>,
      %swap3A_2209 = vector.shape_cast %swap3A_2208 : vector<16xf32> to vector<16xf32>
      %swap3A_2210 = vector.shape_cast %div3A_2206 : vector<16xf32> to vector<16xf32>
      tpu.vector_store %arg14[%swap3A_2207], %swap3A_2210 {strides = array<i32>} : memref<64xf32, #tpu.memory_space<vmem>>, vector<16xf32>,
      %get3A_2211 = arith.constant 32 : index
      %get3A_2212 = tpu.vector_load %arg14[%get3A_2211] {strides = array<i32>} : memref<64xf32, #tpu.memory_space<vmem>>, vector<16xf32>,
      %get3A_2213 = vector.shape_cast %get3A_2212 : vector<16xf32> to vector<16xf32>
      %sub3A_2214 = arith.subf %get3A_2213, %get3A_2190 : vector<16xf32>
      %exp3A_2215 = math.exp %sub3A_2214 : vector<16xf32>
      %div3A_2216 = arith.divf %exp3A_2215, %get3A_2193 : vector<16xf32>
      %swap3A_2217 = arith.constant 32 : index
      %swap3A_2218 = tpu.vector_load %arg14[%swap3A_2217] {strides = array<i32>} : memref<64xf32, #tpu.memory_space<vmem>>, vector<16xf32>,
      %swap3A_2219 = vector.shape_cast %swap3A_2218 : vector<16xf32> to vector<16xf32>
      %swap3A_2220 = vector.shape_cast %div3A_2216 : vector<16xf32> to vector<16xf32>
      tpu.vector_store %arg14[%swap3A_2217], %swap3A_2220 {strides = array<i32>} : memref<64xf32, #tpu.memory_space<vmem>>, vector<16xf32>,
      %get3A_2221 = arith.constant 48 : index
      %get3A_2222 = tpu.vector_load %arg14[%get3A_2221] {strides = array<i32>} : memref<64xf32, #tpu.memory_space<vmem>>, vector<16xf32>,
      %get3A_2223 = vector.shape_cast %get3A_2222 : vector<16xf32> to vector<16xf32>
      %sub3A_2224 = arith.subf %get3A_2223, %get3A_2190 : vector<16xf32>
      %exp3A_2225 = math.exp %sub3A_2224 : vector<16xf32>
      %div3A_2226 = arith.divf %exp3A_2225, %get3A_2193 : vector<16xf32>
      %swap3A_2227 = arith.constant 48 : index
      %swap3A_2228 = tpu.vector_load %arg14[%swap3A_2227] {strides = array<i32>} : memref<64xf32, #tpu.memory_space<vmem>>, vector<16xf32>,
      %swap3A_2229 = vector.shape_cast %swap3A_2228 : vector<16xf32> to vector<16xf32>
      %swap3A_2230 = vector.shape_cast %div3A_2226 : vector<16xf32> to vector<16xf32>
      tpu.vector_store %arg14[%swap3A_2227], %swap3A_2230 {strides = array<i32>} : memref<64xf32, #tpu.memory_space<vmem>>, vector<16xf32>,
      "tpu.region"() ({
        %run_scoped3A = tpu.sem_alloc : memref<!tpu.dma_semaphore, #tpu.memory_space<semaphore_mem>>
        tpu.enqueue_dma source(%arg14 : memref<64xf32, #tpu.memory_space<vmem>>) target(%arg5 : memref<64xf32, #tpu.memory_space<hbm>>) target_semaphore(%run_scoped3A : memref<!tpu.dma_semaphore, #tpu.memory_space<semaphore_mem>>)
        tpu.wait_dma2 semaphore(%run_scoped3A : memref<!tpu.dma_semaphore, #tpu.memory_space<semaphore_mem>>) src(%arg14 : memref<64xf32, #tpu.memory_space<vmem>>) dst(%arg5 : memref<64xf32, #tpu.memory_space<hbm>>)
        tpu.yield
      }) : () -> ()
      "tpu.region"() ({
        %run_scoped3A = tpu.sem_alloc : memref<!tpu.dma_semaphore, #tpu.memory_space<semaphore_mem>>
        tpu.enqueue_dma source(%arg15 : memref<64xi32, #tpu.memory_space<vmem>>) target(%arg6 : memref<64xi32, #tpu.memory_space<hbm>>) target_semaphore(%run_scoped3A : memref<!tpu.dma_semaphore, #tpu.memory_space<semaphore_mem>>)
        tpu.wait_dma2 semaphore(%run_scoped3A : memref<!tpu.dma_semaphore, #tpu.memory_space<semaphore_mem>>) src(%arg15 : memref<64xi32, #tpu.memory_space<vmem>>) dst(%arg6 : memref<64xi32, #tpu.memory_space<hbm>>)
        tpu.yield
      }) : () -> ()
    } else {
    }
    return
  }
}

module attributes {stable_mosaic.version = 14 : i64} {
  func.func @_pool_body(%arg0: i32, %arg1: memref<20000x128xf32, #tpu.memory_space<vmem>>, %arg2: memref<128x1xf32, #tpu.memory_space<vmem>>, %arg3: memref<1x1xf32, #tpu.memory_space<vmem>>, %arg4: memref<128x128xf32, #tpu.memory_space<vmem>>, %arg5: memref<1x128xf32, #tpu.memory_space<vmem>>, %arg6: memref<128x1xf32, #tpu.memory_space<vmem>>, %arg7: memref<1x1xf32, #tpu.memory_space<vmem>>, %arg8: memref<1x1x20000xf32, #tpu.memory_space<vmem>>, %arg9: memref<1x128xf32, #tpu.memory_space<vmem>>, %arg10: memref<1x1xf32, #tpu.memory_space<vmem>>, %arg11: memref<1x1xf32, #tpu.memory_space<vmem>>, %arg12: memref<1x1xf32, #tpu.memory_space<vmem>>, %arg13: memref<1xf32, #tpu.memory_space<smem>>, %arg14: memref<1xf32, #tpu.memory_space<smem>>, %arg15: memref<1x128xf32, #tpu.memory_space<vmem>>) attributes {dimension_semantics = [#tpu.dimension_semantics<arbitrary>], iteration_bounds = array<i64: 5>, scalar_prefetch = 0 : i64, scratch_operands = 3 : i64, tpu.core_type = #tpu.core_type<tc>, window_params = [{transform_indices = @transform_0, window_bounds = array<i64: 20000, 128>}, {pipeline_mode = #tpu.pipeline_mode<synchronous>, transform_indices = @transform_1, window_bounds = array<i64: 128, 1>}, {pipeline_mode = #tpu.pipeline_mode<synchronous>, transform_indices = @transform_2, window_bounds = array<i64: 1, 1>}, {pipeline_mode = #tpu.pipeline_mode<synchronous>, transform_indices = @transform_3, window_bounds = array<i64: 128, 128>}, {pipeline_mode = #tpu.pipeline_mode<synchronous>, transform_indices = @transform_4, window_bounds = array<i64: 1, 128>}, {pipeline_mode = #tpu.pipeline_mode<synchronous>, transform_indices = @transform_5, window_bounds = array<i64: 128, 1>}, {pipeline_mode = #tpu.pipeline_mode<synchronous>, transform_indices = @transform_6, window_bounds = array<i64: 1, 1>}, {transform_indices = @transform_7, window_bounds = array<i64: 1, 1, 20000>}, {pipeline_mode = #tpu.pipeline_mode<synchronous>, transform_indices = @transform_8, window_bounds = array<i64: 1, 128>}, {pipeline_mode = #tpu.pipeline_mode<synchronous>, transform_indices = @transform_9, window_bounds = array<i64: 1, 1>}, {pipeline_mode = #tpu.pipeline_mode<synchronous>, transform_indices = @transform_10, window_bounds = array<i64: 1, 1>}, {pipeline_mode = #tpu.pipeline_mode<synchronous>, transform_indices = @transform_11, window_bounds = array<i64: 1, 1>}]} {
    %eq3A = arith.constant 0 : i32
    %eq3A_0 = arith.cmpi eq, %arg0, %eq3A : i32
    %convert_element_type3A = arith.extui %eq3A_0 : i1 to i32
    %cond3A = arith.constant 0 : i32
    %cond3A_1 = arith.cmpi ne, %convert_element_type3A, %cond3A : i32
    scf.if %cond3A_1 {
      %swap3A_82 = arith.constant 0xFF800000 : f32
      %swap3A_83 = arith.constant 0 : index
      %swap3A_84 = memref.load %arg13[%swap3A_83] : memref<1xf32, #tpu.memory_space<smem>>
      memref.store %swap3A_82, %arg13[%swap3A_83] : memref<1xf32, #tpu.memory_space<smem>>
      %swap3A_85 = arith.constant 0.000000e+00 : f32
      %swap3A_86 = arith.constant 0 : index
      %swap3A_87 = memref.load %arg14[%swap3A_86] : memref<1xf32, #tpu.memory_space<smem>>
      memref.store %swap3A_85, %arg14[%swap3A_86] : memref<1xf32, #tpu.memory_space<smem>>
      %broadcast_in_dim3A = arith.constant 0.000000e+00 : f32
      %broadcast_in_dim3A_88 = vector.broadcast %broadcast_in_dim3A : f32 to vector<1x128xf32>
      %swap3A_89 = arith.constant 0 : index
      %swap3A_90 = arith.constant 0 : index
      %swap3A_91 = vector.load %arg15[%swap3A_89, %swap3A_90] : memref<1x128xf32, #tpu.memory_space<vmem>>, vector<1x128xf32>
      tpu.vector_store %arg15[%swap3A_89, %swap3A_90], %broadcast_in_dim3A_88 {strides = array<i32>} : memref<1x128xf32, #tpu.memory_space<vmem>>, vector<1x128xf32>,
    } else {
    }
    %get3A = arith.constant 0 : index
    %get3A_2 = arith.constant 0 : index
    %get3A_3 = vector.load %arg1[%get3A, %get3A_2] : memref<20000x128xf32, #tpu.memory_space<vmem>>, vector<20000x128xf32>
    %get3A_4 = arith.constant 0 : index
    %get3A_5 = arith.constant 0 : index
    %get3A_6 = vector.load %arg2[%get3A_4, %get3A_5] : memref<128x1xf32, #tpu.memory_space<vmem>>, vector<128x1xf32>
    %dot_general3A = arith.constant dense<0.000000e+00> : vector<1x20000xf32>
    %dot_general3A_7 = tpu.matmul %get3A_6, %get3A_3, %dot_general3A {dimension_numbers = #tpu.dot_dimension_numbers<[0], [1], [1], [0], [0, 1, 1, 0], [], []>, transpose_lhs_hint = false} : vector<128x1xf32>, vector<20000x128xf32>, vector<1x20000xf32> -> vector<1x20000xf32>
    %get3A_8 = arith.constant 0 : index
    %get3A_9 = arith.constant 0 : index
    %get3A_10 = vector.load %arg3[%get3A_8, %get3A_9] : memref<1x1xf32, #tpu.memory_space<vmem>>, vector<1x1xf32>
    %add3A = vector.broadcast %get3A_10 : vector<1x1xf32> to vector<1x20000xf32>
    %add3A_11 = arith.addf %dot_general3A_7, %add3A : vector<1x20000xf32>
    %reshape3A = vector.shape_cast %add3A_11 : vector<1x20000xf32> to vector<1x1x20000xf32>
    %swap3A = arith.constant 0 : index
    %swap3A_12 = arith.constant 0 : index
    %swap3A_13 = arith.constant 0 : index
    %swap3A_14 = vector.load %arg8[%swap3A, %swap3A_12, %swap3A_13] : memref<1x1x20000xf32, #tpu.memory_space<vmem>>, vector<1x1x20000xf32>
    tpu.vector_store %arg8[%swap3A, %swap3A_12, %swap3A_13], %reshape3A {strides = array<i32>} : memref<1x1x20000xf32, #tpu.memory_space<vmem>>, vector<1x1x20000xf32>,
    %get3A_15 = arith.constant 0 : index
    %get3A_16 = memref.load %arg13[%get3A_15] : memref<1xf32, #tpu.memory_space<smem>>
    %get3A_17 = arith.constant 0 : index
    %get3A_18 = memref.load %arg14[%get3A_17] : memref<1xf32, #tpu.memory_space<smem>>
    %reduce_max3A = vector.shape_cast %add3A_11 : vector<1x20000xf32> to vector<1x1x20000xf32>
    %reduce_max3A_19 = arith.constant dense<0xFF800000> : vector<1xf32>
    %reduce_max3A_20 = vector.multi_reduction <maximumf>, %reduce_max3A, %reduce_max3A_19 [1, 2] : vector<1x1x20000xf32> to vector<1xf32>
    %reduce_max3A_21 = vector.shape_cast %reduce_max3A_20 : vector<1xf32> to vector<1x1x1xf32>
    %reduce_max3A_22 = vector.extract %reduce_max3A_21[0, 0, 0] : f32 from vector<1x1x1xf32>
    %max3A = arith.maximumf %get3A_16, %reduce_max3A_22 : f32
    %sub3A = arith.subf %get3A_16, %max3A : f32
    %exp3A = math.exp %sub3A : f32
    %sub3A_23 = vector.broadcast %max3A : f32 to vector<1x20000xf32>
    %sub3A_24 = arith.subf %add3A_11, %sub3A_23 : vector<1x20000xf32>
    %exp3A_25 = math.exp %sub3A_24 : vector<1x20000xf32>
    %mul3A = arith.mulf %get3A_18, %exp3A : f32
    %reduce_sum3A = vector.shape_cast %exp3A_25 : vector<1x20000xf32> to vector<1x1x20000xf32>
    %reduce_sum3A_26 = arith.constant dense<0.000000e+00> : vector<1xf32>
    %reduce_sum3A_27 = vector.multi_reduction <add>, %reduce_sum3A, %reduce_sum3A_26 [1, 2] : vector<1x1x20000xf32> to vector<1xf32>
    %reduce_sum3A_28 = vector.shape_cast %reduce_sum3A_27 : vector<1xf32> to vector<1x1x1xf32>
    %reduce_sum3A_29 = vector.extract %reduce_sum3A_28[0, 0, 0] : f32 from vector<1x1x1xf32>
    %add3A_30 = arith.addf %mul3A, %reduce_sum3A_29 : f32
    %get3A_31 = arith.constant 0 : index
    %get3A_32 = arith.constant 0 : index
    %get3A_33 = vector.load %arg15[%get3A_31, %get3A_32] : memref<1x128xf32, #tpu.memory_space<vmem>>, vector<1x128xf32>
    %mul3A_34 = vector.broadcast %exp3A : f32 to vector<1x128xf32>
    %mul3A_35 = arith.mulf %get3A_33, %mul3A_34 : vector<1x128xf32>
    %dot_general3A_36 = arith.constant dense<0.000000e+00> : vector<1x128xf32>
    %dot_general3A_37 = tpu.matmul %exp3A_25, %get3A_3, %dot_general3A_36 {dimension_numbers = #tpu.dot_dimension_numbers<[1], [0], [0], [1], [0, 0, 1, 1], [], []>, transpose_lhs_hint = false} : vector<1x20000xf32>, vector<20000x128xf32>, vector<1x128xf32> -> vector<1x128xf32>
    %add3A_38 = arith.addf %mul3A_35, %dot_general3A_37 : vector<1x128xf32>
    %swap3A_39 = arith.constant 0 : index
    %swap3A_40 = memref.load %arg13[%swap3A_39] : memref<1xf32, #tpu.memory_space<smem>>
    memref.store %max3A, %arg13[%swap3A_39] : memref<1xf32, #tpu.memory_space<smem>>
    %swap3A_41 = arith.constant 0 : index
    %swap3A_42 = memref.load %arg14[%swap3A_41] : memref<1xf32, #tpu.memory_space<smem>>
    memref.store %add3A_30, %arg14[%swap3A_41] : memref<1xf32, #tpu.memory_space<smem>>
    %swap3A_43 = arith.constant 0 : index
    %swap3A_44 = arith.constant 0 : index
    %swap3A_45 = vector.load %arg15[%swap3A_43, %swap3A_44] : memref<1x128xf32, #tpu.memory_space<vmem>>, vector<1x128xf32>
    tpu.vector_store %arg15[%swap3A_43, %swap3A_44], %add3A_38 {strides = array<i32>} : memref<1x128xf32, #tpu.memory_space<vmem>>, vector<1x128xf32>,
    %div3A = vector.broadcast %add3A_30 : f32 to vector<1x128xf32>
    %div3A_46 = arith.divf %add3A_38, %div3A : vector<1x128xf32>
    %get3A_47 = arith.constant 0 : index
    %get3A_48 = arith.constant 0 : index
    %get3A_49 = vector.load %arg4[%get3A_47, %get3A_48] : memref<128x128xf32, #tpu.memory_space<vmem>>, vector<128x128xf32>
    %dot_general3A_50 = arith.constant dense<0.000000e+00> : vector<1x128xf32>
    %dot_general3A_51 = tpu.matmul %div3A_46, %get3A_49, %dot_general3A_50 {dimension_numbers = #tpu.dot_dimension_numbers<[1], [0], [0], [1], [0, 0, 1, 1], [], []>, transpose_lhs_hint = false} : vector<1x128xf32>, vector<128x128xf32>, vector<1x128xf32> -> vector<1x128xf32>
    %get3A_52 = arith.constant 0 : index
    %get3A_53 = arith.constant 0 : index
    %get3A_54 = vector.load %arg5[%get3A_52, %get3A_53] : memref<1x128xf32, #tpu.memory_space<vmem>>, vector<1x128xf32>
    %add3A_55 = arith.addf %dot_general3A_51, %get3A_54 : vector<1x128xf32>
    %max3A_56 = arith.constant 0.000000e+00 : f32
    %max3A_57 = vector.broadcast %max3A_56 : f32 to vector<1x128xf32>
    %max3A_58 = arith.maximumf %add3A_55, %max3A_57 : vector<1x128xf32>
    %get3A_59 = arith.constant 0 : index
    %get3A_60 = arith.constant 0 : index
    %get3A_61 = vector.load %arg6[%get3A_59, %get3A_60] : memref<128x1xf32, #tpu.memory_space<vmem>>, vector<128x1xf32>
    %dot_general3A_62 = arith.constant dense<0.000000e+00> : vector<1x1xf32>
    %dot_general3A_63 = tpu.matmul %max3A_58, %get3A_61, %dot_general3A_62 {dimension_numbers = #tpu.dot_dimension_numbers<[1], [0], [0], [1], [0, 0, 1, 1], [], []>, transpose_lhs_hint = false} : vector<1x128xf32>, vector<128x1xf32>, vector<1x1xf32> -> vector<1x1xf32>
    %get3A_64 = arith.constant 0 : index
    %get3A_65 = arith.constant 0 : index
    %get3A_66 = vector.load %arg7[%get3A_64, %get3A_65] : memref<1x1xf32, #tpu.memory_space<vmem>>, vector<1x1xf32>
    %add3A_67 = arith.addf %dot_general3A_63, %get3A_66 : vector<1x1xf32>
    %swap3A_68 = arith.constant 0 : index
    %swap3A_69 = arith.constant 0 : index
    %swap3A_70 = vector.load %arg9[%swap3A_68, %swap3A_69] : memref<1x128xf32, #tpu.memory_space<vmem>>, vector<1x128xf32>
    tpu.vector_store %arg9[%swap3A_68, %swap3A_69], %max3A_58 {strides = array<i32>} : memref<1x128xf32, #tpu.memory_space<vmem>>, vector<1x128xf32>,
    %swap3A_71 = arith.constant 0 : index
    %swap3A_72 = arith.constant 0 : index
    %swap3A_73 = vector.load %arg10[%swap3A_71, %swap3A_72] : memref<1x1xf32, #tpu.memory_space<vmem>>, vector<1x1xf32>
    tpu.vector_store %arg10[%swap3A_71, %swap3A_72], %add3A_67 {strides = array<i32>} : memref<1x1xf32, #tpu.memory_space<vmem>>, vector<1x1xf32>,
    %reshape3A_74 = vector.broadcast %max3A : f32 to vector<1x1xf32>
    %swap3A_75 = arith.constant 0 : index
    %swap3A_76 = arith.constant 0 : index
    %swap3A_77 = vector.load %arg11[%swap3A_75, %swap3A_76] : memref<1x1xf32, #tpu.memory_space<vmem>>, vector<1x1xf32>
    tpu.vector_store %arg11[%swap3A_75, %swap3A_76], %reshape3A_74 {strides = array<i32>} : memref<1x1xf32, #tpu.memory_space<vmem>>, vector<1x1xf32>,
    %reshape3A_78 = vector.broadcast %add3A_30 : f32 to vector<1x1xf32>
    %swap3A_79 = arith.constant 0 : index
    %swap3A_80 = arith.constant 0 : index
    %swap3A_81 = vector.load %arg12[%swap3A_79, %swap3A_80] : memref<1x1xf32, #tpu.memory_space<vmem>>, vector<1x1xf32>
    tpu.vector_store %arg12[%swap3A_79, %swap3A_80], %reshape3A_78 {strides = array<i32>} : memref<1x1xf32, #tpu.memory_space<vmem>>, vector<1x1xf32>,
    return
  }
  func.func @transform_0(%arg0: i32) -> (i32, i32) {
    %c0_i32 = arith.constant 0 : i32
    %c0_i32_0 = arith.constant 0 : i32
    return %arg0, %c0_i32 : i32, i32
  }
  func.func @transform_1(%arg0: i32) -> (i32, i32) {
    %c0_i32 = arith.constant 0 : i32
    %c0_i32_0 = arith.constant 0 : i32
    %c0_i32_1 = arith.constant 0 : i32
    return %c0_i32, %c0_i32_0 : i32, i32
  }
  func.func @transform_2(%arg0: i32) -> (i32, i32) {
    %c0_i32 = arith.constant 0 : i32
    %c0_i32_0 = arith.constant 0 : i32
    %c0_i32_1 = arith.constant 0 : i32
    return %c0_i32, %c0_i32_0 : i32, i32
  }
  func.func @transform_3(%arg0: i32) -> (i32, i32) {
    %c0_i32 = arith.constant 0 : i32
    %c0_i32_0 = arith.constant 0 : i32
    %c0_i32_1 = arith.constant 0 : i32
    return %c0_i32, %c0_i32_0 : i32, i32
  }
  func.func @transform_4(%arg0: i32) -> (i32, i32) {
    %c0_i32 = arith.constant 0 : i32
    %c0_i32_0 = arith.constant 0 : i32
    %c0_i32_1 = arith.constant 0 : i32
    return %c0_i32, %c0_i32_0 : i32, i32
  }
  func.func @transform_5(%arg0: i32) -> (i32, i32) {
    %c0_i32 = arith.constant 0 : i32
    %c0_i32_0 = arith.constant 0 : i32
    %c0_i32_1 = arith.constant 0 : i32
    return %c0_i32, %c0_i32_0 : i32, i32
  }
  func.func @transform_6(%arg0: i32) -> (i32, i32) {
    %c0_i32 = arith.constant 0 : i32
    %c0_i32_0 = arith.constant 0 : i32
    %c0_i32_1 = arith.constant 0 : i32
    return %c0_i32, %c0_i32_0 : i32, i32
  }
  func.func @transform_7(%arg0: i32) -> (i32, i32, i32) {
    %c0_i32 = arith.constant 0 : i32
    %c0_i32_0 = arith.constant 0 : i32
    %c0_i32_1 = arith.constant 0 : i32
    return %arg0, %c0_i32, %c0_i32_0 : i32, i32, i32
  }
  func.func @transform_8(%arg0: i32) -> (i32, i32) {
    %c0_i32 = arith.constant 0 : i32
    %c0_i32_0 = arith.constant 0 : i32
    %c0_i32_1 = arith.constant 0 : i32
    return %c0_i32, %c0_i32_0 : i32, i32
  }
  func.func @transform_9(%arg0: i32) -> (i32, i32) {
    %c0_i32 = arith.constant 0 : i32
    %c0_i32_0 = arith.constant 0 : i32
    %c0_i32_1 = arith.constant 0 : i32
    return %c0_i32, %c0_i32_0 : i32, i32
  }
  func.func @transform_10(%arg0: i32) -> (i32, i32) {
    %c0_i32 = arith.constant 0 : i32
    %c0_i32_0 = arith.constant 0 : i32
    %c0_i32_1 = arith.constant 0 : i32
    return %c0_i32, %c0_i32_0 : i32, i32
  }
  func.func @transform_11(%arg0: i32) -> (i32, i32) {
    %c0_i32 = arith.constant 0 : i32
    %c0_i32_0 = arith.constant 0 : i32
    %c0_i32_1 = arith.constant 0 : i32
    return %c0_i32, %c0_i32_0 : i32, i32
  }
}

</mosaic_0001>

<sc_bundles>
// kernel: kernel.4.cloned.1.call-start
scs
__scs_entry_jumppad:
0x0: {  	(pc) =	sbr.rel $0x88, $3  }
0x1: {  	(tag) =	ssettag $0x0;
	lr =	simm.s32 $0x1  }
0x2: {  	[smem:$0x3F9A] =	sst lr;
	_ =	strace $0xD0000000  }
0x3: {  	_ = 	snop  }
0x4: {  	_ = 	snop  }
0x5: {  	_ = 	snop  }
0x6: {  	_ = 	snop  }
0x7: {  	_ = 	snop  }
__scs_overlays_trampoline_lowered:
0x8: {  	[smem:$0x3FA9] =	sst s0  }
0x9: {  	[smem:$0x3FAA] =	sst s1  }
0xa: {  	[smem:$0x3FAB] =	sst s2  }
0xb: {  	[smem:$0x3FAC] =	sst s3  }
0xc: {  	[smem:$0x3FAD] =	sst s4  }
0xd: {  	[smem:$0x3FAE] =	sst s5  }
0xe: {  	[smem:$0x3FAF] =	sst s6  }
0xf: {  	[smem:$0x3FB0] =	sst s7  }
0x10: {  	[smem:$0x3FB1] =	sst s8  }
0x11: {  	[smem:$0x3FB2] =	sst s9;
	s0 =	simm.s32 @!p0 $0x0  }
0x12: {  	s1 =	sld [smem:$0x3F98];
	s0 =	simm.s32 @p0 $0x1  }
0x13: {  	[smem:$0x3FB3] =	sst s0;
	s0 =	simm.s32 @!p1 $0x0  }
0x14: {  	s2 =	sld [smem:$0x3F97];
	s0 =	simm.s32 @p1 $0x1  }
0x15: {  	[smem:$0x3FB4] =	sst s0;
	s0 =	simm.s32 @!p2 $0x0  }
0x16: {  	s3 =	sld [smem:$0x3FDB];
	s0 =	simm.s32 @p2 $0x1  }
0x17: {  	s4 =	simm.s32 $0x1BF5;
	[smem:$0x3FB6] =	sst s0  }
0x18: {  	s0 =	sld [smem:$0x3F99];
	_ =	swait.ge [sflag:s4], $0x0  }
0x19: {  	s7 =	sld [smem:$0x3F9A]  }
0x1a: {  	s8 =	sadd.s32 $0xFFFFE003, lr  }
0x1b: {  	s9 =	sadd.s32 $0xFFFFFEF7, lr;
	s5 =	simm.s32 $0xFFFFFFFF;
	p2 =	slt.u32 s8, $0xFFFFF086  }
0x1c: {  	p1 =	slt.u32 s9, $0xF7A;
	s5 =	simm.s32 @!p2 $0x0  }
0x1d: {  	s5 =	simm.s32 @p1 $0x1;
	p0 =	seq.s32 s7, s2  }
0x1e: {  	s7 =	smul.u32 @!p0 $0xF7A, s2;
	p2 =	seq.s32 @!p0 s5, $0x0  }
0x1f: {  	s9 =	smul.u32 $0xF7A, s1;
	s8 =	simm.s32 @!p0 $0x1BF5;
	p2 =	por !p2, p0  }
0x20: {  	[sflag:s8] =	ssyncset.s32 @!p0 $0xFFFFF086;
	s6 =	sadd.s32 @!p0 s3, s7;
	s7 =	simm.s32 @!p0 $0x108  }
0x21: {  	s3 =	sadd.s32 s3, s9;
	s6 =	sadd.s32 @!p0 $0x88, s6;
	s7 =	simm.s32 @p2 $0x1082  }
0x22: {  	[simem:s7], [sflag:s8] =	dma.local @!p0 [hbm:s6], $0xF7A  }
0x23: {  	s9 =	sor.u32 $0xD0000000, s2;
	s6 =	simm.s32 $0x108;
	_ =	swait.ge @!p0 [sflag:s8], $0x0  }
0x24: {  	s3 =	sadd.s32 $0x88, s3;
	s6 =	simm.s32 @!p1 $0x1082;
	[sflag:s4] =	ssyncset.s32 $0xFFFFF086  }
0x25: {  	[simem:s6], [sflag:s4] =	dma.local [hbm:s3], $0xF7A  }
0x26: {  	[smem:$0x3F9A] =	sst s1;
	(tag) =	ssettag s2;
	_ =	strace s9  }
0x27: {  	s1 =	sld [smem:$0x3FAA]  }
0x28: {  	s2 =	sld [smem:$0x3FAB]  }
0x29: {  	s4 =	sld [smem:$0x3FAD]  }
0x2a: {  	p0 =	seq.s32 s5, $0x0;
	s5 =	sld [smem:$0x3FAE]  }
0x2b: {  	s6 =	sld [smem:$0x3FAF]  }
0x2c: {  	s7 =	sld [smem:$0x3FB0]  }
0x2d: {  	s3 =	simm.s32 $0x108;
	s8 =	sld [smem:$0x3FB1]  }
0x2e: {  	s3 =	simm.s32 @!p0 $0x1082;
	s9 =	sld [smem:$0x3FB2]  }
0x2f: {  	lr =	sadd.s32 s0, s3;
	s0 =	sld [smem:$0x3FA9]  }
0x30: {  	s3 =	sld [smem:$0x3FAC]  }
0x31: {  	[smem:$0x3FB5] =	sst s10  }
0x32: {  	s10 =	sld [smem:$0x3FB3];
	_ =	sdelay $0x3  }
0x33: {  	p0 =	seq.s32 s10, $0x1;
	s10 =	sld [smem:$0x3FB5];
	_ =	sdelay $0x3  }
0x34: {  	[smem:$0x3FB5] =	sst s10  }
0x35: {  	s10 =	sld [smem:$0x3FB4];
	_ =	sdelay $0x3  }
0x36: {  	p1 =	seq.s32 s10, $0x1;
	s10 =	sld [smem:$0x3FB5];
	_ =	sdelay $0x3  }
0x37: {  	[smem:$0x3FB5] =	sst s10  }
0x38: {  	s10 =	sld [smem:$0x3FB6]  }
0x39: {  	_ = 	snop;
	(pc) =	sbr.ind lr, $3  }
0x3a: {  	_ = 	snop  }
0x3b: {  	_ = 	snop  }
0x3c: {  	p2 =	seq.s32 s10, $0x1;
	s10 =	sld [smem:$0x3FB5]  }
0x3d: {  	_ =	shalt  }
0x3e: {  	_ =	shalt  }
0x3f: {  	_ =	shalt  }
0x40: {  	_ =	shalt  }
0x41: {  	_ =	shalt  }
0x42: {  	_ =	shalt  }
0x43: {  	_ =	shalt  }
0x44: {  	_ =	shalt  }
0x45: {  	_ =	shalt  }
0x46: {  	_ =	shalt  }
0x47: {  	_ =	shalt  }
0x48: {  	_ =	shalt  }
0x49: {  	_ =	shalt  }
0x4a: {  	_ =	shalt  }
0x4b: {  	_ =	shalt  }
0x4c: {  	_ =	shalt  }
0x4d: {  	_ =	shalt  }
0x4e: {  	_ =	shalt  }
0x4f: {  	_ =	shalt  }
0x50: {  	_ =	shalt  }
0x51: {  	_ =	shalt  }
0x52: {  	_ =	shalt  }
0x53: {  	_ =	shalt  }
0x54: {  	_ =	shalt  }
0x55: {  	_ =	shalt  }
0x56: {  	_ =	shalt  }
0x57: {  	_ =	shalt  }
0x58: {  	_ =	shalt  }
0x59: {  	_ =	shalt  }
0x5a: {  	_ =	shalt  }
0x5b: {  	_ =	shalt  }
0x5c: {  	_ =	shalt  }
0x5d: {  	_ =	shalt  }
0x5e: {  	_ =	shalt  }
0x5f: {  	_ =	shalt  }
0x60: {  	_ =	shalt  }
0x61: {  	_ =	shalt  }
0x62: {  	_ =	shalt  }
0x63: {  	_ =	shalt  }
0x64: {  	_ =	shalt  }
0x65: {  	_ =	shalt  }
0x66: {  	_ =	shalt  }
0x67: {  	_ =	shalt  }
0x68: {  	_ =	shalt  }
0x69: {  	_ =	shalt  }
0x6a: {  	_ =	shalt  }
0x6b: {  	_ =	shalt  }
0x6c: {  	_ =	shalt  }
0x6d: {  	_ =	shalt  }
0x6e: {  	_ =	shalt  }
0x6f: {  	_ =	shalt  }
0x70: {  	_ =	shalt  }
0x71: {  	_ =	shalt  }
0x72: {  	_ =	shalt  }
0x73: {  	_ =	shalt  }
0x74: {  	_ =	shalt  }
0x75: {  	_ =	shalt  }
0x76: {  	_ =	shalt  }
0x77: {  	_ =	shalt  }
0x78: {  	_ =	shalt  }
0x79: {  	_ =	shalt  }
0x7a: {  	_ =	shalt  }
0x7b: {  	_ =	shalt  }
0x7c: {  	_ =	shalt  }
0x7d: {  	_ =	shalt  }
0x7e: {  	_ =	shalt  }
0x7f: {  	_ =	shalt  }
0x80: {  	_ =	shalt  }
0x81: {  	_ =	shalt  }
0x82: {  	_ =	shalt  }
0x83: {  	_ =	shalt  }
0x84: {  	_ =	shalt  }
0x85: {  	_ =	shalt  }
0x86: {  	_ =	shalt  }
0x87: {  	_ =	shalt  }
.Lfunc_end0:
.L_simem_size_0:
called_computation_lowered:
.L_overlay_start_0:
0x88: {  	s0 =	sld [smem:$0x3FD9]  }
0x89: {  	s1 =	sld [smem:$0x3FFE];
	_ =	sdelay $0x3  }
0x8a: {  	s0 =	sadd.s32 s1, s0  }
0x8b: {  	[smem:$0x3FC1] =	sst s0  }
0x8c: {  	_ = 	snop  }
0x8d: {  	s0 =	sld [smem:$0x3FD0];
	_ =	sdelay $0x2  }
0x8e: {  	s13 =	simm.s32 $0xA;
	s2 =	simm.s32 $0x10  }
0x8f: {  	[smem:s2], [sflag:s13] =	dma.local [hbm:s0], $0x1  }
0x90: {  	_ =	swait.eq [sflag:s13], $0x1  }
0x91: {  	[sflag:s13] =	ssyncset.done $0x0  }
0x92: {  	s14 =	sld [smem:$0x11];
	[sflag:s13] =	ssyncadd.s32 $0xFFFFFFFF  }
0x93: {  	s15 =	sld [smem:$0x12];
	(tm) =	ssettm $0x1  }
0x94: {  	s16 =	sld [smem:$0x3FFB];
	_ =	sdelay $0x3  }
0x95: {  	_ =	strace s16  }
0x96: {  	s2 =	sld [smem:$0x3FFC];
	_ =	sdelay $0x3  }
0x97: {  	_ =	strace s2  }
0x98: {  	s2 =	sld [smem:$0x3FFD];
	_ =	sdelay $0x3  }
0x99: {  	_ =	strace s2  }
0x9a: {  	_ =	strace $0x8FFFFFFF  }
0x9b: {  	s17 =	sld [smem:$0x3FDB];
	_ =	sdelay $0x1  }
0x9c: {  	s3 =	simm.s32 $_scs_section_size  }
0x9d: {  	s4 =	simm.s32 $_size__tile_overlayer_lowered;
	s5 =	simm.s32 $_tile_overlayer_lowered  }
0x9e: {  	s20 =	simm.s32 $0x1BFF;
	s19 =	sshll.u32 s5, $0x1;
	s2 =	sadd.s32 s3, s17  }
0x9f: {  	s6 =	simm.s32 $0x0;
	s18 =	sshll.u32 s4, $0x1;
	s4 =	sadd.s32 s19, s2  }
0xa0: {  	[timem:s6], [sflag:s20] =	dma.local [hbm:s4], s18  }
0xa1: {  	_ =	swait.ge [sflag:s20], s18  }
0xa2: {  	s3 =	ssub.s32 $0x0, s18;
	[sflag:s20] =	ssyncset.done $0x0  }
0xa3: {  	[sflag:s20] =	ssyncadd.s32 s3;
	_ =	sdelay $0x1  }
0xa4: {  	s21 =	simm.s32 $0x1B8B  }
0xa5: {  	_ =	swait.ge [sflag:s21], $0x1  }
0xa6: {  	[sflag:s21] =	ssyncset.done $0x0  }
0xa7: {  	s23 =	simm.s32 $0x1B8E;
	s22 =	sld [smem:$0x3FFE];
	[sflag:s21] =	ssyncadd.s32 $0xFFFFFFFF  }
0xa8: {  	s24 =	simm.s32 $execute0_lowered;
	[smem:$0x3FD2] =	sst s23  }
0xa9: {  	s4 =	sshll.u32 s24, $0x1;
	_ =	strace $0x80000046;
	[dreg:$0x1] =	wrdreg $0xFFFFFFFF  }
0xaa: {  	s25 =	simm.s32 $_size_execute0_lowered;
	s2 =	sadd.s32 s2, s4;
	[dreg:$0x0] =	wrdreg $0x0  }
0xab: {  	s4 =	sshll.u32 s25, $0x1;
	[dreg:$0x2] =	wrdreg s2  }
0xac: {  	[dreg:$0x3] =	wrdreg s4  }
0xad: {  	[dreg:$0x4] =	wrdreg $0xC0  }
0xae: {  	_ =	task [dreg:s6], $0x5FFFF  }
0xaf: {  	[dreg:$0x1] =	wrdreg $0xFFFFFFFF  }
0xb0: {  	[dreg:$0x0] =	wrdreg $0x60  }
0xb1: {  	[dreg:$0x2] =	wrdreg s22  }
0xb2: {  	[dreg:$0x3] =	wrdreg s14  }
0xb3: {  	[dreg:$0x4] =	wrdreg s15  }
0xb4: {  	[dreg:$0x5] =	wrdreg $0x26800  }
0xb5: {  	[dreg:$0x6] =	wrdreg $0x26C00  }
0xb6: {  	[dreg:$0x7] =	wrdreg $0x9  }
0xb7: {  	_ =	task.clear_ibuf [dreg:s6], $0x8FFFF;
	_ =	strace $0x90000046  }
0xb8: {  	s26 =	simm.s32 $0x9;
	_ =	strace $0x80000048  }
0xb9: {  	_ =	swait.ge [sflag:s26], $0x1  }
0xba: {  	[sflag:s26] =	ssyncadd.s32 $0xFFFFFFFF  }
0xbb: {  	_ =	strace $0x90000048  }
0xbc: {  	_ =	sfence  }
0xbd: {  	s28 =	sld [smem:$0x0];
	_ =	sdelay $0x1  }
0xbe: {  	s29 =	srdreg.scid  }
0xbf: {  	s30 =	sshll.u32 s29, $0xD;
	s31 =	sshrl.u32 s29, $0x2  }
0xc0: {  	s1 =	sand.u32 $0x1, s29;
	s2 =	sand.u32 $0x4000, s30;
	s0 =	sadd.s32 s31, s28  }
0xc1: {  	s1 =	sor.u32 s2, s1;
	s0 =	sshll.u32 s0, $0x11  }
0xc2: {  	s0 =	sor.u32 s0, s1  }
0xc3: {  	s0 =	sadd.s32 $0x8F2B, s0  }
0xc4: {  	[sflag:s0] =	ssyncadd.remote.s32 $0x1  }
0xc5: {  	_ =	sfence.sel $0xFFFF  }
0xc6: {  	[dreg:$0x0] =	wrdreg $0xFFFFFFFF;
	(pc) =	sbr.abs _section_cstart, $3  }
0xc7: {  	[dreg:$0x1] =	wrdreg $0xFFFFFFFF  }
0xc8: {  	_ =	task.clear_ibuf [dreg:s6], $0x2FFFF;
	_ =	strace $0x9FFFFFFF  }
0xc9: {  	(tm) =	ssettm $0x7FFFFFFF  }
tec
execute0_lowered:
.L_overlay_start_1:
0x0: {  	(tag) =	ssettag $0x1  }
0x1: {  	s6 =	rddreg [dreg:$0x0]  }
0x2: {  	s2 =	rddreg [dreg:$0x1]  }
0x3: {  	s1 =	rddreg [dreg:$0x2]  }
0x4: {  	s4 =	rddreg [dreg:$0x3]  }
0x5: {  	s3 =	rddreg [dreg:$0x4];
	s7 =	simm.s32 $0x0  }
0x6: {  	v0 =	vimm.f32 $-Inf;
	[smem:$0x7FF] =	sst s7  }
0x7: {  	s0 =	rddreg [dreg:$0x5];
	_ =	strace $0x80000047;
	[tilespmem:$0x1870] =	vst v0  }
0x8: {  	[tilespmem:$0x1880] =	vst v0  }
0x9: {  	[tilespmem:$0x1890] =	vst v0  }
0xa: {  	[tilespmem:$0x18A0] =	vst v0  }
0xb: {  	[tilespmem:$0x18B0] =	vst v0  }
0xc: {  	[tilespmem:$0x18C0] =	vst v0  }
0xd: {  	s5 =	stileid.u32;
	[tilespmem:$0x18D0] =	vst v0  }
0xe: {  	s9 =	sadd.s32 $0xE00, s6;
	p0 =	seq.s32 s5, $0xF;
	[tilespmem:$0x18E0] =	vst v0  }
0xf: {  	[tilespmem:$0x18F0] =	vst v0;
	s8 =	sadd.s32 @p0 $0x2DD2, s9;
	s10 =	simm.s32 @p0 $0x0  }
0x10: {  	[tilespmem:s10], [sflag:$0x1] =	stream.linear.gather @p0 [hbm4b:s8+s10], $0x1810, $0x38;
	[tilespmem:$0x2700] =	vst v63  }
0x11: {  	s8 =	simm.s32 @p0 $0x1  }
0x12: {  	_ =	swait.ge @p0 [sflag:s8], $0x1810  }
0x13: {  	[sflag:s8] =	ssyncset.done @p0 $0x0  }
0x14: {  	v0 =	vimm.f32 @p0 $-Inf;
	[sflag:s8] =	ssyncadd.s32 @p0 $0xFFFFE7F0  }
0x15: {  	[tilespmem:$0x1810] =	vst @p0 v0  }
0x16: {  	[tilespmem:$0x1820] =	vst @p0 v0  }
0x17: {  	s8 =	smul.u32 $0x1870, s5;
	[tilespmem:$0x1830] =	vst @p0 v0  }
0x18: {  	[tilespmem:$0x1840] =	vst @p0 v0  }
0x19: {  	[tilespmem:$0x1850] =	vst @p0 v0;
	s10 =	sshrl.u32 @!p0 s8, $0x3  }
0x1a: {  	[tilespmem:$0x1860] =	vst @p0 v0;
	s9 =	sadd.s32 @!p0 s9, s10;
	s10 =	simm.s32 @!p0 $0x0  }
0x1b: {  	[tilespmem:s10], [sflag:$0x1] =	stream.linear.gather @!p0 [hbm4b:s9+s10], $0x1870, $0x38;
	[tilespmem:$0x2700] =	vst v63  }
0x1c: {  	s9 =	simm.s32 @!p0 $0x1  }
0x1d: {  	_ =	swait.ge @!p0 [sflag:s9], $0x1870  }
0x1e: {  	[sflag:s9] =	ssyncset.done @!p0 $0x0  }
0x1f: {  	[sflag:s9] =	ssyncadd.s32 @!p0 $0xFFFFE790  }
0x20: {  	v0 =	vld [tilespmem:$0xA0];
	_ =	sdelay $0x4  }
0x21: {  	[tilespmem:$0x1EF70] =	vst v0;
	v0 =	vld [tilespmem:$0xB0];
	_ =	sdelay $0x3  }
0x22: {  	v17 =	vld [tilespmem:$0x0]  }
0x23: {  	[tilespmem:$0x1EF80] =	vst v0;
	v0 =	vld [tilespmem:$0xC0]  }
0x24: {  	v16 =	vld [tilespmem:$0x10]  }
0x25: {  	v20 =	vld [tilespmem:$0x20]  }
0x26: {  	v23 =	vld [tilespmem:$0x30]  }
0x27: {  	v25 =	vld [tilespmem:$0x40]  }
0x28: {  	[tilespmem:$0x1EF90] =	vst v0;
	v0 =	vld [tilespmem:$0xD0]  }
0x29: {  	v34 =	vld [tilespmem:$0x50]  }
0x2a: {  	v41 =	vld [tilespmem:$0x60]  }
0x2b: {  	v46 =	vld [tilespmem:$0x70]  }
0x2c: {  	v51 =	vld [tilespmem:$0x80]  }
0x2d: {  	v57 =	vld [tilespmem:$0x90];
	[tilespmem:$0x1EFA0] =	vst v0  }
0x2e: {  	v0 =	vld [tilespmem:$0xE0]  }
0x2f: {  	v27 =	vld [tilespmem:$0x4A0];
	_ =	sdelay $0x4  }
0x30: {  	[tilespmem:$0x1F0B0] =	vst v27;
	v27 =	vld [tilespmem:$0x760];
	_ =	sdelay $0x4  }
0x31: {  	[tilespmem:$0x1F250] =	vst v27;
	v27 =	vld [tilespmem:$0x770];
	_ =	sdelay $0x4  }
0x32: {  	[tilespmem:$0x1F280] =	vst v27;
	v27 =	vld [tilespmem:$0x780];
	_ =	sdelay $0x4  }
0x33: {  	[tilespmem:$0x1F2A0] =	vst v27;
	v27 =	vld [tilespmem:$0x790];
	_ =	sdelay $0x4  }
0x34: {  	[tilespmem:$0x1F2E0] =	vst v27;
	v27 =	vld [tilespmem:$0x7A0];
	_ =	sdelay $0x4  }
0x35: {  	[tilespmem:$0x1F310] =	vst v27;
	v27 =	vld [tilespmem:$0x7B0];
	_ =	sdelay $0x4  }
0x36: {  	[tilespmem:$0x1F340] =	vst v27;
	v27 =	vld [tilespmem:$0x7C0];
	_ =	sdelay $0x4  }
0x37: {  	[tilespmem:$0x1F370] =	vst v27;
	v27 =	vld [tilespmem:$0x7D0];
	_ =	sdelay $0x4  }
0x38: {  	[tilespmem:$0x1F3A0] =	vst v27;
	v27 =	vld [tilespmem:$0x7E0];
	_ =	sdelay $0x4  }
0x39: {  	[tilespmem:$0x1F3D0] =	vst v27;
	v27 =	vld [tilespmem:$0x7F0];
	_ =	sdelay $0x4  }
0x3a: {  	[tilespmem:$0x1F3F0] =	vst v27;
	v27 =	vld [tilespmem:$0x800];
	_ =	sdelay $0x4  }
0x3b: {  	[tilespmem:$0x1F2B0] =	vst v27;
	v27 =	vld [tilespmem:$0x810];
	_ =	sdelay $0x4  }
0x3c: {  	[tilespmem:$0x1F2C0] =	vst v27;
	v27 =	vld [tilespmem:$0x820];
	_ =	sdelay $0x4  }
0x3d: {  	[tilespmem:$0x1F2F0] =	vst v27;
	v27 =	vld [tilespmem:$0x830];
	_ =	sdelay $0x4  }
0x3e: {  	[tilespmem:$0x1F320] =	vst v27;
	v27 =	vld [tilespmem:$0x840];
	_ =	sdelay $0x4  }
0x3f: {  	[tilespmem:$0x1F350] =	vst v27;
	v27 =	vld [tilespmem:$0x850];
	_ =	sdelay $0x4  }
0x40: {  	[tilespmem:$0x1F380] =	vst v27;
	v27 =	vld [tilespmem:$0x860];
	_ =	sdelay $0x4  }
0x41: {  	[tilespmem:$0x1F3B0] =	vst v27;
	v27 =	vld [tilespmem:$0x870];
	_ =	sdelay $0x4  }
0x42: {  	[tilespmem:$0x1F3E0] =	vst v27;
	v27 =	vld [tilespmem:$0x880];
	_ =	sdelay $0x4  }
0x43: {  	[tilespmem:$0x1F400] =	vst v27;
	v27 =	vld [tilespmem:$0x890];
	_ =	sdelay $0x4  }
0x44: {  	[tilespmem:$0x1F430] =	vst v27;
	v27 =	vld [tilespmem:$0x8A0];
	_ =	sdelay $0x4  }
0x45: {  	[tilespmem:$0x1F470] =	vst v27;
	v27 =	vld [tilespmem:$0x8B0];
	_ =	sdelay $0x4  }
0x46: {  	[tilespmem:$0x1F4A0] =	vst v27;
	v27 =	vld [tilespmem:$0x8C0];
	_ =	sdelay $0x4  }
0x47: {  	[tilespmem:$0x1F4D0] =	vst v27;
	v27 =	vld [tilespmem:$0x8D0];
	_ =	sdelay $0x4  }
0x48: {  	[tilespmem:$0x1F500] =	vst v27;
	v27 =	vld [tilespmem:$0x8E0];
	_ =	sdelay $0x4  }
0x49: {  	[tilespmem:$0x1F530] =	vst v27;
	v27 =	vld [tilespmem:$0x8F0];
	_ =	sdelay $0x4  }
0x4a: {  	[tilespmem:$0x1F560] =	vst v27;
	v27 =	vld [tilespmem:$0x900];
	_ =	sdelay $0x4  }
0x4b: {  	[tilespmem:$0x1F410] =	vst v27;
	v27 =	vld [tilespmem:$0x910];
	_ =	sdelay $0x4  }
0x4c: {  	[tilespmem:$0x1F420] =	vst v27;
	v27 =	vld [tilespmem:$0x920];
	_ =	sdelay $0x4  }
0x4d: {  	[tilespmem:$0x1F440] =	vst v27;
	v27 =	vld [tilespmem:$0x930];
	_ =	sdelay $0x4  }
0x4e: {  	[tilespmem:$0x1F480] =	vst v27;
	v27 =	vld [tilespmem:$0x940];
	_ =	sdelay $0x4  }
0x4f: {  	[tilespmem:$0x1F4B0] =	vst v27;
	v27 =	vld [tilespmem:$0x950];
	_ =	sdelay $0x4  }
0x50: {  	[tilespmem:$0x1F4E0] =	vst v27;
	v27 =	vld [tilespmem:$0x960];
	_ =	sdelay $0x4  }
0x51: {  	[tilespmem:$0x1F510] =	vst v27;
	v27 =	vld [tilespmem:$0x970];
	_ =	sdelay $0x4  }
0x52: {  	[tilespmem:$0x1F540] =	vst v27;
	v27 =	vld [tilespmem:$0x980];
	_ =	sdelay $0x4  }
0x53: {  	[tilespmem:$0x1F570] =	vst v27;
	v27 =	vld [tilespmem:$0x990];
	_ =	sdelay $0x4  }
0x54: {  	[tilespmem:$0x1F590] =	vst v27;
	v27 =	vld [tilespmem:$0x9A0];
	_ =	sdelay $0x4  }
0x55: {  	[tilespmem:$0x1F5D0] =	vst v27;
	v27 =	vld [tilespmem:$0x9B0];
	_ =	sdelay $0x4  }
0x56: {  	[tilespmem:$0x1F600] =	vst v27;
	v27 =	vld [tilespmem:$0x9C0];
	_ =	sdelay $0x4  }
0x57: {  	[tilespmem:$0x1F630] =	vst v27;
	v27 =	vld [tilespmem:$0x9D0];
	_ =	sdelay $0x4  }
0x58: {  	[tilespmem:$0x1F660] =	vst v27;
	v27 =	vld [tilespmem:$0x9E0];
	_ =	sdelay $0x4  }
0x59: {  	[tilespmem:$0x1F690] =	vst v27;
	v27 =	vld [tilespmem:$0x9F0];
	_ =	sdelay $0x4  }
0x5a: {  	[tilespmem:$0x1F6C0] =	vst v27;
	v27 =	vld [tilespmem:$0xA00];
	_ =	sdelay $0x4  }
0x5b: {  	[tilespmem:$0x1F450] =	vst v27;
	v27 =	vld [tilespmem:$0xA10];
	_ =	sdelay $0x4  }
0x5c: {  	[tilespmem:$0x1F460] =	vst v27;
	v27 =	vld [tilespmem:$0xA20];
	_ =	sdelay $0x4  }
0x5d: {  	[tilespmem:$0x1F490] =	vst v27;
	v27 =	vld [tilespmem:$0xA30];
	_ =	sdelay $0x4  }
0x5e: {  	[tilespmem:$0x1F4C0] =	vst v27;
	v27 =	vld [tilespmem:$0xA40];
	_ =	sdelay $0x4  }
0x5f: {  	[tilespmem:$0x1F4F0] =	vst v27;
	v27 =	vld [tilespmem:$0xA50];
	_ =	sdelay $0x4  }
0x60: {  	[tilespmem:$0x1F520] =	vst v27;
	v27 =	vld [tilespmem:$0xA60];
	_ =	sdelay $0x4  }
0x61: {  	[tilespmem:$0x1F550] =	vst v27;
	v27 =	vld [tilespmem:$0xA70];
	_ =	sdelay $0x4  }
0x62: {  	[tilespmem:$0x1F580] =	vst v27;
	v27 =	vld [tilespmem:$0xA80];
	_ =	sdelay $0x4  }
0x63: {  	[tilespmem:$0x1F5A0] =	vst v27;
	v27 =	vld [tilespmem:$0xA90];
	_ =	sdelay $0x4  }
0x64: {  	[tilespmem:$0x1F5E0] =	vst v27;
	v27 =	vld [tilespmem:$0xAA0];
	_ =	sdelay $0x4  }
0x65: {  	[tilespmem:$0x1F610] =	vst v27;
	v27 =	vld [tilespmem:$0xAB0];
	_ =	sdelay $0x4  }
0x66: {  	[tilespmem:$0x1F640] =	vst v27;
	v27 =	vld [tilespmem:$0xAC0];
	_ =	sdelay $0x4  }
0x67: {  	[tilespmem:$0x1F670] =	vst v27;
	v27 =	vld [tilespmem:$0xAD0];
	_ =	sdelay $0x4  }
0x68: {  	[tilespmem:$0x1F6A0] =	vst v27;
	v27 =	vld [tilespmem:$0xAE0];
	_ =	sdelay $0x4  }
0x69: {  	[tilespmem:$0x1F6D0] =	vst v27;
	v27 =	vld [tilespmem:$0xAF0];
	_ =	sdelay $0x4  }
0x6a: {  	[tilespmem:$0x1F6F0] =	vst v27;
	v27 =	vld [tilespmem:$0xB00];
	_ =	sdelay $0x4  }
0x6b: {  	[tilespmem:$0x1F5B0] =	vst v27;
	v27 =	vld [tilespmem:$0xB10];
	_ =	sdelay $0x4  }
0x6c: {  	[tilespmem:$0x1F5C0] =	vst v27;
	v27 =	vld [tilespmem:$0xB20];
	_ =	sdelay $0x4  }
0x6d: {  	[tilespmem:$0x1F5F0] =	vst v27;
	v27 =	vld [tilespmem:$0xB30];
	_ =	sdelay $0x4  }
0x6e: {  	[tilespmem:$0x1F620] =	vst v27;
	v27 =	vld [tilespmem:$0xB40];
	_ =	sdelay $0x4  }
0x6f: {  	[tilespmem:$0x1F650] =	vst v27;
	v27 =	vld [tilespmem:$0xB50];
	_ =	sdelay $0x4  }
0x70: {  	[tilespmem:$0x1F680] =	vst v27;
	v27 =	vld [tilespmem:$0xB60];
	_ =	sdelay $0x4  }
0x71: {  	[tilespmem:$0x1F6B0] =	vst v27;
	v27 =	vld [tilespmem:$0xB70];
	_ =	sdelay $0x4  }
0x72: {  	[tilespmem:$0x1F6E0] =	vst v27;
	v27 =	vld [tilespmem:$0xB80];
	_ =	sdelay $0x4  }
0x73: {  	[tilespmem:$0x1F700] =	vst v27;
	v27 =	vld [tilespmem:$0xB90];
	_ =	sdelay $0x4  }
0x74: {  	[tilespmem:$0x1F730] =	vst v27;
	v27 =	vld [tilespmem:$0xBA0];
	_ =	sdelay $0x4  }
0x75: {  	[tilespmem:$0x1F770] =	vst v27;
	v27 =	vld [tilespmem:$0xBB0];
	_ =	sdelay $0x4  }
0x76: {  	[tilespmem:$0x1F7A0] =	vst v27;
	v27 =	vld [tilespmem:$0xBC0];
	_ =	sdelay $0x4  }
0x77: {  	[tilespmem:$0x1F7D0] =	vst v27;
	v27 =	vld [tilespmem:$0xBD0];
	_ =	sdelay $0x4  }
0x78: {  	[tilespmem:$0x1F800] =	vst v27;
	v27 =	vld [tilespmem:$0xBE0];
	_ =	sdelay $0x4  }
0x79: {  	[tilespmem:$0x1F830] =	vst v27;
	v27 =	vld [tilespmem:$0xBF0];
	_ =	sdelay $0x4  }
0x7a: {  	[tilespmem:$0x1F860] =	vst v27;
	v27 =	vld [tilespmem:$0xC00];
	_ =	sdelay $0x4  }
0x7b: {  	[tilespmem:$0x1F710] =	vst v27;
	v27 =	vld [tilespmem:$0xC10];
	_ =	sdelay $0x4  }
0x7c: {  	[tilespmem:$0x1F720] =	vst v27;
	v27 =	vld [tilespmem:$0xC20];
	_ =	sdelay $0x4  }
0x7d: {  	[tilespmem:$0x1F740] =	vst v27;
	v27 =	vld [tilespmem:$0xC30];
	_ =	sdelay $0x4  }
0x7e: {  	[tilespmem:$0x1F780] =	vst v27;
	v27 =	vld [tilespmem:$0xC40];
	_ =	sdelay $0x4  }
0x7f: {  	[tilespmem:$0x1F7B0] =	vst v27;
	v27 =	vld [tilespmem:$0xC50];
	_ =	sdelay $0x4  }
0x80: {  	[tilespmem:$0x1F7E0] =	vst v27;
	v27 =	vld [tilespmem:$0xC60];
	_ =	sdelay $0x4  }
0x81: {  	[tilespmem:$0x1F810] =	vst v27;
	v27 =	vld [tilespmem:$0xC70];
	_ =	sdelay $0x4  }
0x82: {  	[tilespmem:$0x1F840] =	vst v27;
	v27 =	vld [tilespmem:$0xC80];
	_ =	sdelay $0x4  }
0x83: {  	[tilespmem:$0x1F870] =	vst v27;
	v27 =	vld [tilespmem:$0xC90];
	_ =	sdelay $0x4  }
0x84: {  	[tilespmem:$0x1F890] =	vst v27;
	v27 =	vld [tilespmem:$0xCA0];
	_ =	sdelay $0x4  }
0x85: {  	[tilespmem:$0x1F8D0] =	vst v27;
	v27 =	vld [tilespmem:$0xCB0];
	_ =	sdelay $0x4  }
0x86: {  	[tilespmem:$0x1F900] =	vst v27;
	v27 =	vld [tilespmem:$0xCC0];
	_ =	sdelay $0x4  }
0x87: {  	[tilespmem:$0x1F930] =	vst v27;
	v27 =	vld [tilespmem:$0xCD0];
	_ =	sdelay $0x4  }
0x88: {  	[tilespmem:$0x1F960] =	vst v27;
	v27 =	vld [tilespmem:$0xCE0];
	_ =	sdelay $0x4  }
0x89: {  	[tilespmem:$0x1F990] =	vst v27;
	v27 =	vld [tilespmem:$0xCF0];
	_ =	sdelay $0x4  }
0x8a: {  	[tilespmem:$0x1F9C0] =	vst v27;
	v27 =	vld [tilespmem:$0xD00];
	_ =	sdelay $0x4  }
0x8b: {  	[tilespmem:$0x1F750] =	vst v27;
	v27 =	vld [tilespmem:$0xD10];
	_ =	sdelay $0x4  }
0x8c: {  	[tilespmem:$0x1F760] =	vst v27;
	v27 =	vld [tilespmem:$0xD20];
	_ =	sdelay $0x4  }
0x8d: {  	[tilespmem:$0x1F790] =	vst v27;
	v27 =	vld [tilespmem:$0xD30];
	_ =	sdelay $0x4  }
0x8e: {  	[tilespmem:$0x1F7C0] =	vst v27;
	v27 =	vld [tilespmem:$0xD40];
	_ =	sdelay $0x4  }
0x8f: {  	[tilespmem:$0x1F7F0] =	vst v27;
	v27 =	vld [tilespmem:$0xD50];
	_ =	sdelay $0x4  }
0x90: {  	[tilespmem:$0x1F820] =	vst v27;
	v27 =	vld [tilespmem:$0xD60];
	_ =	sdelay $0x4  }
0x91: {  	[tilespmem:$0x1F850] =	vst v27;
	v27 =	vld [tilespmem:$0xD70];
	_ =	sdelay $0x4  }
0x92: {  	[tilespmem:$0x1F880] =	vst v27;
	v27 =	vld [tilespmem:$0xD80];
	_ =	sdelay $0x4  }
0x93: {  	[tilespmem:$0x1F8A0] =	vst v27;
	v27 =	vld [tilespmem:$0xD90];
	_ =	sdelay $0x4  }
0x94: {  	[tilespmem:$0x1F8E0] =	vst v27;
	v27 =	vld [tilespmem:$0xDA0];
	_ =	sdelay $0x4  }
0x95: {  	[tilespmem:$0x1F910] =	vst v27;
	v27 =	vld [tilespmem:$0xDB0];
	_ =	sdelay $0x4  }
0x96: {  	[tilespmem:$0x1F940] =	vst v27;
	v27 =	vld [tilespmem:$0xDC0];
	_ =	sdelay $0x4  }
0x97: {  	[tilespmem:$0x1F970] =	vst v27;
	v27 =	vld [tilespmem:$0xDD0];
	_ =	sdelay $0x4  }
0x98: {  	[tilespmem:$0x1F9A0] =	vst v27;
	v27 =	vld [tilespmem:$0xDE0];
	_ =	sdelay $0x4  }
0x99: {  	[tilespmem:$0x1F9D0] =	vst v27;
	v27 =	vld [tilespmem:$0xDF0];
	_ =	sdelay $0x4  }
0x9a: {  	[tilespmem:$0x1F9F0] =	vst v27;
	v27 =	vld [tilespmem:$0xE00];
	_ =	sdelay $0x4  }
0x9b: {  	[tilespmem:$0x1F8B0] =	vst v27;
	v27 =	vld [tilespmem:$0xE10];
	_ =	sdelay $0x4  }
0x9c: {  	[tilespmem:$0x1F8C0] =	vst v27;
	v27 =	vld [tilespmem:$0xE20];
	_ =	sdelay $0x4  }
0x9d: {  	[tilespmem:$0x1F8F0] =	vst v27;
	v27 =	vld [tilespmem:$0xE30];
	_ =	sdelay $0x4  }
0x9e: {  	[tilespmem:$0x1F920] =	vst v27;
	v27 =	vld [tilespmem:$0xE40];
	_ =	sdelay $0x4  }
0x9f: {  	[tilespmem:$0x1F950] =	vst v27;
	v27 =	vld [tilespmem:$0xE50];
	_ =	sdelay $0x4  }
0xa0: {  	[tilespmem:$0x1F980] =	vst v27;
	v27 =	vld [tilespmem:$0xE60];
	_ =	sdelay $0x4  }
0xa1: {  	[tilespmem:$0x1F9B0] =	vst v27;
	v27 =	vld [tilespmem:$0xE70];
	_ =	sdelay $0x4  }
0xa2: {  	[tilespmem:$0x1F9E0] =	vst v27;
	v27 =	vld [tilespmem:$0xE80];
	_ =	sdelay $0x4  }
0xa3: {  	[tilespmem:$0x1FA00] =	vst v27;
	v27 =	vld [tilespmem:$0xE90];
	_ =	sdelay $0x4  }
0xa4: {  	[tilespmem:$0x1FA30] =	vst v27;
	v27 =	vld [tilespmem:$0xEA0];
	_ =	sdelay $0x4  }
0xa5: {  	[tilespmem:$0x1FA70] =	vst v27;
	v27 =	vld [tilespmem:$0xEB0];
	_ =	sdelay $0x4  }
0xa6: {  	[tilespmem:$0x1FAA0] =	vst v27;
	v27 =	vld [tilespmem:$0xEC0];
	_ =	sdelay $0x4  }
0xa7: {  	[tilespmem:$0x1FAD0] =	vst v27;
	v27 =	vld [tilespmem:$0xED0];
	_ =	sdelay $0x4  }
0xa8: {  	[tilespmem:$0x1FB00] =	vst v27;
	v27 =	vld [tilespmem:$0xEE0];
	_ =	sdelay $0x4  }
0xa9: {  	[tilespmem:$0x1FB30] =	vst v27;
	v27 =	vld [tilespmem:$0xEF0];
	_ =	sdelay $0x4  }
0xaa: {  	[tilespmem:$0x1FB60] =	vst v27;
	v27 =	vld [tilespmem:$0xF00];
	_ =	sdelay $0x4  }
0xab: {  	[tilespmem:$0x1FA10] =	vst v27;
	v27 =	vld [tilespmem:$0xF10];
	_ =	sdelay $0x4  }
0xac: {  	[tilespmem:$0x1FA20] =	vst v27;
	v27 =	vld [tilespmem:$0xF20];
	_ =	sdelay $0x4  }
0xad: {  	[tilespmem:$0x1FA40] =	vst v27;
	v27 =	vld [tilespmem:$0xF30];
	_ =	sdelay $0x4  }
0xae: {  	[tilespmem:$0x1FA80] =	vst v27;
	v27 =	vld [tilespmem:$0xF40];
	_ =	sdelay $0x4  }
0xaf: {  	[tilespmem:$0x1FAB0] =	vst v27;
	v27 =	vld [tilespmem:$0xF50];
	_ =	sdelay $0x4  }
0xb0: {  	[tilespmem:$0x1FAE0] =	vst v27;
	v27 =	vld [tilespmem:$0xF60];
	_ =	sdelay $0x4  }
0xb1: {  	[tilespmem:$0x1FB10] =	vst v27;
	v27 =	vld [tilespmem:$0xF70];
	_ =	sdelay $0x4  }
0xb2: {  	[tilespmem:$0x1FB40] =	vst v27;
	v27 =	vld [tilespmem:$0xF80];
	_ =	sdelay $0x4  }
0xb3: {  	[tilespmem:$0x1FB70] =	vst v27;
	v27 =	vld [tilespmem:$0xF90];
	_ =	sdelay $0x4  }
0xb4: {  	[tilespmem:$0x1FB90] =	vst v27;
	v27 =	vld [tilespmem:$0xFA0];
	_ =	sdelay $0x4  }
0xb5: {  	[tilespmem:$0x1FBD0] =	vst v27;
	v27 =	vld [tilespmem:$0xFB0];
	_ =	sdelay $0x3  }
0xb6: {  	v2 =	vld [tilespmem:$0x100]  }
0xb7: {  	[tilespmem:$0x1FC00] =	vst v27;
	v27 =	vld [tilespmem:$0xFC0]  }
0xb8: {  	v1 =	vld [tilespmem:$0x110]  }
0xb9: {  	v3 =	vld [tilespmem:$0x120]  }
0xba: {  	v4 =	vld [tilespmem:$0x130]  }
0xbb: {  	v7 =	vld [tilespmem:$0x140]  }
0xbc: {  	[tilespmem:$0x1FC30] =	vst v27;
	v27 =	vld [tilespmem:$0xFD0]  }
0xbd: {  	v10 =	vld [tilespmem:$0x150]  }
0xbe: {  	v13 =	vld [tilespmem:$0x160]  }
0xbf: {  	v18 =	vld [tilespmem:$0x180]  }
0xc0: {  	v24 =	vld [tilespmem:$0x190]  }
0xc1: {  	[tilespmem:$0x1FC60] =	vst v27;
	v27 =	vld [tilespmem:$0xFE0]  }
0xc2: {  	v35 =	vld [tilespmem:$0x1A0]  }
0xc3: {  	v43 =	vld [tilespmem:$0x1B0]  }
0xc4: {  	v52 =	vld [tilespmem:$0x1C0]  }
0xc5: {  	v58 =	vld [tilespmem:$0x1D0]  }
0xc6: {  	[tilespmem:$0x1FC90] =	vst v27;
	v27 =	vld [tilespmem:$0xFF0]  }
0xc7: {  	v5 =	vld [tilespmem:$0x1E0]  }
0xc8: {  	v9 =	vld [tilespmem:$0x200]  }
0xc9: {  	v11 =	vld [tilespmem:$0x220]  }
0xca: {  	v14 =	vld [tilespmem:$0x230]  }
0xcb: {  	[tilespmem:$0x1FCC0] =	vst v27;
	v27 =	vld [tilespmem:$0x1000]  }
0xcc: {  	v21 =	vld [tilespmem:$0x240]  }
0xcd: {  	v19 =	vld [tilespmem:$0x250]  }
0xce: {  	v37 =	vld [tilespmem:$0x260]  }
0xcf: {  	v47 =	vld [tilespmem:$0x270]  }
0xd0: {  	[tilespmem:$0x1FA50] =	vst v27;
	v27 =	vld [tilespmem:$0x1010]  }
0xd1: {  	v53 =	vld [tilespmem:$0x280]  }
0xd2: {  	v56 =	vld [tilespmem:$0x290]  }
0xd3: {  	v6 =	vld [tilespmem:$0x2A0]  }
0xd4: {  	v31 =	vld [tilespmem:$0x300]  }
0xd5: {  	[tilespmem:$0x1FA60] =	vst v27;
	v27 =	vld [tilespmem:$0x1020]  }
0xd6: {  	v26 =	vld [tilespmem:$0x310]  }
0xd7: {  	v36 =	vld [tilespmem:$0x320]  }
0xd8: {  	v42 =	vld [tilespmem:$0x330]  }
0xd9: {  	v49 =	vld [tilespmem:$0x340]  }
0xda: {  	[tilespmem:$0x1FA90] =	vst v27;
	v27 =	vld [tilespmem:$0x1030]  }
0xdb: {  	v59 =	vld [tilespmem:$0x350]  }
0xdc: {  	v8 =	vld [tilespmem:$0x400]  }
0xdd: {  	v12 =	vld [tilespmem:$0x420]  }
0xde: {  	v15 =	vld [tilespmem:$0x430]  }
0xdf: {  	[tilespmem:$0x1FAC0] =	vst v27;
	v27 =	vld [tilespmem:$0x1040]  }
0xe0: {  	v22 =	vld [tilespmem:$0x440]  }
0xe1: {  	v28 =	vld [tilespmem:$0x450]  }
0xe2: {  	v38 =	vld [tilespmem:$0x460]  }
0xe3: {  	v48 =	vld [tilespmem:$0x470]  }
0xe4: {  	[tilespmem:$0x1FAF0] =	vst v27;
	v27 =	vld [tilespmem:$0x1050]  }
0xe5: {  	v50 =	vld [tilespmem:$0x480]  }
0xe6: {  	v60 =	vld [tilespmem:$0x490]  }
0xe7: {  	v33 =	vld [tilespmem:$0x4B0]  }
0xe8: {  	v39 =	vld [tilespmem:$0x4C0]  }
0xe9: {  	[tilespmem:$0x1FB20] =	vst v27;
	v27 =	vld [tilespmem:$0x1060]  }
0xea: {  	v40 =	vld [tilespmem:$0x4D0]  }
0xeb: {  	v44 =	vld [tilespmem:$0x4E0]  }
0xec: {  	v45 =	vld [tilespmem:$0x4F0]  }
0xed: {  	v32 =	vld [tilespmem:$0x500]  }
0xee: {  	[tilespmem:$0x1FB50] =	vst v27;
	v27 =	vld [tilespmem:$0x1070]  }
0xef: {  	v29 =	vld [tilespmem:$0x510]  }
0xf0: {  	v55 =	vld [tilespmem:$0x540]  }
0xf1: {  	v61 =	vld [tilespmem:$0x550]  }
0xf2: {  	v54 =	vld [tilespmem:$0x560]  }
0xf3: {  	[tilespmem:$0x1FB80] =	vst v27;
	v27 =	vld [tilespmem:$0x1080]  }
0xf4: {  	v62 =	vld [tilespmem:$0x570]  }
0xf5: {  	v63 =	vld [tilespmem:$0x580]  }
0xf6: {  	v30 =	vld [tilespmem:$0x590]  }
0xf7: {  	[tilespmem:$0x1EFF0] =	vst v6;
	v6 =	vld [tilespmem:$0x2B0]  }
0xf8: {  	[tilespmem:$0x1FBA0] =	vst v27;
	v27 =	vld [tilespmem:$0x1090]  }
0xf9: {  	v16 =	vmax.f32 v17, v16;
	v17 =	vld [tilespmem:$0x1170]  }
0xfa: {  	[tilespmem:$0x1EFB0] =	vst v0;
	v0 =	vld [tilespmem:$0xF0]  }
0xfb: {  	[tilespmem:$0x1EFD0] =	vst v5;
	v5 =	vld [tilespmem:$0x1F0]  }
0xfc: {  	[tilespmem:$0x1F000] =	vst v6;
	v6 =	vld [tilespmem:$0x2C0]  }
0xfd: {  	[tilespmem:$0x1FBE0] =	vst v27;
	v27 =	vld [tilespmem:$0x10A0]  }
0xfe: {  	[tilespmem:$0x1F0F0] =	vst v39;
	v39 =	vld [tilespmem:$0x520]  }
0xff: {  	[tilespmem:$0x1F140] =	vst v44;
	v44 =	vld [tilespmem:$0x530]  }
0x100: {  	[tilespmem:$0x1F0D0] =	vst v33;
	v33 =	vld [tilespmem:$0x5A0]  }
0x101: {  	[tilespmem:$0x1F010] =	vst v6;
	v6 =	vld [tilespmem:$0x2D0]  }
0x102: {  	[tilespmem:$0x1FC10] =	vst v27;
	v27 =	vld [tilespmem:$0x10B0]  }
0x103: {  	[tilespmem:$0x1F110] =	vst v40;
	v40 =	vld [tilespmem:$0x5B0]  }
0x104: {  	[tilespmem:$0x1F160] =	vst v45;
	v45 =	vld [tilespmem:$0x5C0]  }
0x105: {  	[tilespmem:$0x1F120] =	vst v54;
	v54 =	vld [tilespmem:$0x5D0]  }
0x106: {  	[tilespmem:$0x1F020] =	vst v6;
	v6 =	vld [tilespmem:$0x2E0]  }
0x107: {  	[tilespmem:$0x1FC40] =	vst v27;
	v27 =	vld [tilespmem:$0x11B0]  }
0x108: {  	[tilespmem:$0x1F150] =	vst v62;
	v62 =	vld [tilespmem:$0x5E0]  }
0x109: {  	[tilespmem:$0x1F170] =	vst v63;
	v63 =	vld [tilespmem:$0x5F0]  }
0x10a: {  	[tilespmem:$0x1F190] =	vst v30;
	v30 =	vld [tilespmem:$0x600]  }
0x10b: {  	[tilespmem:$0x1F040] =	vst v6;
	v6 =	vld [tilespmem:$0x2F0]  }
0x10c: {  	[tilespmem:$0x1FD50] =	vst v27;
	v27 =	vld [tilespmem:$0x10C0]  }
0x10d: {  	v1 =	vmax.f32 v2, v1;
	v2 =	vld [tilespmem:$0x1180]  }
0x10e: {  	v1 =	vmax.f32 v1, v3;
	v3 =	vld [tilespmem:$0x1190]  }
0x10f: {  	v1 =	vmax.f32 v1, v4;
	v4 =	vld [tilespmem:$0x1200];
	[tilespmem:$0x1EFC0] =	vst v0  }
0x110: {  	[tilespmem:$0x1F060] =	vst v6;
	v6 =	vld [tilespmem:$0x360]  }
0x111: {  	[tilespmem:$0x1FC70] =	vst v27;
	v27 =	vld [tilespmem:$0x10D0]  }
0x112: {  	v0 =	vld [tilespmem:$0x170];
	[tilespmem:$0x1EFE0] =	vst v5  }
0x113: {  	v5 =	vld [tilespmem:$0x210];
	[tilespmem:$0x1F1B0] =	vst v33  }
0x114: {  	[tilespmem:$0x1F230] =	vst v62;
	v62 =	vld [tilespmem:$0x610]  }
0x115: {  	[tilespmem:$0x1F030] =	vst v6;
	v6 =	vld [tilespmem:$0x370]  }
0x116: {  	[tilespmem:$0x1FCA0] =	vst v27;
	v27 =	vld [tilespmem:$0x10E0]  }
0x117: {  	[tilespmem:$0x1F1D0] =	vst v40;
	v33 =	vld [tilespmem:$0x620]  }
0x118: {  	[tilespmem:$0x1F1F0] =	vst v45;
	v40 =	vld [tilespmem:$0x630]  }
0x119: {  	[tilespmem:$0x1F210] =	vst v54;
	v45 =	vld [tilespmem:$0x640]  }
0x11a: {  	[tilespmem:$0x1F050] =	vst v6;
	v6 =	vld [tilespmem:$0x380]  }
0x11b: {  	[tilespmem:$0x1FCD0] =	vst v27;
	v27 =	vld [tilespmem:$0x10F0]  }
0x11c: {  	[tilespmem:$0x1F260] =	vst v63;
	v54 =	vld [tilespmem:$0x650]  }
0x11d: {  	[tilespmem:$0x1F180] =	vst v30;
	v63 =	vld [tilespmem:$0x660]  }
0x11e: {  	v30 =	vld [tilespmem:$0x670];
	[tilespmem:$0x1FD00] =	vst v2  }
0x11f: {  	[tilespmem:$0x1F070] =	vst v6;
	v6 =	vld [tilespmem:$0x390]  }
0x120: {  	[tilespmem:$0x1FCF0] =	vst v27;
	v27 =	vld [tilespmem:$0x1100]  }
0x121: {  	[tilespmem:$0x1FD10] =	vst v3;
	v3 =	vld [tilespmem:$0x11A0]  }
0x122: {  	[tilespmem:$0x1F1A0] =	vst v33;
	v33 =	vld [tilespmem:$0x680]  }
0x123: {  	[tilespmem:$0x1F1C0] =	vst v40;
	v40 =	vld [tilespmem:$0x690]  }
0x124: {  	[tilespmem:$0x1F080] =	vst v6;
	v6 =	vld [tilespmem:$0x3A0]  }
0x125: {  	[tilespmem:$0x1FBB0] =	vst v27;
	v27 =	vld [tilespmem:$0x1110]  }
0x126: {  	[tilespmem:$0x1FD30] =	vst v3;
	v3 =	vld [tilespmem:$0x11C0]  }
0x127: {  	[tilespmem:$0x1F1E0] =	vst v45;
	v45 =	vld [tilespmem:$0x6A0]  }
0x128: {  	[tilespmem:$0x1F200] =	vst v54;
	v54 =	vld [tilespmem:$0x6B0]  }
0x129: {  	[tilespmem:$0x1F090] =	vst v6;
	v6 =	vld [tilespmem:$0x3B0]  }
0x12a: {  	[tilespmem:$0x1FBC0] =	vst v27;
	v27 =	vld [tilespmem:$0x1120]  }
0x12b: {  	[tilespmem:$0x1FD80] =	vst v3;
	v3 =	vld [tilespmem:$0x11D0]  }
0x12c: {  	[tilespmem:$0x1F220] =	vst v63;
	v63 =	vld [tilespmem:$0x6C0]  }
0x12d: {  	[tilespmem:$0x1F240] =	vst v30;
	v30 =	vld [tilespmem:$0x6D0]  }
0x12e: {  	v1 =	vmax.f32 v1, v7;
	[tilespmem:$0x1F0A0] =	vst v6;
	v6 =	vld [tilespmem:$0x3C0]  }
0x12f: {  	v1 =	vmax.f32 v1, v10;
	[tilespmem:$0x1FBF0] =	vst v27;
	v27 =	vld [tilespmem:$0x1130]  }
0x130: {  	v1 =	vmax.f32 v1, v13;
	[tilespmem:$0x1FDA0] =	vst v3;
	v3 =	vld [tilespmem:$0x11E0]  }
0x131: {  	v0 =	vmax.f32 v1, v0;
	v1 =	vld [tilespmem:$0x11F0];
	[tilespmem:$0x1F270] =	vst v33  }
0x132: {  	v16 =	vmax.f32 v16, v20;
	[tilespmem:$0x1F290] =	vst v40;
	v33 =	vld [tilespmem:$0x6E0]  }
0x133: {  	v2 =	vmax.f32 v16, v23;
	[tilespmem:$0x1F0C0] =	vst v6;
	v6 =	vld [tilespmem:$0x3D0]  }
0x134: {  	v2 =	vmax.f32 v2, v25;
	[tilespmem:$0x1FC20] =	vst v27;
	v27 =	vld [tilespmem:$0x1140]  }
0x135: {  	v2 =	vmax.f32 v2, v34;
	[tilespmem:$0x1FDD0] =	vst v3;
	v3 =	vld [tilespmem:$0x1EF70]  }
0x136: {  	v2 =	vmax.f32 v2, v41;
	[tilespmem:$0x1F360] =	vst v30;
	v40 =	vld [tilespmem:$0x6F0]  }
0x137: {  	v2 =	vmax.f32 v2, v46;
	v30 =	vld [tilespmem:$0x710];
	[tilespmem:$0x1FDF0] =	vst v1  }
0x138: {  	v2 =	vmax.f32 v2, v51;
	[tilespmem:$0x1F0E0] =	vst v6;
	v6 =	vld [tilespmem:$0x3E0]  }
0x139: {  	v1 =	vmax.f32 v2, v57;
	[tilespmem:$0x1FC50] =	vst v27;
	v27 =	vld [tilespmem:$0x1150]  }
0x13a: {  	[tilespmem:$0x1FCE0] =	vst v17;
	v1 =	vmax.f32 v1, v3;
	v3 =	vld [tilespmem:$0x1EF80]  }
0x13b: {  	[tilespmem:$0x1F2D0] =	vst v45;
	v45 =	vld [tilespmem:$0x730]  }
0x13c: {  	[tilespmem:$0x1F300] =	vst v54;
	v54 =	vld [tilespmem:$0x740]  }
0x13d: {  	[tilespmem:$0x1F100] =	vst v6;
	v6 =	vld [tilespmem:$0x3F0]  }
0x13e: {  	[tilespmem:$0x1FC80] =	vst v27;
	v27 =	vld [tilespmem:$0x1160]  }
0x13f: {  	[tilespmem:$0x1F330] =	vst v63;
	v1 =	vmax.f32 v1, v3;
	v3 =	vld [tilespmem:$0x1220]  }
0x140: {  	v63 =	vld [tilespmem:$0x750];
	[tilespmem:$0x1F390] =	vst v33  }
0x141: {  	v2 =	vmax.f32 v9, v5;
	v5 =	vld [tilespmem:$0x1210];
	[tilespmem:$0x1F3C0] =	vst v40  }
0x142: {  	v33 =	vld [tilespmem:$0x700];
	[tilespmem:$0x1F130] =	vst v6  }
0x143: {  	v40 =	vld [tilespmem:$0x720];
	[tilespmem:$0x1FCB0] =	vst v27  }
0x144: {  	v6 =	vld [tilespmem:$0x410];
	[tilespmem:$0x1FD20] =	vst v3  }
0x145: {  	v3 =	vld [tilespmem:$0x1EF90];
	_ =	sdelay $0x4  }
0x146: {  	v1 =	vmax.f32 v1, v3;
	v3 =	vld [tilespmem:$0x1EFA0];
	_ =	sdelay $0x4  }
0x147: {  	v1 =	vmax.f32 v1, v3;
	v3 =	vld [tilespmem:$0x1240];
	_ =	sdelay $0x4  }
0x148: {  	[tilespmem:$0x1FD60] =	vst v3;
	v3 =	vld [tilespmem:$0x1EFB0];
	_ =	sdelay $0x4  }
0x149: {  	v1 =	vmax.f32 v1, v3;
	v3 =	vld [tilespmem:$0x1250];
	_ =	sdelay $0x4  }
0x14a: {  	[tilespmem:$0x1FD90] =	vst v3;
	v3 =	vld [tilespmem:$0x1EFC0];
	_ =	sdelay $0x4  }
0x14b: {  	v0 =	vmax.f32 v0, v18;
	v1 =	vmax.f32 v1, v3  }
0x14c: {  	v0 =	vmax.f32 v0, v24;
	v2 =	vmax.f32 v2, v11;
	[tilespmem:$0x1FE40] =	vst v1;
	v1 =	vld [tilespmem:$0x1EFD0]  }
0x14d: {  	v0 =	vmax.f32 v0, v35;
	v2 =	vmax.f32 v2, v14  }
0x14e: {  	v0 =	vmax.f32 v0, v43;
	v2 =	vmax.f32 v2, v21  }
0x14f: {  	v0 =	vmax.f32 v0, v52;
	v2 =	vmax.f32 v2, v19  }
0x150: {  	v0 =	vmax.f32 v0, v58;
	v2 =	vmax.f32 v2, v37  }
0x151: {  	v0 =	vmax.f32 v0, v1;
	v1 =	vmax.f32 v2, v47;
	v2 =	vld [tilespmem:$0x1260];
	_ =	sdelay $0x2  }
0x152: {  	v3 =	vld [tilespmem:$0x1280];
	_ =	sdelay $0x1  }
0x153: {  	[tilespmem:$0x1FDB0] =	vst v2;
	v2 =	vld [tilespmem:$0x1EFE0];
	_ =	sdelay $0x2  }
0x154: {  	[tilespmem:$0x1FE00] =	vst v3;
	v3 =	vld [tilespmem:$0x1EFF0];
	_ =	sdelay $0x1  }
0x155: {  	v0 =	vmax.f32 v0, v2  }
0x156: {  	[tilespmem:$0x1FE90] =	vst v0;
	v0 =	vmax.f32 v1, v53  }
0x157: {  	v0 =	vmax.f32 v0, v56  }
0x158: {  	v0 =	vmax.f32 v0, v3;
	v3 =	vld [tilespmem:$0x1290];
	_ =	sdelay $0x4  }
0x159: {  	[tilespmem:$0x1FE20] =	vst v3;
	v3 =	vld [tilespmem:$0x1F000];
	_ =	sdelay $0x4  }
0x15a: {  	v0 =	vmax.f32 v0, v3;
	v3 =	vld [tilespmem:$0x12A0];
	_ =	sdelay $0x4  }
0x15b: {  	[tilespmem:$0x1FE30] =	vst v3;
	v3 =	vld [tilespmem:$0x1F010];
	_ =	sdelay $0x4  }
0x15c: {  	v0 =	vmax.f32 v0, v3;
	v3 =	vld [tilespmem:$0x12B0];
	_ =	sdelay $0x4  }
0x15d: {  	[tilespmem:$0x1FE50] =	vst v3;
	v3 =	vld [tilespmem:$0x1F020];
	_ =	sdelay $0x4  }
0x15e: {  	v1 =	vmax.f32 v31, v26;
	v0 =	vmax.f32 v0, v3;
	v3 =	vld [tilespmem:$0x1F030]  }
0x15f: {  	v1 =	vmax.f32 v1, v36  }
0x160: {  	v1 =	vmax.f32 v1, v42  }
0x161: {  	v1 =	vmax.f32 v1, v49  }
0x162: {  	v1 =	vmax.f32 v1, v59  }
0x163: {  	v1 =	vmax.f32 v1, v3;
	v3 =	vld [tilespmem:$0x12C0];
	_ =	sdelay $0x4  }
0x164: {  	[tilespmem:$0x1FE70] =	vst v3;
	v3 =	vld [tilespmem:$0x1F040];
	_ =	sdelay $0x4  }
0x165: {  	v0 =	vmax.f32 v0, v3;
	v3 =	vld [tilespmem:$0x1F050];
	_ =	sdelay $0x4  }
0x166: {  	v1 =	vmax.f32 v1, v3;
	v3 =	vld [tilespmem:$0x12D0];
	_ =	sdelay $0x3  }
0x167: {  	v2 =	vld [tilespmem:$0x1270]  }
0x168: {  	[tilespmem:$0x1FEA0] =	vst v3;
	v3 =	vld [tilespmem:$0x1F060];
	_ =	sdelay $0x4  }
0x169: {  	[tilespmem:$0x1FDE0] =	vst v2;
	v2 =	vmax.f32 v8, v6;
	v0 =	vmax.f32 v0, v3  }
0x16a: {  	v2 =	vmax.f32 v2, v12;
	[tilespmem:$0x1FEE0] =	vst v0;
	v0 =	vld [tilespmem:$0x1F070]  }
0x16b: {  	v2 =	vmax.f32 v2, v15  }
0x16c: {  	v2 =	vmax.f32 v2, v22  }
0x16d: {  	v2 =	vmax.f32 v2, v28  }
0x16e: {  	v2 =	vmax.f32 v2, v38  }
0x16f: {  	v0 =	vmax.f32 v1, v0;
	v1 =	vmax.f32 v2, v48;
	v2 =	vld [tilespmem:$0x12E0]  }
0x170: {  	v3 =	vld [tilespmem:$0x12F0];
	_ =	sdelay $0x3  }
0x171: {  	[tilespmem:$0x1FEC0] =	vst v2;
	v2 =	vld [tilespmem:$0x1F080]  }
0x172: {  	[tilespmem:$0x1FEF0] =	vst v3;
	v3 =	vld [tilespmem:$0x1F090];
	_ =	sdelay $0x3  }
0x173: {  	v0 =	vmax.f32 v0, v2  }
0x174: {  	v0 =	vmax.f32 v0, v3;
	v3 =	vld [tilespmem:$0x1F0A0];
	_ =	sdelay $0x4  }
0x175: {  	v0 =	vmax.f32 v0, v3;
	v3 =	vld [tilespmem:$0x1F0B0];
	_ =	sdelay $0x2  }
0x176: {  	v1 =	vmax.f32 v1, v50  }
0x177: {  	v1 =	vmax.f32 v1, v60  }
0x178: {  	v1 =	vmax.f32 v1, v3;
	v3 =	vld [tilespmem:$0x1F0C0];
	_ =	sdelay $0x4  }
0x179: {  	v0 =	vmax.f32 v0, v3;
	v3 =	vld [tilespmem:$0x1F0D0];
	_ =	sdelay $0x4  }
0x17a: {  	v1 =	vmax.f32 v1, v3;
	v3 =	vld [tilespmem:$0x1320];
	_ =	sdelay $0x4  }
0x17b: {  	[tilespmem:$0x1FD40] =	vst v3;
	v3 =	vld [tilespmem:$0x1F0E0];
	_ =	sdelay $0x4  }
0x17c: {  	v0 =	vmax.f32 v0, v3;
	v3 =	vld [tilespmem:$0x1F0F0];
	_ =	sdelay $0x4  }
0x17d: {  	v1 =	vmax.f32 v1, v3;
	v3 =	vld [tilespmem:$0x1330];
	_ =	sdelay $0x4  }
0x17e: {  	[tilespmem:$0x1FD70] =	vst v3;
	v3 =	vld [tilespmem:$0x1F100];
	_ =	sdelay $0x4  }
0x17f: {  	v0 =	vmax.f32 v0, v3;
	v3 =	vld [tilespmem:$0x1F110];
	_ =	sdelay $0x4  }
0x180: {  	v2 =	vmax.f32 v32, v29;
	v1 =	vmax.f32 v1, v3;
	v3 =	vld [tilespmem:$0x1F120]  }
0x181: {  	v2 =	vmax.f32 v2, v39  }
0x182: {  	v2 =	vmax.f32 v2, v44  }
0x183: {  	v2 =	vmax.f32 v2, v55  }
0x184: {  	v2 =	vmax.f32 v2, v61  }
0x185: {  	v2 =	vmax.f32 v2, v3;
	v3 =	vld [tilespmem:$0x1F130];
	_ =	sdelay $0x4  }
0x186: {  	v0 =	vmax.f32 v0, v3  }
0x187: {  	[tilespmem:$0x1FF20] =	vst v0;
	v0 =	vld [tilespmem:$0x1F140];
	_ =	sdelay $0x4  }
0x188: {  	v0 =	vmax.f32 v1, v0;
	v1 =	vld [tilespmem:$0x1F150];
	_ =	sdelay $0x4  }
0x189: {  	v1 =	vmax.f32 v2, v1;
	v2 =	vld [tilespmem:$0x1350];
	_ =	sdelay $0x4  }
0x18a: {  	[tilespmem:$0x1FDC0] =	vst v2;
	v2 =	vld [tilespmem:$0x1F160];
	_ =	sdelay $0x2  }
0x18b: {  	v3 =	vld [tilespmem:$0x1370];
	_ =	sdelay $0x1  }
0x18c: {  	v0 =	vmax.f32 v0, v2  }
0x18d: {  	[tilespmem:$0x1FF30] =	vst v0;
	v0 =	vld [tilespmem:$0x1F170]  }
0x18e: {  	v2 =	vld [tilespmem:$0x1F190]  }
0x18f: {  	[tilespmem:$0x1FE10] =	vst v3;
	v3 =	vld [tilespmem:$0x1F1B0];
	_ =	sdelay $0x2  }
0x190: {  	v0 =	vmax.f32 v1, v0;
	v1 =	vld [tilespmem:$0x1F180]  }
0x191: {  	v0 =	vmax.f32 v0, v2;
	v2 =	vld [tilespmem:$0x1F1A0]  }
0x192: {  	v0 =	vmax.f32 v0, v3;
	v3 =	vld [tilespmem:$0x1F1C0];
	_ =	sdelay $0x2  }
0x193: {  	v1 =	vmax.f32 v1, v62  }
0x194: {  	v1 =	vmax.f32 v1, v2  }
0x195: {  	v1 =	vmax.f32 v1, v3;
	v3 =	vld [tilespmem:$0x1F1D0];
	_ =	sdelay $0x4  }
0x196: {  	v0 =	vmax.f32 v0, v3;
	v3 =	vld [tilespmem:$0x1F1E0];
	_ =	sdelay $0x4  }
0x197: {  	v1 =	vmax.f32 v1, v3;
	v3 =	vld [tilespmem:$0x1F1F0];
	_ =	sdelay $0x4  }
0x198: {  	v0 =	vmax.f32 v0, v3;
	v3 =	vld [tilespmem:$0x1F200];
	_ =	sdelay $0x4  }
0x199: {  	v1 =	vmax.f32 v1, v3;
	v3 =	vld [tilespmem:$0x13A0];
	_ =	sdelay $0x4  }
0x19a: {  	[tilespmem:$0x1FE60] =	vst v3;
	v3 =	vld [tilespmem:$0x1F210];
	_ =	sdelay $0x4  }
0x19b: {  	v0 =	vmax.f32 v0, v3;
	v3 =	vld [tilespmem:$0x1F220];
	_ =	sdelay $0x4  }
0x19c: {  	v1 =	vmax.f32 v1, v3;
	v3 =	vld [tilespmem:$0x13B0];
	_ =	sdelay $0x4  }
0x19d: {  	[tilespmem:$0x1FE80] =	vst v3;
	v3 =	vld [tilespmem:$0x1F230];
	_ =	sdelay $0x4  }
0x19e: {  	v0 =	vmax.f32 v0, v3;
	v3 =	vld [tilespmem:$0x1F240];
	_ =	sdelay $0x4  }
0x19f: {  	v2 =	vmax.f32 v33, v30;
	v1 =	vmax.f32 v1, v3;
	v3 =	vld [tilespmem:$0x1F250]  }
0x1a0: {  	v2 =	vmax.f32 v2, v40  }
0x1a1: {  	v2 =	vmax.f32 v2, v45  }
0x1a2: {  	v2 =	vmax.f32 v2, v54  }
0x1a3: {  	v2 =	vmax.f32 v2, v63  }
0x1a4: {  	v2 =	vmax.f32 v2, v3;
	v3 =	vld [tilespmem:$0x13C0];
	_ =	sdelay $0x4  }
0x1a5: {  	[tilespmem:$0x1FEB0] =	vst v3;
	v3 =	vld [tilespmem:$0x1F260];
	_ =	sdelay $0x4  }
0x1a6: {  	v0 =	vmax.f32 v0, v3  }
0x1a7: {  	[tilespmem:$0x1FF60] =	vst v0;
	v0 =	vld [tilespmem:$0x1F270];
	_ =	sdelay $0x4  }
0x1a8: {  	v0 =	vmax.f32 v1, v0;
	v1 =	vld [tilespmem:$0x1F280];
	_ =	sdelay $0x4  }
0x1a9: {  	v1 =	vmax.f32 v2, v1;
	v2 =	vld [tilespmem:$0x13D0];
	_ =	sdelay $0x4  }
0x1aa: {  	[tilespmem:$0x1FED0] =	vst v2;
	v2 =	vld [tilespmem:$0x1F290];
	_ =	sdelay $0x4  }
0x1ab: {  	v0 =	vmax.f32 v0, v2;
	v2 =	vld [tilespmem:$0x1F2A0];
	_ =	sdelay $0x3  }
0x1ac: {  	v3 =	vld [tilespmem:$0x1F2C0]  }
0x1ad: {  	v1 =	vmax.f32 v1, v2;
	v2 =	vld [tilespmem:$0x1F2B0];
	_ =	sdelay $0x4  }
0x1ae: {  	v2 =	vmax.f32 v2, v3;
	v3 =	vld [tilespmem:$0x13E0];
	_ =	sdelay $0x4  }
0x1af: {  	[tilespmem:$0x1FF00] =	vst v3;
	v3 =	vld [tilespmem:$0x1F2D0];
	_ =	sdelay $0x4  }
0x1b0: {  	v0 =	vmax.f32 v0, v3;
	v3 =	vld [tilespmem:$0x1F2E0];
	_ =	sdelay $0x4  }
0x1b1: {  	v1 =	vmax.f32 v1, v3;
	v3 =	vld [tilespmem:$0x1F2F0];
	_ =	sdelay $0x4  }
0x1b2: {  	v2 =	vmax.f32 v2, v3;
	v3 =	vld [tilespmem:$0x13F0];
	_ =	sdelay $0x4  }
0x1b3: {  	[tilespmem:$0x1FF10] =	vst v3;
	v3 =	vld [tilespmem:$0x1F300];
	_ =	sdelay $0x4  }
0x1b4: {  	v0 =	vmax.f32 v0, v3;
	v3 =	vld [tilespmem:$0x1F310];
	_ =	sdelay $0x4  }
0x1b5: {  	v1 =	vmax.f32 v1, v3;
	v3 =	vld [tilespmem:$0x1F320];
	_ =	sdelay $0x4  }
0x1b6: {  	v2 =	vmax.f32 v2, v3;
	v3 =	vld [tilespmem:$0x1F330];
	_ =	sdelay $0x4  }
0x1b7: {  	v0 =	vmax.f32 v0, v3;
	v3 =	vld [tilespmem:$0x1F340];
	_ =	sdelay $0x4  }
0x1b8: {  	v1 =	vmax.f32 v1, v3;
	v3 =	vld [tilespmem:$0x1F350];
	_ =	sdelay $0x4  }
0x1b9: {  	v2 =	vmax.f32 v2, v3;
	v3 =	vld [tilespmem:$0x1F360];
	_ =	sdelay $0x4  }
0x1ba: {  	v0 =	vmax.f32 v0, v3;
	v3 =	vld [tilespmem:$0x1F370];
	_ =	sdelay $0x4  }
0x1bb: {  	v1 =	vmax.f32 v1, v3;
	v3 =	vld [tilespmem:$0x1F380];
	_ =	sdelay $0x4  }
0x1bc: {  	v2 =	vmax.f32 v2, v3;
	v3 =	vld [tilespmem:$0x1F390];
	_ =	sdelay $0x4  }
0x1bd: {  	v0 =	vmax.f32 v0, v3;
	v3 =	vld [tilespmem:$0x1F3A0];
	_ =	sdelay $0x4  }
0x1be: {  	v1 =	vmax.f32 v1, v3;
	v3 =	vld [tilespmem:$0x1F3B0];
	_ =	sdelay $0x4  }
0x1bf: {  	v2 =	vmax.f32 v2, v3;
	v3 =	vld [tilespmem:$0x1F3C0];
	_ =	sdelay $0x4  }
0x1c0: {  	v0 =	vmax.f32 v0, v3  }
0x1c1: {  	[tilespmem:$0x1FF90] =	vst v0;
	v0 =	vld [tilespmem:$0x1F3D0];
	_ =	sdelay $0x4  }
0x1c2: {  	v0 =	vmax.f32 v1, v0;
	v1 =	vld [tilespmem:$0x1F3E0];
	_ =	sdelay $0x4  }
0x1c3: {  	v1 =	vmax.f32 v2, v1;
	v2 =	vld [tilespmem:$0x1F3F0];
	_ =	sdelay $0x4  }
0x1c4: {  	v0 =	vmax.f32 v0, v2  }
0x1c5: {  	[tilespmem:$0x1FFB0] =	vst v0;
	v0 =	vld [tilespmem:$0x1F400];
	_ =	sdelay $0x3  }
0x1c6: {  	v2 =	vld [tilespmem:$0x1F420]  }
0x1c7: {  	v0 =	vmax.f32 v1, v0;
	v1 =	vld [tilespmem:$0x1F410];
	_ =	sdelay $0x4  }
0x1c8: {  	v1 =	vmax.f32 v1, v2;
	v2 =	vld [tilespmem:$0x1F430];
	_ =	sdelay $0x4  }
0x1c9: {  	v0 =	vmax.f32 v0, v2;
	v2 =	vld [tilespmem:$0x1F440];
	_ =	sdelay $0x3  }
0x1ca: {  	v3 =	vld [tilespmem:$0x1F460]  }
0x1cb: {  	v1 =	vmax.f32 v1, v2;
	v2 =	vld [tilespmem:$0x1F450];
	_ =	sdelay $0x4  }
0x1cc: {  	v2 =	vmax.f32 v2, v3;
	v3 =	vld [tilespmem:$0x1F470];
	_ =	sdelay $0x4  }
0x1cd: {  	v0 =	vmax.f32 v0, v3;
	v3 =	vld [tilespmem:$0x1F480];
	_ =	sdelay $0x4  }
0x1ce: {  	v1 =	vmax.f32 v1, v3;
	v3 =	vld [tilespmem:$0x1F490];
	_ =	sdelay $0x4  }
0x1cf: {  	v2 =	vmax.f32 v2, v3;
	v3 =	vld [tilespmem:$0x1F4A0];
	_ =	sdelay $0x4  }
0x1d0: {  	v0 =	vmax.f32 v0, v3;
	v3 =	vld [tilespmem:$0x1F4B0];
	_ =	sdelay $0x4  }
0x1d1: {  	v1 =	vmax.f32 v1, v3;
	v3 =	vld [tilespmem:$0x1F4C0];
	_ =	sdelay $0x4  }
0x1d2: {  	v2 =	vmax.f32 v2, v3;
	v3 =	vld [tilespmem:$0x1F4D0];
	_ =	sdelay $0x4  }
0x1d3: {  	v0 =	vmax.f32 v0, v3;
	v3 =	vld [tilespmem:$0x1F4E0];
	_ =	sdelay $0x4  }
0x1d4: {  	v1 =	vmax.f32 v1, v3;
	v3 =	vld [tilespmem:$0x1F4F0];
	_ =	sdelay $0x4  }
0x1d5: {  	v2 =	vmax.f32 v2, v3;
	v3 =	vld [tilespmem:$0x1F500];
	_ =	sdelay $0x4  }
0x1d6: {  	v0 =	vmax.f32 v0, v3;
	v3 =	vld [tilespmem:$0x1F510];
	_ =	sdelay $0x4  }
0x1d7: {  	v1 =	vmax.f32 v1, v3;
	v3 =	vld [tilespmem:$0x1F520];
	_ =	sdelay $0x4  }
0x1d8: {  	v2 =	vmax.f32 v2, v3;
	v3 =	vld [tilespmem:$0x1F530];
	_ =	sdelay $0x4  }
0x1d9: {  	v0 =	vmax.f32 v0, v3;
	v3 =	vld [tilespmem:$0x1F540];
	_ =	sdelay $0x4  }
0x1da: {  	v1 =	vmax.f32 v1, v3;
	v3 =	vld [tilespmem:$0x1F550];
	_ =	sdelay $0x4  }
0x1db: {  	v2 =	vmax.f32 v2, v3;
	v3 =	vld [tilespmem:$0x14B0];
	_ =	sdelay $0x4  }
0x1dc: {  	[tilespmem:$0x1FF40] =	vst v3;
	v3 =	vld [tilespmem:$0x1F560];
	_ =	sdelay $0x4  }
0x1dd: {  	v0 =	vmax.f32 v0, v3  }
0x1de: {  	[tilespmem:$0x1FFC0] =	vst v0;
	v0 =	vld [tilespmem:$0x1F570];
	_ =	sdelay $0x4  }
0x1df: {  	v0 =	vmax.f32 v1, v0;
	v1 =	vld [tilespmem:$0x1F580];
	_ =	sdelay $0x4  }
0x1e0: {  	v1 =	vmax.f32 v2, v1;
	v2 =	vld [tilespmem:$0x14C0];
	_ =	sdelay $0x4  }
0x1e1: {  	[tilespmem:$0x1FF50] =	vst v2;
	v2 =	vld [tilespmem:$0x1F590];
	_ =	sdelay $0x4  }
0x1e2: {  	v0 =	vmax.f32 v0, v2;
	v2 =	vld [tilespmem:$0x1F5A0];
	_ =	sdelay $0x3  }
0x1e3: {  	v3 =	vld [tilespmem:$0x1F5C0]  }
0x1e4: {  	v1 =	vmax.f32 v1, v2;
	v2 =	vld [tilespmem:$0x1F5B0];
	_ =	sdelay $0x4  }
0x1e5: {  	v2 =	vmax.f32 v2, v3;
	v3 =	vld [tilespmem:$0x14D0];
	_ =	sdelay $0x4  }
0x1e6: {  	[tilespmem:$0x1FF70] =	vst v3;
	v3 =	vld [tilespmem:$0x1F5D0];
	_ =	sdelay $0x4  }
0x1e7: {  	v0 =	vmax.f32 v0, v3;
	v3 =	vld [tilespmem:$0x1F5E0];
	_ =	sdelay $0x4  }
0x1e8: {  	v1 =	vmax.f32 v1, v3;
	v3 =	vld [tilespmem:$0x1F5F0];
	_ =	sdelay $0x4  }
0x1e9: {  	v2 =	vmax.f32 v2, v3;
	v3 =	vld [tilespmem:$0x14E0];
	_ =	sdelay $0x4  }
0x1ea: {  	[tilespmem:$0x1FF80] =	vst v3;
	v3 =	vld [tilespmem:$0x1F600];
	_ =	sdelay $0x4  }
0x1eb: {  	v0 =	vmax.f32 v0, v3;
	v3 =	vld [tilespmem:$0x1F610];
	_ =	sdelay $0x4  }
0x1ec: {  	v1 =	vmax.f32 v1, v3;
	v3 =	vld [tilespmem:$0x1F620];
	_ =	sdelay $0x4  }
0x1ed: {  	v2 =	vmax.f32 v2, v3;
	v3 =	vld [tilespmem:$0x14F0];
	_ =	sdelay $0x4  }
0x1ee: {  	[tilespmem:$0x1FFA0] =	vst v3;
	v3 =	vld [tilespmem:$0x1F630];
	_ =	sdelay $0x4  }
0x1ef: {  	v0 =	vmax.f32 v0, v3;
	v3 =	vld [tilespmem:$0x1F640];
	_ =	sdelay $0x4  }
0x1f0: {  	v1 =	vmax.f32 v1, v3;
	v3 =	vld [tilespmem:$0x1F650];
	_ =	sdelay $0x4  }
0x1f1: {  	v2 =	vmax.f32 v2, v3;
	v3 =	vld [tilespmem:$0x1F660];
	_ =	sdelay $0x4  }
0x1f2: {  	v0 =	vmax.f32 v0, v3;
	v3 =	vld [tilespmem:$0x1F670];
	_ =	sdelay $0x4  }
0x1f3: {  	v1 =	vmax.f32 v1, v3;
	v3 =	vld [tilespmem:$0x1F680];
	_ =	sdelay $0x4  }
0x1f4: {  	v2 =	vmax.f32 v2, v3;
	v3 =	vld [tilespmem:$0x1F690];
	_ =	sdelay $0x4  }
0x1f5: {  	v0 =	vmax.f32 v0, v3;
	v3 =	vld [tilespmem:$0x1F6A0];
	_ =	sdelay $0x4  }
0x1f6: {  	v1 =	vmax.f32 v1, v3;
	v3 =	vld [tilespmem:$0x1F6B0];
	_ =	sdelay $0x4  }
0x1f7: {  	v2 =	vmax.f32 v2, v3;
	v3 =	vld [tilespmem:$0x1F6C0];
	_ =	sdelay $0x4  }
0x1f8: {  	v0 =	vmax.f32 v0, v3  }
0x1f9: {  	[tilespmem:$0x1FFD0] =	vst v0;
	v0 =	vld [tilespmem:$0x1F6D0];
	_ =	sdelay $0x4  }
0x1fa: {  	v0 =	vmax.f32 v1, v0;
	v1 =	vld [tilespmem:$0x1F6E0];
	_ =	sdelay $0x4  }
0x1fb: {  	v1 =	vmax.f32 v2, v1;
	v2 =	vld [tilespmem:$0x1F6F0];
	_ =	sdelay $0x4  }
0x1fc: {  	v0 =	vmax.f32 v0, v2  }
0x1fd: {  	[tilespmem:$0x1FFE0] =	vst v0;
	v0 =	vld [tilespmem:$0x1F700];
	_ =	sdelay $0x3  }
0x1fe: {  	v2 =	vld [tilespmem:$0x1F720]  }
0x1ff: {  	v0 =	vmax.f32 v1, v0;
	v1 =	vld [tilespmem:$0x1F710];
	_ =	sdelay $0x4  }
0x200: {  	v1 =	vmax.f32 v1, v2;
	v2 =	vld [tilespmem:$0x1F730];
	_ =	sdelay $0x4  }
0x201: {  	v0 =	vmax.f32 v0, v2;
	v2 =	vld [tilespmem:$0x1F740];
	_ =	sdelay $0x3  }
0x202: {  	v3 =	vld [tilespmem:$0x1F760]  }
0x203: {  	v1 =	vmax.f32 v1, v2;
	v2 =	vld [tilespmem:$0x1F750];
	_ =	sdelay $0x4  }
0x204: {  	v2 =	vmax.f32 v2, v3;
	v3 =	vld [tilespmem:$0x1F770];
	_ =	sdelay $0x4  }
0x205: {  	v0 =	vmax.f32 v0, v3;
	v3 =	vld [tilespmem:$0x1F780];
	_ =	sdelay $0x4  }
0x206: {  	v1 =	vmax.f32 v1, v3;
	v3 =	vld [tilespmem:$0x1F790];
	_ =	sdelay $0x4  }
0x207: {  	v2 =	vmax.f32 v2, v3;
	v3 =	vld [tilespmem:$0x1F7A0];
	_ =	sdelay $0x4  }
0x208: {  	v0 =	vmax.f32 v0, v3;
	v3 =	vld [tilespmem:$0x1F7B0];
	_ =	sdelay $0x4  }
0x209: {  	v1 =	vmax.f32 v1, v3;
	v3 =	vld [tilespmem:$0x1F7C0];
	_ =	sdelay $0x4  }
0x20a: {  	v2 =	vmax.f32 v2, v3;
	v3 =	vld [tilespmem:$0x1F7D0];
	_ =	sdelay $0x4  }
0x20b: {  	v0 =	vmax.f32 v0, v3;
	v3 =	vld [tilespmem:$0x1F7E0];
	_ =	sdelay $0x4  }
0x20c: {  	v1 =	vmax.f32 v1, v3;
	v3 =	vld [tilespmem:$0x1F7F0];
	_ =	sdelay $0x4  }
0x20d: {  	v2 =	vmax.f32 v2, v3;
	v3 =	vld [tilespmem:$0x1F800];
	_ =	sdelay $0x4  }
0x20e: {  	v0 =	vmax.f32 v0, v3;
	v3 =	vld [tilespmem:$0x1F810];
	_ =	sdelay $0x4  }
0x20f: {  	v1 =	vmax.f32 v1, v3;
	v3 =	vld [tilespmem:$0x1F820];
	_ =	sdelay $0x4  }
0x210: {  	v2 =	vmax.f32 v2, v3;
	v3 =	vld [tilespmem:$0x1F830];
	_ =	sdelay $0x4  }
0x211: {  	v0 =	vmax.f32 v0, v3;
	v3 =	vld [tilespmem:$0x1F840];
	_ =	sdelay $0x4  }
0x212: {  	v1 =	vmax.f32 v1, v3;
	v3 =	vld [tilespmem:$0x1F850];
	_ =	sdelay $0x4  }
0x213: {  	v2 =	vmax.f32 v2, v3;
	v3 =	vld [tilespmem:$0x1F860];
	_ =	sdelay $0x4  }
0x214: {  	v0 =	vmax.f32 v0, v3  }
0x215: {  	[tilespmem:$0x1FFF0] =	vst v0;
	v0 =	vld [tilespmem:$0x1F870];
	_ =	sdelay $0x4  }
0x216: {  	v0 =	vmax.f32 v1, v0;
	v1 =	vld [tilespmem:$0x1F880];
	_ =	sdelay $0x4  }
0x217: {  	v1 =	vmax.f32 v2, v1;
	v2 =	vld [tilespmem:$0x1F890];
	_ =	sdelay $0x4  }
0x218: {  	v0 =	vmax.f32 v0, v2;
	v2 =	vld [tilespmem:$0x1F8A0];
	_ =	sdelay $0x3  }
0x219: {  	v3 =	vld [tilespmem:$0x1F8C0]  }
0x21a: {  	v1 =	vmax.f32 v1, v2;
	v2 =	vld [tilespmem:$0x1F8B0];
	_ =	sdelay $0x4  }
0x21b: {  	v2 =	vmax.f32 v2, v3;
	v3 =	vld [tilespmem:$0x1F8D0];
	_ =	sdelay $0x4  }
0x21c: {  	v0 =	vmax.f32 v0, v3;
	v3 =	vld [tilespmem:$0x1F8E0];
	_ =	sdelay $0x4  }
0x21d: {  	v1 =	vmax.f32 v1, v3;
	v3 =	vld [tilespmem:$0x1F8F0];
	_ =	sdelay $0x4  }
0x21e: {  	v2 =	vmax.f32 v2, v3;
	v3 =	vld [tilespmem:$0x1F900];
	_ =	sdelay $0x4  }
0x21f: {  	v0 =	vmax.f32 v0, v3;
	v3 =	vld [tilespmem:$0x1F910];
	_ =	sdelay $0x4  }
0x220: {  	v1 =	vmax.f32 v1, v3;
	v3 =	vld [tilespmem:$0x1F920];
	_ =	sdelay $0x4  }
0x221: {  	v2 =	vmax.f32 v2, v3;
	v3 =	vld [tilespmem:$0x1F930];
	_ =	sdelay $0x4  }
0x222: {  	v0 =	vmax.f32 v0, v3;
	v3 =	vld [tilespmem:$0x1F940];
	_ =	sdelay $0x4  }
0x223: {  	v1 =	vmax.f32 v1, v3;
	v3 =	vld [tilespmem:$0x1F950];
	_ =	sdelay $0x4  }
0x224: {  	v2 =	vmax.f32 v2, v3;
	v3 =	vld [tilespmem:$0x1F960];
	_ =	sdelay $0x4  }
0x225: {  	v0 =	vmax.f32 v0, v3;
	v3 =	vld [tilespmem:$0x1F970];
	_ =	sdelay $0x4  }
0x226: {  	v1 =	vmax.f32 v1, v3;
	v3 =	vld [tilespmem:$0x1F980];
	_ =	sdelay $0x4  }
0x227: {  	v2 =	vmax.f32 v2, v3;
	v3 =	vld [tilespmem:$0x1F990];
	_ =	sdelay $0x4  }
0x228: {  	v0 =	vmax.f32 v0, v3;
	v3 =	vld [tilespmem:$0x1F9A0];
	_ =	sdelay $0x4  }
0x229: {  	v1 =	vmax.f32 v1, v3;
	v3 =	vld [tilespmem:$0x1F9B0];
	_ =	sdelay $0x4  }
0x22a: {  	v2 =	vmax.f32 v2, v3;
	v3 =	vld [tilespmem:$0x1F9C0];
	_ =	sdelay $0x4  }
0x22b: {  	v46 =	vmax.f32 v0, v3;
	v0 =	vld [tilespmem:$0x1F9D0];
	_ =	sdelay $0x4  }
0x22c: {  	v0 =	vmax.f32 v1, v0;
	v1 =	vld [tilespmem:$0x1F9E0];
	_ =	sdelay $0x4  }
0x22d: {  	v1 =	vmax.f32 v2, v1;
	v2 =	vld [tilespmem:$0x1F9F0];
	_ =	sdelay $0x4  }
0x22e: {  	v45 =	vmax.f32 v0, v2;
	v0 =	vld [tilespmem:$0x1FA00];
	_ =	sdelay $0x3  }
0x22f: {  	v2 =	vld [tilespmem:$0x1FA20]  }
0x230: {  	v0 =	vmax.f32 v1, v0;
	v1 =	vld [tilespmem:$0x1FA10];
	_ =	sdelay $0x4  }
0x231: {  	v1 =	vmax.f32 v1, v2;
	v2 =	vld [tilespmem:$0x1FA30];
	_ =	sdelay $0x4  }
0x232: {  	v0 =	vmax.f32 v0, v2;
	v2 =	vld [tilespmem:$0x1FA40];
	_ =	sdelay $0x3  }
0x233: {  	v3 =	vld [tilespmem:$0x1FA60]  }
0x234: {  	v1 =	vmax.f32 v1, v2;
	v2 =	vld [tilespmem:$0x1FA50];
	_ =	sdelay $0x4  }
0x235: {  	v2 =	vmax.f32 v2, v3;
	v3 =	vld [tilespmem:$0x1FA70];
	_ =	sdelay $0x4  }
0x236: {  	v0 =	vmax.f32 v0, v3;
	v3 =	vld [tilespmem:$0x1FA80];
	_ =	sdelay $0x4  }
0x237: {  	v1 =	vmax.f32 v1, v3;
	v3 =	vld [tilespmem:$0x1FA90];
	_ =	sdelay $0x4  }
0x238: {  	v2 =	vmax.f32 v2, v3;
	v3 =	vld [tilespmem:$0x1FAA0];
	_ =	sdelay $0x4  }
0x239: {  	v0 =	vmax.f32 v0, v3;
	v3 =	vld [tilespmem:$0x1FAB0];
	_ =	sdelay $0x4  }
0x23a: {  	v1 =	vmax.f32 v1, v3;
	v3 =	vld [tilespmem:$0x1FAC0];
	_ =	sdelay $0x4  }
0x23b: {  	v2 =	vmax.f32 v2, v3;
	v3 =	vld [tilespmem:$0x1FAD0];
	_ =	sdelay $0x4  }
0x23c: {  	v0 =	vmax.f32 v0, v3;
	v3 =	vld [tilespmem:$0x1FAE0];
	_ =	sdelay $0x4  }
0x23d: {  	v1 =	vmax.f32 v1, v3;
	v3 =	vld [tilespmem:$0x1FAF0];
	_ =	sdelay $0x4  }
0x23e: {  	v2 =	vmax.f32 v2, v3;
	v3 =	vld [tilespmem:$0x1FB00];
	_ =	sdelay $0x4  }
0x23f: {  	v0 =	vmax.f32 v0, v3;
	v3 =	vld [tilespmem:$0x1FB10];
	_ =	sdelay $0x4  }
0x240: {  	v1 =	vmax.f32 v1, v3;
	v3 =	vld [tilespmem:$0x1FB20];
	_ =	sdelay $0x4  }
0x241: {  	v2 =	vmax.f32 v2, v3;
	v3 =	vld [tilespmem:$0x1FB30];
	_ =	sdelay $0x4  }
0x242: {  	v0 =	vmax.f32 v0, v3;
	v3 =	vld [tilespmem:$0x1FB40];
	_ =	sdelay $0x4  }
0x243: {  	v1 =	vmax.f32 v1, v3;
	v3 =	vld [tilespmem:$0x1FB50];
	_ =	sdelay $0x4  }
0x244: {  	v2 =	vmax.f32 v2, v3;
	v3 =	vld [tilespmem:$0x1FB60];
	_ =	sdelay $0x4  }
0x245: {  	v49 =	vmax.f32 v0, v3;
	v0 =	vld [tilespmem:$0x1FB70];
	_ =	sdelay $0x4  }
0x246: {  	v0 =	vmax.f32 v1, v0;
	v1 =	vld [tilespmem:$0x1FB80];
	_ =	sdelay $0x4  }
0x247: {  	v1 =	vmax.f32 v2, v1;
	v2 =	vld [tilespmem:$0x1FB90];
	_ =	sdelay $0x4  }
0x248: {  	v0 =	vmax.f32 v0, v2;
	v2 =	vld [tilespmem:$0x1FBA0];
	_ =	sdelay $0x3  }
0x249: {  	v3 =	vld [tilespmem:$0x1FBC0]  }
0x24a: {  	v1 =	vmax.f32 v1, v2;
	v2 =	vld [tilespmem:$0x1FBB0];
	_ =	sdelay $0x4  }
0x24b: {  	v2 =	vmax.f32 v2, v3;
	v3 =	vld [tilespmem:$0x1FBD0];
	_ =	sdelay $0x4  }
0x24c: {  	v0 =	vmax.f32 v0, v3;
	v3 =	vld [tilespmem:$0x1FBE0];
	_ =	sdelay $0x4  }
0x24d: {  	v1 =	vmax.f32 v1, v3;
	v3 =	vld [tilespmem:$0x1FBF0];
	_ =	sdelay $0x4  }
0x24e: {  	v2 =	vmax.f32 v2, v3;
	v3 =	vld [tilespmem:$0x1FC00];
	_ =	sdelay $0x4  }
0x24f: {  	v0 =	vmax.f32 v0, v3;
	v3 =	vld [tilespmem:$0x1FC10];
	_ =	sdelay $0x4  }
0x250: {  	v1 =	vmax.f32 v1, v3;
	v3 =	vld [tilespmem:$0x1FC20];
	_ =	sdelay $0x4  }
0x251: {  	v2 =	vmax.f32 v2, v3;
	v3 =	vld [tilespmem:$0x1FC30];
	_ =	sdelay $0x4  }
0x252: {  	v0 =	vmax.f32 v0, v3;
	v3 =	vld [tilespmem:$0x1FC40];
	_ =	sdelay $0x4  }
0x253: {  	v1 =	vmax.f32 v1, v3;
	v3 =	vld [tilespmem:$0x1FC50];
	_ =	sdelay $0x4  }
0x254: {  	v2 =	vmax.f32 v2, v3;
	v3 =	vld [tilespmem:$0x1FC60];
	_ =	sdelay $0x4  }
0x255: {  	v0 =	vmax.f32 v0, v3;
	v3 =	vld [tilespmem:$0x1FC70];
	_ =	sdelay $0x4  }
0x256: {  	v1 =	vmax.f32 v1, v3;
	v3 =	vld [tilespmem:$0x1FC80];
	_ =	sdelay $0x4  }
0x257: {  	v2 =	vmax.f32 v2, v3;
	v3 =	vld [tilespmem:$0x1FC90];
	_ =	sdelay $0x4  }
0x258: {  	v0 =	vmax.f32 v0, v3;
	v3 =	vld [tilespmem:$0x1FCA0];
	_ =	sdelay $0x4  }
0x259: {  	v1 =	vmax.f32 v1, v3;
	v3 =	vld [tilespmem:$0x1FCB0];
	_ =	sdelay $0x4  }
0x25a: {  	v2 =	vmax.f32 v2, v3;
	v3 =	vld [tilespmem:$0x1FCC0];
	_ =	sdelay $0x4  }
0x25b: {  	v34 =	vmax.f32 v0, v3;
	v0 =	vld [tilespmem:$0x1FCD0];
	_ =	sdelay $0x4  }
0x25c: {  	v1 =	vmax.f32 v1, v0;
	v0 =	vld [tilespmem:$0x1FCE0];
	_ =	sdelay $0x2  }
0x25d: {  	v21 =	vld [tilespmem:$0x1230]  }
0x25e: {  	v23 =	vld [tilespmem:$0x1310]  }
0x25f: {  	v2 =	vmax.f32 v2, v0;
	v0 =	vld [tilespmem:$0x1FCF0]  }
0x260: {  	v18 =	vld [tilespmem:$0x1340]  }
0x261: {  	v20 =	vld [tilespmem:$0x1360]  }
0x262: {  	v24 =	vld [tilespmem:$0x1380]  }
0x263: {  	v25 =	vld [tilespmem:$0x1390]  }
0x264: {  	v35 =	vmax.f32 v1, v0;
	v0 =	vld [tilespmem:$0x1FD00]  }
0x265: {  	v43 =	vld [tilespmem:$0x1410]  }
0x266: {  	v41 =	vld [tilespmem:$0x1430]  }
0x267: {  	v37 =	vld [tilespmem:$0x1460]  }
0x268: {  	v57 =	vld [tilespmem:$0x1570]  }
0x269: {  	v2 =	vmax.f32 v2, v0;
	v0 =	vld [tilespmem:$0x1FD10]  }
0x26a: {  	v58 =	vld [tilespmem:$0x1590]  }
0x26b: {  	v51 =	vld [tilespmem:$0x15C0]  }
0x26c: {  	v52 =	vld [tilespmem:$0x15D0]  }
0x26d: {  	v10 =	vld [tilespmem:$0x1610]  }
0x26e: {  	v3 =	vmax.f32 v4, v5;
	v4 =	vmax.f32 v2, v0;
	v0 =	vld [tilespmem:$0x1FD20]  }
0x26f: {  	v11 =	vld [tilespmem:$0x1630]  }
0x270: {  	v14 =	vld [tilespmem:$0x1640]  }
0x271: {  	v13 =	vld [tilespmem:$0x1650]  }
0x272: {  	v6 =	vld [tilespmem:$0x1300]  }
0x273: {  	v3 =	vmax.f32 v3, v0;
	v0 =	vld [tilespmem:$0x1FD30]  }
0x274: {  	v1 =	vld [tilespmem:$0x1FD60]  }
0x275: {  	v16 =	vld [tilespmem:$0x1660]  }
0x276: {  	v17 =	vld [tilespmem:$0x1670]  }
0x277: {  	v9 =	vld [tilespmem:$0x1700]  }
0x278: {  	v5 =	vmax.f32 v6, v23;
	v6 =	vmax.f32 v3, v21;
	v4 =	vmax.f32 v4, v0;
	v0 =	vld [tilespmem:$0x1FD40]  }
0x279: {  	v6 =	vmax.f32 v6, v1;
	v1 =	vld [tilespmem:$0x1FD70]  }
0x27a: {  	v7 =	vld [tilespmem:$0x1710]  }
0x27b: {  	v19 =	vld [tilespmem:$0x1680]  }
0x27c: {  	v27 =	vld [tilespmem:$0x16B0]  }
0x27d: {  	v5 =	vmax.f32 v5, v0;
	v0 =	vld [tilespmem:$0x1FD50]  }
0x27e: {  	v5 =	vmax.f32 v5, v1;
	v1 =	vld [tilespmem:$0x1FD80]  }
0x27f: {  	v7 =	vmax.f32 v9, v7;
	v9 =	vld [tilespmem:$0x1860]  }
0x280: {  	v47 =	vld [tilespmem:$0x15E0]  }
0x281: {  	v53 =	vld [tilespmem:$0x1580]  }
0x282: {  	v26 =	vld [tilespmem:$0x16A0];
	v0 =	vmax.f32 v4, v0  }
0x283: {  	v0 =	vmax.f32 v0, v1;
	v1 =	vld [tilespmem:$0x1FD90]  }
0x284: {  	v31 =	vld [tilespmem:$0x16D0]  }
0x285: {  	v36 =	vld [tilespmem:$0x1450]  }
0x286: {  	v56 =	vld [tilespmem:$0x1560]  }
0x287: {  	v42 =	vld [tilespmem:$0x1440]  }
0x288: {  	v6 =	vmax.f32 v6, v1;
	v1 =	vld [tilespmem:$0x1FDA0]  }
0x289: {  	v21 =	vld [tilespmem:$0x1FDD0]  }
0x28a: {  	v59 =	vld [tilespmem:$0x1540]  }
0x28b: {  	v12 =	vld [tilespmem:$0x1620]  }
0x28c: {  	v28 =	vld [tilespmem:$0x1600]  }
0x28d: {  	v0 =	vmax.f32 v0, v1;
	v1 =	vld [tilespmem:$0x1FDB0]  }
0x28e: {  	v0 =	vmax.f32 v0, v21;
	v21 =	vld [tilespmem:$0x1FDE0]  }
0x28f: {  	v8 =	vld [tilespmem:$0x1720]  }
0x290: {  	v15 =	vld [tilespmem:$0x1690]  }
0x291: {  	v22 =	vld [tilespmem:$0x1470];
	v10 =	vmax.f32 v28, v10  }
0x292: {  	v38 =	vld [tilespmem:$0x1480];
	v10 =	vmax.f32 v10, v12;
	v1 =	vmax.f32 v6, v1  }
0x293: {  	v10 =	vmax.f32 v10, v11;
	v1 =	vmax.f32 v1, v21;
	v21 =	vld [tilespmem:$0x1FDF0]  }
0x294: {  	v12 =	vld [tilespmem:$0x1830];
	v10 =	vmax.f32 v10, v14  }
0x295: {  	v14 =	vld [tilespmem:$0x1840];
	v10 =	vmax.f32 v10, v13  }
0x296: {  	v10 =	vmax.f32 v10, v16;
	v16 =	vld [tilespmem:$0x1850]  }
0x297: {  	v48 =	vld [tilespmem:$0x15F0]  }
0x298: {  	v0 =	vmax.f32 v0, v21;
	v21 =	vld [tilespmem:$0x1FE00]  }
0x299: {  	v50 =	vld [tilespmem:$0x1500]  }
0x29a: {  	v23 =	vld [tilespmem:$0x1FE20]  }
0x29b: {  	v6 =	vld [tilespmem:$0x1FDC0]  }
0x29c: {  	v60 =	vld [tilespmem:$0x1550]  }
0x29d: {  	v1 =	vmax.f32 v1, v21;
	v21 =	vld [tilespmem:$0x1FE10]  }
0x29e: {  	v30 =	vld [tilespmem:$0x1400]  }
0x29f: {  	v18 =	vmax.f32 v5, v18;
	v1 =	vmax.f32 v1, v23;
	v23 =	vld [tilespmem:$0x1FE40]  }
0x2a0: {  	v29 =	vld [tilespmem:$0x16C0];
	v18 =	vmax.f32 v18, v6  }
0x2a1: {  	v44 =	vld [tilespmem:$0x1420];
	v18 =	vmax.f32 v18, v20  }
0x2a2: {  	v32 =	vld [tilespmem:$0x16E0];
	v18 =	vmax.f32 v18, v21  }
0x2a3: {  	v18 =	vmax.f32 v18, v24;
	v24 =	vmax.f32 v30, v43;
	v43 =	vld [tilespmem:$0x1FE30]  }
0x2a4: {  	[tilespmem:$0x1900] =	vst v23;
	v23 =	vld [tilespmem:$0x1FE50]  }
0x2a5: {  	v39 =	vld [tilespmem:$0x1490]  }
0x2a6: {  	v18 =	vmax.f32 v18, v25;
	v25 =	vmax.f32 v24, v44;
	v44 =	vld [tilespmem:$0x1FE60]  }
0x2a7: {  	v55 =	vld [tilespmem:$0x15B0]  }
0x2a8: {  	v61 =	vld [tilespmem:$0x1510];
	v1 =	vmax.f32 v1, v43  }
0x2a9: {  	v1 =	vmax.f32 v1, v23;
	v23 =	vld [tilespmem:$0x1FE70]  }
0x2aa: {  	v62 =	vld [tilespmem:$0x1520]  }
0x2ab: {  	v18 =	vmax.f32 v18, v44;
	v44 =	vld [tilespmem:$0x1FE80]  }
0x2ac: {  	v33 =	vld [tilespmem:$0x16F0]  }
0x2ad: {  	v40 =	vld [tilespmem:$0x14A0];
	v25 =	vmax.f32 v25, v41  }
0x2ae: {  	v1 =	vmax.f32 v1, v23;
	v23 =	vmax.f32 v25, v42;
	v42 =	vld [tilespmem:$0x1FE90]  }
0x2af: {  	v54 =	vld [tilespmem:$0x15A0]  }
0x2b0: {  	v18 =	vmax.f32 v18, v44;
	v44 =	vld [tilespmem:$0x1FEA0]  }
0x2b1: {  	v63 =	vld [tilespmem:$0x1530]  }
0x2b2: {  	v2 =	vld [tilespmem:$0x1730]  }
0x2b3: {  	[tilespmem:$0x1910] =	vst v42;
	v42 =	vld [tilespmem:$0x1FEB0]  }
0x2b4: {  	v23 =	vmax.f32 v23, v36;
	v36 =	vld [tilespmem:$0x1FED0]  }
0x2b5: {  	v1 =	vmax.f32 v1, v44;
	v44 =	vld [tilespmem:$0x1FEC0]  }
0x2b6: {  	v3 =	vld [tilespmem:$0x1740]  }
0x2b7: {  	v7 =	vmax.f32 v7, v8;
	v4 =	vld [tilespmem:$0x1750]  }
0x2b8: {  	v2 =	vmax.f32 v7, v2;
	v7 =	vld [tilespmem:$0x1870];
	v18 =	vmax.f32 v18, v42  }
0x2b9: {  	v18 =	vmax.f32 v18, v36;
	v36 =	vld [tilespmem:$0x1FEF0]  }
0x2ba: {  	v1 =	vmax.f32 v1, v44;
	v44 =	vld [tilespmem:$0x1FEE0]  }
0x2bb: {  	v2 =	vmax.f32 v2, v3;
	v5 =	vld [tilespmem:$0x1760]  }
0x2bc: {  	v2 =	vmax.f32 v2, v4;
	v4 =	vld [tilespmem:$0x1880]  }
0x2bd: {  	v6 =	vld [tilespmem:$0x1770]  }
0x2be: {  	[tilespmem:$0x19C0] =	vst v46;
	v36 =	vmax.f32 v1, v36;
	v1 =	vld [tilespmem:$0x1FF00]  }
0x2bf: {  	[tilespmem:$0x1920] =	vst v44;
	v44 =	vld [tilespmem:$0x1FF10]  }
0x2c0: {  	v2 =	vmax.f32 v2, v5;
	v5 =	vld [tilespmem:$0x19C0]  }
0x2c1: {  	v20 =	vld [tilespmem:$0x1780]  }
0x2c2: {  	v2 =	vmax.f32 v2, v6;
	v6 =	vld [tilespmem:$0x1890];
	v23 =	vmax.f32 v23, v37  }
0x2c3: {  	v43 =	vld [tilespmem:$0x1900];
	v1 =	vmax.f32 v18, v1;
	v18 =	vmax.f32 v23, v22  }
0x2c4: {  	v25 =	vmax.f32 v1, v44;
	v1 =	vmax.f32 v18, v38;
	v18 =	vmax.f32 v50, v61;
	v61 =	vld [tilespmem:$0x1FF20]  }
0x2c5: {  	v37 =	vld [tilespmem:$0x1910]  }
0x2c6: {  	v21 =	vld [tilespmem:$0x1790]  }
0x2c7: {  	v50 =	vld [tilespmem:$0x1FF30]  }
0x2c8: {  	vm0 =	vgt.f32 v43, $-Inf;
	v38 =	vld [tilespmem:$0x1920];
	v18 =	vmax.f32 v18, v62  }
0x2c9: {  	v18 =	vmax.f32 v18, v63;
	v63 =	vnsel vm0, $0xFF800000, v43;
	[tilespmem:$0x1930] =	vst v61;
	v61 =	vld [tilespmem:$0x1FF40]  }
0x2ca: {  	v62 =	vld [tilespmem:$0x1FF50];
	vm0 =	vgt.f32 v37, v63  }
0x2cb: {  	v18 =	vmax.f32 v18, v59;
	v37 =	vsel vm0, v37, v63;
	v63 =	vld [tilespmem:$0x1FF60]  }
0x2cc: {  	v1 =	vmax.f32 v1, v39;
	v18 =	vmax.f32 v18, v60;
	[tilespmem:$0x1940] =	vst v50;
	v50 =	vld [tilespmem:$0x1FF70]  }
0x2cd: {  	v1 =	vmax.f32 v1, v40;
	v18 =	vmax.f32 v18, v56;
	v56 =	vld [tilespmem:$0x1FF80]  }
0x2ce: {  	v1 =	vmax.f32 v1, v61;
	v61 =	vld [tilespmem:$0x1FFA0]  }
0x2cf: {  	v30 =	vld [tilespmem:$0x17A0]  }
0x2d0: {  	v40 =	vld [tilespmem:$0x1930];
	v1 =	vmax.f32 v1, v62  }
0x2d1: {  	v60 =	vld [tilespmem:$0x1FF90];
	v1 =	vmax.f32 v1, v50  }
0x2d2: {  	v39 =	vld [tilespmem:$0x1940];
	v18 =	vmax.f32 v18, v57;
	v1 =	vmax.f32 v1, v56  }
0x2d3: {  	vm1 =	vgt.f32 v38, v37;
	[tilespmem:$0x1950] =	vst v63;
	v50 =	vmax.f32 v1, v61;
	v1 =	vmax.f32 v18, v53;
	v53 =	vld [tilespmem:$0x1FFB0]  }
0x2d4: {  	v37 =	vsel vm1, v38, v37;
	v59 =	vld [tilespmem:$0x1950];
	v1 =	vmax.f32 v1, v58  }
0x2d5: {  	v57 =	vld [tilespmem:$0x1FFC0];
	vm2 =	vgt.f32 v40, v37;
	v1 =	vmax.f32 v1, v54  }
0x2d6: {  	v24 =	vld [tilespmem:$0x17B0];
	[tilespmem:$0x1960] =	vst v60;
	v62 =	vsel vm2, v40, v37;
	v1 =	vmax.f32 v1, v55  }
0x2d7: {  	v63 =	vld [tilespmem:$0x1960];
	vm3 =	vgt.f32 v39, v62;
	v1 =	vmax.f32 v1, v51  }
0x2d8: {  	v11 =	vsel vm3, v39, v62;
	v58 =	vld [tilespmem:$0x1FFD0];
	[tilespmem:$0x1970] =	vst v53;
	v1 =	vmax.f32 v1, v52  }
0x2d9: {  	vm4 =	vgt.f32 v59, v11;
	v56 =	vld [tilespmem:$0x1970];
	v1 =	vmax.f32 v1, v47  }
0x2da: {  	[tilespmem:$0x1980] =	vst v57;
	v11 =	vsel vm4, v59, v11;
	v59 =	vmax.f32 v1, v48;
	v1 =	vmax.f32 v10, v17;
	v17 =	vld [tilespmem:$0x1FFE0]  }
0x2db: {  	v13 =	vld [tilespmem:$0x1980];
	v1 =	vmax.f32 v1, v19  }
0x2dc: {  	v1 =	vmax.f32 v1, v15;
	v15 =	vld [tilespmem:$0x1FFF0]  }
0x2dd: {  	v41 =	vld [tilespmem:$0x17C0];
	vm5 =	vgt.f32 v63, v11;
	[tilespmem:$0x1990] =	vst v58  }
0x2de: {  	v10 =	vsel vm5, v63, v11;
	v11 =	vld [tilespmem:$0x1990]  }
0x2df: {  	v44 =	vld [tilespmem:$0x1810];
	vm6 =	vgt.f32 v56, v10;
	[tilespmem:$0x19A0] =	vst v17  }
0x2e0: {  	v8 =	vsel vm6, v56, v10;
	v10 =	vld [tilespmem:$0x19A0]  }
0x2e1: {  	v43 =	vld [tilespmem:$0x1800];
	v1 =	vmax.f32 v1, v26;
	vm7 =	vgt.f32 v13, v8;
	[tilespmem:$0x19B0] =	vst v15  }
0x2e2: {  	v1 =	vmax.f32 v1, v27;
	v3 =	vsel vm7, v13, v8;
	v8 =	vld [tilespmem:$0x19B0]  }
0x2e3: {  	v18 =	vld [tilespmem:$0x1820];
	v1 =	vmax.f32 v1, v29;
	vm8 =	vgt.f32 v11, v3  }
0x2e4: {  	v42 =	vld [tilespmem:$0x17D0];
	v1 =	vmax.f32 v1, v31;
	v3 =	vsel vm8, v11, v3  }
0x2e5: {  	[tilespmem:$0x19D0] =	vst v45;
	v22 =	vld [tilespmem:$0x17E0];
	v1 =	vmax.f32 v1, v32;
	vm9 =	vgt.f32 v10, v3  }
0x2e6: {  	v11 =	vmax.f32 v1, v33;
	v1 =	vmax.f32 v2, v20;
	v2 =	vsel vm9, v10, v3;
	v3 =	vld [tilespmem:$0x19D0]  }
0x2e7: {  	[tilespmem:$0x19E0] =	vst v49;
	v13 =	vld [tilespmem:$0x18A0];
	v10 =	vmax.f32 v1, v21;
	v1 =	vmax.f32 v43, v44;
	vm10 =	vgt.f32 v8, v2  }
0x2e8: {  	v15 =	vmax.f32 v1, v18;
	v1 =	vimm.s32 $0x0;
	v2 =	vsel vm10, v8, v2;
	v8 =	vld [tilespmem:$0x19E0]  }
0x2e9: {  	[tilespmem:$0x19F0] =	vst v34;
	v10 =	vmax.f32 v10, v30;
	v12 =	vmax.f32 v15, v12;
	v15 =	vld [tilespmem:$0x18B0];
	vm14 =	vgt.f32 v5, v2  }
0x2ea: {  	v17 =	vsel vm0, $0x1, v1;
	v12 =	vmax.f32 v12, v14;
	v2 =	vsel vm14, v5, v2;
	v5 =	vld [tilespmem:$0x19F0]  }
0x2eb: {  	[tilespmem:$0x1A00] =	vst v35;
	v10 =	vmax.f32 v10, v24;
	v14 =	vld [tilespmem:$0x18C0];
	v12 =	vmax.f32 v12, v16;
	vm15 =	vgt.f32 v3, v2  }
0x2ec: {  	v10 =	vmax.f32 v10, v41;
	v9 =	vmax.f32 v12, v9;
	v2 =	vsel vm15, v3, v2;
	v3 =	vld [tilespmem:$0x1A00]  }
0x2ed: {  	[tilespmem:$0x1A10] =	vst v0;
	v16 =	vsel vm1, $0x2, v17;
	v0 =	vmax.f32 v9, v7;
	v7 =	vld [tilespmem:$0x18D0];
	vm11 =	vgt.f32 v8, v2  }
0x2ee: {  	v9 =	vsel vm2, $0x3, v16;
	v0 =	vmax.f32 v0, v4;
	v4 =	vld [tilespmem:$0x1A10];
	v2 =	vsel vm11, v8, v2  }
0x2ef: {  	[tilespmem:$0x1A20] =	vst v36;
	v23 =	vld [tilespmem:$0x17F0];
	v0 =	vmax.f32 v0, v6;
	v8 =	vsel vm3, $0x4, v9;
	vm2 =	vgt.f32 v5, v2  }
0x2f0: {  	v9 =	vmax.f32 v10, v42;
	v0 =	vmax.f32 v0, v13;
	v2 =	vsel vm2, v5, v2;
	v5 =	vld [tilespmem:$0x1A20]  }
0x2f1: {  	[tilespmem:$0x1A30] =	vst v25;
	v6 =	vld [tilespmem:$0x18E0];
	v10 =	vimm.s32 $0x76543210;
	v0 =	vmax.f32 v0, v15;
	vm3 =	vgt.f32 v3, v2  }
0x2f2: {  	v8 =	vsel vm4, $0x5, v8;
	v0 =	vmax.f32 v0, v14;
	v2 =	vsel vm3, v3, v2;
	v3 =	vld [tilespmem:$0x1A30]  }
0x2f3: {  	[tilespmem:$0x1A40] =	vst v50;
	v9 =	vmax.f32 v9, v22;
	v0 =	vmax.f32 v0, v7;
	v7 =	vld [tilespmem:$0x18F0];
	vm4 =	vgt.f32 v4, v2  }
0x2f4: {  	v10 =	vunpack.c.l.s4.s8 v10;
	v8 =	vsel vm5, $0x6, v8;
	v2 =	vsel vm4, v4, v2;
	v4 =	vld [tilespmem:$0x1A40]  }
0x2f5: {  	[tilespmem:$0x1A50] =	vst v59;
	v9 =	vmax.f32 v9, v23;
	v8 =	vsel vm6, $0x7, v8;
	vm5 =	vgt.f32 v5, v2  }
0x2f6: {  	[tilespmem:$0x1A70] =	vst v9;
	v9 =	vimm.s32 $0xBA98FEDC;
	v8 =	vsel vm7, $0x8, v8;
	v2 =	vsel vm5, v5, v2;
	v5 =	vld [tilespmem:$0x1A50]  }
0x2f7: {  	[tilespmem:$0x1A60] =	vst v11;
	v0 =	vmax.f32 v0, v6;
	v6 =	vimm.s32 $0xFEDCBA98;
	vm6 =	vgt.f32 v3, v2  }
0x2f8: {  	v9 =	vunpack.c.l.s4.s8 v9;
	v6 =	vunpack.c.l.s4.s8 v6;
	v2 =	vsel vm6, v3, v2;
	v3 =	vld [tilespmem:$0x1A60]  }
0x2f9: {  	v8 =	vsel vm8, $0x9, v8;
	v0 =	vmax.f32 v0, v7;
	vm7 =	vgt.f32 v4, v2  }
0x2fa: {  	v6 =	vunpack.c.0.s8.s32 v6;
	[tilespmem:$0x1A80] =	vst v0;
	v0 =	vimm.s32 $0x32107654;
	v2 =	vsel vm7, v4, v2;
	v4 =	vld [tilespmem:$0x1A70]  }
0x2fb: {  	v7 =	vunpack.c.0.s8.s32 v10;
	v0 =	vunpack.c.l.s4.s8 v0;
	vm12 =	vgt.f32 v5, v2  }
0x2fc: {  	v8 =	vsel vm9, $0xA, v8;
	v6 =	vand.u32 $0xF, v6;
	v10 =	vld [tilespmem:$0x1A80];
	v5 =	vsel vm12, v5, v2  }
0x2fd: {  	v0 =	vunpack.c.0.s8.s32 v0;
	v2 =	vcombine.low v6, v7;
	vm13 =	vgt.f32 v3, v5  }
0x2fe: {  	v6 =	vsel vm10, $0xB, v8;
	v7 =	vunpack.c.0.s8.s32 v9;
	v3 =	vsel vm13, v3, v5  }
0x2ff: {  	v6 =	vsel vm14, $0xC, v6;
	v5 =	vimm.s32 $0xDCFE98BA;
	vm14 =	vgt.f32 v4, v3  }
0x300: {  	v0 =	vcombine.low v0, v7;
	v6 =	vsel vm15, $0xD, v6;
	v3 =	vsel vm14, v4, v3  }
0x301: {  	v5 =	vunpack.c.l.s4.s8 v5;
	v4 =	vimm.s32 $0x54761032;
	vm15 =	vgt.f32 v10, v3  }
0x302: {  	v8 =	vimm.s32 $0xEFCDAB89;
	v4 =	vunpack.c.l.s4.s8 v4;
	v7 =	vsel vm15, v10, v3  }
0x303: {  	v3 =	vand.u32 $0xF, v0;
	v0 =	vunpack.c.0.s8.s32 v5;
	v5 =	vperm.xlane v7, v2  }
0x304: {  	v9 =	vimm.s32 $0x67452301;
	v8 =	vunpack.c.l.s4.s8 v8;
	v4 =	vunpack.c.0.s8.s32 v4  }
0x305: {  	v9 =	vunpack.c.l.s4.s8 v9;
	v6 =	vsel vm11, $0xE, v6;
	v5 =	vmax.f32 v7, v5  }
0x306: {  	v6 =	vsel vm2, $0xF, v6;
	v0 =	vcombine.low v4, v0;
	v10 =	vperm.xlane v5, v3  }
0x307: {  	v4 =	vsel vm3, $0x10, v6;
	v6 =	vunpack.c.0.s8.s32 v8;
	v8 =	vunpack.c.0.s8.s32 v9  }
0x308: {  	v9 =	vsel vm4, $0x11, v4;
	v4 =	vand.u32 $0xF, v0;
	v0 =	vmax.f32 v5, v10  }
0x309: {  	v6 =	vcombine.low v8, v6;
	v5 =	vsel vm5, $0x12, v9;
	v8 =	vperm.xlane v0, v4  }
0x30a: {  	v5 =	vsel vm6, $0x13, v5  }
0x30b: {  	v9 =	vsel vm7, $0x14, v5;
	v5 =	vand.u32 $0xF, v6;
	v0 =	vmax.f32 v0, v8  }
0x30c: {  	v6 =	vsel vm12, $0x15, v9;
	v8 =	vperm.xlane v0, v5  }
0x30d: {  	v6 =	vsel vm13, $0x16, v6  }
0x30e: {  	v6 =	vsel vm14, $0x17, v6;
	v0 =	vmax.f32 v0, v8  }
0x30f: {  	v6 =	vsel vm15, $0x18, v6;
	vm6 =	veq.f32 v7, v0  }
0x310: {  	v6 =	vnsel vm6, $0x40000000, v6  }
0x311: {  	v7 =	vperm.xlane v6, v2;
	_ =	sdelay $0x1  }
0x312: {  	vm0 =	vlt.s32 v6, v7  }
0x313: {  	v6 =	vsel vm0, v6, v7  }
0x314: {  	v7 =	vperm.xlane v6, v3;
	_ =	sdelay $0x1  }
0x315: {  	vm0 =	vlt.s32 v6, v7  }
0x316: {  	v6 =	vsel vm0, v6, v7  }
0x317: {  	v7 =	vperm.xlane v6, v4;
	_ =	sdelay $0x1  }
0x318: {  	vm0 =	vlt.s32 v6, v7  }
0x319: {  	v6 =	vsel vm0, v6, v7  }
0x31a: {  	v7 =	vperm.xlane v6, v5;
	_ =	sdelay $0x1  }
0x31b: {  	vm0 =	vlt.s32 v6, v7  }
0x31c: {  	v9 =	vsel vm0, v6, v7  }
0x31d: {  	(v2sf) =	vpush v9, $0x0;
	_ =	sdelay $0xe  }
0x31e: {  	s23 =	spop (v2sf)  }
0x31f: {  	s12 =	sshll.u32 s23, $0x8  }
0x320: {  	v7 =	vld [tilespmem:s12+$0xF0]  }
0x321: {  	v8 =	vld [tilespmem:s12+$0xE0]  }
0x322: {  	v10 =	vld [tilespmem:s12+$0xD0]  }
0x323: {  	v11 =	vld [tilespmem:s12+$0xC0]  }
0x324: {  	v12 =	vld [tilespmem:s12+$0xB0]  }
0x325: {  	v6 =	vimm.s32 $0x40000000;
	v13 =	vld [tilespmem:s12+$0xA0];
	vm7 =	veq.f32 v7, v0  }
0x326: {  	v7 =	vld [tilespmem:s12+$0x90];
	vm8 =	veq.f32 v8, v0;
	v14 =	vsel vm7, $0xF, v6  }
0x327: {  	v8 =	vld [tilespmem:s12+$0x80];
	vm9 =	veq.f32 v10, v0;
	v14 =	vsel vm8, $0xE, v14  }
0x328: {  	v10 =	vld [tilespmem:s12+$0x70];
	vm10 =	veq.f32 v11, v0;
	v14 =	vsel vm9, $0xD, v14  }
0x329: {  	v11 =	vld [tilespmem:s12+$0x60];
	vm11 =	veq.f32 v12, v0;
	v14 =	vsel vm10, $0xC, v14  }
0x32a: {  	v12 =	vld [tilespmem:s12+$0x50];
	vm12 =	veq.f32 v13, v0;
	v14 =	vsel vm11, $0xB, v14  }
0x32b: {  	v13 =	vld [tilespmem:s12+$0x40];
	vm13 =	veq.f32 v7, v0;
	v14 =	vsel vm12, $0xA, v14  }
0x32c: {  	v7 =	vld [tilespmem:s12+$0x30];
	vm14 =	veq.f32 v8, v0;
	v14 =	vsel vm13, $0x9, v14  }
0x32d: {  	v8 =	vld [tilespmem:s12+$0x20];
	vm15 =	veq.f32 v10, v0;
	v14 =	vsel vm14, $0x8, v14  }
0x32e: {  	v10 =	vld [tilespmem:s12+$0x10];
	vm4 =	veq.f32 v11, v0;
	v14 =	vsel vm15, $0x7, v14  }
0x32f: {  	v11 =	vld [tilespmem:s12+$0x0];
	vm5 =	veq.f32 v12, v0;
	v14 =	vsel vm4, $0x6, v14  }
0x330: {  	vm6 =	veq.f32 v13, v0;
	v12 =	vsel vm5, $0x5, v14  }
0x331: {  	vm7 =	veq.f32 v7, v0;
	v12 =	vsel vm6, $0x4, v12  }
0x332: {  	vm8 =	veq.f32 v8, v0;
	v7 =	vsel vm7, $0x3, v12  }
0x333: {  	vm9 =	veq.f32 v10, v0;
	v7 =	vsel vm8, $0x2, v7  }
0x334: {  	vm10 =	veq.f32 v11, v0;
	v7 =	vsel vm9, $0x1, v7  }
0x335: {  	v7 =	vsel vm10, $0x0, v7  }
0x336: {  	v8 =	vperm.xlane v7, v2;
	_ =	sdelay $0x1  }
0x337: {  	vm0 =	vlt.s32 v7, v8  }
0x338: {  	v7 =	vsel vm0, v7, v8  }
0x339: {  	v8 =	vperm.xlane v7, v3;
	_ =	sdelay $0x1  }
0x33a: {  	vm0 =	vlt.s32 v7, v8  }
0x33b: {  	v7 =	vsel vm0, v7, v8  }
0x33c: {  	v8 =	vperm.xlane v7, v4;
	_ =	sdelay $0x1  }
0x33d: {  	vm0 =	vlt.s32 v7, v8  }
0x33e: {  	v7 =	vsel vm0, v7, v8  }
0x33f: {  	v8 =	vperm.xlane v7, v5;
	_ =	sdelay $0x1  }
0x340: {  	vm0 =	vlt.s32 v7, v8  }
0x341: {  	v10 =	vsel vm0, v7, v8  }
0x342: {  	(v2sf) =	vpush v10, $0x0;
	_ =	sdelay $0xe  }
0x343: {  	s24 =	spop (v2sf)  }
0x344: {  	s10 =	sshll.u32 s24, $0x4  }
0x345: {  	s11 =	sadd.s32 s12, s10  }
0x346: {  	s10 =	sand.u32 $0x70, s10;
	s11 =	sand.u32 $0xFFFFFF80, s11  }
0x347: {  	s10 =	sor.u32 s10, s11  }
0x348: {  	v8 =	vld [tilespmem:s10+$0x0];
	_ =	sdelay $0x4  }
0x349: {  	v7 =	vlaneseq.u32;
	vm11 =	veq.f32 v8, v0  }
0x34a: {  	v11 =	vnsel vm11, $0x40000000, v7  }
0x34b: {  	v12 =	vperm.xlane v11, v2;
	_ =	sdelay $0x1  }
0x34c: {  	vm0 =	vlt.s32 v11, v12  }
0x34d: {  	v11 =	vsel vm0, v11, v12  }
0x34e: {  	v12 =	vperm.xlane v11, v3;
	_ =	sdelay $0x1  }
0x34f: {  	vm0 =	vlt.s32 v11, v12  }
0x350: {  	v11 =	vsel vm0, v11, v12  }
0x351: {  	v12 =	vperm.xlane v11, v4;
	_ =	sdelay $0x1  }
0x352: {  	vm0 =	vlt.s32 v11, v12  }
0x353: {  	v11 =	vsel vm0, v11, v12  }
0x354: {  	v12 =	vperm.xlane v11, v5;
	_ =	sdelay $0x1  }
0x355: {  	vm0 =	vlt.s32 v11, v12  }
0x356: {  	v11 =	vsel vm0, v11, v12  }
0x357: {  	vm0 =	veq.s32 v11, v7  }
0x358: {  	v8 =	vsel vm0, $0xFF800000, v8  }
0x359: {  	[tilespmem:s10+$0x0] =	vst v8  }
0x35a: {  	v12 =	vld [tilespmem:s12+$0x0]  }
0x35b: {  	v13 =	vld [tilespmem:s12+$0x10]  }
0x35c: {  	v14 =	vld [tilespmem:s12+$0x20]  }
0x35d: {  	s25 =	simm.s32 $0xFFFFFFD0;
	v60 =	vimm.f32 $-Inf;
	v15 =	vld [tilespmem:s12+$0x30]  }
0x35e: {  	v18 =	vmov s25;
	v16 =	vmov s7;
	v9 =	vshll.u32 v9, $0x8;
	v17 =	vld [tilespmem:s12+$0x40]  }
0x35f: {  	vm12 =	veq.s32 v16, v7;
	v10 =	vshll.u32 v10, $0x4;
	v8 =	vmov s8;
	v16 =	vld [tilespmem:s12+$0x50]  }
0x360: {  	s26 =	simm.s32 $0xFFFFFFE0;
	vm13 =	veq.s32 v18, v7;
	v11 =	vadd.s32 v8, v11;
	v19 =	vld [tilespmem:s12+$0x60];
	v12 =	vmax.f32 v12, v13  }
0x361: {  	v18 =	vmov s26;
	v9 =	vadd.s32 v9, v11;
	v11 =	vld [tilespmem:s12+$0x70];
	v12 =	vmax.f32 v12, v14  }
0x362: {  	vm14 =	veq.s32 v18, v7;
	v9 =	vadd.s32 v10, v9;
	v10 =	vld [tilespmem:s12+$0x80];
	v12 =	vmax.f32 v12, v15  }
0x363: {  	v63 =	vsel vm14, v0, v60;
	v15 =	vld [tilespmem:s12+$0x90];
	v12 =	vmax.f32 v12, v17  }
0x364: {  	s28 =	simm.s32 $0xFFFFFFF0;
	v20 =	vld [tilespmem:s12+$0xA0];
	v61 =	vsel vm14, v9, v1;
	v13 =	vsel vm12, v0, v60;
	v12 =	vmax.f32 v12, v16  }
0x365: {  	v18 =	vld [tilespmem:s12+$0xB0];
	v14 =	vsel vm12, v9, v1;
	v12 =	vmax.f32 v12, v19;
	v19 =	vmov s28  }
0x366: {  	v62 =	vld [tilespmem:s12+$0xC0];
	v17 =	vsel vm13, v0, v60;
	v11 =	vmax.f32 v12, v11;
	vm15 =	veq.s32 v19, v7  }
0x367: {  	p1 =	por $0x0, $0x0;
	v16 =	vsel vm13, v9, v1;
	v19 =	vld [tilespmem:s12+$0xD0];
	v10 =	vmax.f32 v11, v10;
	v11 =	vsel vm15, v9, v1  }
0x368: {  	p2 =	por $0x1, $0x1;
	s29 =	sand.u32 $0x30, s7;
	v0 =	vsel vm15, v0, v60;
	v9 =	vpsel p1, v17, v60;
	v12 =	vmax.f32 v10, v15  }
0x369: {  	s30 =	sshll.u32 s5, $0x6;
	p6 =	seq.s32 s29, $0x10;
	v17 =	vimm.f32 $-Inf;
	v10 =	vpsel p2, v13, v60;
	v13 =	vmax.f32 v12, v20  }
0x36a: {  	p3 =	seq.s32 s29, $0x20;
	s9 =	sadd.s32 s30, s3;
	v11 =	vpsel p6, v11, v1;
	v0 =	vpsel p6, v0, v17;
	v15 =	vmax.f32 v13, v18  }
0x36b: {  	s7 =	sadd.s32 $0x4000, s6;
	s6 =	sadd.s32 $0xA00, s6;
	s31 =	sshll.u32 s23, $0x6;
	v12 =	vpsel p2, v14, v1;
	v13 =	vpsel p1, v16, v1;
	v16 =	vld [tilespmem:s12+$0xE0];
	v18 =	vmax.f32 v15, v62  }
0x36c: {  	s11 =	sshra.s32 s31, $0x2;
	s8 =	sadd.s32 s30, s4;
	s10 =	simm.s32 $0x1;
	v14 =	vpsel p3, v61, v1;
	v15 =	vpsel p3, v63, v17;
	v17 =	vld [tilespmem:s12+$0xF0];
	v18 =	vmax.f32 v18, v19  }
.LBB2_1:
0x36d: {  	_ =	sdelay $0x2  }
0x36e: {  	v16 =	vmax.f32 v18, v16  }
0x36f: {  	v16 =	vmax.f32 v16, v17  }
0x370: {  	[tilespmem:s11+$0x1900] =	vst v16  }
0x371: {  	v16 =	vld [tilespmem:$0x1900];
	_ =	sdelay $0x1  }
0x372: {  	v17 =	vld [tilespmem:$0x1910];
	_ =	sdelay $0x1  }
0x373: {  	v18 =	vld [tilespmem:$0x1920]  }
0x374: {  	vm0 =	vgt.f32 v16, $-Inf  }
0x375: {  	v19 =	vld [tilespmem:$0x1930];
	v16 =	vnsel vm0, $0xFF800000, v16  }
0x376: {  	vm0 =	vgt.f32 v17, v16  }
0x377: {  	v16 =	vsel vm0, v17, v16;
	v17 =	vld [tilespmem:$0x1940]  }
0x378: {  	vm1 =	vgt.f32 v18, v16  }
0x379: {  	v16 =	vsel vm1, v18, v16;
	v18 =	vld [tilespmem:$0x1950]  }
0x37a: {  	vm2 =	vgt.f32 v19, v16  }
0x37b: {  	v20 =	vimm.s32 $0x0;
	v16 =	vsel vm2, v19, v16;
	v19 =	vld [tilespmem:$0x1960]  }
0x37c: {  	v20 =	vsel vm2, $0xFFFFFFFF, v20;
	vm2 =	vgt.f32 v17, v16  }
0x37d: {  	[tilespmem:$0x1EF30] =	vst v20;
	v20 =	vimm.s32 $0x0;
	v16 =	vsel vm2, v17, v16;
	v17 =	vld [tilespmem:$0x1970]  }
0x37e: {  	v20 =	vsel vm2, $0xFFFFFFFF, v20;
	vm2 =	vgt.f32 v18, v16  }
0x37f: {  	[tilespmem:$0x1EF40] =	vst v20;
	v20 =	vimm.s32 $0x0;
	v16 =	vsel vm2, v18, v16;
	v18 =	vld [tilespmem:$0x1980]  }
0x380: {  	v20 =	vsel vm2, $0xFFFFFFFF, v20;
	vm2 =	vgt.f32 v19, v16  }
0x381: {  	v16 =	vsel vm2, v19, v16;
	v19 =	vld [tilespmem:$0x1990]  }
0x382: {  	vm6 =	vgt.f32 v17, v16  }
0x383: {  	v16 =	vsel vm6, v17, v16;
	v17 =	vld [tilespmem:$0x19A0]  }
0x384: {  	vm7 =	vgt.f32 v18, v16  }
0x385: {  	v16 =	vsel vm7, v18, v16;
	v18 =	vld [tilespmem:$0x19B0]  }
0x386: {  	vm8 =	vgt.f32 v19, v16  }
0x387: {  	v16 =	vsel vm8, v19, v16;
	v19 =	vld [tilespmem:$0x19C0]  }
0x388: {  	vm9 =	vgt.f32 v17, v16  }
0x389: {  	v16 =	vsel vm9, v17, v16;
	v17 =	vld [tilespmem:$0x19D0]  }
0x38a: {  	vm10 =	vgt.f32 v18, v16  }
0x38b: {  	v16 =	vsel vm10, v18, v16;
	v18 =	vld [tilespmem:$0x19E0]  }
0x38c: {  	vm11 =	vgt.f32 v19, v16  }
0x38d: {  	v16 =	vsel vm11, v19, v16;
	v19 =	vld [tilespmem:$0x19F0]  }
0x38e: {  	vm12 =	vgt.f32 v17, v16  }
0x38f: {  	v16 =	vsel vm12, v17, v16;
	v17 =	vld [tilespmem:$0x1A00]  }
0x390: {  	vm13 =	vgt.f32 v18, v16  }
0x391: {  	v16 =	vsel vm13, v18, v16;
	v18 =	vld [tilespmem:$0x1A10]  }
0x392: {  	vm14 =	vgt.f32 v19, v16  }
0x393: {  	v16 =	vsel vm14, v19, v16;
	v19 =	vld [tilespmem:$0x1A20]  }
0x394: {  	v21 =	vld [tilespmem:$0x1EF30];
	vm15 =	vgt.f32 v17, v16  }
0x395: {  	v16 =	vsel vm15, v17, v16;
	v17 =	vld [tilespmem:$0x1A30]  }
0x396: {  	v40 =	vld [tilespmem:$0x1EF40];
	vm4 =	vgt.f32 v18, v16  }
0x397: {  	[tilespmem:$0x1EF50] =	vst v20;
	v20 =	vimm.s32 $0x0;
	v16 =	vsel vm4, v18, v16;
	v18 =	vld [tilespmem:$0x1A40]  }
0x398: {  	v20 =	vsel vm2, $0xFFFFFFFF, v20;
	v41 =	vld [tilespmem:$0x1EF50];
	vm3 =	vgt.f32 v19, v16  }
0x399: {  	[tilespmem:$0x1EF60] =	vst v20;
	v16 =	vsel vm3, v19, v16;
	v19 =	vld [tilespmem:$0x1A50]  }
0x39a: {  	v42 =	vld [tilespmem:$0x1EF60];
	vm2 =	vgt.f32 v17, v16  }
0x39b: {  	v20 =	vsel vm0, $0x1, v1;
	v16 =	vsel vm2, v17, v16;
	v17 =	vld [tilespmem:$0x1A60]  }
0x39c: {  	vm5 =	vnez.u8 v21;
	v20 =	vsel vm1, $0x2, v20;
	vm1 =	vgt.f32 v18, v16  }
0x39d: {  	v20 =	vsel vm5, $0x3, v20;
	vm5 =	vnez.u8 v40;
	v16 =	vsel vm1, v18, v16;
	v18 =	vld [tilespmem:$0x1A70]  }
0x39e: {  	v20 =	vsel vm5, $0x4, v20;
	vm5 =	vnez.u8 v41;
	vm0 =	vgt.f32 v19, v16  }
0x39f: {  	v20 =	vsel vm5, $0x5, v20;
	vm5 =	vnez.u8 v42;
	v16 =	vsel vm0, v19, v16;
	v19 =	vld [tilespmem:$0x1A80]  }
0x3a0: {  	v20 =	vsel vm5, $0x6, v20;
	vm5 =	vgt.f32 v17, v16  }
0x3a1: {  	v20 =	vsel vm6, $0x7, v20;
	v16 =	vsel vm5, v17, v16  }
0x3a2: {  	v17 =	vsel vm7, $0x8, v20;
	vm6 =	vgt.f32 v18, v16  }
0x3a3: {  	v17 =	vsel vm8, $0x9, v17;
	v16 =	vsel vm6, v18, v16  }
0x3a4: {  	v17 =	vsel vm9, $0xA, v17;
	vm9 =	vgt.f32 v19, v16  }
0x3a5: {  	v17 =	vsel vm10, $0xB, v17;
	v18 =	vsel vm9, v19, v16  }
0x3a6: {  	v16 =	vsel vm11, $0xC, v17;
	v17 =	vperm.xlane v18, v2  }
0x3a7: {  	v16 =	vsel vm12, $0xD, v16  }
0x3a8: {  	v16 =	vsel vm13, $0xE, v16;
	v17 =	vmax.f32 v18, v17  }
0x3a9: {  	v16 =	vsel vm14, $0xF, v16;
	v19 =	vperm.xlane v17, v3  }
0x3aa: {  	v16 =	vsel vm15, $0x10, v16  }
0x3ab: {  	v16 =	vsel vm4, $0x11, v16;
	v17 =	vmax.f32 v17, v19  }
0x3ac: {  	v16 =	vsel vm3, $0x12, v16;
	v19 =	vperm.xlane v17, v4  }
0x3ad: {  	v16 =	vsel vm2, $0x13, v16  }
0x3ae: {  	v16 =	vsel vm1, $0x14, v16;
	v17 =	vmax.f32 v17, v19  }
0x3af: {  	v16 =	vsel vm0, $0x15, v16;
	v19 =	vperm.xlane v17, v5  }
0x3b0: {  	v16 =	vsel vm5, $0x16, v16  }
0x3b1: {  	v22 =	vsel vm6, $0x17, v16;
	v16 =	vmax.f32 v17, v19  }
0x3b2: {  	s13 =	smov.u32 s10;
	v17 =	vsel vm9, $0x18, v22;
	vm4 =	veq.f32 v18, v16  }
0x3b3: {  	s26 =	sadd.s32 $0xFFFFFFD0, s13;
	v20 =	vmov s13;
	v19 =	vnsel vm4, $0x40000000, v17  }
0x3b4: {  	v43 =	vmov s26;
	vm1 =	veq.s32 v20, v7;
	v20 =	vperm.xlane v19, v2  }
0x3b5: {  	vm0 =	veq.s32 v43, v7  }
0x3b6: {  	p2 =	sgt.u32 s13, $0x2F;
	v18 =	vsel vm0, v16, v9;
	vm5 =	vlt.s32 v19, v20  }
0x3b7: {  	v9 =	vpsel p2, v18, v9;
	v18 =	vsel vm5, v19, v20  }
0x3b8: {  	v19 =	vperm.xlane v18, v3;
	_ =	sdelay $0x1  }
0x3b9: {  	vm2 =	vlt.s32 v18, v19  }
0x3ba: {  	v18 =	vsel vm2, v18, v19  }
0x3bb: {  	v19 =	vperm.xlane v18, v4;
	_ =	sdelay $0x1  }
0x3bc: {  	vm2 =	vlt.s32 v18, v19  }
0x3bd: {  	v18 =	vsel vm2, v18, v19  }
0x3be: {  	v19 =	vperm.xlane v18, v5;
	_ =	sdelay $0x1  }
0x3bf: {  	vm2 =	vlt.s32 v18, v19  }
0x3c0: {  	v18 =	vsel vm2, v18, v19  }
0x3c1: {  	(v2sf) =	vpush v18, $0x0;
	_ =	sdelay $0xe  }
0x3c2: {  	s29 =	spop (v2sf)  }
0x3c3: {  	s30 =	sshll.u32 s29, $0x8  }
0x3c4: {  	v19 =	vld [tilespmem:s30+$0xF0]  }
0x3c5: {  	v20 =	vld [tilespmem:s30+$0xE0]  }
0x3c6: {  	v45 =	vld [tilespmem:s30+$0xD0]  }
0x3c7: {  	v46 =	vld [tilespmem:s30+$0xC0]  }
0x3c8: {  	v23 =	vld [tilespmem:s30+$0xB0]  }
0x3c9: {  	v24 =	vld [tilespmem:s30+$0xA0];
	vm6 =	veq.f32 v19, v16  }
0x3ca: {  	v19 =	vld [tilespmem:s30+$0x90];
	vm7 =	veq.f32 v20, v16;
	v20 =	vsel vm6, $0xF, v6  }
0x3cb: {  	v25 =	vld [tilespmem:s30+$0x80];
	vm8 =	veq.f32 v45, v16;
	v20 =	vsel vm7, $0xE, v20  }
0x3cc: {  	v47 =	vld [tilespmem:s30+$0x70];
	vm9 =	veq.f32 v46, v16;
	v20 =	vsel vm8, $0xD, v20  }
0x3cd: {  	v48 =	vld [tilespmem:s30+$0x60];
	vm10 =	veq.f32 v23, v16;
	v20 =	vsel vm9, $0xC, v20  }
0x3ce: {  	v49 =	vld [tilespmem:s30+$0x50];
	vm11 =	veq.f32 v24, v16;
	v20 =	vsel vm10, $0xB, v20  }
0x3cf: {  	v50 =	vld [tilespmem:s30+$0x40];
	vm12 =	veq.f32 v19, v16;
	v19 =	vsel vm11, $0xA, v20  }
0x3d0: {  	vm13 =	veq.f32 v25, v16;
	v20 =	vld [tilespmem:s30+$0x30];
	v19 =	vsel vm12, $0x9, v19  }
0x3d1: {  	v51 =	vld [tilespmem:s30+$0x20];
	vm14 =	veq.f32 v47, v16;
	v19 =	vsel vm13, $0x8, v19  }
0x3d2: {  	v52 =	vld [tilespmem:s30+$0x10];
	vm15 =	veq.f32 v48, v16;
	v19 =	vsel vm14, $0x7, v19  }
0x3d3: {  	v53 =	vld [tilespmem:s30+$0x0];
	vm6 =	veq.f32 v49, v16;
	v19 =	vsel vm15, $0x6, v19  }
0x3d4: {  	vm7 =	veq.f32 v50, v16;
	v19 =	vsel vm6, $0x5, v19  }
0x3d5: {  	vm8 =	veq.f32 v20, v16;
	v19 =	vsel vm7, $0x4, v19  }
0x3d6: {  	vm9 =	veq.f32 v51, v16;
	v19 =	vsel vm8, $0x3, v19  }
0x3d7: {  	vm10 =	veq.f32 v52, v16;
	v19 =	vsel vm9, $0x2, v19  }
0x3d8: {  	vm11 =	veq.f32 v53, v16;
	v19 =	vsel vm10, $0x1, v19  }
0x3d9: {  	v19 =	vsel vm11, $0x0, v19  }
0x3da: {  	v20 =	vperm.xlane v19, v2;
	_ =	sdelay $0x1  }
0x3db: {  	vm12 =	vlt.s32 v19, v20  }
0x3dc: {  	v19 =	vsel vm12, v19, v20  }
0x3dd: {  	v20 =	vperm.xlane v19, v3;
	_ =	sdelay $0x1  }
0x3de: {  	vm2 =	vlt.s32 v19, v20  }
0x3df: {  	v19 =	vsel vm2, v19, v20  }
0x3e0: {  	v20 =	vperm.xlane v19, v4;
	_ =	sdelay $0x1  }
0x3e1: {  	vm2 =	vlt.s32 v19, v20  }
0x3e2: {  	v19 =	vsel vm2, v19, v20  }
0x3e3: {  	v20 =	vperm.xlane v19, v5;
	_ =	sdelay $0x1  }
0x3e4: {  	vm2 =	vlt.s32 v19, v20  }
0x3e5: {  	v19 =	vsel vm2, v19, v20  }
0x3e6: {  	(v2sf) =	vpush v19, $0x0;
	_ =	sdelay $0xe  }
0x3e7: {  	s14 =	sadd.s32 $0xFFFFFFF0, s13;
	s31 =	spop (v2sf)  }
0x3e8: {  	v17 =	vmov s14;
	s14 =	sshll.u32 s31, $0x4  }
0x3e9: {  	s15 =	sadd.s32 s30, s14  }
0x3ea: {  	s14 =	sand.u32 $0x70, s14;
	s15 =	sand.u32 $0xFFFFFF80, s15  }
0x3eb: {  	s14 =	sor.u32 s14, s15  }
0x3ec: {  	v20 =	vld [tilespmem:s14+$0x0];
	_ =	sdelay $0x4  }
0x3ed: {  	vm13 =	veq.f32 v20, v16  }
0x3ee: {  	v54 =	vnsel vm13, $0x40000000, v7  }
0x3ef: {  	v55 =	vperm.xlane v54, v2;
	_ =	sdelay $0x1  }
0x3f0: {  	vm2 =	vlt.s32 v54, v55  }
0x3f1: {  	v21 =	vsel vm2, v54, v55  }
0x3f2: {  	v22 =	vperm.xlane v21, v3;
	_ =	sdelay $0x1  }
0x3f3: {  	vm2 =	vlt.s32 v21, v22  }
0x3f4: {  	v21 =	vsel vm2, v21, v22  }
0x3f5: {  	v22 =	vperm.xlane v21, v4;
	_ =	sdelay $0x1  }
0x3f6: {  	vm2 =	vlt.s32 v21, v22  }
0x3f7: {  	v21 =	vsel vm2, v21, v22  }
0x3f8: {  	v22 =	vperm.xlane v21, v5;
	_ =	sdelay $0x1  }
0x3f9: {  	vm2 =	vlt.s32 v21, v22  }
0x3fa: {  	v21 =	vsel vm2, v21, v22  }
0x3fb: {  	v18 =	vshll.u32 v18, $0x8;
	vm2 =	veq.s32 v21, v7;
	v21 =	vadd.s32 v8, v21  }
0x3fc: {  	v19 =	vshll.u32 v19, $0x4;
	v20 =	vsel vm2, $0xFF800000, v20;
	v18 =	vadd.s32 v18, v21  }
0x3fd: {  	s12 =	sadd.s32 $0xFFFFFFE0, s13;
	[tilespmem:s14+$0x0] =	vst v20;
	v18 =	vadd.s32 v19, v18  }
0x3fe: {  	p4 =	slt.u32 s13, $0x10;
	v56 =	vmov s12;
	v19 =	vsel vm1, v18, v12;
	v58 =	vld [tilespmem:s30+$0x0]  }
0x3ff: {  	s28 =	sand.u32 $0x30, s13;
	vm14 =	veq.s32 v17, v7;
	vm15 =	veq.s32 v56, v7;
	v12 =	vpsel p4, v19, v12;
	v19 =	vld [tilespmem:s30+$0x10]  }
0x400: {  	p1 =	seq.s32 s28, $0x10;
	v17 =	vld [tilespmem:s30+$0x20];
	v20 =	vsel vm14, v18, v11;
	v57 =	vsel vm15, v18, v14;
	v18 =	vsel vm0, v18, v13  }
0x401: {  	p3 =	seq.s32 s28, $0x20;
	v11 =	vpsel p1, v20, v11;
	v20 =	vsel vm15, v16, v15;
	v13 =	vpsel p2, v18, v13;
	v18 =	vld [tilespmem:s30+$0x30]  }
0x402: {  	v44 =	vsel vm1, v16, v10;
	v16 =	vsel vm14, v16, v0;
	v15 =	vpsel p3, v20, v15;
	v20 =	vld [tilespmem:s30+$0x40]  }
0x403: {  	v0 =	vpsel p1, v16, v0;
	v16 =	vld [tilespmem:s30+$0x50]  }
0x404: {  	v59 =	vld [tilespmem:s30+$0x60];
	v19 =	vmax.f32 v58, v19  }
0x405: {  	v60 =	vld [tilespmem:s30+$0x70];
	v17 =	vmax.f32 v19, v17  }
0x406: {  	v19 =	vld [tilespmem:s30+$0x80];
	v17 =	vmax.f32 v17, v18  }
0x407: {  	v18 =	vld [tilespmem:s30+$0x90];
	v17 =	vmax.f32 v17, v20  }
0x408: {  	v20 =	vld [tilespmem:s30+$0xA0];
	v16 =	vmax.f32 v17, v16  }
0x409: {  	v61 =	vld [tilespmem:s30+$0xB0];
	v16 =	vmax.f32 v16, v59  }
0x40a: {  	v62 =	vld [tilespmem:s30+$0xC0];
	v16 =	vmax.f32 v16, v60  }
0x40b: {  	p0 =	sne.s32 s10, $0x3F;
	v63 =	vld [tilespmem:s30+$0xD0];
	v17 =	vmax.f32 v16, v19  }
.Ltmp0:
0x40c: {  	v18 =	vmax.f32 v17, v18;
	(pc) =	sbr.rel @p0 .LBB2_1-.Ltmp0, $4  }
0x40d: {  	v18 =	vmax.f32 v18, v20  }
0x40e: {  	v18 =	vmax.f32 v18, v61  }
0x40f: {  	s11 =	sshll.u32 s29, $0x6;
	v16 =	vld [tilespmem:s30+$0xE0];
	v18 =	vmax.f32 v18, v62  }
0x410: {  	s10 =	sadd.s32 $0x1, s10;
	v10 =	vpsel p4, v44, v10;
	s11 =	sshra.s32 s11, $0x2;
	v14 =	vpsel p3, v57, v14;
	v17 =	vld [tilespmem:s30+$0xF0];
	v18 =	vmax.f32 v18, v63  }
0x411: {  	_ =	sdelay $0x2  }
0x412: {  	v1 =	vmax.f32 v18, v16  }
0x413: {  	v1 =	vmax.f32 v1, v17  }
0x414: {  	[tilespmem:s11+$0x1900] =	vst v1  }
0x415: {  	[tilespmem:$0x1B00] =	vst v10  }
0x416: {  	[tilespmem:$0x1B80] =	vst v12  }
0x417: {  	[tilespmem:$0x1B10] =	vst v0  }
0x418: {  	[tilespmem:$0x1B90] =	vst v11  }
0x419: {  	[tilespmem:$0x1B20] =	vst v15  }
0x41a: {  	[tilespmem:$0x1BA0] =	vst v14  }
0x41b: {  	[tilespmem:$0x1B30] =	vst v9  }
0x41c: {  	s10 =	simm.s32 $0x1B00;
	[tilespmem:$0x1BB0] =	vst v13  }
0x41d: {  	[spmem:s8] =	stream.linear.scatter [tilespmem:s10], [sflag:$0x1], $0x40, $0x38;
	[tilespmem:$0x2700] =	vst v63  }
0x41e: {  	s8 =	simm.s32 $0x1  }
0x41f: {  	_ =	swait.ge [sflag:s8], $0x40  }
0x420: {  	[sflag:s8] =	ssyncset.done $0x0  }
0x421: {  	s31 =	simm.s32 $0x1B80;
	[sflag:s8] =	ssyncadd.s32 $0xFFFFFFC0  }
0x422: {  	[spmem:s9] =	stream.linear.scatter [tilespmem:s31], [sflag:$0x1], $0x40, $0x38;
	[tilespmem:$0x2700] =	vst v63  }
0x423: {  	_ =	swait.ge [sflag:s8], $0x40  }
0x424: {  	[sflag:s8] =	ssyncset.done $0x0  }
0x425: {  	[sflag:s8] =	ssyncadd.s32 $0xFFFFFFC0  }
0x426: {  	p0 =	sne.s32 s5, $0x0;
	[bflag:$0x0] =	sbarrier.arrive $0xFFFF  }
0x427: {  	_ =	sfence.sel @p0 $0x180000  }
0x428: {  	[bflag:$0x0] =	sbarrier.arrive @p0 $0xFFFF  }
0x429: {  	_ =	strace @p0 $0x90000047  }
0x42a: {  	[bflag:$0x2] =	sbarrier.arrive @p0 $0xFFFF  }
0x42b: {  	_ =	shalt @p0  }
.LBB2_3:
0x42c: {  	s5 =	simm.s32 $0x1C00  }
0x42d: {  	[tilespmem:s5], [sflag:$0x1] =	stream.linear.gather [spmem:s4], $0x400, $0x38;
	[tilespmem:$0x2700] =	vst v63  }
0x42e: {  	_ =	swait.ge [sflag:s8], $0x400  }
0x42f: {  	[sflag:s8] =	ssyncset.done $0x0  }
0x430: {  	s20 =	simm.s32 $0x2000;
	[sflag:s8] =	ssyncadd.s32 $0xFFFFFC00  }
0x431: {  	[tilespmem:s20], [sflag:$0x1] =	stream.linear.gather [spmem:s3], $0x400, $0x38;
	[tilespmem:$0x2700] =	vst v63  }
0x432: {  	_ =	swait.ge [sflag:s8], $0x400  }
0x433: {  	[sflag:s8] =	ssyncset.done $0x0  }
0x434: {  	s21 =	simm.s32 $0x0;
	s22 =	simm.s32 $0x2580;
	[sflag:s8] =	ssyncadd.s32 $0xFFFFFC00  }
0x435: {  	[tilespmem:s22], [sflag:$0x1] =	stream.linear.gather [hbm4b:s7+s21], $0x80, $0x38;
	[tilespmem:$0x2700] =	vst v63  }
0x436: {  	_ =	swait.ge [sflag:s8], $0x80  }
0x437: {  	[sflag:s8] =	ssyncset.done $0x0  }
0x438: {  	s23 =	simm.s32 $0x2600;
	[sflag:s8] =	ssyncadd.s32 $0xFFFFFF80  }
0x439: {  	[tilespmem:s23], [sflag:$0x1] =	stream.linear.gather [hbm4b:s6+s21], $0x80, $0x38;
	[tilespmem:$0x2700] =	vst v63  }
0x43a: {  	_ =	swait.ge [sflag:s8], $0x80  }
0x43b: {  	[sflag:s8] =	ssyncset.done $0x0  }
0x43c: {  	[sflag:s8] =	ssyncadd.s32 $0xFFFFFF80  }
0x43d: {  	v0 =	vld [tilespmem:$0x1C00]  }
0x43e: {  	v1 =	vld [tilespmem:$0x1C10]  }
0x43f: {  	v2 =	vld [tilespmem:$0x1C20]  }
0x440: {  	v3 =	vld [tilespmem:$0x1C30]  }
0x441: {  	v4 =	vld [tilespmem:$0x1C40]  }
0x442: {  	v5 =	vld [tilespmem:$0x1C50]  }
0x443: {  	v6 =	vld [tilespmem:$0x1C60]  }
0x444: {  	v7 =	vld [tilespmem:$0x1C70]  }
0x445: {  	v8 =	vld [tilespmem:$0x1C80]  }
0x446: {  	v9 =	vld [tilespmem:$0x1C90]  }
0x447: {  	v10 =	vld [tilespmem:$0x1CA0]  }
0x448: {  	v11 =	vld [tilespmem:$0x1CB0]  }
0x449: {  	v12 =	vld [tilespmem:$0x1CC0]  }
0x44a: {  	v13 =	vld [tilespmem:$0x1CD0]  }
0x44b: {  	v14 =	vld [tilespmem:$0x1CE0]  }
0x44c: {  	v15 =	vld [tilespmem:$0x1CF0]  }
0x44d: {  	v16 =	vld [tilespmem:$0x1D00]  }
0x44e: {  	v17 =	vld [tilespmem:$0x1D10]  }
0x44f: {  	v18 =	vld [tilespmem:$0x1D20]  }
0x450: {  	v19 =	vld [tilespmem:$0x1D30]  }
0x451: {  	v20 =	vld [tilespmem:$0x1D40]  }
0x452: {  	v21 =	vld [tilespmem:$0x1D50]  }
0x453: {  	v22 =	vld [tilespmem:$0x1D60]  }
0x454: {  	v23 =	vld [tilespmem:$0x1D70]  }
0x455: {  	v24 =	vld [tilespmem:$0x1D80]  }
0x456: {  	v25 =	vld [tilespmem:$0x1D90]  }
0x457: {  	v26 =	vld [tilespmem:$0x1DA0]  }
0x458: {  	v27 =	vld [tilespmem:$0x1DB0]  }
0x459: {  	v28 =	vld [tilespmem:$0x1DC0]  }
0x45a: {  	v29 =	vld [tilespmem:$0x1DD0]  }
0x45b: {  	v30 =	vld [tilespmem:$0x1DE0]  }
0x45c: {  	v31 =	vld [tilespmem:$0x1DF0]  }
0x45d: {  	v32 =	vld [tilespmem:$0x1E00]  }
0x45e: {  	v33 =	vld [tilespmem:$0x1E10]  }
0x45f: {  	v34 =	vld [tilespmem:$0x1E20]  }
0x460: {  	v35 =	vld [tilespmem:$0x1E30]  }
0x461: {  	v36 =	vld [tilespmem:$0x1E40]  }
0x462: {  	v37 =	vld [tilespmem:$0x1E50]  }
0x463: {  	v38 =	vld [tilespmem:$0x1E60]  }
0x464: {  	v0 =	vmax.f32 v0, v1;
	v1 =	vld [tilespmem:$0x1E70]  }
0x465: {  	v0 =	vmax.f32 v0, v2;
	v2 =	vld [tilespmem:$0x1E80]  }
0x466: {  	v0 =	vmax.f32 v0, v3;
	v3 =	vld [tilespmem:$0x1E90]  }
0x467: {  	v0 =	vmax.f32 v0, v4;
	v4 =	vld [tilespmem:$0x1EA0]  }
0x468: {  	v0 =	vmax.f32 v0, v5;
	v5 =	vld [tilespmem:$0x1EB0]  }
0x469: {  	v0 =	vmax.f32 v0, v6;
	v6 =	vld [tilespmem:$0x1EC0]  }
0x46a: {  	v0 =	vmax.f32 v0, v7;
	v7 =	vld [tilespmem:$0x1ED0]  }
0x46b: {  	v0 =	vmax.f32 v0, v8;
	v8 =	vld [tilespmem:$0x1EE0]  }
0x46c: {  	v0 =	vmax.f32 v0, v9;
	v9 =	vld [tilespmem:$0x1EF0]  }
0x46d: {  	v0 =	vmax.f32 v0, v10;
	v10 =	vld [tilespmem:$0x1F00]  }
0x46e: {  	v0 =	vmax.f32 v0, v11;
	v11 =	vld [tilespmem:$0x1F10]  }
0x46f: {  	v0 =	vmax.f32 v0, v12;
	v12 =	vmax.f32 v16, v17;
	v16 =	vld [tilespmem:$0x1F20]  }
0x470: {  	v0 =	vmax.f32 v0, v13;
	v12 =	vmax.f32 v12, v18;
	v13 =	vld [tilespmem:$0x1F30]  }
0x471: {  	v17 =	vld [tilespmem:$0x1F40];
	v0 =	vmax.f32 v0, v14;
	v12 =	vmax.f32 v12, v19;
	v14 =	vmax.f32 v32, v33  }
0x472: {  	v0 =	vmax.f32 v0, v15;
	v12 =	vmax.f32 v12, v20;
	v14 =	vmax.f32 v14, v34;
	v15 =	vld [tilespmem:$0x1F50]  }
0x473: {  	v12 =	vmax.f32 v12, v21;
	v14 =	vmax.f32 v14, v35;
	v10 =	vmax.f32 v10, v11;
	v11 =	vld [tilespmem:$0x1F60]  }
0x474: {  	v12 =	vmax.f32 v12, v22;
	v14 =	vmax.f32 v14, v36;
	v10 =	vmax.f32 v10, v16;
	v16 =	vld [tilespmem:$0x1F70]  }
0x475: {  	v12 =	vmax.f32 v12, v23;
	v14 =	vmax.f32 v14, v37;
	v10 =	vmax.f32 v10, v13;
	v13 =	vld [tilespmem:$0x1F80]  }
0x476: {  	v12 =	vmax.f32 v12, v24;
	v14 =	vmax.f32 v14, v38;
	v10 =	vmax.f32 v10, v17;
	v17 =	vld [tilespmem:$0x1F90]  }
0x477: {  	v12 =	vmax.f32 v12, v25;
	v1 =	vmax.f32 v14, v1;
	v10 =	vmax.f32 v10, v15;
	v14 =	vld [tilespmem:$0x1FA0]  }
0x478: {  	v12 =	vmax.f32 v12, v26;
	v1 =	vmax.f32 v1, v2;
	v2 =	vmax.f32 v10, v11;
	v10 =	vld [tilespmem:$0x1FB0]  }
0x479: {  	v11 =	vmax.f32 v12, v27;
	v1 =	vmax.f32 v1, v3;
	v2 =	vmax.f32 v2, v16;
	v3 =	vld [tilespmem:$0x1FC0]  }
0x47a: {  	v11 =	vmax.f32 v11, v28;
	v1 =	vmax.f32 v1, v4;
	v2 =	vmax.f32 v2, v13;
	v4 =	vld [tilespmem:$0x1FD0]  }
0x47b: {  	v11 =	vmax.f32 v11, v29;
	v1 =	vmax.f32 v1, v5;
	v2 =	vmax.f32 v2, v17;
	v5 =	vld [tilespmem:$0x1FE0]  }
0x47c: {  	[tilespmem:$0x2400] =	vst v0;
	v0 =	vmax.f32 v11, v30;
	v1 =	vmax.f32 v1, v6;
	v2 =	vmax.f32 v2, v14;
	v6 =	vld [tilespmem:$0x1FF0]  }
0x47d: {  	v0 =	vmax.f32 v0, v31;
	v1 =	vmax.f32 v1, v7;
	v2 =	vmax.f32 v2, v10;
	v7 =	vld [tilespmem:$0x2400]  }
0x47e: {  	[tilespmem:$0x2410] =	vst v0;
	v0 =	vmax.f32 v1, v8;
	v1 =	vmax.f32 v2, v3  }
0x47f: {  	v2 =	vimm.s32 $0xFEDCBA98;
	v0 =	vmax.f32 v0, v9;
	v1 =	vmax.f32 v1, v4;
	v3 =	vld [tilespmem:$0x2410]  }
0x480: {  	v2 =	vunpack.c.l.s4.s8 v2;
	[tilespmem:$0x2420] =	vst v0;
	v0 =	vmax.f32 v1, v5;
	v1 =	vimm.s32 $0x76543210  }
0x481: {  	v5 =	vimm.s32 $0x32107654;
	v0 =	vmax.f32 v0, v6;
	v1 =	vunpack.c.l.s4.s8 v1;
	v4 =	vld [tilespmem:$0x2420]  }
0x482: {  	v2 =	vunpack.c.0.s8.s32 v2;
	[tilespmem:$0x2430] =	vst v0;
	v0 =	vimm.s32 $0xBA98FEDC;
	vm0 =	vgt.f32 v7, $-Inf  }
0x483: {  	v5 =	vunpack.c.l.s4.s8 v5;
	v0 =	vunpack.c.l.s4.s8 v0;
	v6 =	vnsel vm0, $0xFF800000, v7;
	v7 =	vld [tilespmem:$0x2430]  }
0x484: {  	v1 =	vunpack.c.0.s8.s32 v1;
	v2 =	vand.u32 $0xF, v2;
	vm0 =	vgt.f32 v3, v6  }
0x485: {  	v5 =	vunpack.c.0.s8.s32 v5;
	v0 =	vunpack.c.0.s8.s32 v0;
	v6 =	vsel vm0, v3, v6  }
0x486: {  	v3 =	vcombine.low v2, v1;
	vm1 =	vgt.f32 v4, v6  }
0x487: {  	v1 =	vimm.s32 $0xDCFE98BA;
	v0 =	vcombine.low v5, v0;
	v2 =	vsel vm1, v4, v6  }
0x488: {  	v4 =	vunpack.c.l.s4.s8 v1;
	v1 =	vimm.s32 $0x54761032;
	vm2 =	vgt.f32 v7, v2  }
0x489: {  	v5 =	vunpack.c.l.s4.s8 v1;
	v6 =	vsel vm2, v7, v2  }
0x48a: {  	v1 =	vand.u32 $0xF, v0;
	v0 =	vunpack.c.0.s8.s32 v4;
	v2 =	vperm.xlane v6, v3  }
0x48b: {  	v7 =	vimm.s32 $0x67452301;
	v4 =	vunpack.c.0.s8.s32 v5;
	v5 =	vimm.s32 $0xEFCDAB89  }
0x48c: {  	v7 =	vunpack.c.l.s4.s8 v7;
	v5 =	vunpack.c.l.s4.s8 v5;
	v8 =	vmax.f32 v6, v2  }
0x48d: {  	v0 =	vcombine.low v4, v0;
	v4 =	vperm.xlane v8, v1  }
0x48e: {  	v7 =	vunpack.c.0.s8.s32 v7;
	v5 =	vunpack.c.0.s8.s32 v5  }
0x48f: {  	v2 =	vand.u32 $0xF, v0;
	v4 =	vmax.f32 v8, v4  }
0x490: {  	v0 =	vcombine.low v7, v5;
	v5 =	vperm.xlane v4, v2;
	_ =	sdelay $0x1  }
0x491: {  	v0 =	vand.u32 $0xF, v0;
	v4 =	vmax.f32 v4, v5  }
0x492: {  	v11 =	vimm.s32 $0x0;
	v5 =	vperm.xlane v4, v0  }
0x493: {  	v7 =	vsel vm0, $0x1, v11  }
0x494: {  	v7 =	vsel vm1, $0x2, v7;
	v4 =	vmax.f32 v4, v5  }
0x495: {  	v5 =	vsel vm2, $0x3, v7;
	vm0 =	veq.f32 v6, v4  }
0x496: {  	v5 =	vnsel vm0, $0x40000000, v5  }
0x497: {  	v6 =	vperm.xlane v5, v3;
	_ =	sdelay $0x1  }
0x498: {  	vm0 =	vlt.s32 v5, v6  }
0x499: {  	v5 =	vsel vm0, v5, v6  }
0x49a: {  	v6 =	vperm.xlane v5, v1;
	_ =	sdelay $0x1  }
0x49b: {  	vm0 =	vlt.s32 v5, v6  }
0x49c: {  	v5 =	vsel vm0, v5, v6  }
0x49d: {  	v6 =	vperm.xlane v5, v2;
	_ =	sdelay $0x1  }
0x49e: {  	vm0 =	vlt.s32 v5, v6  }
0x49f: {  	v5 =	vsel vm0, v5, v6  }
0x4a0: {  	v6 =	vperm.xlane v5, v0;
	_ =	sdelay $0x1  }
0x4a1: {  	vm0 =	vlt.s32 v5, v6  }
0x4a2: {  	v5 =	vsel vm0, v5, v6  }
0x4a3: {  	(v2sf) =	vpush v5, $0x0;
	_ =	sdelay $0xe  }
0x4a4: {  	s24 =	spop (v2sf)  }
0x4a5: {  	s25 =	sshll.u32 s24, $0x8  }
0x4a6: {  	v5 =	vld [tilespmem:s25+$0x1CF0]  }
0x4a7: {  	v6 =	vld [tilespmem:s25+$0x1CE0]  }
0x4a8: {  	v7 =	vld [tilespmem:s25+$0x1CD0]  }
0x4a9: {  	v8 =	vld [tilespmem:s25+$0x1CC0]  }
0x4aa: {  	v10 =	vld [tilespmem:s25+$0x1CB0]  }
0x4ab: {  	v9 =	vimm.s32 $0x40000000;
	v12 =	vld [tilespmem:s25+$0x1CA0];
	vm0 =	veq.f32 v5, v4  }
0x4ac: {  	v5 =	vld [tilespmem:s25+$0x1C90];
	vm1 =	veq.f32 v6, v4;
	v6 =	vsel vm0, $0xF, v9  }
0x4ad: {  	v13 =	vld [tilespmem:s25+$0x1C80];
	vm0 =	veq.f32 v7, v4;
	v6 =	vsel vm1, $0xE, v6  }
0x4ae: {  	v7 =	vld [tilespmem:s25+$0x1C70];
	vm1 =	veq.f32 v8, v4;
	v6 =	vsel vm0, $0xD, v6  }
0x4af: {  	v8 =	vld [tilespmem:s25+$0x1C60];
	vm0 =	veq.f32 v10, v4;
	v6 =	vsel vm1, $0xC, v6  }
0x4b0: {  	v10 =	vld [tilespmem:s25+$0x1C50];
	vm1 =	veq.f32 v12, v4;
	v6 =	vsel vm0, $0xB, v6  }
0x4b1: {  	v12 =	vld [tilespmem:s25+$0x1C40];
	vm0 =	veq.f32 v5, v4;
	v5 =	vsel vm1, $0xA, v6  }
0x4b2: {  	v6 =	vld [tilespmem:s25+$0x1C30];
	vm1 =	veq.f32 v13, v4;
	v5 =	vsel vm0, $0x9, v5  }
0x4b3: {  	v13 =	vld [tilespmem:s25+$0x1C20];
	vm0 =	veq.f32 v7, v4;
	v5 =	vsel vm1, $0x8, v5  }
0x4b4: {  	v7 =	vld [tilespmem:s25+$0x1C10];
	vm1 =	veq.f32 v8, v4;
	v5 =	vsel vm0, $0x7, v5  }
0x4b5: {  	v8 =	vld [tilespmem:s25+$0x1C00];
	vm0 =	veq.f32 v10, v4;
	v5 =	vsel vm1, $0x6, v5  }
0x4b6: {  	vm1 =	veq.f32 v12, v4;
	v5 =	vsel vm0, $0x5, v5  }
0x4b7: {  	vm0 =	veq.f32 v6, v4;
	v5 =	vsel vm1, $0x4, v5  }
0x4b8: {  	vm1 =	veq.f32 v13, v4;
	v5 =	vsel vm0, $0x3, v5  }
0x4b9: {  	vm0 =	veq.f32 v7, v4;
	v5 =	vsel vm1, $0x2, v5  }
0x4ba: {  	vm1 =	veq.f32 v8, v4;
	v5 =	vsel vm0, $0x1, v5  }
0x4bb: {  	v5 =	vsel vm1, $0x0, v5  }
0x4bc: {  	v6 =	vperm.xlane v5, v3;
	_ =	sdelay $0x1  }
0x4bd: {  	vm0 =	vlt.s32 v5, v6  }
0x4be: {  	v5 =	vsel vm0, v5, v6  }
0x4bf: {  	v6 =	vperm.xlane v5, v1;
	_ =	sdelay $0x1  }
0x4c0: {  	vm0 =	vlt.s32 v5, v6  }
0x4c1: {  	v5 =	vsel vm0, v5, v6  }
0x4c2: {  	v6 =	vperm.xlane v5, v2;
	_ =	sdelay $0x1  }
0x4c3: {  	vm0 =	vlt.s32 v5, v6  }
0x4c4: {  	v5 =	vsel vm0, v5, v6  }
0x4c5: {  	v6 =	vperm.xlane v5, v0;
	_ =	sdelay $0x1  }
0x4c6: {  	vm0 =	vlt.s32 v5, v6  }
0x4c7: {  	v5 =	vsel vm0, v5, v6  }
0x4c8: {  	(v2sf) =	vpush v5, $0x0;
	_ =	sdelay $0xe  }
0x4c9: {  	s26 =	spop (v2sf)  }
0x4ca: {  	s6 =	sshll.u32 s26, $0x4  }
0x4cb: {  	s28 =	sadd.s32 s25, s6  }
0x4cc: {  	s6 =	sand.u32 $0x70, s6;
	s7 =	sand.u32 $0xFFFFFF80, s28  }
0x4cd: {  	s6 =	sor.u32 s6, s7  }
0x4ce: {  	v6 =	vld [tilespmem:s6+$0x1C00];
	_ =	sdelay $0x4  }
0x4cf: {  	v5 =	vlaneseq.u32;
	vm0 =	veq.f32 v6, v4  }
0x4d0: {  	v7 =	vnsel vm0, $0x40000000, v5  }
0x4d1: {  	v8 =	vperm.xlane v7, v3;
	_ =	sdelay $0x1  }
0x4d2: {  	vm0 =	vlt.s32 v7, v8  }
0x4d3: {  	v7 =	vsel vm0, v7, v8  }
0x4d4: {  	v8 =	vperm.xlane v7, v1;
	_ =	sdelay $0x1  }
0x4d5: {  	vm0 =	vlt.s32 v7, v8  }
0x4d6: {  	v7 =	vsel vm0, v7, v8  }
0x4d7: {  	v8 =	vperm.xlane v7, v2;
	_ =	sdelay $0x1  }
0x4d8: {  	vm0 =	vlt.s32 v7, v8  }
0x4d9: {  	v7 =	vsel vm0, v7, v8  }
0x4da: {  	v8 =	vperm.xlane v7, v0;
	_ =	sdelay $0x1  }
0x4db: {  	vm0 =	vlt.s32 v7, v8  }
0x4dc: {  	v7 =	vsel vm0, v7, v8  }
0x4dd: {  	vm0 =	veq.s32 v7, v5  }
0x4de: {  	v6 =	vsel vm0, $0xFF800000, v6  }
0x4df: {  	[tilespmem:s6+$0x1C00] =	vst v6  }
0x4e0: {  	v6 =	vld [tilespmem:s25+$0x1C00]  }
0x4e1: {  	v7 =	vld [tilespmem:s25+$0x1C10]  }
0x4e2: {  	v8 =	vld [tilespmem:s25+$0x1C20]  }
0x4e3: {  	v10 =	vld [tilespmem:s25+$0x1C30]  }
0x4e4: {  	v12 =	vld [tilespmem:s25+$0x1C40]  }
0x4e5: {  	v13 =	vld [tilespmem:s25+$0x1C50]  }
0x4e6: {  	v6 =	vmax.f32 v6, v7;
	v7 =	vld [tilespmem:s25+$0x1C60]  }
0x4e7: {  	v6 =	vmax.f32 v6, v8;
	v8 =	vld [tilespmem:s25+$0x1C70]  }
0x4e8: {  	v6 =	vmax.f32 v6, v10;
	v10 =	vld [tilespmem:s25+$0x1C80]  }
0x4e9: {  	v6 =	vmax.f32 v6, v12;
	v12 =	vld [tilespmem:s25+$0x1C90]  }
0x4ea: {  	v6 =	vmax.f32 v6, v13;
	v13 =	vld [tilespmem:s25+$0x1CA0]  }
0x4eb: {  	v6 =	vmax.f32 v6, v7;
	v7 =	vld [tilespmem:s25+$0x1CB0]  }
0x4ec: {  	v6 =	vmax.f32 v6, v8;
	v8 =	vld [tilespmem:s25+$0x1CC0]  }
0x4ed: {  	v6 =	vmax.f32 v6, v10;
	v10 =	vld [tilespmem:s25+$0x1CD0]  }
0x4ee: {  	v6 =	vmax.f32 v6, v12;
	v12 =	vld [tilespmem:s25+$0x1CE0]  }
0x4ef: {  	v6 =	vmax.f32 v6, v13;
	v13 =	vld [tilespmem:s25+$0x1CF0]  }
0x4f0: {  	v6 =	vmax.f32 v6, v7  }
0x4f1: {  	v6 =	vmax.f32 v6, v8  }
0x4f2: {  	v6 =	vmax.f32 v6, v10  }
0x4f3: {  	s4 =	sshll.u32 s24, $0x6;
	v6 =	vmax.f32 v6, v12  }
0x4f4: {  	s4 =	sshra.s32 s4, $0x2;
	v6 =	vmax.f32 v6, v13  }
0x4f5: {  	[tilespmem:s4+$0x2400] =	vst v6  }
0x4f6: {  	v6 =	vld [tilespmem:$0x2400]  }
0x4f7: {  	v7 =	vld [tilespmem:s6+$0x2000];
	_ =	sdelay $0x1  }
0x4f8: {  	v8 =	vld [tilespmem:$0x2410];
	_ =	sdelay $0x1  }
0x4f9: {  	v10 =	vld [tilespmem:$0x2420]  }
0x4fa: {  	vm1 =	vgt.f32 v6, $-Inf;
	v7 =	vnsel vm0, $0xFFFFFFFF, v7  }
0x4fb: {  	v6 =	vnsel vm1, $0xFF800000, v6;
	v12 =	vperm.xlane v7, v3  }
0x4fc: {  	v13 =	vld [tilespmem:$0x2430];
	vm2 =	vgt.f32 v8, v6  }
0x4fd: {  	v6 =	vsel vm2, v8, v6;
	vm0 =	vgt.s32 v7, v12  }
0x4fe: {  	s30 =	simm.s32 $0xFFFFFFD0;
	vm3 =	vgt.f32 v10, v6;
	v7 =	vsel vm0, v7, v12  }
0x4ff: {  	s31 =	simm.s32 $0xFFFFFFE0;
	v15 =	vmov s30;
	v6 =	vsel vm3, v10, v6;
	v10 =	vperm.xlane v7, v1  }
0x500: {  	v16 =	vmov s31;
	v8 =	vmov s21;
	v12 =	vimm.f32 $-Inf  }
0x501: {  	s29 =	simm.s32 $0xFFFFFFF0;
	vm1 =	veq.s32 v8, v5;
	vm4 =	vgt.f32 v13, v6;
	vm0 =	vgt.s32 v7, v10  }
0x502: {  	v8 =	vmov s29;
	v20 =	vsel vm4, v13, v6;
	v6 =	vsel vm0, v7, v10  }
0x503: {  	s3 =	sand.u32 $0x30, s21;
	vm0 =	veq.s32 v8, v5;
	v7 =	vperm.xlane v20, v3;
	v8 =	vsel vm1, v4, v12  }
0x504: {  	p0 =	por $0x1, $0x1;
	p2 =	seq.s32 s3, $0x10;
	vm1 =	vmmov vm1;
	v10 =	vsel vm0, v4, v12;
	v17 =	vperm.xlane v6, v2  }
0x505: {  	v14 =	vpsel p0, v8, v12;
	v7 =	vmax.f32 v20, v7;
	v13 =	vpsel p2, v10, v12  }
0x506: {  	v10 =	vsel vm2, $0x1, v11;
	v8 =	vperm.xlane v7, v1;
	vm2 =	vgt.s32 v6, v17  }
0x507: {  	v21 =	vsel vm3, $0x2, v10;
	vm3 =	veq.s32 v16, v5;
	v10 =	vimm.s32 $0x0  }
0x508: {  	p1 =	por $0x0, $0x0;
	p3 =	por $0x0, $0x0;
	v18 =	vsel vm2, v6, v17;
	vm2 =	veq.s32 v15, v5;
	v15 =	vimm.f32 $-Inf  }
0x509: {  	p1 =	por p1, p1;
	s5 =	simm.s32 $0x2;
	p3 =	por p3, p3;
	v6 =	vimm.s32 $0x0;
	v22 =	vmax.f32 v7, v8;
	v19 =	vperm.xlane v18, v0  }
0x50a: {  	p1 =	por p1, p1;
	p4 =	por p2, p2;
	s4 =	simm.s32 $0x1;
	v7 =	vimm.s32 $0x0;
	v8 =	vimm.s32 $0x0;
	v23 =	vperm.xlane v22, v2  }
.LBB2_4:
0x50b: {  	_ = 	snop  }
0x50c: {  	v16 =	vmax.f32 v22, v23  }
0x50d: {  	v23 =	vperm.xlane v16, v0  }
0x50e: {  	v22 =	vsel vm2, v4, v12;
	vm5 =	vgt.s32 v18, v19  }
0x50f: {  	v18 =	vsel vm5, v18, v19;
	v19 =	vsel vm3, v4, v15;
	v4 =	vmax.f32 v16, v23  }
0x510: {  	v21 =	vsel vm4, $0x3, v21;
	vm5 =	veq.f32 v20, v4  }
0x511: {  	v21 =	vnsel vm5, $0x40000000, v21  }
0x512: {  	v17 =	vmov s4;
	v23 =	vperm.xlane v21, v3  }
0x513: {  	vm4 =	veq.s32 v17, v5  }
0x514: {  	v12 =	vpsel p1, v22, v12;
	v17 =	vsel vm1, v18, v10;
	vm1 =	vlt.s32 v21, v23  }
0x515: {  	v10 =	vpsel p0, v17, v10;
	p0 =	slt.u32 s4, $0x10;
	v22 =	vsel vm4, v4, v14;
	v21 =	vsel vm1, v21, v23  }
0x516: {  	v14 =	vpsel p0, v22, v14;
	v22 =	vperm.xlane v21, v1  }
0x517: {  	v25 =	vsel vm3, v18, v8  }
0x518: {  	v20 =	vsel vm0, v18, v7;
	v18 =	vsel vm2, v18, v6;
	vm2 =	vlt.s32 v21, v22  }
0x519: {  	p6 =	seq.s32 s3, $0x20;
	v6 =	vpsel p1, v18, v6;
	v18 =	vsel vm2, v21, v22  }
0x51a: {  	v15 =	vpsel p6, v19, v15;
	v19 =	vperm.xlane v18, v2;
	_ =	sdelay $0x1  }
0x51b: {  	vm2 =	vlt.s32 v18, v19  }
0x51c: {  	v18 =	vsel vm2, v18, v19  }
0x51d: {  	v19 =	vperm.xlane v18, v0;
	_ =	sdelay $0x1  }
0x51e: {  	vm2 =	vlt.s32 v18, v19  }
0x51f: {  	v18 =	vsel vm2, v18, v19  }
0x520: {  	(v2sf) =	vpush v18, $0x0;
	_ =	sdelay $0xe  }
0x521: {  	s28 =	spop (v2sf)  }
0x522: {  	s29 =	sshll.u32 s28, $0x8  }
0x523: {  	v18 =	vld [tilespmem:s29+$0x1CF0]  }
0x524: {  	v19 =	vld [tilespmem:s29+$0x1CE0]  }
0x525: {  	v7 =	vpsel p4, v20, v7;
	v20 =	vld [tilespmem:s29+$0x1CD0]  }
0x526: {  	v21 =	vld [tilespmem:s29+$0x1CC0]  }
0x527: {  	v22 =	vld [tilespmem:s29+$0x1CB0]  }
0x528: {  	v23 =	vld [tilespmem:s29+$0x1CA0];
	vm2 =	veq.f32 v18, v4  }
0x529: {  	v18 =	vld [tilespmem:s29+$0x1C90];
	vm3 =	veq.f32 v19, v4;
	v19 =	vsel vm2, $0xF, v9  }
0x52a: {  	v62 =	vld [tilespmem:s29+$0x1C80];
	vm2 =	veq.f32 v20, v4;
	v19 =	vsel vm3, $0xE, v19  }
0x52b: {  	v20 =	vld [tilespmem:s29+$0x1C70];
	vm3 =	veq.f32 v21, v4;
	v19 =	vsel vm2, $0xD, v19  }
0x52c: {  	v21 =	vld [tilespmem:s29+$0x1C60];
	vm2 =	veq.f32 v22, v4;
	v19 =	vsel vm3, $0xC, v19  }
0x52d: {  	v22 =	vld [tilespmem:s29+$0x1C50];
	vm3 =	veq.f32 v23, v4;
	v19 =	vsel vm2, $0xB, v19  }
0x52e: {  	v23 =	vld [tilespmem:s29+$0x1C40];
	vm2 =	veq.f32 v18, v4;
	v18 =	vsel vm3, $0xA, v19  }
0x52f: {  	v19 =	vld [tilespmem:s29+$0x1C30];
	vm3 =	veq.f32 v62, v4;
	v18 =	vsel vm2, $0x9, v18  }
0x530: {  	v63 =	vld [tilespmem:s29+$0x1C20];
	vm2 =	veq.f32 v20, v4;
	v18 =	vsel vm3, $0x8, v18  }
0x531: {  	v20 =	vld [tilespmem:s29+$0x1C10];
	vm3 =	veq.f32 v21, v4;
	v18 =	vsel vm2, $0x7, v18  }
0x532: {  	v21 =	vld [tilespmem:s29+$0x1C00];
	vm2 =	veq.f32 v22, v4;
	v18 =	vsel vm3, $0x6, v18  }
0x533: {  	vm3 =	veq.f32 v23, v4;
	v18 =	vsel vm2, $0x5, v18  }
0x534: {  	vm2 =	veq.f32 v19, v4;
	v18 =	vsel vm3, $0x4, v18  }
0x535: {  	vm3 =	veq.f32 v63, v4;
	v18 =	vsel vm2, $0x3, v18  }
0x536: {  	vm2 =	veq.f32 v20, v4;
	v18 =	vsel vm3, $0x2, v18  }
0x537: {  	vm3 =	veq.f32 v21, v4;
	v18 =	vsel vm2, $0x1, v18  }
0x538: {  	v18 =	vsel vm3, $0x0, v18  }
0x539: {  	v19 =	vperm.xlane v18, v3;
	_ =	sdelay $0x1  }
0x53a: {  	vm2 =	vlt.s32 v18, v19  }
0x53b: {  	v18 =	vsel vm2, v18, v19  }
0x53c: {  	v19 =	vperm.xlane v18, v1;
	_ =	sdelay $0x1  }
0x53d: {  	vm2 =	vlt.s32 v18, v19  }
0x53e: {  	v18 =	vsel vm2, v18, v19  }
0x53f: {  	v19 =	vperm.xlane v18, v2;
	_ =	sdelay $0x1  }
0x540: {  	vm2 =	vlt.s32 v18, v19  }
0x541: {  	v18 =	vsel vm2, v18, v19  }
0x542: {  	v19 =	vperm.xlane v18, v0;
	_ =	sdelay $0x1  }
0x543: {  	vm2 =	vlt.s32 v18, v19  }
0x544: {  	v18 =	vsel vm2, v18, v19  }
0x545: {  	(v2sf) =	vpush v18, $0x0;
	_ =	sdelay $0xd  }
0x546: {  	s7 =	sadd.s32 $0xFFFFFFF0, s4  }
0x547: {  	s8 =	sadd.s32 $0xFFFFFFD0, s4;
	v16 =	vmov s7;
	s30 =	spop (v2sf)  }
0x548: {  	vm0 =	veq.s32 v16, v5;
	v16 =	vmov s8;
	s8 =	sshll.u32 s30, $0x4  }
0x549: {  	s9 =	sadd.s32 s29, s8  }
0x54a: {  	s8 =	sand.u32 $0x70, s8;
	s9 =	sand.u32 $0xFFFFFF80, s9  }
0x54b: {  	s8 =	sor.u32 s8, s9  }
0x54c: {  	v18 =	vld [tilespmem:s8+$0x1C00];
	_ =	sdelay $0x4  }
0x54d: {  	vm2 =	veq.f32 v18, v4  }
0x54e: {  	v19 =	vnsel vm2, $0x40000000, v5  }
0x54f: {  	v20 =	vperm.xlane v19, v3;
	_ =	sdelay $0x1  }
0x550: {  	vm2 =	vlt.s32 v19, v20  }
0x551: {  	v19 =	vsel vm2, v19, v20  }
0x552: {  	v20 =	vperm.xlane v19, v1;
	_ =	sdelay $0x1  }
0x553: {  	vm2 =	vlt.s32 v19, v20  }
0x554: {  	v19 =	vsel vm2, v19, v20  }
0x555: {  	v20 =	vperm.xlane v19, v2;
	_ =	sdelay $0x1  }
0x556: {  	vm2 =	vlt.s32 v19, v20  }
0x557: {  	v19 =	vsel vm2, v19, v20  }
0x558: {  	v20 =	vperm.xlane v19, v0;
	_ =	sdelay $0x1  }
0x559: {  	vm2 =	vlt.s32 v19, v20  }
0x55a: {  	v19 =	vsel vm2, v19, v20  }
0x55b: {  	vm2 =	veq.s32 v19, v5  }
0x55c: {  	v18 =	vsel vm2, $0xFF800000, v18  }
0x55d: {  	[tilespmem:s8+$0x1C00] =	vst v18  }
0x55e: {  	v19 =	vld [tilespmem:s29+$0x1C00]  }
0x55f: {  	v20 =	vld [tilespmem:s29+$0x1C10]  }
0x560: {  	v18 =	vld [tilespmem:s29+$0x1C20]  }
0x561: {  	v21 =	vld [tilespmem:s29+$0x1C30]  }
0x562: {  	v22 =	vld [tilespmem:s29+$0x1C40]  }
0x563: {  	v23 =	vld [tilespmem:s29+$0x1C50]  }
0x564: {  	v19 =	vmax.f32 v19, v20;
	v20 =	vld [tilespmem:s29+$0x1C60]  }
0x565: {  	v18 =	vmax.f32 v19, v18;
	v19 =	vld [tilespmem:s29+$0x1C70]  }
0x566: {  	v18 =	vmax.f32 v18, v21;
	v21 =	vld [tilespmem:s29+$0x1C80]  }
0x567: {  	v18 =	vmax.f32 v18, v22;
	v22 =	vld [tilespmem:s29+$0x1C90]  }
0x568: {  	v18 =	vmax.f32 v18, v23;
	v23 =	vld [tilespmem:s29+$0x1CA0]  }
0x569: {  	v18 =	vmax.f32 v18, v20;
	v20 =	vld [tilespmem:s29+$0x1CB0]  }
0x56a: {  	v18 =	vmax.f32 v18, v19;
	v19 =	vld [tilespmem:s29+$0x1CC0]  }
0x56b: {  	v18 =	vmax.f32 v18, v21;
	v21 =	vld [tilespmem:s29+$0x1CD0]  }
0x56c: {  	v18 =	vmax.f32 v18, v22;
	v22 =	vld [tilespmem:s29+$0x1CE0]  }
0x56d: {  	v18 =	vmax.f32 v18, v23;
	v23 =	vld [tilespmem:s29+$0x1CF0]  }
0x56e: {  	p2 =	sne.s32 s5, $0x3F;
	v18 =	vmax.f32 v18, v20  }
0x56f: {  	s6 =	simm.s32 @!p2 $0x0;
	v18 =	vmax.f32 v18, v19  }
0x570: {  	s6 =	simm.s32 @p2 $0x1;
	v18 =	vmax.f32 v18, v21  }
0x571: {  	[smem:$0x7FD] =	sst s6;
	s6 =	sshll.u32 s28, $0x6;
	v18 =	vmax.f32 v18, v22  }
0x572: {  	s6 =	sshra.s32 s6, $0x2;
	v18 =	vmax.f32 v18, v23  }
0x573: {  	[tilespmem:s6+$0x2400] =	vst v18  }
0x574: {  	v18 =	vld [tilespmem:$0x2400]  }
0x575: {  	v19 =	vld [tilespmem:s8+$0x2000]  }
0x576: {  	v20 =	vld [tilespmem:$0x2410];
	_ =	sdelay $0x1  }
0x577: {  	v21 =	vld [tilespmem:$0x2420]  }
0x578: {  	vm3 =	vgt.f32 v18, $-Inf  }
0x579: {  	v22 =	vld [tilespmem:$0x2430];
	v19 =	vnsel vm2, $0xFFFFFFFF, v19;
	v18 =	vnsel vm3, $0xFF800000, v18  }
0x57a: {  	v23 =	vperm.xlane v19, v3;
	vm2 =	vgt.f32 v20, v18  }
0x57b: {  	v18 =	vsel vm2, v20, v18  }
0x57c: {  	v20 =	vsel vm2, $0x1, v11;
	vm3 =	vgt.s32 v19, v23;
	vm2 =	vgt.f32 v21, v18  }
0x57d: {  	v19 =	vsel vm3, v19, v23;
	v18 =	vsel vm2, v21, v18  }
0x57e: {  	s31 =	sld [smem:$0x7FD];
	vm1 =	vmmov vm4;
	v23 =	vperm.xlane v19, v1;
	vm4 =	vgt.f32 v22, v18  }
0x57f: {  	s3 =	sand.u32 $0x30, s4;
	v21 =	vsel vm2, $0x2, v20;
	v20 =	vsel vm4, v22, v18  }
0x580: {  	p2 =	seq.s32 s3, $0x10;
	v24 =	vsel vm0, v4, v13;
	vm2 =	vgt.s32 v19, v23;
	v18 =	vperm.xlane v20, v3  }
0x581: {  	p4 =	por p2, p2;
	v13 =	vpsel p2, v24, v13;
	p2 =	seq.s32 s31, $0x1;
	v19 =	vsel vm2, v19, v23  }
.Ltmp1:
0x582: {  	v23 =	vperm.xlane v19, v2;
	v18 =	vmax.f32 v20, v18;
	(pc) =	sbr.rel @p2 .LBB2_4-.Ltmp1, $4  }
0x583: {  	s26 =	sadd.s32 $0xFFFFFFE0, s4;
	v22 =	vperm.xlane v18, v1  }
0x584: {  	v17 =	vmov s26;
	v8 =	vpsel p6, v25, v8;
	vm2 =	vgt.s32 v19, v23  }
0x585: {  	p5 =	sgt.u32 s5, $0x2F;
	s25 =	smov.u32 s5;
	s5 =	sadd.s32 $0x1, s5;
	vm3 =	veq.s32 v17, v5;
	v22 =	vmax.f32 v18, v22;
	v18 =	vsel vm2, v19, v23  }
0x586: {  	s4 =	smov.u32 s25;
	p1 =	por p3, p3;
	p3 =	por p5, p5;
	vm2 =	veq.s32 v16, v5;
	v23 =	vperm.xlane v22, v2;
	v19 =	vperm.xlane v18, v0  }
0x587: {  	_ = 	snop  }
0x588: {  	v11 =	vmax.f32 v22, v23  }
0x589: {  	v16 =	vperm.xlane v11, v0;
	_ =	sdelay $0x1  }
0x58a: {  	v11 =	vmax.f32 v11, v16  }
0x58b: {  	v29 =	vsel vm4, $0x3, v21;
	vm13 =	veq.f32 v20, v11  }
0x58c: {  	v16 =	vnsel vm13, $0x40000000, v29  }
0x58d: {  	v17 =	vperm.xlane v16, v3;
	_ =	sdelay $0x1  }
0x58e: {  	vm4 =	vlt.s32 v16, v17  }
0x58f: {  	v16 =	vsel vm4, v16, v17  }
0x590: {  	v17 =	vperm.xlane v16, v1;
	_ =	sdelay $0x1  }
0x591: {  	vm4 =	vlt.s32 v16, v17  }
0x592: {  	v16 =	vsel vm4, v16, v17  }
0x593: {  	v17 =	vperm.xlane v16, v2;
	_ =	sdelay $0x1  }
0x594: {  	vm4 =	vlt.s32 v16, v17  }
0x595: {  	v16 =	vsel vm4, v16, v17  }
0x596: {  	v17 =	vperm.xlane v16, v0;
	_ =	sdelay $0x1  }
0x597: {  	vm4 =	vlt.s32 v16, v17  }
0x598: {  	v16 =	vsel vm4, v16, v17  }
0x599: {  	(v2sf) =	vpush v16, $0x0;
	_ =	sdelay $0xe  }
0x59a: {  	s5 =	spop (v2sf)  }
0x59b: {  	s6 =	sshll.u32 s5, $0x8  }
0x59c: {  	v30 =	vld [tilespmem:s6+$0x1CF0]  }
0x59d: {  	v31 =	vld [tilespmem:s6+$0x1CE0]  }
0x59e: {  	v32 =	vld [tilespmem:s6+$0x1CD0]  }
0x59f: {  	v33 =	vld [tilespmem:s6+$0x1CC0]  }
0x5a0: {  	v34 =	vld [tilespmem:s6+$0x1CB0]  }
0x5a1: {  	v35 =	vld [tilespmem:s6+$0x1CA0];
	vm14 =	veq.f32 v30, v11  }
0x5a2: {  	v36 =	vld [tilespmem:s6+$0x1C90];
	vm5 =	veq.f32 v31, v11;
	v9 =	vsel vm14, $0xF, v9  }
0x5a3: {  	v37 =	vld [tilespmem:s6+$0x1C80];
	vm15 =	veq.f32 v32, v11;
	v9 =	vsel vm5, $0xE, v9  }
0x5a4: {  	v38 =	vld [tilespmem:s6+$0x1C70];
	vm8 =	veq.f32 v33, v11;
	v9 =	vsel vm15, $0xD, v9  }
0x5a5: {  	v39 =	vld [tilespmem:s6+$0x1C60];
	vm9 =	veq.f32 v34, v11;
	v9 =	vsel vm8, $0xC, v9  }
0x5a6: {  	v40 =	vld [tilespmem:s6+$0x1C50];
	vm10 =	veq.f32 v35, v11;
	v9 =	vsel vm9, $0xB, v9  }
0x5a7: {  	v41 =	vld [tilespmem:s6+$0x1C40];
	vm11 =	veq.f32 v36, v11;
	v9 =	vsel vm10, $0xA, v9  }
0x5a8: {  	v42 =	vld [tilespmem:s6+$0x1C30];
	vm12 =	veq.f32 v37, v11;
	v9 =	vsel vm11, $0x9, v9  }
0x5a9: {  	v43 =	vld [tilespmem:s6+$0x1C20];
	vm13 =	veq.f32 v38, v11;
	v9 =	vsel vm12, $0x8, v9  }
0x5aa: {  	v44 =	vld [tilespmem:s6+$0x1C10];
	vm14 =	veq.f32 v39, v11;
	v9 =	vsel vm13, $0x7, v9  }
0x5ab: {  	v45 =	vld [tilespmem:s6+$0x1C00];
	vm15 =	veq.f32 v40, v11;
	v9 =	vsel vm14, $0x6, v9  }
0x5ac: {  	vm8 =	veq.f32 v41, v11;
	v9 =	vsel vm15, $0x5, v9  }
0x5ad: {  	vm9 =	veq.f32 v42, v11;
	v9 =	vsel vm8, $0x4, v9  }
0x5ae: {  	vm10 =	veq.f32 v43, v11;
	v9 =	vsel vm9, $0x3, v9  }
0x5af: {  	vm11 =	veq.f32 v44, v11;
	v9 =	vsel vm10, $0x2, v9  }
0x5b0: {  	vm12 =	veq.f32 v45, v11;
	v9 =	vsel vm11, $0x1, v9  }
0x5b1: {  	v9 =	vsel vm12, $0x0, v9  }
0x5b2: {  	v46 =	vperm.xlane v9, v3;
	_ =	sdelay $0x1  }
0x5b3: {  	vm13 =	vlt.s32 v9, v46  }
0x5b4: {  	v9 =	vsel vm13, v9, v46  }
0x5b5: {  	v16 =	vperm.xlane v9, v1;
	_ =	sdelay $0x1  }
0x5b6: {  	vm4 =	vlt.s32 v9, v16  }
0x5b7: {  	v9 =	vsel vm4, v9, v16  }
0x5b8: {  	v16 =	vperm.xlane v9, v2;
	_ =	sdelay $0x1  }
0x5b9: {  	vm4 =	vlt.s32 v9, v16  }
0x5ba: {  	v9 =	vsel vm4, v9, v16  }
0x5bb: {  	v16 =	vperm.xlane v9, v0;
	_ =	sdelay $0x1  }
0x5bc: {  	vm4 =	vlt.s32 v9, v16  }
0x5bd: {  	v9 =	vsel vm4, v9, v16  }
0x5be: {  	(v2sf) =	vpush v9, $0x0;
	_ =	sdelay $0xe  }
0x5bf: {  	s7 =	spop (v2sf)  }
0x5c0: {  	s7 =	sshll.u32 s7, $0x4  }
0x5c1: {  	s8 =	sadd.s32 s6, s7  }
0x5c2: {  	s7 =	sand.u32 $0x70, s7;
	s8 =	sand.u32 $0xFFFFFF80, s8  }
0x5c3: {  	s7 =	sor.u32 s7, s8  }
0x5c4: {  	v47 =	vld [tilespmem:s7+$0x1C00];
	_ =	sdelay $0x4  }
0x5c5: {  	vm14 =	veq.f32 v47, v11  }
0x5c6: {  	v48 =	vnsel vm14, $0x40000000, v5  }
0x5c7: {  	v49 =	vperm.xlane v48, v3;
	_ =	sdelay $0x1  }
0x5c8: {  	vm4 =	vlt.s32 v48, v49  }
0x5c9: {  	v16 =	vsel vm4, v48, v49  }
0x5ca: {  	v17 =	vperm.xlane v16, v1;
	_ =	sdelay $0x1  }
0x5cb: {  	vm4 =	vlt.s32 v16, v17  }
0x5cc: {  	v16 =	vsel vm4, v16, v17  }
0x5cd: {  	v17 =	vperm.xlane v16, v2;
	_ =	sdelay $0x1  }
0x5ce: {  	vm4 =	vlt.s32 v16, v17  }
0x5cf: {  	v16 =	vsel vm4, v16, v17  }
0x5d0: {  	v17 =	vperm.xlane v16, v0;
	_ =	sdelay $0x1  }
0x5d1: {  	vm4 =	vlt.s32 v16, v17  }
0x5d2: {  	v16 =	vsel vm4, v16, v17  }
0x5d3: {  	vm6 =	veq.s32 v16, v5  }
0x5d4: {  	v9 =	vsel vm6, $0xFF800000, v47  }
0x5d5: {  	[tilespmem:s7+$0x1C00] =	vst v9  }
0x5d6: {  	v9 =	vld [tilespmem:s6+$0x1C00]  }
0x5d7: {  	v50 =	vld [tilespmem:s6+$0x1C10]  }
0x5d8: {  	v51 =	vld [tilespmem:s6+$0x1C20]  }
0x5d9: {  	v52 =	vld [tilespmem:s6+$0x1C30]  }
0x5da: {  	v53 =	vld [tilespmem:s6+$0x1C40]  }
0x5db: {  	v54 =	vld [tilespmem:s6+$0x1C50]  }
0x5dc: {  	v55 =	vld [tilespmem:s6+$0x1C60];
	v9 =	vmax.f32 v9, v50  }
0x5dd: {  	v56 =	vld [tilespmem:s6+$0x1C70];
	v9 =	vmax.f32 v9, v51  }
0x5de: {  	v57 =	vld [tilespmem:s6+$0x1C80];
	v9 =	vmax.f32 v9, v52  }
0x5df: {  	v58 =	vld [tilespmem:s6+$0x1C90];
	v9 =	vmax.f32 v9, v53  }
0x5e0: {  	v59 =	vld [tilespmem:s6+$0x1CA0];
	v9 =	vmax.f32 v9, v54  }
0x5e1: {  	v60 =	vld [tilespmem:s6+$0x1CB0];
	v9 =	vmax.f32 v9, v55  }
0x5e2: {  	v61 =	vld [tilespmem:s6+$0x1CC0];
	v9 =	vmax.f32 v9, v56  }
0x5e3: {  	v62 =	vld [tilespmem:s6+$0x1CD0];
	v9 =	vmax.f32 v9, v57  }
0x5e4: {  	v63 =	vld [tilespmem:s6+$0x1CE0];
	v9 =	vmax.f32 v9, v58  }
0x5e5: {  	v24 =	vld [tilespmem:s6+$0x1CF0];
	v9 =	vmax.f32 v9, v59  }
0x5e6: {  	v9 =	vmax.f32 v9, v60  }
0x5e7: {  	v9 =	vmax.f32 v9, v61  }
0x5e8: {  	v9 =	vmax.f32 v9, v62  }
0x5e9: {  	v25 =	vmov s4;
	s5 =	sshll.u32 s5, $0x6;
	v9 =	vmax.f32 v9, v63  }
0x5ea: {  	s5 =	sshra.s32 s5, $0x2;
	vm15 =	veq.s32 v25, v5;
	v9 =	vmax.f32 v9, v24  }
0x5eb: {  	p2 =	slt.u32 s4, $0x10;
	v29 =	vsel vm15, v11, v14;
	[tilespmem:s5+$0x2400] =	vst v9  }
0x5ec: {  	v14 =	vpsel p2, v29, v14;
	v9 =	vld [tilespmem:s7+$0x2000]  }
0x5ed: {  	v26 =	vsel vm2, v4, v12;
	[tilespmem:$0x2480] =	vst v14;
	v33 =	vld [tilespmem:$0x2580]  }
0x5ee: {  	s22 =	sadd.s32 $0xFFFFFFF0, s4;
	v28 =	vsel vm3, v4, v15;
	s23 =	sadd.s32 $0xFFFFFFD0, s4;
	p5 =	seq.s32 s3, $0x20;
	v12 =	vpsel p1, v26, v12;
	v35 =	vld [tilespmem:$0x2480]  }
0x5ef: {  	s24 =	sadd.s32 $0xFFFFFFE0, s4;
	v27 =	vmov s22;
	v4 =	vpsel p5, v28, v15;
	v30 =	vmov s23  }
0x5f0: {  	s25 =	sand.u32 $0x30, s4;
	v31 =	vmov s24;
	vm7 =	veq.s32 v30, v5;
	vm4 =	veq.s32 v27, v5  }
0x5f1: {  	p6 =	seq.s32 s25, $0x10;
	v36 =	vsel vm7, v11, v12;
	vm12 =	veq.s32 v31, v5;
	v16 =	vsel vm4, v11, v13;
	s5 =	simm.s32 @!p2 $0x0  }
0x5f2: {  	v34 =	vsel vm12, v11, v4;
	v13 =	vpsel p6, v16, v13;
	s5 =	simm.s32 @p2 $0x1;
	p2 =	seq.s32 s25, $0x20;
	v9 =	vnsel vm6, $0xFFFFFFFF, v9  }
0x5f3: {  	p3 =	por p3, p3;
	[tilespmem:$0x2490] =	vst v13;
	v42 =	vld [tilespmem:$0x2600];
	v4 =	vpsel p2, v34, v4;
	v32 =	vperm.xlane v9, v3;
	v43 =	vsub.f32 v35, v33  }
0x5f4: {  	v38 =	vpsel p3, v36, v12;
	v39 =	vld [tilespmem:$0x2490];
	[tilespmem:$0x24A0] =	vst v4  }
0x5f5: {  	[tilespmem:$0x24B0] =	vst v38;
	v40 =	vld [tilespmem:$0x24A0];
	vm8 =	vgt.s32 v9, v32;
	v11 =	vmul.f32 $1.442695020e+00, v43  }
0x5f6: {  	v41 =	vld [tilespmem:$0x24B0];
	v3 =	vsel vm8, v9, v32  }
0x5f7: {  	v37 =	vperm.xlane v3, v1;
	(erf) = vpow2.f32 v11  }
0x5f8: {  	(erf) = vrcp.f32 v42  }
0x5f9: {  	v4 =	vsub.f32 v39, v33;
	vm8 =	vgt.s32 v3, v37  }
0x5fa: {  	v5 =	vsub.f32 v40, v33;
	v1 =	vsel vm8, v3, v37  }
0x5fb: {  	v4 =	vmul.f32 $1.442695020e+00, v4;
	v9 =	vsub.f32 v41, v33;
	v44 =	vperm.xlane v1, v2  }
0x5fc: {  	v45 =	vmul.f32 $1.442695020e+00, v5  }
0x5fd: {  	v46 =	vmul.f32 $1.442695020e+00, v9;
	(erf) = vpow2.f32 v4;
	vm8 =	vgt.s32 v1, v44  }
0x5fe: {  	vm13 =	vgt.s32 v18, v19;
	(erf) = vpow2.f32 v45;
	v1 =	vsel vm8, v1, v44  }
0x5ff: {  	v47 =	vsel vm13, v18, v19;
	[smem:$0x7FC] =	sst s5;
	(erf) = vpow2.f32 v46;
	v48 =	vperm.xlane v1, v0  }
0x600: {  	vm15 =	vmmov vm15;
	v49 =	vsel vm1, v47, v10;
	s26 =	sld [smem:$0x7FC];
	v54 =	vpop (erf)  }
0x601: {  	v50 =	vsel vm0, v47, v7;
	v52 =	vsel vm3, v47, v8;
	vm14 =	vgt.s32 v1, v48;
	v56 =	vpop (erf)  }
0x602: {  	v2 =	vpsel p0, v49, v10;
	v0 =	vsel vm14, v1, v48;
	v58 =	vmul.f32 v54, v56  }
0x603: {  	v51 =	vpsel p4, v50, v7;
	v3 =	vpsel p5, v52, v8;
	p5 =	por p6, p6;
	p6 =	seq.s32 s26, $0x1;
	v53 =	vsel vm15, v0, v2  }
0x604: {  	v4 =	vsel vm2, v47, v6;
	v7 =	vsel vm4, v0, v51;
	v2 =	vpsel p6, v53, v2;
	[tilespmem:$0x2480] =	vst v58  }
0x605: {  	v4 =	vpsel p1, v4, v6;
	v55 =	vsel vm12, v0, v3;
	v1 =	vpsel p5, v7, v51;
	[tilespmem:$0x2500] =	vst v2  }
0x606: {  	v57 =	vpop (erf);
	v0 =	vsel vm7, v0, v4;
	v3 =	vpsel p2, v55, v3;
	[tilespmem:$0x2510] =	vst v1  }
0x607: {  	v59 =	vpop (erf);
	v60 =	vmul.f32 v57, v56;
	v0 =	vpsel p3, v0, v4;
	[tilespmem:$0x2520] =	vst v3  }
0x608: {  	v61 =	vmul.f32 v59, v56;
	v62 =	vpop (erf);
	[tilespmem:$0x2530] =	vst v0  }
0x609: {  	[tilespmem:$0x2490] =	vst v60;
	v63 =	vmul.f32 v62, v56  }
0x60a: {  	[tilespmem:$0x24A0] =	vst v61  }
0x60b: {  	s28 =	simm.s32 $0x0;
	s29 =	simm.s32 $0x2480;
	s30 =	simm.s32 $0x1;
	[tilespmem:$0x24B0] =	vst v63  }
0x60c: {  	[hbm4b:s2+s28] =	stream.linear.scatter [tilespmem:s29], [sflag:$0x1], $0x80, $0x38;
	[tilespmem:$0x2700] =	vst v63  }
0x60d: {  	_ =	swait.ge [sflag:s30], $0x80  }
0x60e: {  	[sflag:s30] =	ssyncset.done $0x0  }
0x60f: {  	s31 =	simm.s32 $0x2500;
	[sflag:s30] =	ssyncadd.s32 $0xFFFFFF80  }
0x610: {  	[hbm4b:s1+s28] =	stream.linear.scatter [tilespmem:s31], [sflag:$0x1], $0x80, $0x38;
	[tilespmem:$0x2700] =	vst v63  }
0x611: {  	_ =	swait.ge [sflag:s30], $0x80  }
0x612: {  	[sflag:s30] =	ssyncset.done $0x0  }
0x613: {  	[sflag:s30] =	ssyncadd.s32 $0xFFFFFF80  }
0x614: {  	_ =	sfence.sel $0x180000  }
0x615: {  	[bflag:$0x0] =	sbarrier.arrive $0xFFFF  }
0x616: {  	_ =	strace $0x90000047  }
0x617: {  	s0 =	sadd.s32 $0x100000, s0;
	[bflag:$0x2] =	sbarrier.arrive $0xFFFF  }
0x618: {  	[sflag:s0] =	ssyncadd.tile.s32 $0x1;
	_ =	shalt  }
.Lfunc_end2:
_tile_overlayer_lowered:
.L_overlay_start_2:
0x619: {  	(tag) =	ssettag $0x2  }
0x61a: {  	s0 =	rddreg [dreg:$0x0];
	s2 =	stileid.u32  }
0x61b: {  	s1 =	rddreg [dreg:$0x1];
	p0 =	sne.s32 s2, $0x0  }
0x61c: {  	s3 =	rddreg [dreg:$0x2];
	[bflag:$0x3] =	sbarrier.arrive $0xFFFF;
	s2 =	simm.s32 @!p0 $0x1C01  }
0x61d: {  	[timem:s3], [sflag:s2] =	dma.local @!p0 [hbm:s0], s1  }
0x61e: {  	s0 =	simm.s32 @!p0 $0x1  }
0x61f: {  	_ =	swait.ge @!p0 [sflag:s0], s1  }
0x620: {  	s1 =	ssub.s32 @!p0 $0x0, s1;
	[sflag:s0] =	ssyncset.done @!p0 $0x0  }
0x621: {  	[sflag:s0] =	ssyncadd.s32 @!p0 s1  }
0x622: {  	[bflag:$0x3] =	sbarrier.arrive $0xFFFF  }
0x623: {  	_ =	shalt  }

</sc_bundles>
